<compile_context>
chip_gen: v7x
topology: tpu7x:2x2x1
jax: 0.10.2.dev20260603
libtpu: 0.0.44.dev20260713+nightly
codegen_flags: <defaults>
</compile_context>

<pallas_src>
import functools

import jax
import jax.numpy as jnp
from jax import lax
from jax.experimental import pallas as pl
from jax.experimental.pallas import tpu as pltpu
from jax.experimental.pallas import tpu_sc as plsc

N = 8192
K = 5
NG = 8
TR = 256
CC = 512
NT = N // TR
F = 64
FP = 128


def _lk(v):
    return jnp.maximum(v, 0.01 * v)


def _pick_pass(vals, cidf):
    inf = jnp.float32(jnp.inf)
    m = jnp.min(vals, axis=0, keepdims=True)
    sel = jnp.where(vals == m, cidf, inf)
    a = jnp.min(sel, axis=0, keepdims=True)
    vals = jnp.where(sel == a, inf, vals)
    return m, a, vals


def _knn_ab_body(cbase_ref, ncs_ref, hr_ref, bl_ref, hf_ref, bs_ref,
                 wtd_ref, wbot_ref, ba_ref, idx_ref, a_ref, b_ref,
                 *, d):
    t = pl.program_id(0)
    hr = hr_ref[...]
    hrm2 = hr * (-2.0)
    bl = bl_ref[...]
    inf = jnp.float32(jnp.inf)
    sub8 = lax.broadcasted_iota(jnp.int32, (8, TR), 0)
    bv0 = jnp.full((8, TR), inf, jnp.float32)
    bi0 = sub8.astype(jnp.float32)
    cid0 = lax.broadcasted_iota(jnp.int32, (CC, TR), 0).astype(jnp.float32)
    cbase = cbase_ref[t]
    ncs = ncs_ref[t]

    def put(dst, k, row):
        return jnp.where(sub8 == k, jnp.broadcast_to(row, (8, TR)), dst)

    def chunk(j, carry):
        bv, bi = carry
        c = pl.multiple_of(jnp.minimum(cbase + j * CC, N - CC), 8)
        hc = hf_ref[pl.ds(c, CC), :]
        sc = jnp.sum(hc * hc, axis=1, keepdims=True)
        dist = lax.dot_general(hc, hrm2, (((1,), (1,)), ((), ())),
                               preferred_element_type=jnp.float32) + sc
        bc = bs_ref[pl.ds(c, CC), :]
        cidf = cid0 + jnp.float32(c)
        dist = jnp.where(bc == bl, dist, inf)
        lv = jnp.full((8, TR), inf, jnp.float32)
        li = jnp.full((8, TR), inf, jnp.float32)
        for k in range(K):
            m, a, dist = _pick_pass(dist, cidf)
            lv = put(lv, k, m)
            li = put(li, k, a)
        cv = jnp.concatenate([bv, lv], axis=0)
        ci = jnp.concatenate([bi, li], axis=0)
        nv = jnp.full((8, TR), inf, jnp.float32)
        ni = jnp.full((8, TR), inf, jnp.float32)
        for k in range(K):
            m, a, cv = _pick_pass(cv, ci)
            nv = put(nv, k, m)
            ni = put(ni, k, a)
        return nv, ni

    _, bi = lax.fori_loop(0, ncs, chunk, (bv0, bi0))
    idx_ref[...] = bi.astype(jnp.int32)
    a_ref[...] = jnp.dot(hr, wtd_ref[...],
                         preferred_element_type=jnp.float32) + ba_ref[...]
    bmat = jnp.dot(hr, wbot_ref[...], preferred_element_type=jnp.float32)
    b_ref[...] = jnp.concatenate(
        [bmat, jnp.zeros((TR, FP - F), jnp.float32)], axis=1)


def _knn_ab(h, blane, bsub, cbase, ncs, wtd, wbot, ba):
    d = h.shape[1]
    body = functools.partial(_knn_ab_body, d=d)
    return pl.pallas_call(
        body,
        grid=(NT,),
        in_specs=[
            pl.BlockSpec(memory_space=pltpu.SMEM),
            pl.BlockSpec(memory_space=pltpu.SMEM),
            pl.BlockSpec((TR, d), lambda t: (t, 0)),
            pl.BlockSpec((1, TR), lambda t: (0, t)),
            pl.BlockSpec(memory_space=pltpu.VMEM),
            pl.BlockSpec(memory_space=pltpu.VMEM),
            pl.BlockSpec(memory_space=pltpu.VMEM),
            pl.BlockSpec(memory_space=pltpu.VMEM),
            pl.BlockSpec(memory_space=pltpu.VMEM),
        ],
        out_specs=[
            pl.BlockSpec((8, TR), lambda t: (0, t)),
            pl.BlockSpec((TR, F), lambda t: (t, 0)),
            pl.BlockSpec((TR, FP), lambda t: (t, 0)),
        ],
        out_shape=[
            jax.ShapeDtypeStruct((8, N), jnp.int32),
            jax.ShapeDtypeStruct((N, F), jnp.float32),
            jax.ShapeDtypeStruct((N, FP), jnp.float32),
        ],
    )(cbase, ncs, h, blane, h, bsub, wtd, wbot, ba)


def _sc_gather(table, idx):
    B = idx.shape[0]
    D = table.shape[1]
    try:
        info = plsc.get_sparse_core_info()
        nw = info.num_cores * info.num_subcores
        nc = info.num_cores
    except Exception:
        nw, nc = 32, 2
    b_per_w = B // nw
    ncnk = 1
    while (b_per_w // ncnk) * D * 4 > 168 * 1024:
        ncnk *= 2
    b_c = b_per_w // ncnk
    mesh = plsc.VectorSubcoreMesh(core_axis_name="c", subcore_axis_name="s")

    @functools.partial(
        pl.kernel, mesh=mesh,
        out_type=jax.ShapeDtypeStruct((B, D), jnp.float32),
        scratch_types=[
            pltpu.VMEM((b_per_w,), jnp.int32),
            pltpu.VMEM((2, b_c, D), jnp.float32),
            pltpu.SemaphoreType.DMA,
            pltpu.SemaphoreType.DMA,
        ],
    )
    def k(table_hbm, idx_hbm, out_hbm, idx_v, rows_v, sem0, sem1):
        wid = lax.axis_index("s") * nc + lax.axis_index("c")
        base = wid * b_per_w
        pltpu.sync_copy(idx_hbm.at[pl.ds(base, b_per_w)], idx_v)
        sems = (sem0, sem1)

        def start(ch):
            return pltpu.async_copy(
                table_hbm.at[idx_v.at[pl.ds(ch * b_c, b_c)]],
                rows_v.at[ch % 2], sems[ch % 2])

        cps = [start(0), None]
        for ch in range(ncnk):
            if ch + 1 < ncnk:
                cps[(ch + 1) % 2] = start(ch + 1)
            cps[ch % 2].wait()
            pltpu.sync_copy(rows_v.at[ch % 2],
                            out_hbm.at[pl.ds(base + ch * b_c, b_c)])

    return k(table, idx)


def _edge_mlp_body(a_ref, g_ref, wb_ref, bb_ref, o_ref):
    a = a_ref[...]
    wb = wb_ref[...]
    bb = bb_ref[...]
    acc = jnp.zeros((TR, F), jnp.float32)
    for k in range(K):
        e = _lk(a + g_ref[k][:, :F])
        acc = acc + _lk(jnp.dot(e, wb, preferred_element_type=jnp.float32)
                        + bb)
    o_ref[...] = acc


def _edge_mlp(a, g, wb, bb):
    return pl.pallas_call(
        _edge_mlp_body,
        grid=(NT,),
        in_specs=[
            pl.BlockSpec((TR, F), lambda t: (t, 0)),
            pl.BlockSpec((K, TR, FP), lambda t: (0, t, 0)),
            pl.BlockSpec(memory_space=pltpu.VMEM),
            pl.BlockSpec(memory_space=pltpu.VMEM),
        ],
        out_specs=pl.BlockSpec((TR, F), lambda t: (t, 0)),
        out_shape=jax.ShapeDtypeStruct((N, F), jnp.float32),
    )(a, g, wb, bb)


def _final_body(glo_ref, ghi_ref, cat_ref, br_ref, l1_ref, bl1_ref, l2_ref,
                bl2_ref, m1_ref, bm1_ref, m2_ref, bm2_ref, out_ref,
                mx_ref, mn_ref, sm_ref, cnt_ref):
    t = pl.program_id(0)
    inf = jnp.float32(jnp.inf)

    @pl.when(t == 0)
    def _init():
        mx_ref[...] = jnp.full((NG, 512), -inf, jnp.float32)
        mn_ref[...] = jnp.full((NG, 512), inf, jnp.float32)
        sm_ref[...] = jnp.zeros((NG, 512), jnp.float32)
        cnt_ref[...] = jnp.zeros((NG, 128), jnp.float32)

    h1 = _lk(jnp.dot(cat_ref[...], l1_ref[...],
                     preferred_element_type=jnp.float32) + bl1_ref[...])
    o = jnp.dot(h1, l2_ref[...],
                preferred_element_type=jnp.float32) + bl2_ref[...]
    br = br_ref[...]

    def upd(g, _):
        mask = br == g
        mxg = jnp.max(jnp.where(mask, o, -inf), axis=0, keepdims=True)
        mng = jnp.min(jnp.where(mask, o, inf), axis=0, keepdims=True)
        smg = jnp.sum(jnp.where(mask, o, 0.0), axis=0, keepdims=True)
        cg = jnp.sum(mask.astype(jnp.float32), axis=0, keepdims=True)
        mx_ref[pl.ds(g, 1), :] = jnp.maximum(mx_ref[pl.ds(g, 1), :], mxg)
        mn_ref[pl.ds(g, 1), :] = jnp.minimum(mn_ref[pl.ds(g, 1), :], mng)
        sm_ref[pl.ds(g, 1), :] = sm_ref[pl.ds(g, 1), :] + smg
        cnt_ref[pl.ds(g, 1), :] = (cnt_ref[pl.ds(g, 1), :]
                                   + jnp.broadcast_to(cg, (1, 128)))
        return 0

    lax.fori_loop(glo_ref[t], ghi_ref[t] + 1, upd, 0)

    @pl.when(t == NT - 1)
    def _head():
        sm = sm_ref[...]
        cnt = jnp.maximum(cnt_ref[:, 0:1], 1.0)
        x5 = jnp.concatenate([mx_ref[...], mn_ref[...], sm, sm / cnt],
                             axis=1)
        hh = _lk(jnp.dot(x5, m1_ref[...],
                         preferred_element_type=jnp.float32) + bm1_ref[...])
        out_ref[...] = jnp.dot(hh, m2_ref[...],
                               preferred_element_type=jnp.float32) + bm2_ref[...]


def _final(glo, ghi, cat, brow, l1, bl1, l2, bl2, m1, bm1, m2, bm2, cla):
    return pl.pallas_call(
        _final_body,
        grid=(NT,),
        in_specs=[
            pl.BlockSpec(memory_space=pltpu.SMEM),
            pl.BlockSpec(memory_space=pltpu.SMEM),
            pl.BlockSpec((TR, 4 * F), lambda t: (t, 0)),
            pl.BlockSpec((TR, 1), lambda t: (t, 0)),
            pl.BlockSpec(memory_space=pltpu.VMEM),
            pl.BlockSpec(memory_space=pltpu.VMEM),
            pl.BlockSpec(memory_space=pltpu.VMEM),
            pl.BlockSpec(memory_space=pltpu.VMEM),
            pl.BlockSpec(memory_space=pltpu.VMEM),
            pl.BlockSpec(memory_space=pltpu.VMEM),
            pl.BlockSpec(memory_space=pltpu.VMEM),
            pl.BlockSpec(memory_space=pltpu.VMEM),
        ],
        out_specs=pl.BlockSpec((NG, cla), lambda t: (0, 0)),
        out_shape=jax.ShapeDtypeStruct((NG, cla), jnp.float32),
        scratch_shapes=[
            pltpu.VMEM((NG, 512), jnp.float32),
            pltpu.VMEM((NG, 512), jnp.float32),
            pltpu.VMEM((NG, 512), jnp.float32),
            pltpu.VMEM((NG, 128), jnp.float32),
        ],
    )(glo, ghi, cat, brow, l1, bl1, l2, bl2, m1, bm1, m2, bm2)


def kernel(x, pos, batch, W1, b1, W2, b2, W3, b3, W4, b4,
           L1, bL1, L2, bL2, M1, bM1, M2, bM2):
    batch = batch.astype(jnp.int32)
    xx = jnp.concatenate([x, pos], axis=1)

    starts = jnp.searchsorted(
        batch, jnp.arange(NG + 1, dtype=jnp.int32)).astype(jnp.int32)
    t0 = jnp.arange(NT, dtype=jnp.int32) * TR
    g_lo = batch[t0]
    g_hi = batch[t0 + TR - 1]
    clo = starts[g_lo]
    chi = starts[g_hi + 1]
    cbase = clo // 8 * 8
    ncs = (chi - cbase + CC - 1) // CC
    brow = batch.reshape(N, 1)
    blane = batch.reshape(1, N)

    h = xx
    feats = []
    layers = [(W1, b1, W2, b2), (W3, b3, W4, b4),
              (W3, b3, W4, b4), (W3, b3, W4, b4)]
    for Wa, ba, Wb, bb in layers:
        d = h.shape[1]
        wtd = Wa[:d] - Wa[d:]
        wbot = Wa[d:]
        idx, a, b = _knn_ab(h, blane, brow, cbase, ncs, wtd, wbot, ba)
        idxf = idx[:K].reshape(-1)
        g = _sc_gather(b, idxf).reshape(K, N, FP)
        h = _edge_mlp(a, g, Wb, bb)
        feats.append(h)

    cat = jnp.concatenate(feats, axis=1)
    return _final(g_lo, g_hi, cat, brow, L1, bL1, L2, bL2,
                  M1, bM1, M2, bM2, M2.shape[1])

# --- scband reference (transcript-rebuilt; emitter-appended) ---
"""Pipeline reference for scband-dgcnn8-70841190580729 (READ-ONLY COPY).

The authoritative reference and input builder live on the scoring server;
editing this copy changes nothing except your own understanding.
"""

import jax, jax.numpy as jnp
import numpy as np

N = 8192
K = 5
NUM_GRAPHS = 8
CLA = 40


def setup_inputs(seed: int = 0) -> dict:
    key = jax.random.key(seed)
    ks = jax.random.split(key, 16)

    def w(k, shape, fan_in):
        return jax.random.normal(k, shape, dtype=jnp.float32) * (1.0 / np.sqrt(fan_in))

    inp = {}
    inp["x"] = jax.random.normal(ks[0], (N, 1), dtype=jnp.float32)
    inp["pos"] = jax.random.normal(ks[1], (N, 3), dtype=jnp.float32)
    inp["batch"] = jnp.sort(jax.random.randint(ks[2], (N,), 0, NUM_GRAPHS))
    # conv1 mlp: Linear(8,64) LeakyReLU Linear(64,64) LeakyReLU
    inp["W1"] = w(ks[3], (8, 64), 8);   inp["b1"] = jnp.zeros((64,), jnp.float32)
    inp["W2"] = w(ks[4], (64, 64), 64); inp["b2"] = jnp.zeros((64,), jnp.float32)
    # conv2 mlp (shared across 3 applications): Linear(128,64) LeakyReLU Linear(64,64) LeakyReLU
    inp["W3"] = w(ks[5], (128, 64), 128); inp["b3"] = jnp.zeros((64,), jnp.float32)
    inp["W4"] = w(ks[6], (64, 64), 64);   inp["b4"] = jnp.zeros((64,), jnp.float32)
    # lin1: Linear(256,512) LeakyReLU Linear(512,512)
    inp["L1"] = w(ks[7], (256, 512), 256);  inp["bL1"] = jnp.zeros((512,), jnp.float32)
    inp["L2"] = w(ks[8], (512, 512), 512);  inp["bL2"] = jnp.zeros((512,), jnp.float32)
    # head mlp: Linear(2048,256) LeakyReLU Linear(256,cla)
    inp["M1"] = w(ks[9], (2048, 256), 2048); inp["bM1"] = jnp.zeros((256,), jnp.float32)
    inp["M2"] = w(ks[10], (256, CLA), 256);  inp["bM2"] = jnp.zeros((CLA,), jnp.float32)
    return inp


def _leaky(v):
    return jnp.where(v >= 0, v, 0.01 * v)


def _knn_idx(h, batch):
    s = jnp.sum(h * h, axis=1)
    D = s[:, None] + s[None, :] - 2.0 * (h @ h.T)
    D = jnp.where(batch[:, None] == batch[None, :], D, jnp.inf)
    return jax.lax.top_k(-D, K)[1]


def _edge_conv(h, batch, Wa, ba, Wb, bb):
    idx = _knn_idx(h, batch)
    hi = jnp.repeat(h[:, None, :], K, axis=1)
    hj = h[idx]
    m = jnp.concatenate([hi, hj - hi], axis=-1)
    m = _leaky(m @ Wa + ba)
    m = _leaky(m @ Wb + bb)
    return jnp.sum(m, axis=1)  # 'add' aggregation over k neighbors


def reference(x, pos, batch, W1, b1, W2, b2, W3, b3, W4, b4, L1, bL1, L2, bL2, M1, bM1, M2, bM2):
    xx = jnp.concatenate([x, pos], axis=1)
    x1 = _edge_conv(xx, batch, W1, b1, W2, b2)
    x2 = _edge_conv(x1, batch, W3, b3, W4, b4)
    x3 = _edge_conv(x2, batch, W3, b3, W4, b4)
    x4 = _edge_conv(x3, batch, W3, b3, W4, b4)
    cat = jnp.concatenate([x1, x2, x3, x4], axis=1)
    out0 = _leaky(cat @ L1 + bL1) @ L2 + bL2
    a = jax.ops.segment_max(out0, batch, num_segments=NUM_GRAPHS)
    bmin = -jax.ops.segment_max(-out0, batch, num_segments=NUM_GRAPHS)
    c = jax.ops.segment_sum(out0, batch, num_segments=NUM_GRAPHS)
    cnt = jax.ops.segment_sum(jnp.ones((out0.shape[0], 1), out0.dtype), batch, num_segments=NUM_GRAPHS)
    d = c / jnp.maximum(cnt, 1.0)
    x5 = jnp.concatenate([a, bmin, c, d], axis=1)
    h = _leaky(x5 @ M1 + bM1)
    return h @ M2 + bM2

if __name__ == "__main__":
    import jax
    _d = setup_inputs()
    print(jax.jit(kernel)(*tuple(_d.values())))

</pallas_src>

<mosaic_0001>
#map = affine_map<(d0, d1) -> (0, 0)>
#map1 = affine_map<(d0, d1) -> (0)>
module attributes {stable_mosaic.version = 14 : i64} {
  func.func @k(%arg0: i32, %arg1: i32, %arg2: memref<8192x128xf32, #tpu.memory_space<hbm>>, %arg3: memref<40960xi32, #tpu.memory_space<hbm>>, %arg4: memref<40960x128xf32, #tpu.memory_space<hbm>>, %arg5: memref<1280xi32, #tpu.memory_space<vmem>>, %arg6: memref<2x320x128xf32, #tpu.memory_space<vmem>>, %arg7: memref<!tpu.dma_semaphore, #tpu.memory_space<semaphore_mem>>, %arg8: memref<!tpu.dma_semaphore, #tpu.memory_space<semaphore_mem>>) attributes {dimension_semantics = [#tpu.dimension_semantics<core_parallel>, #tpu.dimension_semantics<subcore_parallel>], iteration_bounds = array<i64: 2, 16>, scalar_prefetch = 0 : i64, scratch_operands = 4 : i64, tpu.core_type = #tpu.core_type<sc_vector_subcore>, window_params = [{transform_indices = #map}, {transform_indices = #map1}, {transform_indices = #map}]} {
    %mul3A = arith.constant 2 : i32
    %mul3A_0 = arith.muli %arg1, %mul3A : i32
    %add3A = arith.addi %mul3A_0, %arg0 : i32
    %mul3A_1 = arith.constant 1280 : i32
    %mul3A_2 = arith.muli %add3A, %mul3A_1 : i32
    "tpu.region"() ({
      %run_scoped3A_92 = tpu.sem_alloc : memref<!tpu.dma_semaphore, #tpu.memory_space<semaphore_mem>>
      %dma_start3A_93 = tpu.memref_slice %arg3[%mul3A_2] : memref<40960xi32, #tpu.memory_space<hbm>> -> memref<1280xi32, #tpu.memory_space<hbm>>
      %dma_start3A_94 = tpu.memref_slice %arg3[%mul3A_2] : memref<40960xi32, #tpu.memory_space<hbm>> -> memref<1280xi32, #tpu.memory_space<hbm>>
      tpu.enqueue_dma source(%dma_start3A_94 : memref<1280xi32, #tpu.memory_space<hbm>>) target(%arg5 : memref<1280xi32, #tpu.memory_space<vmem>>) target_semaphore(%run_scoped3A_92 : memref<!tpu.dma_semaphore, #tpu.memory_space<semaphore_mem>>)
      %dma_wait3A_95 = tpu.memref_slice %arg3[%mul3A_2] : memref<40960xi32, #tpu.memory_space<hbm>> -> memref<1280xi32, #tpu.memory_space<hbm>>
      %dma_wait3A_96 = tpu.memref_slice %arg3[%mul3A_2] : memref<40960xi32, #tpu.memory_space<hbm>> -> memref<1280xi32, #tpu.memory_space<hbm>>
      tpu.wait_dma2 semaphore(%run_scoped3A_92 : memref<!tpu.dma_semaphore, #tpu.memory_space<semaphore_mem>>) src(%dma_wait3A_96 : memref<1280xi32, #tpu.memory_space<hbm>>) dst(%arg5 : memref<1280xi32, #tpu.memory_space<vmem>>)
      tpu.yield
    }) : () -> ()
    %dma_start3A = arith.constant 0 : i32
    %dma_start3A_3 = arith.constant 0 : i32
    %dma_start3A_4 = arith.constant 0 : i32
    %dma_start3A_5 = tpu.memref_slice %arg6[%dma_start3A, %dma_start3A_3, %dma_start3A_4] : memref<2x320x128xf32, #tpu.memory_space<vmem>> -> memref<1x320x128xf32, #tpu.memory_space<vmem>>
    %dma_start3A_6 = tpu.memref_squeeze %dma_start3A_5 : memref<1x320x128xf32, #tpu.memory_space<vmem>> -> memref<320x128xf32, #tpu.memory_space<vmem>>
    %dma_start3A_7 = arith.constant 0 : i32
    %dma_start3A_8 = tpu.memref_slice %arg5[%dma_start3A_7] : memref<1280xi32, #tpu.memory_space<vmem>> -> memref<320xi32, #tpu.memory_space<vmem>>
    %dma_start3A_9 = arith.constant 0 : i32
    %dma_start3A_10 = arith.constant 0 : i32
    %dma_start3A_11 = tpu.memref_slice %arg2[%dma_start3A_9, %dma_start3A_10] : memref<8192x128xf32, #tpu.memory_space<hbm>> -> memref<8192x128xf32, #tpu.memory_space<hbm>>
    tpu.enqueue_indirect_dma source(%dma_start3A_11 : memref<8192x128xf32, #tpu.memory_space<hbm>>) target(%dma_start3A_6 : memref<320x128xf32, #tpu.memory_space<vmem>>) offsets(%dma_start3A_8 : memref<320xi32, #tpu.memory_space<vmem>>) semaphore(%arg7 : memref<!tpu.dma_semaphore, #tpu.memory_space<semaphore_mem>>)
    %dma_start3A_12 = arith.constant 1 : i32
    %dma_start3A_13 = arith.constant 0 : i32
    %dma_start3A_14 = arith.constant 0 : i32
    %dma_start3A_15 = tpu.memref_slice %arg6[%dma_start3A_12, %dma_start3A_13, %dma_start3A_14] : memref<2x320x128xf32, #tpu.memory_space<vmem>> -> memref<1x320x128xf32, #tpu.memory_space<vmem>>
    %dma_start3A_16 = tpu.memref_squeeze %dma_start3A_15 : memref<1x320x128xf32, #tpu.memory_space<vmem>> -> memref<320x128xf32, #tpu.memory_space<vmem>>
    %dma_start3A_17 = arith.constant 320 : i32
    %dma_start3A_18 = tpu.memref_slice %arg5[%dma_start3A_17] : memref<1280xi32, #tpu.memory_space<vmem>> -> memref<320xi32, #tpu.memory_space<vmem>>
    %dma_start3A_19 = arith.constant 0 : i32
    %dma_start3A_20 = arith.constant 0 : i32
    %dma_start3A_21 = tpu.memref_slice %arg2[%dma_start3A_19, %dma_start3A_20] : memref<8192x128xf32, #tpu.memory_space<hbm>> -> memref<8192x128xf32, #tpu.memory_space<hbm>>
    tpu.enqueue_indirect_dma source(%dma_start3A_21 : memref<8192x128xf32, #tpu.memory_space<hbm>>) target(%dma_start3A_16 : memref<320x128xf32, #tpu.memory_space<vmem>>) offsets(%dma_start3A_18 : memref<320xi32, #tpu.memory_space<vmem>>) semaphore(%arg8 : memref<!tpu.dma_semaphore, #tpu.memory_space<semaphore_mem>>)
    %dma_wait3A = arith.constant 0 : i32
    %dma_wait3A_22 = arith.constant 0 : i32
    %dma_wait3A_23 = arith.constant 0 : i32
    %dma_wait3A_24 = tpu.memref_slice %arg6[%dma_wait3A, %dma_wait3A_22, %dma_wait3A_23] : memref<2x320x128xf32, #tpu.memory_space<vmem>> -> memref<1x320x128xf32, #tpu.memory_space<vmem>>
    %dma_wait3A_25 = tpu.memref_squeeze %dma_wait3A_24 : memref<1x320x128xf32, #tpu.memory_space<vmem>> -> memref<320x128xf32, #tpu.memory_space<vmem>>
    %dma_wait3A_26 = arith.constant 0 : i32
    %dma_wait3A_27 = tpu.memref_slice %arg5[%dma_wait3A_26] : memref<1280xi32, #tpu.memory_space<vmem>> -> memref<320xi32, #tpu.memory_space<vmem>>
    %dma_wait3A_28 = arith.constant 0 : i32
    %dma_wait3A_29 = arith.constant 0 : i32
    %dma_wait3A_30 = tpu.memref_slice %arg2[%dma_wait3A_28, %dma_wait3A_29] : memref<8192x128xf32, #tpu.memory_space<hbm>> -> memref<8192x128xf32, #tpu.memory_space<hbm>>
    tpu.wait_indirect_dma semaphore(%arg7 : memref<!tpu.dma_semaphore, #tpu.memory_space<semaphore_mem>>) src(%dma_wait3A_30 : memref<8192x128xf32, #tpu.memory_space<hbm>>) dst(%dma_wait3A_25 : memref<320x128xf32, #tpu.memory_space<vmem>>)
    %add3A_31 = arith.constant 0 : i32
    %add3A_32 = arith.addi %mul3A_2, %add3A_31 : i32
    %run_scoped3A = arith.constant 0 : i32
    "tpu.region"() ({
      %run_scoped3A_92 = tpu.sem_alloc : memref<!tpu.dma_semaphore, #tpu.memory_space<semaphore_mem>>
      %dma_start3A_93 = arith.constant 0 : i32
      %dma_start3A_94 = arith.constant 0 : i32
      %dma_start3A_95 = tpu.memref_slice %arg6[%run_scoped3A, %dma_start3A_93, %dma_start3A_94] : memref<2x320x128xf32, #tpu.memory_space<vmem>> -> memref<1x320x128xf32, #tpu.memory_space<vmem>>
      %dma_start3A_96 = tpu.memref_squeeze %dma_start3A_95 : memref<1x320x128xf32, #tpu.memory_space<vmem>> -> memref<320x128xf32, #tpu.memory_space<vmem>>
      %dma_start3A_97 = arith.constant 0 : i32
      %dma_start3A_98 = tpu.memref_slice %arg4[%add3A_32, %dma_start3A_97] : memref<40960x128xf32, #tpu.memory_space<hbm>> -> memref<320x128xf32, #tpu.memory_space<hbm>>
      %dma_start3A_99 = arith.constant 0 : i32
      %dma_start3A_100 = tpu.memref_slice %arg4[%add3A_32, %dma_start3A_99] : memref<40960x128xf32, #tpu.memory_space<hbm>> -> memref<320x128xf32, #tpu.memory_space<hbm>>
      %dma_start3A_101 = arith.constant 0 : i32
      %dma_start3A_102 = arith.constant 0 : i32
      %dma_start3A_103 = tpu.memref_slice %arg6[%run_scoped3A, %dma_start3A_101, %dma_start3A_102] : memref<2x320x128xf32, #tpu.memory_space<vmem>> -> memref<1x320x128xf32, #tpu.memory_space<vmem>>
      %dma_start3A_104 = tpu.memref_squeeze %dma_start3A_103 : memref<1x320x128xf32, #tpu.memory_space<vmem>> -> memref<320x128xf32, #tpu.memory_space<vmem>>
      tpu.enqueue_dma source(%dma_start3A_104 : memref<320x128xf32, #tpu.memory_space<vmem>>) target(%dma_start3A_100 : memref<320x128xf32, #tpu.memory_space<hbm>>) target_semaphore(%run_scoped3A_92 : memref<!tpu.dma_semaphore, #tpu.memory_space<semaphore_mem>>)
      %dma_wait3A_105 = arith.constant 0 : i32
      %dma_wait3A_106 = arith.constant 0 : i32
      %dma_wait3A_107 = tpu.memref_slice %arg6[%run_scoped3A, %dma_wait3A_105, %dma_wait3A_106] : memref<2x320x128xf32, #tpu.memory_space<vmem>> -> memref<1x320x128xf32, #tpu.memory_space<vmem>>
      %dma_wait3A_108 = tpu.memref_squeeze %dma_wait3A_107 : memref<1x320x128xf32, #tpu.memory_space<vmem>> -> memref<320x128xf32, #tpu.memory_space<vmem>>
      %dma_wait3A_109 = arith.constant 0 : i32
      %dma_wait3A_110 = tpu.memref_slice %arg4[%add3A_32, %dma_wait3A_109] : memref<40960x128xf32, #tpu.memory_space<hbm>> -> memref<320x128xf32, #tpu.memory_space<hbm>>
      %dma_wait3A_111 = arith.constant 0 : i32
      %dma_wait3A_112 = tpu.memref_slice %arg4[%add3A_32, %dma_wait3A_111] : memref<40960x128xf32, #tpu.memory_space<hbm>> -> memref<320x128xf32, #tpu.memory_space<hbm>>
      %dma_wait3A_113 = arith.constant 0 : i32
      %dma_wait3A_114 = arith.constant 0 : i32
      %dma_wait3A_115 = tpu.memref_slice %arg6[%run_scoped3A, %dma_wait3A_113, %dma_wait3A_114] : memref<2x320x128xf32, #tpu.memory_space<vmem>> -> memref<1x320x128xf32, #tpu.memory_space<vmem>>
      %dma_wait3A_116 = tpu.memref_squeeze %dma_wait3A_115 : memref<1x320x128xf32, #tpu.memory_space<vmem>> -> memref<320x128xf32, #tpu.memory_space<vmem>>
      tpu.wait_dma2 semaphore(%run_scoped3A_92 : memref<!tpu.dma_semaphore, #tpu.memory_space<semaphore_mem>>) src(%dma_wait3A_116 : memref<320x128xf32, #tpu.memory_space<vmem>>) dst(%dma_wait3A_112 : memref<320x128xf32, #tpu.memory_space<hbm>>)
      tpu.yield
    }) : () -> ()
    %dma_start3A_33 = arith.constant 0 : i32
    %dma_start3A_34 = arith.constant 0 : i32
    %dma_start3A_35 = arith.constant 0 : i32
    %dma_start3A_36 = tpu.memref_slice %arg6[%dma_start3A_33, %dma_start3A_34, %dma_start3A_35] : memref<2x320x128xf32, #tpu.memory_space<vmem>> -> memref<1x320x128xf32, #tpu.memory_space<vmem>>
    %dma_start3A_37 = tpu.memref_squeeze %dma_start3A_36 : memref<1x320x128xf32, #tpu.memory_space<vmem>> -> memref<320x128xf32, #tpu.memory_space<vmem>>
    %dma_start3A_38 = arith.constant 640 : i32
    %dma_start3A_39 = tpu.memref_slice %arg5[%dma_start3A_38] : memref<1280xi32, #tpu.memory_space<vmem>> -> memref<320xi32, #tpu.memory_space<vmem>>
    %dma_start3A_40 = arith.constant 0 : i32
    %dma_start3A_41 = arith.constant 0 : i32
    %dma_start3A_42 = tpu.memref_slice %arg2[%dma_start3A_40, %dma_start3A_41] : memref<8192x128xf32, #tpu.memory_space<hbm>> -> memref<8192x128xf32, #tpu.memory_space<hbm>>
    tpu.enqueue_indirect_dma source(%dma_start3A_42 : memref<8192x128xf32, #tpu.memory_space<hbm>>) target(%dma_start3A_37 : memref<320x128xf32, #tpu.memory_space<vmem>>) offsets(%dma_start3A_39 : memref<320xi32, #tpu.memory_space<vmem>>) semaphore(%arg7 : memref<!tpu.dma_semaphore, #tpu.memory_space<semaphore_mem>>)
    %dma_wait3A_43 = arith.constant 1 : i32
    %dma_wait3A_44 = arith.constant 0 : i32
    %dma_wait3A_45 = arith.constant 0 : i32
    %dma_wait3A_46 = tpu.memref_slice %arg6[%dma_wait3A_43, %dma_wait3A_44, %dma_wait3A_45] : memref<2x320x128xf32, #tpu.memory_space<vmem>> -> memref<1x320x128xf32, #tpu.memory_space<vmem>>
    %dma_wait3A_47 = tpu.memref_squeeze %dma_wait3A_46 : memref<1x320x128xf32, #tpu.memory_space<vmem>> -> memref<320x128xf32, #tpu.memory_space<vmem>>
    %dma_wait3A_48 = arith.constant 320 : i32
    %dma_wait3A_49 = tpu.memref_slice %arg5[%dma_wait3A_48] : memref<1280xi32, #tpu.memory_space<vmem>> -> memref<320xi32, #tpu.memory_space<vmem>>
    %dma_wait3A_50 = arith.constant 0 : i32
    %dma_wait3A_51 = arith.constant 0 : i32
    %dma_wait3A_52 = tpu.memref_slice %arg2[%dma_wait3A_50, %dma_wait3A_51] : memref<8192x128xf32, #tpu.memory_space<hbm>> -> memref<8192x128xf32, #tpu.memory_space<hbm>>
    tpu.wait_indirect_dma semaphore(%arg8 : memref<!tpu.dma_semaphore, #tpu.memory_space<semaphore_mem>>) src(%dma_wait3A_52 : memref<8192x128xf32, #tpu.memory_space<hbm>>) dst(%dma_wait3A_47 : memref<320x128xf32, #tpu.memory_space<vmem>>)
    %add3A_53 = arith.constant 320 : i32
    %add3A_54 = arith.addi %mul3A_2, %add3A_53 : i32
    %run_scoped3A_55 = arith.constant 1 : i32
    "tpu.region"() ({
      %run_scoped3A_92 = tpu.sem_alloc : memref<!tpu.dma_semaphore, #tpu.memory_space<semaphore_mem>>
      %dma_start3A_93 = arith.constant 0 : i32
      %dma_start3A_94 = arith.constant 0 : i32
      %dma_start3A_95 = tpu.memref_slice %arg6[%run_scoped3A_55, %dma_start3A_93, %dma_start3A_94] : memref<2x320x128xf32, #tpu.memory_space<vmem>> -> memref<1x320x128xf32, #tpu.memory_space<vmem>>
      %dma_start3A_96 = tpu.memref_squeeze %dma_start3A_95 : memref<1x320x128xf32, #tpu.memory_space<vmem>> -> memref<320x128xf32, #tpu.memory_space<vmem>>
      %dma_start3A_97 = arith.constant 0 : i32
      %dma_start3A_98 = tpu.memref_slice %arg4[%add3A_54, %dma_start3A_97] : memref<40960x128xf32, #tpu.memory_space<hbm>> -> memref<320x128xf32, #tpu.memory_space<hbm>>
      %dma_start3A_99 = arith.constant 0 : i32
      %dma_start3A_100 = tpu.memref_slice %arg4[%add3A_54, %dma_start3A_99] : memref<40960x128xf32, #tpu.memory_space<hbm>> -> memref<320x128xf32, #tpu.memory_space<hbm>>
      %dma_start3A_101 = arith.constant 0 : i32
      %dma_start3A_102 = arith.constant 0 : i32
      %dma_start3A_103 = tpu.memref_slice %arg6[%run_scoped3A_55, %dma_start3A_101, %dma_start3A_102] : memref<2x320x128xf32, #tpu.memory_space<vmem>> -> memref<1x320x128xf32, #tpu.memory_space<vmem>>
      %dma_start3A_104 = tpu.memref_squeeze %dma_start3A_103 : memref<1x320x128xf32, #tpu.memory_space<vmem>> -> memref<320x128xf32, #tpu.memory_space<vmem>>
      tpu.enqueue_dma source(%dma_start3A_104 : memref<320x128xf32, #tpu.memory_space<vmem>>) target(%dma_start3A_100 : memref<320x128xf32, #tpu.memory_space<hbm>>) target_semaphore(%run_scoped3A_92 : memref<!tpu.dma_semaphore, #tpu.memory_space<semaphore_mem>>)
      %dma_wait3A_105 = arith.constant 0 : i32
      %dma_wait3A_106 = arith.constant 0 : i32
      %dma_wait3A_107 = tpu.memref_slice %arg6[%run_scoped3A_55, %dma_wait3A_105, %dma_wait3A_106] : memref<2x320x128xf32, #tpu.memory_space<vmem>> -> memref<1x320x128xf32, #tpu.memory_space<vmem>>
      %dma_wait3A_108 = tpu.memref_squeeze %dma_wait3A_107 : memref<1x320x128xf32, #tpu.memory_space<vmem>> -> memref<320x128xf32, #tpu.memory_space<vmem>>
      %dma_wait3A_109 = arith.constant 0 : i32
      %dma_wait3A_110 = tpu.memref_slice %arg4[%add3A_54, %dma_wait3A_109] : memref<40960x128xf32, #tpu.memory_space<hbm>> -> memref<320x128xf32, #tpu.memory_space<hbm>>
      %dma_wait3A_111 = arith.constant 0 : i32
      %dma_wait3A_112 = tpu.memref_slice %arg4[%add3A_54, %dma_wait3A_111] : memref<40960x128xf32, #tpu.memory_space<hbm>> -> memref<320x128xf32, #tpu.memory_space<hbm>>
      %dma_wait3A_113 = arith.constant 0 : i32
      %dma_wait3A_114 = arith.constant 0 : i32
      %dma_wait3A_115 = tpu.memref_slice %arg6[%run_scoped3A_55, %dma_wait3A_113, %dma_wait3A_114] : memref<2x320x128xf32, #tpu.memory_space<vmem>> -> memref<1x320x128xf32, #tpu.memory_space<vmem>>
      %dma_wait3A_116 = tpu.memref_squeeze %dma_wait3A_115 : memref<1x320x128xf32, #tpu.memory_space<vmem>> -> memref<320x128xf32, #tpu.memory_space<vmem>>
      tpu.wait_dma2 semaphore(%run_scoped3A_92 : memref<!tpu.dma_semaphore, #tpu.memory_space<semaphore_mem>>) src(%dma_wait3A_116 : memref<320x128xf32, #tpu.memory_space<vmem>>) dst(%dma_wait3A_112 : memref<320x128xf32, #tpu.memory_space<hbm>>)
      tpu.yield
    }) : () -> ()
    %dma_start3A_56 = arith.constant 1 : i32
    %dma_start3A_57 = arith.constant 0 : i32
    %dma_start3A_58 = arith.constant 0 : i32
    %dma_start3A_59 = tpu.memref_slice %arg6[%dma_start3A_56, %dma_start3A_57, %dma_start3A_58] : memref<2x320x128xf32, #tpu.memory_space<vmem>> -> memref<1x320x128xf32, #tpu.memory_space<vmem>>
    %dma_start3A_60 = tpu.memref_squeeze %dma_start3A_59 : memref<1x320x128xf32, #tpu.memory_space<vmem>> -> memref<320x128xf32, #tpu.memory_space<vmem>>
    %dma_start3A_61 = arith.constant 960 : i32
    %dma_start3A_62 = tpu.memref_slice %arg5[%dma_start3A_61] : memref<1280xi32, #tpu.memory_space<vmem>> -> memref<320xi32, #tpu.memory_space<vmem>>
    %dma_start3A_63 = arith.constant 0 : i32
    %dma_start3A_64 = arith.constant 0 : i32
    %dma_start3A_65 = tpu.memref_slice %arg2[%dma_start3A_63, %dma_start3A_64] : memref<8192x128xf32, #tpu.memory_space<hbm>> -> memref<8192x128xf32, #tpu.memory_space<hbm>>
    tpu.enqueue_indirect_dma source(%dma_start3A_65 : memref<8192x128xf32, #tpu.memory_space<hbm>>) target(%dma_start3A_60 : memref<320x128xf32, #tpu.memory_space<vmem>>) offsets(%dma_start3A_62 : memref<320xi32, #tpu.memory_space<vmem>>) semaphore(%arg8 : memref<!tpu.dma_semaphore, #tpu.memory_space<semaphore_mem>>)
    %dma_wait3A_66 = arith.constant 0 : i32
    %dma_wait3A_67 = arith.constant 0 : i32
    %dma_wait3A_68 = arith.constant 0 : i32
    %dma_wait3A_69 = tpu.memref_slice %arg6[%dma_wait3A_66, %dma_wait3A_67, %dma_wait3A_68] : memref<2x320x128xf32, #tpu.memory_space<vmem>> -> memref<1x320x128xf32, #tpu.memory_space<vmem>>
    %dma_wait3A_70 = tpu.memref_squeeze %dma_wait3A_69 : memref<1x320x128xf32, #tpu.memory_space<vmem>> -> memref<320x128xf32, #tpu.memory_space<vmem>>
    %dma_wait3A_71 = arith.constant 640 : i32
    %dma_wait3A_72 = tpu.memref_slice %arg5[%dma_wait3A_71] : memref<1280xi32, #tpu.memory_space<vmem>> -> memref<320xi32, #tpu.memory_space<vmem>>
    %dma_wait3A_73 = arith.constant 0 : i32
    %dma_wait3A_74 = arith.constant 0 : i32
    %dma_wait3A_75 = tpu.memref_slice %arg2[%dma_wait3A_73, %dma_wait3A_74] : memref<8192x128xf32, #tpu.memory_space<hbm>> -> memref<8192x128xf32, #tpu.memory_space<hbm>>
    tpu.wait_indirect_dma semaphore(%arg7 : memref<!tpu.dma_semaphore, #tpu.memory_space<semaphore_mem>>) src(%dma_wait3A_75 : memref<8192x128xf32, #tpu.memory_space<hbm>>) dst(%dma_wait3A_70 : memref<320x128xf32, #tpu.memory_space<vmem>>)
    %add3A_76 = arith.constant 640 : i32
    %add3A_77 = arith.addi %mul3A_2, %add3A_76 : i32
    %run_scoped3A_78 = arith.constant 0 : i32
    "tpu.region"() ({
      %run_scoped3A_92 = tpu.sem_alloc : memref<!tpu.dma_semaphore, #tpu.memory_space<semaphore_mem>>
      %dma_start3A_93 = arith.constant 0 : i32
      %dma_start3A_94 = arith.constant 0 : i32
      %dma_start3A_95 = tpu.memref_slice %arg6[%run_scoped3A_78, %dma_start3A_93, %dma_start3A_94] : memref<2x320x128xf32, #tpu.memory_space<vmem>> -> memref<1x320x128xf32, #tpu.memory_space<vmem>>
      %dma_start3A_96 = tpu.memref_squeeze %dma_start3A_95 : memref<1x320x128xf32, #tpu.memory_space<vmem>> -> memref<320x128xf32, #tpu.memory_space<vmem>>
      %dma_start3A_97 = arith.constant 0 : i32
      %dma_start3A_98 = tpu.memref_slice %arg4[%add3A_77, %dma_start3A_97] : memref<40960x128xf32, #tpu.memory_space<hbm>> -> memref<320x128xf32, #tpu.memory_space<hbm>>
      %dma_start3A_99 = arith.constant 0 : i32
      %dma_start3A_100 = tpu.memref_slice %arg4[%add3A_77, %dma_start3A_99] : memref<40960x128xf32, #tpu.memory_space<hbm>> -> memref<320x128xf32, #tpu.memory_space<hbm>>
      %dma_start3A_101 = arith.constant 0 : i32
      %dma_start3A_102 = arith.constant 0 : i32
      %dma_start3A_103 = tpu.memref_slice %arg6[%run_scoped3A_78, %dma_start3A_101, %dma_start3A_102] : memref<2x320x128xf32, #tpu.memory_space<vmem>> -> memref<1x320x128xf32, #tpu.memory_space<vmem>>
      %dma_start3A_104 = tpu.memref_squeeze %dma_start3A_103 : memref<1x320x128xf32, #tpu.memory_space<vmem>> -> memref<320x128xf32, #tpu.memory_space<vmem>>
      tpu.enqueue_dma source(%dma_start3A_104 : memref<320x128xf32, #tpu.memory_space<vmem>>) target(%dma_start3A_100 : memref<320x128xf32, #tpu.memory_space<hbm>>) target_semaphore(%run_scoped3A_92 : memref<!tpu.dma_semaphore, #tpu.memory_space<semaphore_mem>>)
      %dma_wait3A_105 = arith.constant 0 : i32
      %dma_wait3A_106 = arith.constant 0 : i32
      %dma_wait3A_107 = tpu.memref_slice %arg6[%run_scoped3A_78, %dma_wait3A_105, %dma_wait3A_106] : memref<2x320x128xf32, #tpu.memory_space<vmem>> -> memref<1x320x128xf32, #tpu.memory_space<vmem>>
      %dma_wait3A_108 = tpu.memref_squeeze %dma_wait3A_107 : memref<1x320x128xf32, #tpu.memory_space<vmem>> -> memref<320x128xf32, #tpu.memory_space<vmem>>
      %dma_wait3A_109 = arith.constant 0 : i32
      %dma_wait3A_110 = tpu.memref_slice %arg4[%add3A_77, %dma_wait3A_109] : memref<40960x128xf32, #tpu.memory_space<hbm>> -> memref<320x128xf32, #tpu.memory_space<hbm>>
      %dma_wait3A_111 = arith.constant 0 : i32
      %dma_wait3A_112 = tpu.memref_slice %arg4[%add3A_77, %dma_wait3A_111] : memref<40960x128xf32, #tpu.memory_space<hbm>> -> memref<320x128xf32, #tpu.memory_space<hbm>>
      %dma_wait3A_113 = arith.constant 0 : i32
      %dma_wait3A_114 = arith.constant 0 : i32
      %dma_wait3A_115 = tpu.memref_slice %arg6[%run_scoped3A_78, %dma_wait3A_113, %dma_wait3A_114] : memref<2x320x128xf32, #tpu.memory_space<vmem>> -> memref<1x320x128xf32, #tpu.memory_space<vmem>>
      %dma_wait3A_116 = tpu.memref_squeeze %dma_wait3A_115 : memref<1x320x128xf32, #tpu.memory_space<vmem>> -> memref<320x128xf32, #tpu.memory_space<vmem>>
      tpu.wait_dma2 semaphore(%run_scoped3A_92 : memref<!tpu.dma_semaphore, #tpu.memory_space<semaphore_mem>>) src(%dma_wait3A_116 : memref<320x128xf32, #tpu.memory_space<vmem>>) dst(%dma_wait3A_112 : memref<320x128xf32, #tpu.memory_space<hbm>>)
      tpu.yield
    }) : () -> ()
    %dma_wait3A_79 = arith.constant 1 : i32
    %dma_wait3A_80 = arith.constant 0 : i32
    %dma_wait3A_81 = arith.constant 0 : i32
    %dma_wait3A_82 = tpu.memref_slice %arg6[%dma_wait3A_79, %dma_wait3A_80, %dma_wait3A_81] : memref<2x320x128xf32, #tpu.memory_space<vmem>> -> memref<1x320x128xf32, #tpu.memory_space<vmem>>
    %dma_wait3A_83 = tpu.memref_squeeze %dma_wait3A_82 : memref<1x320x128xf32, #tpu.memory_space<vmem>> -> memref<320x128xf32, #tpu.memory_space<vmem>>
    %dma_wait3A_84 = arith.constant 960 : i32
    %dma_wait3A_85 = tpu.memref_slice %arg5[%dma_wait3A_84] : memref<1280xi32, #tpu.memory_space<vmem>> -> memref<320xi32, #tpu.memory_space<vmem>>
    %dma_wait3A_86 = arith.constant 0 : i32
    %dma_wait3A_87 = arith.constant 0 : i32
    %dma_wait3A_88 = tpu.memref_slice %arg2[%dma_wait3A_86, %dma_wait3A_87] : memref<8192x128xf32, #tpu.memory_space<hbm>> -> memref<8192x128xf32, #tpu.memory_space<hbm>>
    tpu.wait_indirect_dma semaphore(%arg8 : memref<!tpu.dma_semaphore, #tpu.memory_space<semaphore_mem>>) src(%dma_wait3A_88 : memref<8192x128xf32, #tpu.memory_space<hbm>>) dst(%dma_wait3A_83 : memref<320x128xf32, #tpu.memory_space<vmem>>)
    %add3A_89 = arith.constant 960 : i32
    %add3A_90 = arith.addi %mul3A_2, %add3A_89 : i32
    %run_scoped3A_91 = arith.constant 1 : i32
    "tpu.region"() ({
      %run_scoped3A_92 = tpu.sem_alloc : memref<!tpu.dma_semaphore, #tpu.memory_space<semaphore_mem>>
      %dma_start3A_93 = arith.constant 0 : i32
      %dma_start3A_94 = arith.constant 0 : i32
      %dma_start3A_95 = tpu.memref_slice %arg6[%run_scoped3A_91, %dma_start3A_93, %dma_start3A_94] : memref<2x320x128xf32, #tpu.memory_space<vmem>> -> memref<1x320x128xf32, #tpu.memory_space<vmem>>
      %dma_start3A_96 = tpu.memref_squeeze %dma_start3A_95 : memref<1x320x128xf32, #tpu.memory_space<vmem>> -> memref<320x128xf32, #tpu.memory_space<vmem>>
      %dma_start3A_97 = arith.constant 0 : i32
      %dma_start3A_98 = tpu.memref_slice %arg4[%add3A_90, %dma_start3A_97] : memref<40960x128xf32, #tpu.memory_space<hbm>> -> memref<320x128xf32, #tpu.memory_space<hbm>>
      %dma_start3A_99 = arith.constant 0 : i32
      %dma_start3A_100 = tpu.memref_slice %arg4[%add3A_90, %dma_start3A_99] : memref<40960x128xf32, #tpu.memory_space<hbm>> -> memref<320x128xf32, #tpu.memory_space<hbm>>
      %dma_start3A_101 = arith.constant 0 : i32
      %dma_start3A_102 = arith.constant 0 : i32
      %dma_start3A_103 = tpu.memref_slice %arg6[%run_scoped3A_91, %dma_start3A_101, %dma_start3A_102] : memref<2x320x128xf32, #tpu.memory_space<vmem>> -> memref<1x320x128xf32, #tpu.memory_space<vmem>>
      %dma_start3A_104 = tpu.memref_squeeze %dma_start3A_103 : memref<1x320x128xf32, #tpu.memory_space<vmem>> -> memref<320x128xf32, #tpu.memory_space<vmem>>
      tpu.enqueue_dma source(%dma_start3A_104 : memref<320x128xf32, #tpu.memory_space<vmem>>) target(%dma_start3A_100 : memref<320x128xf32, #tpu.memory_space<hbm>>) target_semaphore(%run_scoped3A_92 : memref<!tpu.dma_semaphore, #tpu.memory_space<semaphore_mem>>)
      %dma_wait3A_105 = arith.constant 0 : i32
      %dma_wait3A_106 = arith.constant 0 : i32
      %dma_wait3A_107 = tpu.memref_slice %arg6[%run_scoped3A_91, %dma_wait3A_105, %dma_wait3A_106] : memref<2x320x128xf32, #tpu.memory_space<vmem>> -> memref<1x320x128xf32, #tpu.memory_space<vmem>>
      %dma_wait3A_108 = tpu.memref_squeeze %dma_wait3A_107 : memref<1x320x128xf32, #tpu.memory_space<vmem>> -> memref<320x128xf32, #tpu.memory_space<vmem>>
      %dma_wait3A_109 = arith.constant 0 : i32
      %dma_wait3A_110 = tpu.memref_slice %arg4[%add3A_90, %dma_wait3A_109] : memref<40960x128xf32, #tpu.memory_space<hbm>> -> memref<320x128xf32, #tpu.memory_space<hbm>>
      %dma_wait3A_111 = arith.constant 0 : i32
      %dma_wait3A_112 = tpu.memref_slice %arg4[%add3A_90, %dma_wait3A_111] : memref<40960x128xf32, #tpu.memory_space<hbm>> -> memref<320x128xf32, #tpu.memory_space<hbm>>
      %dma_wait3A_113 = arith.constant 0 : i32
      %dma_wait3A_114 = arith.constant 0 : i32
      %dma_wait3A_115 = tpu.memref_slice %arg6[%run_scoped3A_91, %dma_wait3A_113, %dma_wait3A_114] : memref<2x320x128xf32, #tpu.memory_space<vmem>> -> memref<1x320x128xf32, #tpu.memory_space<vmem>>
      %dma_wait3A_116 = tpu.memref_squeeze %dma_wait3A_115 : memref<1x320x128xf32, #tpu.memory_space<vmem>> -> memref<320x128xf32, #tpu.memory_space<vmem>>
      tpu.wait_dma2 semaphore(%run_scoped3A_92 : memref<!tpu.dma_semaphore, #tpu.memory_space<semaphore_mem>>) src(%dma_wait3A_116 : memref<320x128xf32, #tpu.memory_space<vmem>>) dst(%dma_wait3A_112 : memref<320x128xf32, #tpu.memory_space<hbm>>)
      tpu.yield
    }) : () -> ()
    return
  }
}

#map = affine_map<(d0, d1) -> (0, 0)>
#map1 = affine_map<(d0, d1) -> (0)>
module attributes {stable_mosaic.version = 14 : i64} {
  func.func @k(%arg0: i32, %arg1: i32, %arg2: memref<8192x128xf32, #tpu.memory_space<hbm>>, %arg3: memref<40960xi32, #tpu.memory_space<hbm>>, %arg4: memref<40960x128xf32, #tpu.memory_space<hbm>>, %arg5: memref<1280xi32, #tpu.memory_space<vmem>>, %arg6: memref<2x320x128xf32, #tpu.memory_space<vmem>>, %arg7: memref<!tpu.dma_semaphore, #tpu.memory_space<semaphore_mem>>, %arg8: memref<!tpu.dma_semaphore, #tpu.memory_space<semaphore_mem>>) attributes {dimension_semantics = [#tpu.dimension_semantics<core_parallel>, #tpu.dimension_semantics<subcore_parallel>], iteration_bounds = array<i64: 2, 16>, scalar_prefetch = 0 : i64, scratch_operands = 4 : i64, tpu.core_type = #tpu.core_type<sc_vector_subcore>, window_params = [{transform_indices = #map}, {transform_indices = #map1}, {transform_indices = #map}]} {
    %mul3A = arith.constant 2 : i32
    %mul3A_0 = arith.muli %arg1, %mul3A : i32
    %add3A = arith.addi %mul3A_0, %arg0 : i32
    %mul3A_1 = arith.constant 1280 : i32
    %mul3A_2 = arith.muli %add3A, %mul3A_1 : i32
    "tpu.region"() ({
      %run_scoped3A_92 = tpu.sem_alloc : memref<!tpu.dma_semaphore, #tpu.memory_space<semaphore_mem>>
      %dma_start3A_93 = tpu.memref_slice %arg3[%mul3A_2] : memref<40960xi32, #tpu.memory_space<hbm>> -> memref<1280xi32, #tpu.memory_space<hbm>>
      %dma_start3A_94 = tpu.memref_slice %arg3[%mul3A_2] : memref<40960xi32, #tpu.memory_space<hbm>> -> memref<1280xi32, #tpu.memory_space<hbm>>
      tpu.enqueue_dma source(%dma_start3A_94 : memref<1280xi32, #tpu.memory_space<hbm>>) target(%arg5 : memref<1280xi32, #tpu.memory_space<vmem>>) target_semaphore(%run_scoped3A_92 : memref<!tpu.dma_semaphore, #tpu.memory_space<semaphore_mem>>)
      %dma_wait3A_95 = tpu.memref_slice %arg3[%mul3A_2] : memref<40960xi32, #tpu.memory_space<hbm>> -> memref<1280xi32, #tpu.memory_space<hbm>>
      %dma_wait3A_96 = tpu.memref_slice %arg3[%mul3A_2] : memref<40960xi32, #tpu.memory_space<hbm>> -> memref<1280xi32, #tpu.memory_space<hbm>>
      tpu.wait_dma2 semaphore(%run_scoped3A_92 : memref<!tpu.dma_semaphore, #tpu.memory_space<semaphore_mem>>) src(%dma_wait3A_96 : memref<1280xi32, #tpu.memory_space<hbm>>) dst(%arg5 : memref<1280xi32, #tpu.memory_space<vmem>>)
      tpu.yield
    }) : () -> ()
    %dma_start3A = arith.constant 0 : i32
    %dma_start3A_3 = arith.constant 0 : i32
    %dma_start3A_4 = arith.constant 0 : i32
    %dma_start3A_5 = tpu.memref_slice %arg6[%dma_start3A, %dma_start3A_3, %dma_start3A_4] : memref<2x320x128xf32, #tpu.memory_space<vmem>> -> memref<1x320x128xf32, #tpu.memory_space<vmem>>
    %dma_start3A_6 = tpu.memref_squeeze %dma_start3A_5 : memref<1x320x128xf32, #tpu.memory_space<vmem>> -> memref<320x128xf32, #tpu.memory_space<vmem>>
    %dma_start3A_7 = arith.constant 0 : i32
    %dma_start3A_8 = tpu.memref_slice %arg5[%dma_start3A_7] : memref<1280xi32, #tpu.memory_space<vmem>> -> memref<320xi32, #tpu.memory_space<vmem>>
    %dma_start3A_9 = arith.constant 0 : i32
    %dma_start3A_10 = arith.constant 0 : i32
    %dma_start3A_11 = tpu.memref_slice %arg2[%dma_start3A_9, %dma_start3A_10] : memref<8192x128xf32, #tpu.memory_space<hbm>> -> memref<8192x128xf32, #tpu.memory_space<hbm>>
    tpu.enqueue_indirect_dma source(%dma_start3A_11 : memref<8192x128xf32, #tpu.memory_space<hbm>>) target(%dma_start3A_6 : memref<320x128xf32, #tpu.memory_space<vmem>>) offsets(%dma_start3A_8 : memref<320xi32, #tpu.memory_space<vmem>>) semaphore(%arg7 : memref<!tpu.dma_semaphore, #tpu.memory_space<semaphore_mem>>)
    %dma_start3A_12 = arith.constant 1 : i32
    %dma_start3A_13 = arith.constant 0 : i32
    %dma_start3A_14 = arith.constant 0 : i32
    %dma_start3A_15 = tpu.memref_slice %arg6[%dma_start3A_12, %dma_start3A_13, %dma_start3A_14] : memref<2x320x128xf32, #tpu.memory_space<vmem>> -> memref<1x320x128xf32, #tpu.memory_space<vmem>>
    %dma_start3A_16 = tpu.memref_squeeze %dma_start3A_15 : memref<1x320x128xf32, #tpu.memory_space<vmem>> -> memref<320x128xf32, #tpu.memory_space<vmem>>
    %dma_start3A_17 = arith.constant 320 : i32
    %dma_start3A_18 = tpu.memref_slice %arg5[%dma_start3A_17] : memref<1280xi32, #tpu.memory_space<vmem>> -> memref<320xi32, #tpu.memory_space<vmem>>
    %dma_start3A_19 = arith.constant 0 : i32
    %dma_start3A_20 = arith.constant 0 : i32
    %dma_start3A_21 = tpu.memref_slice %arg2[%dma_start3A_19, %dma_start3A_20] : memref<8192x128xf32, #tpu.memory_space<hbm>> -> memref<8192x128xf32, #tpu.memory_space<hbm>>
    tpu.enqueue_indirect_dma source(%dma_start3A_21 : memref<8192x128xf32, #tpu.memory_space<hbm>>) target(%dma_start3A_16 : memref<320x128xf32, #tpu.memory_space<vmem>>) offsets(%dma_start3A_18 : memref<320xi32, #tpu.memory_space<vmem>>) semaphore(%arg8 : memref<!tpu.dma_semaphore, #tpu.memory_space<semaphore_mem>>)
    %dma_wait3A = arith.constant 0 : i32
    %dma_wait3A_22 = arith.constant 0 : i32
    %dma_wait3A_23 = arith.constant 0 : i32
    %dma_wait3A_24 = tpu.memref_slice %arg6[%dma_wait3A, %dma_wait3A_22, %dma_wait3A_23] : memref<2x320x128xf32, #tpu.memory_space<vmem>> -> memref<1x320x128xf32, #tpu.memory_space<vmem>>
    %dma_wait3A_25 = tpu.memref_squeeze %dma_wait3A_24 : memref<1x320x128xf32, #tpu.memory_space<vmem>> -> memref<320x128xf32, #tpu.memory_space<vmem>>
    %dma_wait3A_26 = arith.constant 0 : i32
    %dma_wait3A_27 = tpu.memref_slice %arg5[%dma_wait3A_26] : memref<1280xi32, #tpu.memory_space<vmem>> -> memref<320xi32, #tpu.memory_space<vmem>>
    %dma_wait3A_28 = arith.constant 0 : i32
    %dma_wait3A_29 = arith.constant 0 : i32
    %dma_wait3A_30 = tpu.memref_slice %arg2[%dma_wait3A_28, %dma_wait3A_29] : memref<8192x128xf32, #tpu.memory_space<hbm>> -> memref<8192x128xf32, #tpu.memory_space<hbm>>
    tpu.wait_indirect_dma semaphore(%arg7 : memref<!tpu.dma_semaphore, #tpu.memory_space<semaphore_mem>>) src(%dma_wait3A_30 : memref<8192x128xf32, #tpu.memory_space<hbm>>) dst(%dma_wait3A_25 : memref<320x128xf32, #tpu.memory_space<vmem>>)
    %add3A_31 = arith.constant 0 : i32
    %add3A_32 = arith.addi %mul3A_2, %add3A_31 : i32
    %run_scoped3A = arith.constant 0 : i32
    "tpu.region"() ({
      %run_scoped3A_92 = tpu.sem_alloc : memref<!tpu.dma_semaphore, #tpu.memory_space<semaphore_mem>>
      %dma_start3A_93 = arith.constant 0 : i32
      %dma_start3A_94 = arith.constant 0 : i32
      %dma_start3A_95 = tpu.memref_slice %arg6[%run_scoped3A, %dma_start3A_93, %dma_start3A_94] : memref<2x320x128xf32, #tpu.memory_space<vmem>> -> memref<1x320x128xf32, #tpu.memory_space<vmem>>
      %dma_start3A_96 = tpu.memref_squeeze %dma_start3A_95 : memref<1x320x128xf32, #tpu.memory_space<vmem>> -> memref<320x128xf32, #tpu.memory_space<vmem>>
      %dma_start3A_97 = arith.constant 0 : i32
      %dma_start3A_98 = tpu.memref_slice %arg4[%add3A_32, %dma_start3A_97] : memref<40960x128xf32, #tpu.memory_space<hbm>> -> memref<320x128xf32, #tpu.memory_space<hbm>>
      %dma_start3A_99 = arith.constant 0 : i32
      %dma_start3A_100 = tpu.memref_slice %arg4[%add3A_32, %dma_start3A_99] : memref<40960x128xf32, #tpu.memory_space<hbm>> -> memref<320x128xf32, #tpu.memory_space<hbm>>
      %dma_start3A_101 = arith.constant 0 : i32
      %dma_start3A_102 = arith.constant 0 : i32
      %dma_start3A_103 = tpu.memref_slice %arg6[%run_scoped3A, %dma_start3A_101, %dma_start3A_102] : memref<2x320x128xf32, #tpu.memory_space<vmem>> -> memref<1x320x128xf32, #tpu.memory_space<vmem>>
      %dma_start3A_104 = tpu.memref_squeeze %dma_start3A_103 : memref<1x320x128xf32, #tpu.memory_space<vmem>> -> memref<320x128xf32, #tpu.memory_space<vmem>>
      tpu.enqueue_dma source(%dma_start3A_104 : memref<320x128xf32, #tpu.memory_space<vmem>>) target(%dma_start3A_100 : memref<320x128xf32, #tpu.memory_space<hbm>>) target_semaphore(%run_scoped3A_92 : memref<!tpu.dma_semaphore, #tpu.memory_space<semaphore_mem>>)
      %dma_wait3A_105 = arith.constant 0 : i32
      %dma_wait3A_106 = arith.constant 0 : i32
      %dma_wait3A_107 = tpu.memref_slice %arg6[%run_scoped3A, %dma_wait3A_105, %dma_wait3A_106] : memref<2x320x128xf32, #tpu.memory_space<vmem>> -> memref<1x320x128xf32, #tpu.memory_space<vmem>>
      %dma_wait3A_108 = tpu.memref_squeeze %dma_wait3A_107 : memref<1x320x128xf32, #tpu.memory_space<vmem>> -> memref<320x128xf32, #tpu.memory_space<vmem>>
      %dma_wait3A_109 = arith.constant 0 : i32
      %dma_wait3A_110 = tpu.memref_slice %arg4[%add3A_32, %dma_wait3A_109] : memref<40960x128xf32, #tpu.memory_space<hbm>> -> memref<320x128xf32, #tpu.memory_space<hbm>>
      %dma_wait3A_111 = arith.constant 0 : i32
      %dma_wait3A_112 = tpu.memref_slice %arg4[%add3A_32, %dma_wait3A_111] : memref<40960x128xf32, #tpu.memory_space<hbm>> -> memref<320x128xf32, #tpu.memory_space<hbm>>
      %dma_wait3A_113 = arith.constant 0 : i32
      %dma_wait3A_114 = arith.constant 0 : i32
      %dma_wait3A_115 = tpu.memref_slice %arg6[%run_scoped3A, %dma_wait3A_113, %dma_wait3A_114] : memref<2x320x128xf32, #tpu.memory_space<vmem>> -> memref<1x320x128xf32, #tpu.memory_space<vmem>>
      %dma_wait3A_116 = tpu.memref_squeeze %dma_wait3A_115 : memref<1x320x128xf32, #tpu.memory_space<vmem>> -> memref<320x128xf32, #tpu.memory_space<vmem>>
      tpu.wait_dma2 semaphore(%run_scoped3A_92 : memref<!tpu.dma_semaphore, #tpu.memory_space<semaphore_mem>>) src(%dma_wait3A_116 : memref<320x128xf32, #tpu.memory_space<vmem>>) dst(%dma_wait3A_112 : memref<320x128xf32, #tpu.memory_space<hbm>>)
      tpu.yield
    }) : () -> ()
    %dma_start3A_33 = arith.constant 0 : i32
    %dma_start3A_34 = arith.constant 0 : i32
    %dma_start3A_35 = arith.constant 0 : i32
    %dma_start3A_36 = tpu.memref_slice %arg6[%dma_start3A_33, %dma_start3A_34, %dma_start3A_35] : memref<2x320x128xf32, #tpu.memory_space<vmem>> -> memref<1x320x128xf32, #tpu.memory_space<vmem>>
    %dma_start3A_37 = tpu.memref_squeeze %dma_start3A_36 : memref<1x320x128xf32, #tpu.memory_space<vmem>> -> memref<320x128xf32, #tpu.memory_space<vmem>>
    %dma_start3A_38 = arith.constant 640 : i32
    %dma_start3A_39 = tpu.memref_slice %arg5[%dma_start3A_38] : memref<1280xi32, #tpu.memory_space<vmem>> -> memref<320xi32, #tpu.memory_space<vmem>>
    %dma_start3A_40 = arith.constant 0 : i32
    %dma_start3A_41 = arith.constant 0 : i32
    %dma_start3A_42 = tpu.memref_slice %arg2[%dma_start3A_40, %dma_start3A_41] : memref<8192x128xf32, #tpu.memory_space<hbm>> -> memref<8192x128xf32, #tpu.memory_space<hbm>>
    tpu.enqueue_indirect_dma source(%dma_start3A_42 : memref<8192x128xf32, #tpu.memory_space<hbm>>) target(%dma_start3A_37 : memref<320x128xf32, #tpu.memory_space<vmem>>) offsets(%dma_start3A_39 : memref<320xi32, #tpu.memory_space<vmem>>) semaphore(%arg7 : memref<!tpu.dma_semaphore, #tpu.memory_space<semaphore_mem>>)
    %dma_wait3A_43 = arith.constant 1 : i32
    %dma_wait3A_44 = arith.constant 0 : i32
    %dma_wait3A_45 = arith.constant 0 : i32
    %dma_wait3A_46 = tpu.memref_slice %arg6[%dma_wait3A_43, %dma_wait3A_44, %dma_wait3A_45] : memref<2x320x128xf32, #tpu.memory_space<vmem>> -> memref<1x320x128xf32, #tpu.memory_space<vmem>>
    %dma_wait3A_47 = tpu.memref_squeeze %dma_wait3A_46 : memref<1x320x128xf32, #tpu.memory_space<vmem>> -> memref<320x128xf32, #tpu.memory_space<vmem>>
    %dma_wait3A_48 = arith.constant 320 : i32
    %dma_wait3A_49 = tpu.memref_slice %arg5[%dma_wait3A_48] : memref<1280xi32, #tpu.memory_space<vmem>> -> memref<320xi32, #tpu.memory_space<vmem>>
    %dma_wait3A_50 = arith.constant 0 : i32
    %dma_wait3A_51 = arith.constant 0 : i32
    %dma_wait3A_52 = tpu.memref_slice %arg2[%dma_wait3A_50, %dma_wait3A_51] : memref<8192x128xf32, #tpu.memory_space<hbm>> -> memref<8192x128xf32, #tpu.memory_space<hbm>>
    tpu.wait_indirect_dma semaphore(%arg8 : memref<!tpu.dma_semaphore, #tpu.memory_space<semaphore_mem>>) src(%dma_wait3A_52 : memref<8192x128xf32, #tpu.memory_space<hbm>>) dst(%dma_wait3A_47 : memref<320x128xf32, #tpu.memory_space<vmem>>)
    %add3A_53 = arith.constant 320 : i32
    %add3A_54 = arith.addi %mul3A_2, %add3A_53 : i32
    %run_scoped3A_55 = arith.constant 1 : i32
    "tpu.region"() ({
      %run_scoped3A_92 = tpu.sem_alloc : memref<!tpu.dma_semaphore, #tpu.memory_space<semaphore_mem>>
      %dma_start3A_93 = arith.constant 0 : i32
      %dma_start3A_94 = arith.constant 0 : i32
      %dma_start3A_95 = tpu.memref_slice %arg6[%run_scoped3A_55, %dma_start3A_93, %dma_start3A_94] : memref<2x320x128xf32, #tpu.memory_space<vmem>> -> memref<1x320x128xf32, #tpu.memory_space<vmem>>
      %dma_start3A_96 = tpu.memref_squeeze %dma_start3A_95 : memref<1x320x128xf32, #tpu.memory_space<vmem>> -> memref<320x128xf32, #tpu.memory_space<vmem>>
      %dma_start3A_97 = arith.constant 0 : i32
      %dma_start3A_98 = tpu.memref_slice %arg4[%add3A_54, %dma_start3A_97] : memref<40960x128xf32, #tpu.memory_space<hbm>> -> memref<320x128xf32, #tpu.memory_space<hbm>>
      %dma_start3A_99 = arith.constant 0 : i32
      %dma_start3A_100 = tpu.memref_slice %arg4[%add3A_54, %dma_start3A_99] : memref<40960x128xf32, #tpu.memory_space<hbm>> -> memref<320x128xf32, #tpu.memory_space<hbm>>
      %dma_start3A_101 = arith.constant 0 : i32
      %dma_start3A_102 = arith.constant 0 : i32
      %dma_start3A_103 = tpu.memref_slice %arg6[%run_scoped3A_55, %dma_start3A_101, %dma_start3A_102] : memref<2x320x128xf32, #tpu.memory_space<vmem>> -> memref<1x320x128xf32, #tpu.memory_space<vmem>>
      %dma_start3A_104 = tpu.memref_squeeze %dma_start3A_103 : memref<1x320x128xf32, #tpu.memory_space<vmem>> -> memref<320x128xf32, #tpu.memory_space<vmem>>
      tpu.enqueue_dma source(%dma_start3A_104 : memref<320x128xf32, #tpu.memory_space<vmem>>) target(%dma_start3A_100 : memref<320x128xf32, #tpu.memory_space<hbm>>) target_semaphore(%run_scoped3A_92 : memref<!tpu.dma_semaphore, #tpu.memory_space<semaphore_mem>>)
      %dma_wait3A_105 = arith.constant 0 : i32
      %dma_wait3A_106 = arith.constant 0 : i32
      %dma_wait3A_107 = tpu.memref_slice %arg6[%run_scoped3A_55, %dma_wait3A_105, %dma_wait3A_106] : memref<2x320x128xf32, #tpu.memory_space<vmem>> -> memref<1x320x128xf32, #tpu.memory_space<vmem>>
      %dma_wait3A_108 = tpu.memref_squeeze %dma_wait3A_107 : memref<1x320x128xf32, #tpu.memory_space<vmem>> -> memref<320x128xf32, #tpu.memory_space<vmem>>
      %dma_wait3A_109 = arith.constant 0 : i32
      %dma_wait3A_110 = tpu.memref_slice %arg4[%add3A_54, %dma_wait3A_109] : memref<40960x128xf32, #tpu.memory_space<hbm>> -> memref<320x128xf32, #tpu.memory_space<hbm>>
      %dma_wait3A_111 = arith.constant 0 : i32
      %dma_wait3A_112 = tpu.memref_slice %arg4[%add3A_54, %dma_wait3A_111] : memref<40960x128xf32, #tpu.memory_space<hbm>> -> memref<320x128xf32, #tpu.memory_space<hbm>>
      %dma_wait3A_113 = arith.constant 0 : i32
      %dma_wait3A_114 = arith.constant 0 : i32
      %dma_wait3A_115 = tpu.memref_slice %arg6[%run_scoped3A_55, %dma_wait3A_113, %dma_wait3A_114] : memref<2x320x128xf32, #tpu.memory_space<vmem>> -> memref<1x320x128xf32, #tpu.memory_space<vmem>>
      %dma_wait3A_116 = tpu.memref_squeeze %dma_wait3A_115 : memref<1x320x128xf32, #tpu.memory_space<vmem>> -> memref<320x128xf32, #tpu.memory_space<vmem>>
      tpu.wait_dma2 semaphore(%run_scoped3A_92 : memref<!tpu.dma_semaphore, #tpu.memory_space<semaphore_mem>>) src(%dma_wait3A_116 : memref<320x128xf32, #tpu.memory_space<vmem>>) dst(%dma_wait3A_112 : memref<320x128xf32, #tpu.memory_space<hbm>>)
      tpu.yield
    }) : () -> ()
    %dma_start3A_56 = arith.constant 1 : i32
    %dma_start3A_57 = arith.constant 0 : i32
    %dma_start3A_58 = arith.constant 0 : i32
    %dma_start3A_59 = tpu.memref_slice %arg6[%dma_start3A_56, %dma_start3A_57, %dma_start3A_58] : memref<2x320x128xf32, #tpu.memory_space<vmem>> -> memref<1x320x128xf32, #tpu.memory_space<vmem>>
    %dma_start3A_60 = tpu.memref_squeeze %dma_start3A_59 : memref<1x320x128xf32, #tpu.memory_space<vmem>> -> memref<320x128xf32, #tpu.memory_space<vmem>>
    %dma_start3A_61 = arith.constant 960 : i32
    %dma_start3A_62 = tpu.memref_slice %arg5[%dma_start3A_61] : memref<1280xi32, #tpu.memory_space<vmem>> -> memref<320xi32, #tpu.memory_space<vmem>>
    %dma_start3A_63 = arith.constant 0 : i32
    %dma_start3A_64 = arith.constant 0 : i32
    %dma_start3A_65 = tpu.memref_slice %arg2[%dma_start3A_63, %dma_start3A_64] : memref<8192x128xf32, #tpu.memory_space<hbm>> -> memref<8192x128xf32, #tpu.memory_space<hbm>>
    tpu.enqueue_indirect_dma source(%dma_start3A_65 : memref<8192x128xf32, #tpu.memory_space<hbm>>) target(%dma_start3A_60 : memref<320x128xf32, #tpu.memory_space<vmem>>) offsets(%dma_start3A_62 : memref<320xi32, #tpu.memory_space<vmem>>) semaphore(%arg8 : memref<!tpu.dma_semaphore, #tpu.memory_space<semaphore_mem>>)
    %dma_wait3A_66 = arith.constant 0 : i32
    %dma_wait3A_67 = arith.constant 0 : i32
    %dma_wait3A_68 = arith.constant 0 : i32
    %dma_wait3A_69 = tpu.memref_slice %arg6[%dma_wait3A_66, %dma_wait3A_67, %dma_wait3A_68] : memref<2x320x128xf32, #tpu.memory_space<vmem>> -> memref<1x320x128xf32, #tpu.memory_space<vmem>>
    %dma_wait3A_70 = tpu.memref_squeeze %dma_wait3A_69 : memref<1x320x128xf32, #tpu.memory_space<vmem>> -> memref<320x128xf32, #tpu.memory_space<vmem>>
    %dma_wait3A_71 = arith.constant 640 : i32
    %dma_wait3A_72 = tpu.memref_slice %arg5[%dma_wait3A_71] : memref<1280xi32, #tpu.memory_space<vmem>> -> memref<320xi32, #tpu.memory_space<vmem>>
    %dma_wait3A_73 = arith.constant 0 : i32
    %dma_wait3A_74 = arith.constant 0 : i32
    %dma_wait3A_75 = tpu.memref_slice %arg2[%dma_wait3A_73, %dma_wait3A_74] : memref<8192x128xf32, #tpu.memory_space<hbm>> -> memref<8192x128xf32, #tpu.memory_space<hbm>>
    tpu.wait_indirect_dma semaphore(%arg7 : memref<!tpu.dma_semaphore, #tpu.memory_space<semaphore_mem>>) src(%dma_wait3A_75 : memref<8192x128xf32, #tpu.memory_space<hbm>>) dst(%dma_wait3A_70 : memref<320x128xf32, #tpu.memory_space<vmem>>)
    %add3A_76 = arith.constant 640 : i32
    %add3A_77 = arith.addi %mul3A_2, %add3A_76 : i32
    %run_scoped3A_78 = arith.constant 0 : i32
    "tpu.region"() ({
      %run_scoped3A_92 = tpu.sem_alloc : memref<!tpu.dma_semaphore, #tpu.memory_space<semaphore_mem>>
      %dma_start3A_93 = arith.constant 0 : i32
      %dma_start3A_94 = arith.constant 0 : i32
      %dma_start3A_95 = tpu.memref_slice %arg6[%run_scoped3A_78, %dma_start3A_93, %dma_start3A_94] : memref<2x320x128xf32, #tpu.memory_space<vmem>> -> memref<1x320x128xf32, #tpu.memory_space<vmem>>
      %dma_start3A_96 = tpu.memref_squeeze %dma_start3A_95 : memref<1x320x128xf32, #tpu.memory_space<vmem>> -> memref<320x128xf32, #tpu.memory_space<vmem>>
      %dma_start3A_97 = arith.constant 0 : i32
      %dma_start3A_98 = tpu.memref_slice %arg4[%add3A_77, %dma_start3A_97] : memref<40960x128xf32, #tpu.memory_space<hbm>> -> memref<320x128xf32, #tpu.memory_space<hbm>>
      %dma_start3A_99 = arith.constant 0 : i32
      %dma_start3A_100 = tpu.memref_slice %arg4[%add3A_77, %dma_start3A_99] : memref<40960x128xf32, #tpu.memory_space<hbm>> -> memref<320x128xf32, #tpu.memory_space<hbm>>
      %dma_start3A_101 = arith.constant 0 : i32
      %dma_start3A_102 = arith.constant 0 : i32
      %dma_start3A_103 = tpu.memref_slice %arg6[%run_scoped3A_78, %dma_start3A_101, %dma_start3A_102] : memref<2x320x128xf32, #tpu.memory_space<vmem>> -> memref<1x320x128xf32, #tpu.memory_space<vmem>>
      %dma_start3A_104 = tpu.memref_squeeze %dma_start3A_103 : memref<1x320x128xf32, #tpu.memory_space<vmem>> -> memref<320x128xf32, #tpu.memory_space<vmem>>
      tpu.enqueue_dma source(%dma_start3A_104 : memref<320x128xf32, #tpu.memory_space<vmem>>) target(%dma_start3A_100 : memref<320x128xf32, #tpu.memory_space<hbm>>) target_semaphore(%run_scoped3A_92 : memref<!tpu.dma_semaphore, #tpu.memory_space<semaphore_mem>>)
      %dma_wait3A_105 = arith.constant 0 : i32
      %dma_wait3A_106 = arith.constant 0 : i32
      %dma_wait3A_107 = tpu.memref_slice %arg6[%run_scoped3A_78, %dma_wait3A_105, %dma_wait3A_106] : memref<2x320x128xf32, #tpu.memory_space<vmem>> -> memref<1x320x128xf32, #tpu.memory_space<vmem>>
      %dma_wait3A_108 = tpu.memref_squeeze %dma_wait3A_107 : memref<1x320x128xf32, #tpu.memory_space<vmem>> -> memref<320x128xf32, #tpu.memory_space<vmem>>
      %dma_wait3A_109 = arith.constant 0 : i32
      %dma_wait3A_110 = tpu.memref_slice %arg4[%add3A_77, %dma_wait3A_109] : memref<40960x128xf32, #tpu.memory_space<hbm>> -> memref<320x128xf32, #tpu.memory_space<hbm>>
      %dma_wait3A_111 = arith.constant 0 : i32
      %dma_wait3A_112 = tpu.memref_slice %arg4[%add3A_77, %dma_wait3A_111] : memref<40960x128xf32, #tpu.memory_space<hbm>> -> memref<320x128xf32, #tpu.memory_space<hbm>>
      %dma_wait3A_113 = arith.constant 0 : i32
      %dma_wait3A_114 = arith.constant 0 : i32
      %dma_wait3A_115 = tpu.memref_slice %arg6[%run_scoped3A_78, %dma_wait3A_113, %dma_wait3A_114] : memref<2x320x128xf32, #tpu.memory_space<vmem>> -> memref<1x320x128xf32, #tpu.memory_space<vmem>>
      %dma_wait3A_116 = tpu.memref_squeeze %dma_wait3A_115 : memref<1x320x128xf32, #tpu.memory_space<vmem>> -> memref<320x128xf32, #tpu.memory_space<vmem>>
      tpu.wait_dma2 semaphore(%run_scoped3A_92 : memref<!tpu.dma_semaphore, #tpu.memory_space<semaphore_mem>>) src(%dma_wait3A_116 : memref<320x128xf32, #tpu.memory_space<vmem>>) dst(%dma_wait3A_112 : memref<320x128xf32, #tpu.memory_space<hbm>>)
      tpu.yield
    }) : () -> ()
    %dma_wait3A_79 = arith.constant 1 : i32
    %dma_wait3A_80 = arith.constant 0 : i32
    %dma_wait3A_81 = arith.constant 0 : i32
    %dma_wait3A_82 = tpu.memref_slice %arg6[%dma_wait3A_79, %dma_wait3A_80, %dma_wait3A_81] : memref<2x320x128xf32, #tpu.memory_space<vmem>> -> memref<1x320x128xf32, #tpu.memory_space<vmem>>
    %dma_wait3A_83 = tpu.memref_squeeze %dma_wait3A_82 : memref<1x320x128xf32, #tpu.memory_space<vmem>> -> memref<320x128xf32, #tpu.memory_space<vmem>>
    %dma_wait3A_84 = arith.constant 960 : i32
    %dma_wait3A_85 = tpu.memref_slice %arg5[%dma_wait3A_84] : memref<1280xi32, #tpu.memory_space<vmem>> -> memref<320xi32, #tpu.memory_space<vmem>>
    %dma_wait3A_86 = arith.constant 0 : i32
    %dma_wait3A_87 = arith.constant 0 : i32
    %dma_wait3A_88 = tpu.memref_slice %arg2[%dma_wait3A_86, %dma_wait3A_87] : memref<8192x128xf32, #tpu.memory_space<hbm>> -> memref<8192x128xf32, #tpu.memory_space<hbm>>
    tpu.wait_indirect_dma semaphore(%arg8 : memref<!tpu.dma_semaphore, #tpu.memory_space<semaphore_mem>>) src(%dma_wait3A_88 : memref<8192x128xf32, #tpu.memory_space<hbm>>) dst(%dma_wait3A_83 : memref<320x128xf32, #tpu.memory_space<vmem>>)
    %add3A_89 = arith.constant 960 : i32
    %add3A_90 = arith.addi %mul3A_2, %add3A_89 : i32
    %run_scoped3A_91 = arith.constant 1 : i32
    "tpu.region"() ({
      %run_scoped3A_92 = tpu.sem_alloc : memref<!tpu.dma_semaphore, #tpu.memory_space<semaphore_mem>>
      %dma_start3A_93 = arith.constant 0 : i32
      %dma_start3A_94 = arith.constant 0 : i32
      %dma_start3A_95 = tpu.memref_slice %arg6[%run_scoped3A_91, %dma_start3A_93, %dma_start3A_94] : memref<2x320x128xf32, #tpu.memory_space<vmem>> -> memref<1x320x128xf32, #tpu.memory_space<vmem>>
      %dma_start3A_96 = tpu.memref_squeeze %dma_start3A_95 : memref<1x320x128xf32, #tpu.memory_space<vmem>> -> memref<320x128xf32, #tpu.memory_space<vmem>>
      %dma_start3A_97 = arith.constant 0 : i32
      %dma_start3A_98 = tpu.memref_slice %arg4[%add3A_90, %dma_start3A_97] : memref<40960x128xf32, #tpu.memory_space<hbm>> -> memref<320x128xf32, #tpu.memory_space<hbm>>
      %dma_start3A_99 = arith.constant 0 : i32
      %dma_start3A_100 = tpu.memref_slice %arg4[%add3A_90, %dma_start3A_99] : memref<40960x128xf32, #tpu.memory_space<hbm>> -> memref<320x128xf32, #tpu.memory_space<hbm>>
      %dma_start3A_101 = arith.constant 0 : i32
      %dma_start3A_102 = arith.constant 0 : i32
      %dma_start3A_103 = tpu.memref_slice %arg6[%run_scoped3A_91, %dma_start3A_101, %dma_start3A_102] : memref<2x320x128xf32, #tpu.memory_space<vmem>> -> memref<1x320x128xf32, #tpu.memory_space<vmem>>
      %dma_start3A_104 = tpu.memref_squeeze %dma_start3A_103 : memref<1x320x128xf32, #tpu.memory_space<vmem>> -> memref<320x128xf32, #tpu.memory_space<vmem>>
      tpu.enqueue_dma source(%dma_start3A_104 : memref<320x128xf32, #tpu.memory_space<vmem>>) target(%dma_start3A_100 : memref<320x128xf32, #tpu.memory_space<hbm>>) target_semaphore(%run_scoped3A_92 : memref<!tpu.dma_semaphore, #tpu.memory_space<semaphore_mem>>)
      %dma_wait3A_105 = arith.constant 0 : i32
      %dma_wait3A_106 = arith.constant 0 : i32
      %dma_wait3A_107 = tpu.memref_slice %arg6[%run_scoped3A_91, %dma_wait3A_105, %dma_wait3A_106] : memref<2x320x128xf32, #tpu.memory_space<vmem>> -> memref<1x320x128xf32, #tpu.memory_space<vmem>>
      %dma_wait3A_108 = tpu.memref_squeeze %dma_wait3A_107 : memref<1x320x128xf32, #tpu.memory_space<vmem>> -> memref<320x128xf32, #tpu.memory_space<vmem>>
      %dma_wait3A_109 = arith.constant 0 : i32
      %dma_wait3A_110 = tpu.memref_slice %arg4[%add3A_90, %dma_wait3A_109] : memref<40960x128xf32, #tpu.memory_space<hbm>> -> memref<320x128xf32, #tpu.memory_space<hbm>>
      %dma_wait3A_111 = arith.constant 0 : i32
      %dma_wait3A_112 = tpu.memref_slice %arg4[%add3A_90, %dma_wait3A_111] : memref<40960x128xf32, #tpu.memory_space<hbm>> -> memref<320x128xf32, #tpu.memory_space<hbm>>
      %dma_wait3A_113 = arith.constant 0 : i32
      %dma_wait3A_114 = arith.constant 0 : i32
      %dma_wait3A_115 = tpu.memref_slice %arg6[%run_scoped3A_91, %dma_wait3A_113, %dma_wait3A_114] : memref<2x320x128xf32, #tpu.memory_space<vmem>> -> memref<1x320x128xf32, #tpu.memory_space<vmem>>
      %dma_wait3A_116 = tpu.memref_squeeze %dma_wait3A_115 : memref<1x320x128xf32, #tpu.memory_space<vmem>> -> memref<320x128xf32, #tpu.memory_space<vmem>>
      tpu.wait_dma2 semaphore(%run_scoped3A_92 : memref<!tpu.dma_semaphore, #tpu.memory_space<semaphore_mem>>) src(%dma_wait3A_116 : memref<320x128xf32, #tpu.memory_space<vmem>>) dst(%dma_wait3A_112 : memref<320x128xf32, #tpu.memory_space<hbm>>)
      tpu.yield
    }) : () -> ()
    return
  }
}

#map = affine_map<(d0, d1) -> (0, 0)>
#map1 = affine_map<(d0, d1) -> (0)>
module attributes {stable_mosaic.version = 14 : i64} {
  func.func @k(%arg0: i32, %arg1: i32, %arg2: memref<8192x128xf32, #tpu.memory_space<hbm>>, %arg3: memref<40960xi32, #tpu.memory_space<hbm>>, %arg4: memref<40960x128xf32, #tpu.memory_space<hbm>>, %arg5: memref<1280xi32, #tpu.memory_space<vmem>>, %arg6: memref<2x320x128xf32, #tpu.memory_space<vmem>>, %arg7: memref<!tpu.dma_semaphore, #tpu.memory_space<semaphore_mem>>, %arg8: memref<!tpu.dma_semaphore, #tpu.memory_space<semaphore_mem>>) attributes {dimension_semantics = [#tpu.dimension_semantics<core_parallel>, #tpu.dimension_semantics<subcore_parallel>], iteration_bounds = array<i64: 2, 16>, scalar_prefetch = 0 : i64, scratch_operands = 4 : i64, tpu.core_type = #tpu.core_type<sc_vector_subcore>, window_params = [{transform_indices = #map}, {transform_indices = #map1}, {transform_indices = #map}]} {
    %mul3A = arith.constant 2 : i32
    %mul3A_0 = arith.muli %arg1, %mul3A : i32
    %add3A = arith.addi %mul3A_0, %arg0 : i32
    %mul3A_1 = arith.constant 1280 : i32
    %mul3A_2 = arith.muli %add3A, %mul3A_1 : i32
    "tpu.region"() ({
      %run_scoped3A_92 = tpu.sem_alloc : memref<!tpu.dma_semaphore, #tpu.memory_space<semaphore_mem>>
      %dma_start3A_93 = tpu.memref_slice %arg3[%mul3A_2] : memref<40960xi32, #tpu.memory_space<hbm>> -> memref<1280xi32, #tpu.memory_space<hbm>>
      %dma_start3A_94 = tpu.memref_slice %arg3[%mul3A_2] : memref<40960xi32, #tpu.memory_space<hbm>> -> memref<1280xi32, #tpu.memory_space<hbm>>
      tpu.enqueue_dma source(%dma_start3A_94 : memref<1280xi32, #tpu.memory_space<hbm>>) target(%arg5 : memref<1280xi32, #tpu.memory_space<vmem>>) target_semaphore(%run_scoped3A_92 : memref<!tpu.dma_semaphore, #tpu.memory_space<semaphore_mem>>)
      %dma_wait3A_95 = tpu.memref_slice %arg3[%mul3A_2] : memref<40960xi32, #tpu.memory_space<hbm>> -> memref<1280xi32, #tpu.memory_space<hbm>>
      %dma_wait3A_96 = tpu.memref_slice %arg3[%mul3A_2] : memref<40960xi32, #tpu.memory_space<hbm>> -> memref<1280xi32, #tpu.memory_space<hbm>>
      tpu.wait_dma2 semaphore(%run_scoped3A_92 : memref<!tpu.dma_semaphore, #tpu.memory_space<semaphore_mem>>) src(%dma_wait3A_96 : memref<1280xi32, #tpu.memory_space<hbm>>) dst(%arg5 : memref<1280xi32, #tpu.memory_space<vmem>>)
      tpu.yield
    }) : () -> ()
    %dma_start3A = arith.constant 0 : i32
    %dma_start3A_3 = arith.constant 0 : i32
    %dma_start3A_4 = arith.constant 0 : i32
    %dma_start3A_5 = tpu.memref_slice %arg6[%dma_start3A, %dma_start3A_3, %dma_start3A_4] : memref<2x320x128xf32, #tpu.memory_space<vmem>> -> memref<1x320x128xf32, #tpu.memory_space<vmem>>
    %dma_start3A_6 = tpu.memref_squeeze %dma_start3A_5 : memref<1x320x128xf32, #tpu.memory_space<vmem>> -> memref<320x128xf32, #tpu.memory_space<vmem>>
    %dma_start3A_7 = arith.constant 0 : i32
    %dma_start3A_8 = tpu.memref_slice %arg5[%dma_start3A_7] : memref<1280xi32, #tpu.memory_space<vmem>> -> memref<320xi32, #tpu.memory_space<vmem>>
    %dma_start3A_9 = arith.constant 0 : i32
    %dma_start3A_10 = arith.constant 0 : i32
    %dma_start3A_11 = tpu.memref_slice %arg2[%dma_start3A_9, %dma_start3A_10] : memref<8192x128xf32, #tpu.memory_space<hbm>> -> memref<8192x128xf32, #tpu.memory_space<hbm>>
    tpu.enqueue_indirect_dma source(%dma_start3A_11 : memref<8192x128xf32, #tpu.memory_space<hbm>>) target(%dma_start3A_6 : memref<320x128xf32, #tpu.memory_space<vmem>>) offsets(%dma_start3A_8 : memref<320xi32, #tpu.memory_space<vmem>>) semaphore(%arg7 : memref<!tpu.dma_semaphore, #tpu.memory_space<semaphore_mem>>)
    %dma_start3A_12 = arith.constant 1 : i32
    %dma_start3A_13 = arith.constant 0 : i32
    %dma_start3A_14 = arith.constant 0 : i32
    %dma_start3A_15 = tpu.memref_slice %arg6[%dma_start3A_12, %dma_start3A_13, %dma_start3A_14] : memref<2x320x128xf32, #tpu.memory_space<vmem>> -> memref<1x320x128xf32, #tpu.memory_space<vmem>>
    %dma_start3A_16 = tpu.memref_squeeze %dma_start3A_15 : memref<1x320x128xf32, #tpu.memory_space<vmem>> -> memref<320x128xf32, #tpu.memory_space<vmem>>
    %dma_start3A_17 = arith.constant 320 : i32
    %dma_start3A_18 = tpu.memref_slice %arg5[%dma_start3A_17] : memref<1280xi32, #tpu.memory_space<vmem>> -> memref<320xi32, #tpu.memory_space<vmem>>
    %dma_start3A_19 = arith.constant 0 : i32
    %dma_start3A_20 = arith.constant 0 : i32
    %dma_start3A_21 = tpu.memref_slice %arg2[%dma_start3A_19, %dma_start3A_20] : memref<8192x128xf32, #tpu.memory_space<hbm>> -> memref<8192x128xf32, #tpu.memory_space<hbm>>
    tpu.enqueue_indirect_dma source(%dma_start3A_21 : memref<8192x128xf32, #tpu.memory_space<hbm>>) target(%dma_start3A_16 : memref<320x128xf32, #tpu.memory_space<vmem>>) offsets(%dma_start3A_18 : memref<320xi32, #tpu.memory_space<vmem>>) semaphore(%arg8 : memref<!tpu.dma_semaphore, #tpu.memory_space<semaphore_mem>>)
    %dma_wait3A = arith.constant 0 : i32
    %dma_wait3A_22 = arith.constant 0 : i32
    %dma_wait3A_23 = arith.constant 0 : i32
    %dma_wait3A_24 = tpu.memref_slice %arg6[%dma_wait3A, %dma_wait3A_22, %dma_wait3A_23] : memref<2x320x128xf32, #tpu.memory_space<vmem>> -> memref<1x320x128xf32, #tpu.memory_space<vmem>>
    %dma_wait3A_25 = tpu.memref_squeeze %dma_wait3A_24 : memref<1x320x128xf32, #tpu.memory_space<vmem>> -> memref<320x128xf32, #tpu.memory_space<vmem>>
    %dma_wait3A_26 = arith.constant 0 : i32
    %dma_wait3A_27 = tpu.memref_slice %arg5[%dma_wait3A_26] : memref<1280xi32, #tpu.memory_space<vmem>> -> memref<320xi32, #tpu.memory_space<vmem>>
    %dma_wait3A_28 = arith.constant 0 : i32
    %dma_wait3A_29 = arith.constant 0 : i32
    %dma_wait3A_30 = tpu.memref_slice %arg2[%dma_wait3A_28, %dma_wait3A_29] : memref<8192x128xf32, #tpu.memory_space<hbm>> -> memref<8192x128xf32, #tpu.memory_space<hbm>>
    tpu.wait_indirect_dma semaphore(%arg7 : memref<!tpu.dma_semaphore, #tpu.memory_space<semaphore_mem>>) src(%dma_wait3A_30 : memref<8192x128xf32, #tpu.memory_space<hbm>>) dst(%dma_wait3A_25 : memref<320x128xf32, #tpu.memory_space<vmem>>)
    %add3A_31 = arith.constant 0 : i32
    %add3A_32 = arith.addi %mul3A_2, %add3A_31 : i32
    %run_scoped3A = arith.constant 0 : i32
    "tpu.region"() ({
      %run_scoped3A_92 = tpu.sem_alloc : memref<!tpu.dma_semaphore, #tpu.memory_space<semaphore_mem>>
      %dma_start3A_93 = arith.constant 0 : i32
      %dma_start3A_94 = arith.constant 0 : i32
      %dma_start3A_95 = tpu.memref_slice %arg6[%run_scoped3A, %dma_start3A_93, %dma_start3A_94] : memref<2x320x128xf32, #tpu.memory_space<vmem>> -> memref<1x320x128xf32, #tpu.memory_space<vmem>>
      %dma_start3A_96 = tpu.memref_squeeze %dma_start3A_95 : memref<1x320x128xf32, #tpu.memory_space<vmem>> -> memref<320x128xf32, #tpu.memory_space<vmem>>
      %dma_start3A_97 = arith.constant 0 : i32
      %dma_start3A_98 = tpu.memref_slice %arg4[%add3A_32, %dma_start3A_97] : memref<40960x128xf32, #tpu.memory_space<hbm>> -> memref<320x128xf32, #tpu.memory_space<hbm>>
      %dma_start3A_99 = arith.constant 0 : i32
      %dma_start3A_100 = tpu.memref_slice %arg4[%add3A_32, %dma_start3A_99] : memref<40960x128xf32, #tpu.memory_space<hbm>> -> memref<320x128xf32, #tpu.memory_space<hbm>>
      %dma_start3A_101 = arith.constant 0 : i32
      %dma_start3A_102 = arith.constant 0 : i32
      %dma_start3A_103 = tpu.memref_slice %arg6[%run_scoped3A, %dma_start3A_101, %dma_start3A_102] : memref<2x320x128xf32, #tpu.memory_space<vmem>> -> memref<1x320x128xf32, #tpu.memory_space<vmem>>
      %dma_start3A_104 = tpu.memref_squeeze %dma_start3A_103 : memref<1x320x128xf32, #tpu.memory_space<vmem>> -> memref<320x128xf32, #tpu.memory_space<vmem>>
      tpu.enqueue_dma source(%dma_start3A_104 : memref<320x128xf32, #tpu.memory_space<vmem>>) target(%dma_start3A_100 : memref<320x128xf32, #tpu.memory_space<hbm>>) target_semaphore(%run_scoped3A_92 : memref<!tpu.dma_semaphore, #tpu.memory_space<semaphore_mem>>)
      %dma_wait3A_105 = arith.constant 0 : i32
      %dma_wait3A_106 = arith.constant 0 : i32
      %dma_wait3A_107 = tpu.memref_slice %arg6[%run_scoped3A, %dma_wait3A_105, %dma_wait3A_106] : memref<2x320x128xf32, #tpu.memory_space<vmem>> -> memref<1x320x128xf32, #tpu.memory_space<vmem>>
      %dma_wait3A_108 = tpu.memref_squeeze %dma_wait3A_107 : memref<1x320x128xf32, #tpu.memory_space<vmem>> -> memref<320x128xf32, #tpu.memory_space<vmem>>
      %dma_wait3A_109 = arith.constant 0 : i32
      %dma_wait3A_110 = tpu.memref_slice %arg4[%add3A_32, %dma_wait3A_109] : memref<40960x128xf32, #tpu.memory_space<hbm>> -> memref<320x128xf32, #tpu.memory_space<hbm>>
      %dma_wait3A_111 = arith.constant 0 : i32
      %dma_wait3A_112 = tpu.memref_slice %arg4[%add3A_32, %dma_wait3A_111] : memref<40960x128xf32, #tpu.memory_space<hbm>> -> memref<320x128xf32, #tpu.memory_space<hbm>>
      %dma_wait3A_113 = arith.constant 0 : i32
      %dma_wait3A_114 = arith.constant 0 : i32
      %dma_wait3A_115 = tpu.memref_slice %arg6[%run_scoped3A, %dma_wait3A_113, %dma_wait3A_114] : memref<2x320x128xf32, #tpu.memory_space<vmem>> -> memref<1x320x128xf32, #tpu.memory_space<vmem>>
      %dma_wait3A_116 = tpu.memref_squeeze %dma_wait3A_115 : memref<1x320x128xf32, #tpu.memory_space<vmem>> -> memref<320x128xf32, #tpu.memory_space<vmem>>
      tpu.wait_dma2 semaphore(%run_scoped3A_92 : memref<!tpu.dma_semaphore, #tpu.memory_space<semaphore_mem>>) src(%dma_wait3A_116 : memref<320x128xf32, #tpu.memory_space<vmem>>) dst(%dma_wait3A_112 : memref<320x128xf32, #tpu.memory_space<hbm>>)
      tpu.yield
    }) : () -> ()
    %dma_start3A_33 = arith.constant 0 : i32
    %dma_start3A_34 = arith.constant 0 : i32
    %dma_start3A_35 = arith.constant 0 : i32
    %dma_start3A_36 = tpu.memref_slice %arg6[%dma_start3A_33, %dma_start3A_34, %dma_start3A_35] : memref<2x320x128xf32, #tpu.memory_space<vmem>> -> memref<1x320x128xf32, #tpu.memory_space<vmem>>
    %dma_start3A_37 = tpu.memref_squeeze %dma_start3A_36 : memref<1x320x128xf32, #tpu.memory_space<vmem>> -> memref<320x128xf32, #tpu.memory_space<vmem>>
    %dma_start3A_38 = arith.constant 640 : i32
    %dma_start3A_39 = tpu.memref_slice %arg5[%dma_start3A_38] : memref<1280xi32, #tpu.memory_space<vmem>> -> memref<320xi32, #tpu.memory_space<vmem>>
    %dma_start3A_40 = arith.constant 0 : i32
    %dma_start3A_41 = arith.constant 0 : i32
    %dma_start3A_42 = tpu.memref_slice %arg2[%dma_start3A_40, %dma_start3A_41] : memref<8192x128xf32, #tpu.memory_space<hbm>> -> memref<8192x128xf32, #tpu.memory_space<hbm>>
    tpu.enqueue_indirect_dma source(%dma_start3A_42 : memref<8192x128xf32, #tpu.memory_space<hbm>>) target(%dma_start3A_37 : memref<320x128xf32, #tpu.memory_space<vmem>>) offsets(%dma_start3A_39 : memref<320xi32, #tpu.memory_space<vmem>>) semaphore(%arg7 : memref<!tpu.dma_semaphore, #tpu.memory_space<semaphore_mem>>)
    %dma_wait3A_43 = arith.constant 1 : i32
    %dma_wait3A_44 = arith.constant 0 : i32
    %dma_wait3A_45 = arith.constant 0 : i32
    %dma_wait3A_46 = tpu.memref_slice %arg6[%dma_wait3A_43, %dma_wait3A_44, %dma_wait3A_45] : memref<2x320x128xf32, #tpu.memory_space<vmem>> -> memref<1x320x128xf32, #tpu.memory_space<vmem>>
    %dma_wait3A_47 = tpu.memref_squeeze %dma_wait3A_46 : memref<1x320x128xf32, #tpu.memory_space<vmem>> -> memref<320x128xf32, #tpu.memory_space<vmem>>
    %dma_wait3A_48 = arith.constant 320 : i32
    %dma_wait3A_49 = tpu.memref_slice %arg5[%dma_wait3A_48] : memref<1280xi32, #tpu.memory_space<vmem>> -> memref<320xi32, #tpu.memory_space<vmem>>
    %dma_wait3A_50 = arith.constant 0 : i32
    %dma_wait3A_51 = arith.constant 0 : i32
    %dma_wait3A_52 = tpu.memref_slice %arg2[%dma_wait3A_50, %dma_wait3A_51] : memref<8192x128xf32, #tpu.memory_space<hbm>> -> memref<8192x128xf32, #tpu.memory_space<hbm>>
    tpu.wait_indirect_dma semaphore(%arg8 : memref<!tpu.dma_semaphore, #tpu.memory_space<semaphore_mem>>) src(%dma_wait3A_52 : memref<8192x128xf32, #tpu.memory_space<hbm>>) dst(%dma_wait3A_47 : memref<320x128xf32, #tpu.memory_space<vmem>>)
    %add3A_53 = arith.constant 320 : i32
    %add3A_54 = arith.addi %mul3A_2, %add3A_53 : i32
    %run_scoped3A_55 = arith.constant 1 : i32
    "tpu.region"() ({
      %run_scoped3A_92 = tpu.sem_alloc : memref<!tpu.dma_semaphore, #tpu.memory_space<semaphore_mem>>
      %dma_start3A_93 = arith.constant 0 : i32
      %dma_start3A_94 = arith.constant 0 : i32
      %dma_start3A_95 = tpu.memref_slice %arg6[%run_scoped3A_55, %dma_start3A_93, %dma_start3A_94] : memref<2x320x128xf32, #tpu.memory_space<vmem>> -> memref<1x320x128xf32, #tpu.memory_space<vmem>>
      %dma_start3A_96 = tpu.memref_squeeze %dma_start3A_95 : memref<1x320x128xf32, #tpu.memory_space<vmem>> -> memref<320x128xf32, #tpu.memory_space<vmem>>
      %dma_start3A_97 = arith.constant 0 : i32
      %dma_start3A_98 = tpu.memref_slice %arg4[%add3A_54, %dma_start3A_97] : memref<40960x128xf32, #tpu.memory_space<hbm>> -> memref<320x128xf32, #tpu.memory_space<hbm>>
      %dma_start3A_99 = arith.constant 0 : i32
      %dma_start3A_100 = tpu.memref_slice %arg4[%add3A_54, %dma_start3A_99] : memref<40960x128xf32, #tpu.memory_space<hbm>> -> memref<320x128xf32, #tpu.memory_space<hbm>>
      %dma_start3A_101 = arith.constant 0 : i32
      %dma_start3A_102 = arith.constant 0 : i32
      %dma_start3A_103 = tpu.memref_slice %arg6[%run_scoped3A_55, %dma_start3A_101, %dma_start3A_102] : memref<2x320x128xf32, #tpu.memory_space<vmem>> -> memref<1x320x128xf32, #tpu.memory_space<vmem>>
      %dma_start3A_104 = tpu.memref_squeeze %dma_start3A_103 : memref<1x320x128xf32, #tpu.memory_space<vmem>> -> memref<320x128xf32, #tpu.memory_space<vmem>>
      tpu.enqueue_dma source(%dma_start3A_104 : memref<320x128xf32, #tpu.memory_space<vmem>>) target(%dma_start3A_100 : memref<320x128xf32, #tpu.memory_space<hbm>>) target_semaphore(%run_scoped3A_92 : memref<!tpu.dma_semaphore, #tpu.memory_space<semaphore_mem>>)
      %dma_wait3A_105 = arith.constant 0 : i32
      %dma_wait3A_106 = arith.constant 0 : i32
      %dma_wait3A_107 = tpu.memref_slice %arg6[%run_scoped3A_55, %dma_wait3A_105, %dma_wait3A_106] : memref<2x320x128xf32, #tpu.memory_space<vmem>> -> memref<1x320x128xf32, #tpu.memory_space<vmem>>
      %dma_wait3A_108 = tpu.memref_squeeze %dma_wait3A_107 : memref<1x320x128xf32, #tpu.memory_space<vmem>> -> memref<320x128xf32, #tpu.memory_space<vmem>>
      %dma_wait3A_109 = arith.constant 0 : i32
      %dma_wait3A_110 = tpu.memref_slice %arg4[%add3A_54, %dma_wait3A_109] : memref<40960x128xf32, #tpu.memory_space<hbm>> -> memref<320x128xf32, #tpu.memory_space<hbm>>
      %dma_wait3A_111 = arith.constant 0 : i32
      %dma_wait3A_112 = tpu.memref_slice %arg4[%add3A_54, %dma_wait3A_111] : memref<40960x128xf32, #tpu.memory_space<hbm>> -> memref<320x128xf32, #tpu.memory_space<hbm>>
      %dma_wait3A_113 = arith.constant 0 : i32
      %dma_wait3A_114 = arith.constant 0 : i32
      %dma_wait3A_115 = tpu.memref_slice %arg6[%run_scoped3A_55, %dma_wait3A_113, %dma_wait3A_114] : memref<2x320x128xf32, #tpu.memory_space<vmem>> -> memref<1x320x128xf32, #tpu.memory_space<vmem>>
      %dma_wait3A_116 = tpu.memref_squeeze %dma_wait3A_115 : memref<1x320x128xf32, #tpu.memory_space<vmem>> -> memref<320x128xf32, #tpu.memory_space<vmem>>
      tpu.wait_dma2 semaphore(%run_scoped3A_92 : memref<!tpu.dma_semaphore, #tpu.memory_space<semaphore_mem>>) src(%dma_wait3A_116 : memref<320x128xf32, #tpu.memory_space<vmem>>) dst(%dma_wait3A_112 : memref<320x128xf32, #tpu.memory_space<hbm>>)
      tpu.yield
    }) : () -> ()
    %dma_start3A_56 = arith.constant 1 : i32
    %dma_start3A_57 = arith.constant 0 : i32
    %dma_start3A_58 = arith.constant 0 : i32
    %dma_start3A_59 = tpu.memref_slice %arg6[%dma_start3A_56, %dma_start3A_57, %dma_start3A_58] : memref<2x320x128xf32, #tpu.memory_space<vmem>> -> memref<1x320x128xf32, #tpu.memory_space<vmem>>
    %dma_start3A_60 = tpu.memref_squeeze %dma_start3A_59 : memref<1x320x128xf32, #tpu.memory_space<vmem>> -> memref<320x128xf32, #tpu.memory_space<vmem>>
    %dma_start3A_61 = arith.constant 960 : i32
    %dma_start3A_62 = tpu.memref_slice %arg5[%dma_start3A_61] : memref<1280xi32, #tpu.memory_space<vmem>> -> memref<320xi32, #tpu.memory_space<vmem>>
    %dma_start3A_63 = arith.constant 0 : i32
    %dma_start3A_64 = arith.constant 0 : i32
    %dma_start3A_65 = tpu.memref_slice %arg2[%dma_start3A_63, %dma_start3A_64] : memref<8192x128xf32, #tpu.memory_space<hbm>> -> memref<8192x128xf32, #tpu.memory_space<hbm>>
    tpu.enqueue_indirect_dma source(%dma_start3A_65 : memref<8192x128xf32, #tpu.memory_space<hbm>>) target(%dma_start3A_60 : memref<320x128xf32, #tpu.memory_space<vmem>>) offsets(%dma_start3A_62 : memref<320xi32, #tpu.memory_space<vmem>>) semaphore(%arg8 : memref<!tpu.dma_semaphore, #tpu.memory_space<semaphore_mem>>)
    %dma_wait3A_66 = arith.constant 0 : i32
    %dma_wait3A_67 = arith.constant 0 : i32
    %dma_wait3A_68 = arith.constant 0 : i32
    %dma_wait3A_69 = tpu.memref_slice %arg6[%dma_wait3A_66, %dma_wait3A_67, %dma_wait3A_68] : memref<2x320x128xf32, #tpu.memory_space<vmem>> -> memref<1x320x128xf32, #tpu.memory_space<vmem>>
    %dma_wait3A_70 = tpu.memref_squeeze %dma_wait3A_69 : memref<1x320x128xf32, #tpu.memory_space<vmem>> -> memref<320x128xf32, #tpu.memory_space<vmem>>
    %dma_wait3A_71 = arith.constant 640 : i32
    %dma_wait3A_72 = tpu.memref_slice %arg5[%dma_wait3A_71] : memref<1280xi32, #tpu.memory_space<vmem>> -> memref<320xi32, #tpu.memory_space<vmem>>
    %dma_wait3A_73 = arith.constant 0 : i32
    %dma_wait3A_74 = arith.constant 0 : i32
    %dma_wait3A_75 = tpu.memref_slice %arg2[%dma_wait3A_73, %dma_wait3A_74] : memref<8192x128xf32, #tpu.memory_space<hbm>> -> memref<8192x128xf32, #tpu.memory_space<hbm>>
    tpu.wait_indirect_dma semaphore(%arg7 : memref<!tpu.dma_semaphore, #tpu.memory_space<semaphore_mem>>) src(%dma_wait3A_75 : memref<8192x128xf32, #tpu.memory_space<hbm>>) dst(%dma_wait3A_70 : memref<320x128xf32, #tpu.memory_space<vmem>>)
    %add3A_76 = arith.constant 640 : i32
    %add3A_77 = arith.addi %mul3A_2, %add3A_76 : i32
    %run_scoped3A_78 = arith.constant 0 : i32
    "tpu.region"() ({
      %run_scoped3A_92 = tpu.sem_alloc : memref<!tpu.dma_semaphore, #tpu.memory_space<semaphore_mem>>
      %dma_start3A_93 = arith.constant 0 : i32
      %dma_start3A_94 = arith.constant 0 : i32
      %dma_start3A_95 = tpu.memref_slice %arg6[%run_scoped3A_78, %dma_start3A_93, %dma_start3A_94] : memref<2x320x128xf32, #tpu.memory_space<vmem>> -> memref<1x320x128xf32, #tpu.memory_space<vmem>>
      %dma_start3A_96 = tpu.memref_squeeze %dma_start3A_95 : memref<1x320x128xf32, #tpu.memory_space<vmem>> -> memref<320x128xf32, #tpu.memory_space<vmem>>
      %dma_start3A_97 = arith.constant 0 : i32
      %dma_start3A_98 = tpu.memref_slice %arg4[%add3A_77, %dma_start3A_97] : memref<40960x128xf32, #tpu.memory_space<hbm>> -> memref<320x128xf32, #tpu.memory_space<hbm>>
      %dma_start3A_99 = arith.constant 0 : i32
      %dma_start3A_100 = tpu.memref_slice %arg4[%add3A_77, %dma_start3A_99] : memref<40960x128xf32, #tpu.memory_space<hbm>> -> memref<320x128xf32, #tpu.memory_space<hbm>>
      %dma_start3A_101 = arith.constant 0 : i32
      %dma_start3A_102 = arith.constant 0 : i32
      %dma_start3A_103 = tpu.memref_slice %arg6[%run_scoped3A_78, %dma_start3A_101, %dma_start3A_102] : memref<2x320x128xf32, #tpu.memory_space<vmem>> -> memref<1x320x128xf32, #tpu.memory_space<vmem>>
      %dma_start3A_104 = tpu.memref_squeeze %dma_start3A_103 : memref<1x320x128xf32, #tpu.memory_space<vmem>> -> memref<320x128xf32, #tpu.memory_space<vmem>>
      tpu.enqueue_dma source(%dma_start3A_104 : memref<320x128xf32, #tpu.memory_space<vmem>>) target(%dma_start3A_100 : memref<320x128xf32, #tpu.memory_space<hbm>>) target_semaphore(%run_scoped3A_92 : memref<!tpu.dma_semaphore, #tpu.memory_space<semaphore_mem>>)
      %dma_wait3A_105 = arith.constant 0 : i32
      %dma_wait3A_106 = arith.constant 0 : i32
      %dma_wait3A_107 = tpu.memref_slice %arg6[%run_scoped3A_78, %dma_wait3A_105, %dma_wait3A_106] : memref<2x320x128xf32, #tpu.memory_space<vmem>> -> memref<1x320x128xf32, #tpu.memory_space<vmem>>
      %dma_wait3A_108 = tpu.memref_squeeze %dma_wait3A_107 : memref<1x320x128xf32, #tpu.memory_space<vmem>> -> memref<320x128xf32, #tpu.memory_space<vmem>>
      %dma_wait3A_109 = arith.constant 0 : i32
      %dma_wait3A_110 = tpu.memref_slice %arg4[%add3A_77, %dma_wait3A_109] : memref<40960x128xf32, #tpu.memory_space<hbm>> -> memref<320x128xf32, #tpu.memory_space<hbm>>
      %dma_wait3A_111 = arith.constant 0 : i32
      %dma_wait3A_112 = tpu.memref_slice %arg4[%add3A_77, %dma_wait3A_111] : memref<40960x128xf32, #tpu.memory_space<hbm>> -> memref<320x128xf32, #tpu.memory_space<hbm>>
      %dma_wait3A_113 = arith.constant 0 : i32
      %dma_wait3A_114 = arith.constant 0 : i32
      %dma_wait3A_115 = tpu.memref_slice %arg6[%run_scoped3A_78, %dma_wait3A_113, %dma_wait3A_114] : memref<2x320x128xf32, #tpu.memory_space<vmem>> -> memref<1x320x128xf32, #tpu.memory_space<vmem>>
      %dma_wait3A_116 = tpu.memref_squeeze %dma_wait3A_115 : memref<1x320x128xf32, #tpu.memory_space<vmem>> -> memref<320x128xf32, #tpu.memory_space<vmem>>
      tpu.wait_dma2 semaphore(%run_scoped3A_92 : memref<!tpu.dma_semaphore, #tpu.memory_space<semaphore_mem>>) src(%dma_wait3A_116 : memref<320x128xf32, #tpu.memory_space<vmem>>) dst(%dma_wait3A_112 : memref<320x128xf32, #tpu.memory_space<hbm>>)
      tpu.yield
    }) : () -> ()
    %dma_wait3A_79 = arith.constant 1 : i32
    %dma_wait3A_80 = arith.constant 0 : i32
    %dma_wait3A_81 = arith.constant 0 : i32
    %dma_wait3A_82 = tpu.memref_slice %arg6[%dma_wait3A_79, %dma_wait3A_80, %dma_wait3A_81] : memref<2x320x128xf32, #tpu.memory_space<vmem>> -> memref<1x320x128xf32, #tpu.memory_space<vmem>>
    %dma_wait3A_83 = tpu.memref_squeeze %dma_wait3A_82 : memref<1x320x128xf32, #tpu.memory_space<vmem>> -> memref<320x128xf32, #tpu.memory_space<vmem>>
    %dma_wait3A_84 = arith.constant 960 : i32
    %dma_wait3A_85 = tpu.memref_slice %arg5[%dma_wait3A_84] : memref<1280xi32, #tpu.memory_space<vmem>> -> memref<320xi32, #tpu.memory_space<vmem>>
    %dma_wait3A_86 = arith.constant 0 : i32
    %dma_wait3A_87 = arith.constant 0 : i32
    %dma_wait3A_88 = tpu.memref_slice %arg2[%dma_wait3A_86, %dma_wait3A_87] : memref<8192x128xf32, #tpu.memory_space<hbm>> -> memref<8192x128xf32, #tpu.memory_space<hbm>>
    tpu.wait_indirect_dma semaphore(%arg8 : memref<!tpu.dma_semaphore, #tpu.memory_space<semaphore_mem>>) src(%dma_wait3A_88 : memref<8192x128xf32, #tpu.memory_space<hbm>>) dst(%dma_wait3A_83 : memref<320x128xf32, #tpu.memory_space<vmem>>)
    %add3A_89 = arith.constant 960 : i32
    %add3A_90 = arith.addi %mul3A_2, %add3A_89 : i32
    %run_scoped3A_91 = arith.constant 1 : i32
    "tpu.region"() ({
      %run_scoped3A_92 = tpu.sem_alloc : memref<!tpu.dma_semaphore, #tpu.memory_space<semaphore_mem>>
      %dma_start3A_93 = arith.constant 0 : i32
      %dma_start3A_94 = arith.constant 0 : i32
      %dma_start3A_95 = tpu.memref_slice %arg6[%run_scoped3A_91, %dma_start3A_93, %dma_start3A_94] : memref<2x320x128xf32, #tpu.memory_space<vmem>> -> memref<1x320x128xf32, #tpu.memory_space<vmem>>
      %dma_start3A_96 = tpu.memref_squeeze %dma_start3A_95 : memref<1x320x128xf32, #tpu.memory_space<vmem>> -> memref<320x128xf32, #tpu.memory_space<vmem>>
      %dma_start3A_97 = arith.constant 0 : i32
      %dma_start3A_98 = tpu.memref_slice %arg4[%add3A_90, %dma_start3A_97] : memref<40960x128xf32, #tpu.memory_space<hbm>> -> memref<320x128xf32, #tpu.memory_space<hbm>>
      %dma_start3A_99 = arith.constant 0 : i32
      %dma_start3A_100 = tpu.memref_slice %arg4[%add3A_90, %dma_start3A_99] : memref<40960x128xf32, #tpu.memory_space<hbm>> -> memref<320x128xf32, #tpu.memory_space<hbm>>
      %dma_start3A_101 = arith.constant 0 : i32
      %dma_start3A_102 = arith.constant 0 : i32
      %dma_start3A_103 = tpu.memref_slice %arg6[%run_scoped3A_91, %dma_start3A_101, %dma_start3A_102] : memref<2x320x128xf32, #tpu.memory_space<vmem>> -> memref<1x320x128xf32, #tpu.memory_space<vmem>>
      %dma_start3A_104 = tpu.memref_squeeze %dma_start3A_103 : memref<1x320x128xf32, #tpu.memory_space<vmem>> -> memref<320x128xf32, #tpu.memory_space<vmem>>
      tpu.enqueue_dma source(%dma_start3A_104 : memref<320x128xf32, #tpu.memory_space<vmem>>) target(%dma_start3A_100 : memref<320x128xf32, #tpu.memory_space<hbm>>) target_semaphore(%run_scoped3A_92 : memref<!tpu.dma_semaphore, #tpu.memory_space<semaphore_mem>>)
      %dma_wait3A_105 = arith.constant 0 : i32
      %dma_wait3A_106 = arith.constant 0 : i32
      %dma_wait3A_107 = tpu.memref_slice %arg6[%run_scoped3A_91, %dma_wait3A_105, %dma_wait3A_106] : memref<2x320x128xf32, #tpu.memory_space<vmem>> -> memref<1x320x128xf32, #tpu.memory_space<vmem>>
      %dma_wait3A_108 = tpu.memref_squeeze %dma_wait3A_107 : memref<1x320x128xf32, #tpu.memory_space<vmem>> -> memref<320x128xf32, #tpu.memory_space<vmem>>
      %dma_wait3A_109 = arith.constant 0 : i32
      %dma_wait3A_110 = tpu.memref_slice %arg4[%add3A_90, %dma_wait3A_109] : memref<40960x128xf32, #tpu.memory_space<hbm>> -> memref<320x128xf32, #tpu.memory_space<hbm>>
      %dma_wait3A_111 = arith.constant 0 : i32
      %dma_wait3A_112 = tpu.memref_slice %arg4[%add3A_90, %dma_wait3A_111] : memref<40960x128xf32, #tpu.memory_space<hbm>> -> memref<320x128xf32, #tpu.memory_space<hbm>>
      %dma_wait3A_113 = arith.constant 0 : i32
      %dma_wait3A_114 = arith.constant 0 : i32
      %dma_wait3A_115 = tpu.memref_slice %arg6[%run_scoped3A_91, %dma_wait3A_113, %dma_wait3A_114] : memref<2x320x128xf32, #tpu.memory_space<vmem>> -> memref<1x320x128xf32, #tpu.memory_space<vmem>>
      %dma_wait3A_116 = tpu.memref_squeeze %dma_wait3A_115 : memref<1x320x128xf32, #tpu.memory_space<vmem>> -> memref<320x128xf32, #tpu.memory_space<vmem>>
      tpu.wait_dma2 semaphore(%run_scoped3A_92 : memref<!tpu.dma_semaphore, #tpu.memory_space<semaphore_mem>>) src(%dma_wait3A_116 : memref<320x128xf32, #tpu.memory_space<vmem>>) dst(%dma_wait3A_112 : memref<320x128xf32, #tpu.memory_space<hbm>>)
      tpu.yield
    }) : () -> ()
    return
  }
}

#map = affine_map<(d0, d1) -> (0, 0)>
#map1 = affine_map<(d0, d1) -> (0)>
module attributes {stable_mosaic.version = 14 : i64} {
  func.func @k(%arg0: i32, %arg1: i32, %arg2: memref<8192x128xf32, #tpu.memory_space<hbm>>, %arg3: memref<40960xi32, #tpu.memory_space<hbm>>, %arg4: memref<40960x128xf32, #tpu.memory_space<hbm>>, %arg5: memref<1280xi32, #tpu.memory_space<vmem>>, %arg6: memref<2x320x128xf32, #tpu.memory_space<vmem>>, %arg7: memref<!tpu.dma_semaphore, #tpu.memory_space<semaphore_mem>>, %arg8: memref<!tpu.dma_semaphore, #tpu.memory_space<semaphore_mem>>) attributes {dimension_semantics = [#tpu.dimension_semantics<core_parallel>, #tpu.dimension_semantics<subcore_parallel>], iteration_bounds = array<i64: 2, 16>, scalar_prefetch = 0 : i64, scratch_operands = 4 : i64, tpu.core_type = #tpu.core_type<sc_vector_subcore>, window_params = [{transform_indices = #map}, {transform_indices = #map1}, {transform_indices = #map}]} {
    %mul3A = arith.constant 2 : i32
    %mul3A_0 = arith.muli %arg1, %mul3A : i32
    %add3A = arith.addi %mul3A_0, %arg0 : i32
    %mul3A_1 = arith.constant 1280 : i32
    %mul3A_2 = arith.muli %add3A, %mul3A_1 : i32
    "tpu.region"() ({
      %run_scoped3A_92 = tpu.sem_alloc : memref<!tpu.dma_semaphore, #tpu.memory_space<semaphore_mem>>
      %dma_start3A_93 = tpu.memref_slice %arg3[%mul3A_2] : memref<40960xi32, #tpu.memory_space<hbm>> -> memref<1280xi32, #tpu.memory_space<hbm>>
      %dma_start3A_94 = tpu.memref_slice %arg3[%mul3A_2] : memref<40960xi32, #tpu.memory_space<hbm>> -> memref<1280xi32, #tpu.memory_space<hbm>>
      tpu.enqueue_dma source(%dma_start3A_94 : memref<1280xi32, #tpu.memory_space<hbm>>) target(%arg5 : memref<1280xi32, #tpu.memory_space<vmem>>) target_semaphore(%run_scoped3A_92 : memref<!tpu.dma_semaphore, #tpu.memory_space<semaphore_mem>>)
      %dma_wait3A_95 = tpu.memref_slice %arg3[%mul3A_2] : memref<40960xi32, #tpu.memory_space<hbm>> -> memref<1280xi32, #tpu.memory_space<hbm>>
      %dma_wait3A_96 = tpu.memref_slice %arg3[%mul3A_2] : memref<40960xi32, #tpu.memory_space<hbm>> -> memref<1280xi32, #tpu.memory_space<hbm>>
      tpu.wait_dma2 semaphore(%run_scoped3A_92 : memref<!tpu.dma_semaphore, #tpu.memory_space<semaphore_mem>>) src(%dma_wait3A_96 : memref<1280xi32, #tpu.memory_space<hbm>>) dst(%arg5 : memref<1280xi32, #tpu.memory_space<vmem>>)
      tpu.yield
    }) : () -> ()
    %dma_start3A = arith.constant 0 : i32
    %dma_start3A_3 = arith.constant 0 : i32
    %dma_start3A_4 = arith.constant 0 : i32
    %dma_start3A_5 = tpu.memref_slice %arg6[%dma_start3A, %dma_start3A_3, %dma_start3A_4] : memref<2x320x128xf32, #tpu.memory_space<vmem>> -> memref<1x320x128xf32, #tpu.memory_space<vmem>>
    %dma_start3A_6 = tpu.memref_squeeze %dma_start3A_5 : memref<1x320x128xf32, #tpu.memory_space<vmem>> -> memref<320x128xf32, #tpu.memory_space<vmem>>
    %dma_start3A_7 = arith.constant 0 : i32
    %dma_start3A_8 = tpu.memref_slice %arg5[%dma_start3A_7] : memref<1280xi32, #tpu.memory_space<vmem>> -> memref<320xi32, #tpu.memory_space<vmem>>
    %dma_start3A_9 = arith.constant 0 : i32
    %dma_start3A_10 = arith.constant 0 : i32
    %dma_start3A_11 = tpu.memref_slice %arg2[%dma_start3A_9, %dma_start3A_10] : memref<8192x128xf32, #tpu.memory_space<hbm>> -> memref<8192x128xf32, #tpu.memory_space<hbm>>
    tpu.enqueue_indirect_dma source(%dma_start3A_11 : memref<8192x128xf32, #tpu.memory_space<hbm>>) target(%dma_start3A_6 : memref<320x128xf32, #tpu.memory_space<vmem>>) offsets(%dma_start3A_8 : memref<320xi32, #tpu.memory_space<vmem>>) semaphore(%arg7 : memref<!tpu.dma_semaphore, #tpu.memory_space<semaphore_mem>>)
    %dma_start3A_12 = arith.constant 1 : i32
    %dma_start3A_13 = arith.constant 0 : i32
    %dma_start3A_14 = arith.constant 0 : i32
    %dma_start3A_15 = tpu.memref_slice %arg6[%dma_start3A_12, %dma_start3A_13, %dma_start3A_14] : memref<2x320x128xf32, #tpu.memory_space<vmem>> -> memref<1x320x128xf32, #tpu.memory_space<vmem>>
    %dma_start3A_16 = tpu.memref_squeeze %dma_start3A_15 : memref<1x320x128xf32, #tpu.memory_space<vmem>> -> memref<320x128xf32, #tpu.memory_space<vmem>>
    %dma_start3A_17 = arith.constant 320 : i32
    %dma_start3A_18 = tpu.memref_slice %arg5[%dma_start3A_17] : memref<1280xi32, #tpu.memory_space<vmem>> -> memref<320xi32, #tpu.memory_space<vmem>>
    %dma_start3A_19 = arith.constant 0 : i32
    %dma_start3A_20 = arith.constant 0 : i32
    %dma_start3A_21 = tpu.memref_slice %arg2[%dma_start3A_19, %dma_start3A_20] : memref<8192x128xf32, #tpu.memory_space<hbm>> -> memref<8192x128xf32, #tpu.memory_space<hbm>>
    tpu.enqueue_indirect_dma source(%dma_start3A_21 : memref<8192x128xf32, #tpu.memory_space<hbm>>) target(%dma_start3A_16 : memref<320x128xf32, #tpu.memory_space<vmem>>) offsets(%dma_start3A_18 : memref<320xi32, #tpu.memory_space<vmem>>) semaphore(%arg8 : memref<!tpu.dma_semaphore, #tpu.memory_space<semaphore_mem>>)
    %dma_wait3A = arith.constant 0 : i32
    %dma_wait3A_22 = arith.constant 0 : i32
    %dma_wait3A_23 = arith.constant 0 : i32
    %dma_wait3A_24 = tpu.memref_slice %arg6[%dma_wait3A, %dma_wait3A_22, %dma_wait3A_23] : memref<2x320x128xf32, #tpu.memory_space<vmem>> -> memref<1x320x128xf32, #tpu.memory_space<vmem>>
    %dma_wait3A_25 = tpu.memref_squeeze %dma_wait3A_24 : memref<1x320x128xf32, #tpu.memory_space<vmem>> -> memref<320x128xf32, #tpu.memory_space<vmem>>
    %dma_wait3A_26 = arith.constant 0 : i32
    %dma_wait3A_27 = tpu.memref_slice %arg5[%dma_wait3A_26] : memref<1280xi32, #tpu.memory_space<vmem>> -> memref<320xi32, #tpu.memory_space<vmem>>
    %dma_wait3A_28 = arith.constant 0 : i32
    %dma_wait3A_29 = arith.constant 0 : i32
    %dma_wait3A_30 = tpu.memref_slice %arg2[%dma_wait3A_28, %dma_wait3A_29] : memref<8192x128xf32, #tpu.memory_space<hbm>> -> memref<8192x128xf32, #tpu.memory_space<hbm>>
    tpu.wait_indirect_dma semaphore(%arg7 : memref<!tpu.dma_semaphore, #tpu.memory_space<semaphore_mem>>) src(%dma_wait3A_30 : memref<8192x128xf32, #tpu.memory_space<hbm>>) dst(%dma_wait3A_25 : memref<320x128xf32, #tpu.memory_space<vmem>>)
    %add3A_31 = arith.constant 0 : i32
    %add3A_32 = arith.addi %mul3A_2, %add3A_31 : i32
    %run_scoped3A = arith.constant 0 : i32
    "tpu.region"() ({
      %run_scoped3A_92 = tpu.sem_alloc : memref<!tpu.dma_semaphore, #tpu.memory_space<semaphore_mem>>
      %dma_start3A_93 = arith.constant 0 : i32
      %dma_start3A_94 = arith.constant 0 : i32
      %dma_start3A_95 = tpu.memref_slice %arg6[%run_scoped3A, %dma_start3A_93, %dma_start3A_94] : memref<2x320x128xf32, #tpu.memory_space<vmem>> -> memref<1x320x128xf32, #tpu.memory_space<vmem>>
      %dma_start3A_96 = tpu.memref_squeeze %dma_start3A_95 : memref<1x320x128xf32, #tpu.memory_space<vmem>> -> memref<320x128xf32, #tpu.memory_space<vmem>>
      %dma_start3A_97 = arith.constant 0 : i32
      %dma_start3A_98 = tpu.memref_slice %arg4[%add3A_32, %dma_start3A_97] : memref<40960x128xf32, #tpu.memory_space<hbm>> -> memref<320x128xf32, #tpu.memory_space<hbm>>
      %dma_start3A_99 = arith.constant 0 : i32
      %dma_start3A_100 = tpu.memref_slice %arg4[%add3A_32, %dma_start3A_99] : memref<40960x128xf32, #tpu.memory_space<hbm>> -> memref<320x128xf32, #tpu.memory_space<hbm>>
      %dma_start3A_101 = arith.constant 0 : i32
      %dma_start3A_102 = arith.constant 0 : i32
      %dma_start3A_103 = tpu.memref_slice %arg6[%run_scoped3A, %dma_start3A_101, %dma_start3A_102] : memref<2x320x128xf32, #tpu.memory_space<vmem>> -> memref<1x320x128xf32, #tpu.memory_space<vmem>>
      %dma_start3A_104 = tpu.memref_squeeze %dma_start3A_103 : memref<1x320x128xf32, #tpu.memory_space<vmem>> -> memref<320x128xf32, #tpu.memory_space<vmem>>
      tpu.enqueue_dma source(%dma_start3A_104 : memref<320x128xf32, #tpu.memory_space<vmem>>) target(%dma_start3A_100 : memref<320x128xf32, #tpu.memory_space<hbm>>) target_semaphore(%run_scoped3A_92 : memref<!tpu.dma_semaphore, #tpu.memory_space<semaphore_mem>>)
      %dma_wait3A_105 = arith.constant 0 : i32
      %dma_wait3A_106 = arith.constant 0 : i32
      %dma_wait3A_107 = tpu.memref_slice %arg6[%run_scoped3A, %dma_wait3A_105, %dma_wait3A_106] : memref<2x320x128xf32, #tpu.memory_space<vmem>> -> memref<1x320x128xf32, #tpu.memory_space<vmem>>
      %dma_wait3A_108 = tpu.memref_squeeze %dma_wait3A_107 : memref<1x320x128xf32, #tpu.memory_space<vmem>> -> memref<320x128xf32, #tpu.memory_space<vmem>>
      %dma_wait3A_109 = arith.constant 0 : i32
      %dma_wait3A_110 = tpu.memref_slice %arg4[%add3A_32, %dma_wait3A_109] : memref<40960x128xf32, #tpu.memory_space<hbm>> -> memref<320x128xf32, #tpu.memory_space<hbm>>
      %dma_wait3A_111 = arith.constant 0 : i32
      %dma_wait3A_112 = tpu.memref_slice %arg4[%add3A_32, %dma_wait3A_111] : memref<40960x128xf32, #tpu.memory_space<hbm>> -> memref<320x128xf32, #tpu.memory_space<hbm>>
      %dma_wait3A_113 = arith.constant 0 : i32
      %dma_wait3A_114 = arith.constant 0 : i32
      %dma_wait3A_115 = tpu.memref_slice %arg6[%run_scoped3A, %dma_wait3A_113, %dma_wait3A_114] : memref<2x320x128xf32, #tpu.memory_space<vmem>> -> memref<1x320x128xf32, #tpu.memory_space<vmem>>
      %dma_wait3A_116 = tpu.memref_squeeze %dma_wait3A_115 : memref<1x320x128xf32, #tpu.memory_space<vmem>> -> memref<320x128xf32, #tpu.memory_space<vmem>>
      tpu.wait_dma2 semaphore(%run_scoped3A_92 : memref<!tpu.dma_semaphore, #tpu.memory_space<semaphore_mem>>) src(%dma_wait3A_116 : memref<320x128xf32, #tpu.memory_space<vmem>>) dst(%dma_wait3A_112 : memref<320x128xf32, #tpu.memory_space<hbm>>)
      tpu.yield
    }) : () -> ()
    %dma_start3A_33 = arith.constant 0 : i32
    %dma_start3A_34 = arith.constant 0 : i32
    %dma_start3A_35 = arith.constant 0 : i32
    %dma_start3A_36 = tpu.memref_slice %arg6[%dma_start3A_33, %dma_start3A_34, %dma_start3A_35] : memref<2x320x128xf32, #tpu.memory_space<vmem>> -> memref<1x320x128xf32, #tpu.memory_space<vmem>>
    %dma_start3A_37 = tpu.memref_squeeze %dma_start3A_36 : memref<1x320x128xf32, #tpu.memory_space<vmem>> -> memref<320x128xf32, #tpu.memory_space<vmem>>
    %dma_start3A_38 = arith.constant 640 : i32
    %dma_start3A_39 = tpu.memref_slice %arg5[%dma_start3A_38] : memref<1280xi32, #tpu.memory_space<vmem>> -> memref<320xi32, #tpu.memory_space<vmem>>
    %dma_start3A_40 = arith.constant 0 : i32
    %dma_start3A_41 = arith.constant 0 : i32
    %dma_start3A_42 = tpu.memref_slice %arg2[%dma_start3A_40, %dma_start3A_41] : memref<8192x128xf32, #tpu.memory_space<hbm>> -> memref<8192x128xf32, #tpu.memory_space<hbm>>
    tpu.enqueue_indirect_dma source(%dma_start3A_42 : memref<8192x128xf32, #tpu.memory_space<hbm>>) target(%dma_start3A_37 : memref<320x128xf32, #tpu.memory_space<vmem>>) offsets(%dma_start3A_39 : memref<320xi32, #tpu.memory_space<vmem>>) semaphore(%arg7 : memref<!tpu.dma_semaphore, #tpu.memory_space<semaphore_mem>>)
    %dma_wait3A_43 = arith.constant 1 : i32
    %dma_wait3A_44 = arith.constant 0 : i32
    %dma_wait3A_45 = arith.constant 0 : i32
    %dma_wait3A_46 = tpu.memref_slice %arg6[%dma_wait3A_43, %dma_wait3A_44, %dma_wait3A_45] : memref<2x320x128xf32, #tpu.memory_space<vmem>> -> memref<1x320x128xf32, #tpu.memory_space<vmem>>
    %dma_wait3A_47 = tpu.memref_squeeze %dma_wait3A_46 : memref<1x320x128xf32, #tpu.memory_space<vmem>> -> memref<320x128xf32, #tpu.memory_space<vmem>>
    %dma_wait3A_48 = arith.constant 320 : i32
    %dma_wait3A_49 = tpu.memref_slice %arg5[%dma_wait3A_48] : memref<1280xi32, #tpu.memory_space<vmem>> -> memref<320xi32, #tpu.memory_space<vmem>>
    %dma_wait3A_50 = arith.constant 0 : i32
    %dma_wait3A_51 = arith.constant 0 : i32
    %dma_wait3A_52 = tpu.memref_slice %arg2[%dma_wait3A_50, %dma_wait3A_51] : memref<8192x128xf32, #tpu.memory_space<hbm>> -> memref<8192x128xf32, #tpu.memory_space<hbm>>
    tpu.wait_indirect_dma semaphore(%arg8 : memref<!tpu.dma_semaphore, #tpu.memory_space<semaphore_mem>>) src(%dma_wait3A_52 : memref<8192x128xf32, #tpu.memory_space<hbm>>) dst(%dma_wait3A_47 : memref<320x128xf32, #tpu.memory_space<vmem>>)
    %add3A_53 = arith.constant 320 : i32
    %add3A_54 = arith.addi %mul3A_2, %add3A_53 : i32
    %run_scoped3A_55 = arith.constant 1 : i32
    "tpu.region"() ({
      %run_scoped3A_92 = tpu.sem_alloc : memref<!tpu.dma_semaphore, #tpu.memory_space<semaphore_mem>>
      %dma_start3A_93 = arith.constant 0 : i32
      %dma_start3A_94 = arith.constant 0 : i32
      %dma_start3A_95 = tpu.memref_slice %arg6[%run_scoped3A_55, %dma_start3A_93, %dma_start3A_94] : memref<2x320x128xf32, #tpu.memory_space<vmem>> -> memref<1x320x128xf32, #tpu.memory_space<vmem>>
      %dma_start3A_96 = tpu.memref_squeeze %dma_start3A_95 : memref<1x320x128xf32, #tpu.memory_space<vmem>> -> memref<320x128xf32, #tpu.memory_space<vmem>>
      %dma_start3A_97 = arith.constant 0 : i32
      %dma_start3A_98 = tpu.memref_slice %arg4[%add3A_54, %dma_start3A_97] : memref<40960x128xf32, #tpu.memory_space<hbm>> -> memref<320x128xf32, #tpu.memory_space<hbm>>
      %dma_start3A_99 = arith.constant 0 : i32
      %dma_start3A_100 = tpu.memref_slice %arg4[%add3A_54, %dma_start3A_99] : memref<40960x128xf32, #tpu.memory_space<hbm>> -> memref<320x128xf32, #tpu.memory_space<hbm>>
      %dma_start3A_101 = arith.constant 0 : i32
      %dma_start3A_102 = arith.constant 0 : i32
      %dma_start3A_103 = tpu.memref_slice %arg6[%run_scoped3A_55, %dma_start3A_101, %dma_start3A_102] : memref<2x320x128xf32, #tpu.memory_space<vmem>> -> memref<1x320x128xf32, #tpu.memory_space<vmem>>
      %dma_start3A_104 = tpu.memref_squeeze %dma_start3A_103 : memref<1x320x128xf32, #tpu.memory_space<vmem>> -> memref<320x128xf32, #tpu.memory_space<vmem>>
      tpu.enqueue_dma source(%dma_start3A_104 : memref<320x128xf32, #tpu.memory_space<vmem>>) target(%dma_start3A_100 : memref<320x128xf32, #tpu.memory_space<hbm>>) target_semaphore(%run_scoped3A_92 : memref<!tpu.dma_semaphore, #tpu.memory_space<semaphore_mem>>)
      %dma_wait3A_105 = arith.constant 0 : i32
      %dma_wait3A_106 = arith.constant 0 : i32
      %dma_wait3A_107 = tpu.memref_slice %arg6[%run_scoped3A_55, %dma_wait3A_105, %dma_wait3A_106] : memref<2x320x128xf32, #tpu.memory_space<vmem>> -> memref<1x320x128xf32, #tpu.memory_space<vmem>>
      %dma_wait3A_108 = tpu.memref_squeeze %dma_wait3A_107 : memref<1x320x128xf32, #tpu.memory_space<vmem>> -> memref<320x128xf32, #tpu.memory_space<vmem>>
      %dma_wait3A_109 = arith.constant 0 : i32
      %dma_wait3A_110 = tpu.memref_slice %arg4[%add3A_54, %dma_wait3A_109] : memref<40960x128xf32, #tpu.memory_space<hbm>> -> memref<320x128xf32, #tpu.memory_space<hbm>>
      %dma_wait3A_111 = arith.constant 0 : i32
      %dma_wait3A_112 = tpu.memref_slice %arg4[%add3A_54, %dma_wait3A_111] : memref<40960x128xf32, #tpu.memory_space<hbm>> -> memref<320x128xf32, #tpu.memory_space<hbm>>
      %dma_wait3A_113 = arith.constant 0 : i32
      %dma_wait3A_114 = arith.constant 0 : i32
      %dma_wait3A_115 = tpu.memref_slice %arg6[%run_scoped3A_55, %dma_wait3A_113, %dma_wait3A_114] : memref<2x320x128xf32, #tpu.memory_space<vmem>> -> memref<1x320x128xf32, #tpu.memory_space<vmem>>
      %dma_wait3A_116 = tpu.memref_squeeze %dma_wait3A_115 : memref<1x320x128xf32, #tpu.memory_space<vmem>> -> memref<320x128xf32, #tpu.memory_space<vmem>>
      tpu.wait_dma2 semaphore(%run_scoped3A_92 : memref<!tpu.dma_semaphore, #tpu.memory_space<semaphore_mem>>) src(%dma_wait3A_116 : memref<320x128xf32, #tpu.memory_space<vmem>>) dst(%dma_wait3A_112 : memref<320x128xf32, #tpu.memory_space<hbm>>)
      tpu.yield
    }) : () -> ()
    %dma_start3A_56 = arith.constant 1 : i32
    %dma_start3A_57 = arith.constant 0 : i32
    %dma_start3A_58 = arith.constant 0 : i32
    %dma_start3A_59 = tpu.memref_slice %arg6[%dma_start3A_56, %dma_start3A_57, %dma_start3A_58] : memref<2x320x128xf32, #tpu.memory_space<vmem>> -> memref<1x320x128xf32, #tpu.memory_space<vmem>>
    %dma_start3A_60 = tpu.memref_squeeze %dma_start3A_59 : memref<1x320x128xf32, #tpu.memory_space<vmem>> -> memref<320x128xf32, #tpu.memory_space<vmem>>
    %dma_start3A_61 = arith.constant 960 : i32
    %dma_start3A_62 = tpu.memref_slice %arg5[%dma_start3A_61] : memref<1280xi32, #tpu.memory_space<vmem>> -> memref<320xi32, #tpu.memory_space<vmem>>
    %dma_start3A_63 = arith.constant 0 : i32
    %dma_start3A_64 = arith.constant 0 : i32
    %dma_start3A_65 = tpu.memref_slice %arg2[%dma_start3A_63, %dma_start3A_64] : memref<8192x128xf32, #tpu.memory_space<hbm>> -> memref<8192x128xf32, #tpu.memory_space<hbm>>
    tpu.enqueue_indirect_dma source(%dma_start3A_65 : memref<8192x128xf32, #tpu.memory_space<hbm>>) target(%dma_start3A_60 : memref<320x128xf32, #tpu.memory_space<vmem>>) offsets(%dma_start3A_62 : memref<320xi32, #tpu.memory_space<vmem>>) semaphore(%arg8 : memref<!tpu.dma_semaphore, #tpu.memory_space<semaphore_mem>>)
    %dma_wait3A_66 = arith.constant 0 : i32
    %dma_wait3A_67 = arith.constant 0 : i32
    %dma_wait3A_68 = arith.constant 0 : i32
    %dma_wait3A_69 = tpu.memref_slice %arg6[%dma_wait3A_66, %dma_wait3A_67, %dma_wait3A_68] : memref<2x320x128xf32, #tpu.memory_space<vmem>> -> memref<1x320x128xf32, #tpu.memory_space<vmem>>
    %dma_wait3A_70 = tpu.memref_squeeze %dma_wait3A_69 : memref<1x320x128xf32, #tpu.memory_space<vmem>> -> memref<320x128xf32, #tpu.memory_space<vmem>>
    %dma_wait3A_71 = arith.constant 640 : i32
    %dma_wait3A_72 = tpu.memref_slice %arg5[%dma_wait3A_71] : memref<1280xi32, #tpu.memory_space<vmem>> -> memref<320xi32, #tpu.memory_space<vmem>>
    %dma_wait3A_73 = arith.constant 0 : i32
    %dma_wait3A_74 = arith.constant 0 : i32
    %dma_wait3A_75 = tpu.memref_slice %arg2[%dma_wait3A_73, %dma_wait3A_74] : memref<8192x128xf32, #tpu.memory_space<hbm>> -> memref<8192x128xf32, #tpu.memory_space<hbm>>
    tpu.wait_indirect_dma semaphore(%arg7 : memref<!tpu.dma_semaphore, #tpu.memory_space<semaphore_mem>>) src(%dma_wait3A_75 : memref<8192x128xf32, #tpu.memory_space<hbm>>) dst(%dma_wait3A_70 : memref<320x128xf32, #tpu.memory_space<vmem>>)
    %add3A_76 = arith.constant 640 : i32
    %add3A_77 = arith.addi %mul3A_2, %add3A_76 : i32
    %run_scoped3A_78 = arith.constant 0 : i32
    "tpu.region"() ({
      %run_scoped3A_92 = tpu.sem_alloc : memref<!tpu.dma_semaphore, #tpu.memory_space<semaphore_mem>>
      %dma_start3A_93 = arith.constant 0 : i32
      %dma_start3A_94 = arith.constant 0 : i32
      %dma_start3A_95 = tpu.memref_slice %arg6[%run_scoped3A_78, %dma_start3A_93, %dma_start3A_94] : memref<2x320x128xf32, #tpu.memory_space<vmem>> -> memref<1x320x128xf32, #tpu.memory_space<vmem>>
      %dma_start3A_96 = tpu.memref_squeeze %dma_start3A_95 : memref<1x320x128xf32, #tpu.memory_space<vmem>> -> memref<320x128xf32, #tpu.memory_space<vmem>>
      %dma_start3A_97 = arith.constant 0 : i32
      %dma_start3A_98 = tpu.memref_slice %arg4[%add3A_77, %dma_start3A_97] : memref<40960x128xf32, #tpu.memory_space<hbm>> -> memref<320x128xf32, #tpu.memory_space<hbm>>
      %dma_start3A_99 = arith.constant 0 : i32
      %dma_start3A_100 = tpu.memref_slice %arg4[%add3A_77, %dma_start3A_99] : memref<40960x128xf32, #tpu.memory_space<hbm>> -> memref<320x128xf32, #tpu.memory_space<hbm>>
      %dma_start3A_101 = arith.constant 0 : i32
      %dma_start3A_102 = arith.constant 0 : i32
      %dma_start3A_103 = tpu.memref_slice %arg6[%run_scoped3A_78, %dma_start3A_101, %dma_start3A_102] : memref<2x320x128xf32, #tpu.memory_space<vmem>> -> memref<1x320x128xf32, #tpu.memory_space<vmem>>
      %dma_start3A_104 = tpu.memref_squeeze %dma_start3A_103 : memref<1x320x128xf32, #tpu.memory_space<vmem>> -> memref<320x128xf32, #tpu.memory_space<vmem>>
      tpu.enqueue_dma source(%dma_start3A_104 : memref<320x128xf32, #tpu.memory_space<vmem>>) target(%dma_start3A_100 : memref<320x128xf32, #tpu.memory_space<hbm>>) target_semaphore(%run_scoped3A_92 : memref<!tpu.dma_semaphore, #tpu.memory_space<semaphore_mem>>)
      %dma_wait3A_105 = arith.constant 0 : i32
      %dma_wait3A_106 = arith.constant 0 : i32
      %dma_wait3A_107 = tpu.memref_slice %arg6[%run_scoped3A_78, %dma_wait3A_105, %dma_wait3A_106] : memref<2x320x128xf32, #tpu.memory_space<vmem>> -> memref<1x320x128xf32, #tpu.memory_space<vmem>>
      %dma_wait3A_108 = tpu.memref_squeeze %dma_wait3A_107 : memref<1x320x128xf32, #tpu.memory_space<vmem>> -> memref<320x128xf32, #tpu.memory_space<vmem>>
      %dma_wait3A_109 = arith.constant 0 : i32
      %dma_wait3A_110 = tpu.memref_slice %arg4[%add3A_77, %dma_wait3A_109] : memref<40960x128xf32, #tpu.memory_space<hbm>> -> memref<320x128xf32, #tpu.memory_space<hbm>>
      %dma_wait3A_111 = arith.constant 0 : i32
      %dma_wait3A_112 = tpu.memref_slice %arg4[%add3A_77, %dma_wait3A_111] : memref<40960x128xf32, #tpu.memory_space<hbm>> -> memref<320x128xf32, #tpu.memory_space<hbm>>
      %dma_wait3A_113 = arith.constant 0 : i32
      %dma_wait3A_114 = arith.constant 0 : i32
      %dma_wait3A_115 = tpu.memref_slice %arg6[%run_scoped3A_78, %dma_wait3A_113, %dma_wait3A_114] : memref<2x320x128xf32, #tpu.memory_space<vmem>> -> memref<1x320x128xf32, #tpu.memory_space<vmem>>
      %dma_wait3A_116 = tpu.memref_squeeze %dma_wait3A_115 : memref<1x320x128xf32, #tpu.memory_space<vmem>> -> memref<320x128xf32, #tpu.memory_space<vmem>>
      tpu.wait_dma2 semaphore(%run_scoped3A_92 : memref<!tpu.dma_semaphore, #tpu.memory_space<semaphore_mem>>) src(%dma_wait3A_116 : memref<320x128xf32, #tpu.memory_space<vmem>>) dst(%dma_wait3A_112 : memref<320x128xf32, #tpu.memory_space<hbm>>)
      tpu.yield
    }) : () -> ()
    %dma_wait3A_79 = arith.constant 1 : i32
    %dma_wait3A_80 = arith.constant 0 : i32
    %dma_wait3A_81 = arith.constant 0 : i32
    %dma_wait3A_82 = tpu.memref_slice %arg6[%dma_wait3A_79, %dma_wait3A_80, %dma_wait3A_81] : memref<2x320x128xf32, #tpu.memory_space<vmem>> -> memref<1x320x128xf32, #tpu.memory_space<vmem>>
    %dma_wait3A_83 = tpu.memref_squeeze %dma_wait3A_82 : memref<1x320x128xf32, #tpu.memory_space<vmem>> -> memref<320x128xf32, #tpu.memory_space<vmem>>
    %dma_wait3A_84 = arith.constant 960 : i32
    %dma_wait3A_85 = tpu.memref_slice %arg5[%dma_wait3A_84] : memref<1280xi32, #tpu.memory_space<vmem>> -> memref<320xi32, #tpu.memory_space<vmem>>
    %dma_wait3A_86 = arith.constant 0 : i32
    %dma_wait3A_87 = arith.constant 0 : i32
    %dma_wait3A_88 = tpu.memref_slice %arg2[%dma_wait3A_86, %dma_wait3A_87] : memref<8192x128xf32, #tpu.memory_space<hbm>> -> memref<8192x128xf32, #tpu.memory_space<hbm>>
    tpu.wait_indirect_dma semaphore(%arg8 : memref<!tpu.dma_semaphore, #tpu.memory_space<semaphore_mem>>) src(%dma_wait3A_88 : memref<8192x128xf32, #tpu.memory_space<hbm>>) dst(%dma_wait3A_83 : memref<320x128xf32, #tpu.memory_space<vmem>>)
    %add3A_89 = arith.constant 960 : i32
    %add3A_90 = arith.addi %mul3A_2, %add3A_89 : i32
    %run_scoped3A_91 = arith.constant 1 : i32
    "tpu.region"() ({
      %run_scoped3A_92 = tpu.sem_alloc : memref<!tpu.dma_semaphore, #tpu.memory_space<semaphore_mem>>
      %dma_start3A_93 = arith.constant 0 : i32
      %dma_start3A_94 = arith.constant 0 : i32
      %dma_start3A_95 = tpu.memref_slice %arg6[%run_scoped3A_91, %dma_start3A_93, %dma_start3A_94] : memref<2x320x128xf32, #tpu.memory_space<vmem>> -> memref<1x320x128xf32, #tpu.memory_space<vmem>>
      %dma_start3A_96 = tpu.memref_squeeze %dma_start3A_95 : memref<1x320x128xf32, #tpu.memory_space<vmem>> -> memref<320x128xf32, #tpu.memory_space<vmem>>
      %dma_start3A_97 = arith.constant 0 : i32
      %dma_start3A_98 = tpu.memref_slice %arg4[%add3A_90, %dma_start3A_97] : memref<40960x128xf32, #tpu.memory_space<hbm>> -> memref<320x128xf32, #tpu.memory_space<hbm>>
      %dma_start3A_99 = arith.constant 0 : i32
      %dma_start3A_100 = tpu.memref_slice %arg4[%add3A_90, %dma_start3A_99] : memref<40960x128xf32, #tpu.memory_space<hbm>> -> memref<320x128xf32, #tpu.memory_space<hbm>>
      %dma_start3A_101 = arith.constant 0 : i32
      %dma_start3A_102 = arith.constant 0 : i32
      %dma_start3A_103 = tpu.memref_slice %arg6[%run_scoped3A_91, %dma_start3A_101, %dma_start3A_102] : memref<2x320x128xf32, #tpu.memory_space<vmem>> -> memref<1x320x128xf32, #tpu.memory_space<vmem>>
      %dma_start3A_104 = tpu.memref_squeeze %dma_start3A_103 : memref<1x320x128xf32, #tpu.memory_space<vmem>> -> memref<320x128xf32, #tpu.memory_space<vmem>>
      tpu.enqueue_dma source(%dma_start3A_104 : memref<320x128xf32, #tpu.memory_space<vmem>>) target(%dma_start3A_100 : memref<320x128xf32, #tpu.memory_space<hbm>>) target_semaphore(%run_scoped3A_92 : memref<!tpu.dma_semaphore, #tpu.memory_space<semaphore_mem>>)
      %dma_wait3A_105 = arith.constant 0 : i32
      %dma_wait3A_106 = arith.constant 0 : i32
      %dma_wait3A_107 = tpu.memref_slice %arg6[%run_scoped3A_91, %dma_wait3A_105, %dma_wait3A_106] : memref<2x320x128xf32, #tpu.memory_space<vmem>> -> memref<1x320x128xf32, #tpu.memory_space<vmem>>
      %dma_wait3A_108 = tpu.memref_squeeze %dma_wait3A_107 : memref<1x320x128xf32, #tpu.memory_space<vmem>> -> memref<320x128xf32, #tpu.memory_space<vmem>>
      %dma_wait3A_109 = arith.constant 0 : i32
      %dma_wait3A_110 = tpu.memref_slice %arg4[%add3A_90, %dma_wait3A_109] : memref<40960x128xf32, #tpu.memory_space<hbm>> -> memref<320x128xf32, #tpu.memory_space<hbm>>
      %dma_wait3A_111 = arith.constant 0 : i32
      %dma_wait3A_112 = tpu.memref_slice %arg4[%add3A_90, %dma_wait3A_111] : memref<40960x128xf32, #tpu.memory_space<hbm>> -> memref<320x128xf32, #tpu.memory_space<hbm>>
      %dma_wait3A_113 = arith.constant 0 : i32
      %dma_wait3A_114 = arith.constant 0 : i32
      %dma_wait3A_115 = tpu.memref_slice %arg6[%run_scoped3A_91, %dma_wait3A_113, %dma_wait3A_114] : memref<2x320x128xf32, #tpu.memory_space<vmem>> -> memref<1x320x128xf32, #tpu.memory_space<vmem>>
      %dma_wait3A_116 = tpu.memref_squeeze %dma_wait3A_115 : memref<1x320x128xf32, #tpu.memory_space<vmem>> -> memref<320x128xf32, #tpu.memory_space<vmem>>
      tpu.wait_dma2 semaphore(%run_scoped3A_92 : memref<!tpu.dma_semaphore, #tpu.memory_space<semaphore_mem>>) src(%dma_wait3A_116 : memref<320x128xf32, #tpu.memory_space<vmem>>) dst(%dma_wait3A_112 : memref<320x128xf32, #tpu.memory_space<hbm>>)
      tpu.yield
    }) : () -> ()
    return
  }
}

module attributes {stable_mosaic.version = 14 : i64} {
  func.func @_knn_ab_body(%arg0: i32, %arg1: memref<32xi32, #tpu.memory_space<smem>>, %arg2: memref<32xi32, #tpu.memory_space<smem>>, %arg3: memref<256x64xf32, #tpu.memory_space<vmem>>, %arg4: memref<1x256xi32, #tpu.memory_space<vmem>>, %arg5: memref<8192x64xf32, #tpu.memory_space<vmem>>, %arg6: memref<8192x1xi32, #tpu.memory_space<vmem>>, %arg7: memref<64x64xf32, #tpu.memory_space<vmem>>, %arg8: memref<64x64xf32, #tpu.memory_space<vmem>>, %arg9: memref<64xf32, #tpu.memory_space<vmem>>, %arg10: memref<8x256xi32, #tpu.memory_space<vmem>>, %arg11: memref<256x64xf32, #tpu.memory_space<vmem>>, %arg12: memref<256x128xf32, #tpu.memory_space<vmem>>) attributes {dimension_semantics = [#tpu.dimension_semantics<arbitrary>], iteration_bounds = array<i64: 32>, scalar_prefetch = 0 : i64, scratch_operands = 0 : i64, tpu.core_type = #tpu.core_type<tc>, window_params = [{transform_indices = @transform_0, window_bounds = array<i64: 32>}, {transform_indices = @transform_1, window_bounds = array<i64: 32>}, {transform_indices = @transform_2, window_bounds = array<i64: 256, 64>}, {transform_indices = @transform_3, window_bounds = array<i64: 1, 256>}, {pipeline_mode = #tpu.pipeline_mode<synchronous>, transform_indices = @transform_4, window_bounds = array<i64: 8192, 64>}, {pipeline_mode = #tpu.pipeline_mode<synchronous>, transform_indices = @transform_5, window_bounds = array<i64: 8192, 1>}, {pipeline_mode = #tpu.pipeline_mode<synchronous>, transform_indices = @transform_6, window_bounds = array<i64: 64, 64>}, {pipeline_mode = #tpu.pipeline_mode<synchronous>, transform_indices = @transform_7, window_bounds = array<i64: 64, 64>}, {pipeline_mode = #tpu.pipeline_mode<synchronous>, transform_indices = @transform_8, window_bounds = array<i64: 64>}, {transform_indices = @transform_9, window_bounds = array<i64: 8, 256>}, {transform_indices = @transform_10, window_bounds = array<i64: 256, 64>}, {transform_indices = @transform_11, window_bounds = array<i64: 256, 128>}]} {
    %get3A = arith.constant 0 : index
    %get3A_0 = arith.constant 0 : index
    %get3A_1 = vector.load %arg3[%get3A, %get3A_0] : memref<256x64xf32, #tpu.memory_space<vmem>>, vector<256x64xf32>
    %mul3A = arith.constant -2.000000e+00 : f32
    %mul3A_2 = vector.broadcast %mul3A : f32 to vector<256x64xf32>
    %mul3A_3 = arith.mulf %get3A_1, %mul3A_2 : vector<256x64xf32>
    %get3A_4 = arith.constant 0 : index
    %get3A_5 = arith.constant 0 : index
    %get3A_6 = vector.load %arg4[%get3A_4, %get3A_5] : memref<1x256xi32, #tpu.memory_space<vmem>>, vector<1x256xi32>
    %iota3A = tpu.iota {dimensions = array<i32: 0>} : vector<8x256xi32>
    %broadcast_in_dim3A = arith.constant 0x7F800000 : f32
    %broadcast_in_dim3A_7 = vector.broadcast %broadcast_in_dim3A : f32 to vector<8x256xf32>
    %convert_element_type3A = arith.sitofp %iota3A : vector<8x256xi32> to vector<8x256xf32>
    %iota3A_8 = tpu.iota {dimensions = array<i32: 0>} : vector<512x256xi32>
    %convert_element_type3A_9 = arith.sitofp %iota3A_8 : vector<512x256xi32> to vector<512x256xf32>
    %get3A_10 = arith.index_cast %arg0 : i32 to index
    %get3A_11 = memref.load %arg1[%get3A_10] : memref<32xi32, #tpu.memory_space<smem>>
    %get3A_12 = arith.index_cast %arg0 : i32 to index
    %get3A_13 = memref.load %arg2[%get3A_12] : memref<32xi32, #tpu.memory_space<smem>>
    %while3A = arith.constant 0x7F800000 : f32
    %while3A_14 = arith.constant 0 : i32
    %while3A_15 = arith.subi %get3A_13, %while3A_14 : i32
    %while3A_16 = arith.addi %while3A_14, %while3A_15 : i32
    %while3A_17 = arith.constant 1 : i32
    %while3A_18 = arith.divsi %while3A_15, %while3A_17 : i32
    %while3A_19 = arith.muli %while3A_18, %while3A_17 : i32
    %while3A_20 = arith.addi %while3A_14, %while3A_19 : i32
    %while3A_21 = arith.constant 1 : i32
    %while3A_22:2 = scf.for %while3A_49 = %while3A_14 to %while3A_20 step %while3A_21 iter_args(%while3A_50 = %broadcast_in_dim3A_7, %while3A_51 = %convert_element_type3A) -> (vector<8x256xf32>, vector<8x256xf32>)  : i32 {
      %mul3A_52 = arith.constant 512 : i32
      %mul3A_53 = arith.muli %while3A_49, %mul3A_52 : i32
      %add3A_54 = arith.addi %get3A_11, %mul3A_53 : i32
      %min3A = arith.constant 7680 : i32
      %min3A_55 = arith.minsi %add3A_54, %min3A : i32
      %multiple_of3A = tpu.assume_multiple %min3A_55, 8 : i32
      %get3A_56 = arith.index_cast %multiple_of3A : i32 to index
      %get3A_57 = arith.constant 0 : index
      %get3A_58 = vector.load %arg5[%get3A_56, %get3A_57] : memref<8192x64xf32, #tpu.memory_space<vmem>>, vector<512x64xf32>
      %mul3A_59 = arith.mulf %get3A_58, %get3A_58 : vector<512x64xf32>
      %reduce_sum3A = arith.constant dense<0.000000e+00> : vector<512xf32>
      %reduce_sum3A_60 = vector.multi_reduction <add>, %mul3A_59, %reduce_sum3A [1] : vector<512x64xf32> to vector<512xf32>
      %broadcast_in_dim3A_61 = vector.shape_cast %reduce_sum3A_60 : vector<512xf32> to vector<512x1xf32>
      %dot_general3A_62 = arith.constant dense<0.000000e+00> : vector<512x256xf32>
      %dot_general3A_63 = tpu.matmul %get3A_58, %mul3A_3, %dot_general3A_62 {dimension_numbers = #tpu.dot_dimension_numbers<[1], [1], [0], [0], [0, 0, 1, 0], [], []>, transpose_lhs_hint = false} : vector<512x64xf32>, vector<256x64xf32>, vector<512x256xf32> -> vector<512x256xf32>
      %add3A_64 = vector.broadcast %broadcast_in_dim3A_61 : vector<512x1xf32> to vector<512x256xf32>
      %add3A_65 = arith.addf %dot_general3A_63, %add3A_64 : vector<512x256xf32>
      %get3A_66 = arith.index_cast %multiple_of3A : i32 to index
      %get3A_67 = arith.constant 0 : index
      %get3A_68 = vector.load %arg6[%get3A_66, %get3A_67] : memref<8192x1xi32, #tpu.memory_space<vmem>>, vector<512x1xi32>
      %convert_element_type3A_69 = arith.sitofp %multiple_of3A : i32 to f32
      %add3A_70 = vector.broadcast %convert_element_type3A_69 : f32 to vector<512x256xf32>
      %add3A_71 = arith.addf %convert_element_type3A_9, %add3A_70 : vector<512x256xf32>
      %eq3A = vector.broadcast %get3A_68 : vector<512x1xi32> to vector<512x256xi32>
      %eq3A_72 = vector.broadcast %get3A_6 : vector<1x256xi32> to vector<512x256xi32>
      %eq3A_73 = arith.cmpi eq, %eq3A, %eq3A_72 : vector<512x256xi32>
      %broadcast_in_dim3A_74 = vector.broadcast %while3A : f32 to vector<512x256xf32>
      %select_n3A = arith.select %eq3A_73, %add3A_65, %broadcast_in_dim3A_74 : vector<512x256xi1>, vector<512x256xf32>
      %broadcast_in_dim3A_75 = vector.broadcast %while3A : f32 to vector<8x256xf32>
      %broadcast_in_dim3A_76 = vector.broadcast %while3A : f32 to vector<8x256xf32>
      %reduce_min3A = arith.constant dense<0x7F800000> : vector<256xf32>
      %reduce_min3A_77 = vector.multi_reduction <minimumf>, %select_n3A, %reduce_min3A [0] : vector<512x256xf32> to vector<256xf32>
      %broadcast_in_dim3A_78 = vector.shape_cast %reduce_min3A_77 : vector<256xf32> to vector<1x256xf32>
      %eq3A_79 = vector.broadcast %broadcast_in_dim3A_78 : vector<1x256xf32> to vector<512x256xf32>
      %eq3A_80 = arith.cmpf oeq, %select_n3A, %eq3A_79 : vector<512x256xf32>
      %jit3A = arith.constant 0x7F800000 : f32
      %broadcast_in_dim3A_81 = vector.broadcast %jit3A : f32 to vector<512x256xf32>
      %select_n3A_82 = arith.select %eq3A_80, %add3A_71, %broadcast_in_dim3A_81 : vector<512x256xi1>, vector<512x256xf32>
      %reduce_min3A_83 = arith.constant dense<0x7F800000> : vector<256xf32>
      %reduce_min3A_84 = vector.multi_reduction <minimumf>, %select_n3A_82, %reduce_min3A_83 [0] : vector<512x256xf32> to vector<256xf32>
      %broadcast_in_dim3A_85 = vector.shape_cast %reduce_min3A_84 : vector<256xf32> to vector<1x256xf32>
      %eq3A_86 = vector.broadcast %broadcast_in_dim3A_85 : vector<1x256xf32> to vector<512x256xf32>
      %eq3A_87 = arith.cmpf oeq, %select_n3A_82, %eq3A_86 : vector<512x256xf32>
      %jit3A_88 = arith.constant 0x7F800000 : f32
      %broadcast_in_dim3A_89 = vector.broadcast %jit3A_88 : f32 to vector<512x256xf32>
      %select_n3A_90 = arith.select %eq3A_87, %broadcast_in_dim3A_89, %select_n3A : vector<512x256xi1>, vector<512x256xf32>
      %eq3A_91 = arith.constant 0 : i32
      %eq3A_92 = vector.broadcast %eq3A_91 : i32 to vector<8x256xi32>
      %eq3A_93 = arith.cmpi eq, %iota3A, %eq3A_92 : vector<8x256xi32>
      %broadcast_in_dim3A_94 = vector.shape_cast %broadcast_in_dim3A_78 : vector<1x256xf32> to vector<1x256xf32>
      %broadcast_in_dim3A_95 = vector.broadcast %broadcast_in_dim3A_94 : vector<1x256xf32> to vector<8x256xf32>
      %select_n3A_96 = arith.select %eq3A_93, %broadcast_in_dim3A_95, %broadcast_in_dim3A_75 : vector<8x256xi1>, vector<8x256xf32>
      %eq3A_97 = arith.constant 0 : i32
      %eq3A_98 = vector.broadcast %eq3A_97 : i32 to vector<8x256xi32>
      %eq3A_99 = arith.cmpi eq, %iota3A, %eq3A_98 : vector<8x256xi32>
      %broadcast_in_dim3A_100 = vector.shape_cast %broadcast_in_dim3A_85 : vector<1x256xf32> to vector<1x256xf32>
      %broadcast_in_dim3A_101 = vector.broadcast %broadcast_in_dim3A_100 : vector<1x256xf32> to vector<8x256xf32>
      %select_n3A_102 = arith.select %eq3A_99, %broadcast_in_dim3A_101, %broadcast_in_dim3A_76 : vector<8x256xi1>, vector<8x256xf32>
      %reduce_min3A_103 = arith.constant dense<0x7F800000> : vector<256xf32>
      %reduce_min3A_104 = vector.multi_reduction <minimumf>, %select_n3A_90, %reduce_min3A_103 [0] : vector<512x256xf32> to vector<256xf32>
      %broadcast_in_dim3A_105 = vector.shape_cast %reduce_min3A_104 : vector<256xf32> to vector<1x256xf32>
      %eq3A_106 = vector.broadcast %broadcast_in_dim3A_105 : vector<1x256xf32> to vector<512x256xf32>
      %eq3A_107 = arith.cmpf oeq, %select_n3A_90, %eq3A_106 : vector<512x256xf32>
      %jit3A_108 = arith.constant 0x7F800000 : f32
      %broadcast_in_dim3A_109 = vector.broadcast %jit3A_108 : f32 to vector<512x256xf32>
      %select_n3A_110 = arith.select %eq3A_107, %add3A_71, %broadcast_in_dim3A_109 : vector<512x256xi1>, vector<512x256xf32>
      %reduce_min3A_111 = arith.constant dense<0x7F800000> : vector<256xf32>
      %reduce_min3A_112 = vector.multi_reduction <minimumf>, %select_n3A_110, %reduce_min3A_111 [0] : vector<512x256xf32> to vector<256xf32>
      %broadcast_in_dim3A_113 = vector.shape_cast %reduce_min3A_112 : vector<256xf32> to vector<1x256xf32>
      %eq3A_114 = vector.broadcast %broadcast_in_dim3A_113 : vector<1x256xf32> to vector<512x256xf32>
      %eq3A_115 = arith.cmpf oeq, %select_n3A_110, %eq3A_114 : vector<512x256xf32>
      %jit3A_116 = arith.constant 0x7F800000 : f32
      %broadcast_in_dim3A_117 = vector.broadcast %jit3A_116 : f32 to vector<512x256xf32>
      %select_n3A_118 = arith.select %eq3A_115, %broadcast_in_dim3A_117, %select_n3A_90 : vector<512x256xi1>, vector<512x256xf32>
      %eq3A_119 = arith.constant 1 : i32
      %eq3A_120 = vector.broadcast %eq3A_119 : i32 to vector<8x256xi32>
      %eq3A_121 = arith.cmpi eq, %iota3A, %eq3A_120 : vector<8x256xi32>
      %broadcast_in_dim3A_122 = vector.shape_cast %broadcast_in_dim3A_105 : vector<1x256xf32> to vector<1x256xf32>
      %broadcast_in_dim3A_123 = vector.broadcast %broadcast_in_dim3A_122 : vector<1x256xf32> to vector<8x256xf32>
      %select_n3A_124 = arith.select %eq3A_121, %broadcast_in_dim3A_123, %select_n3A_96 : vector<8x256xi1>, vector<8x256xf32>
      %eq3A_125 = arith.constant 1 : i32
      %eq3A_126 = vector.broadcast %eq3A_125 : i32 to vector<8x256xi32>
      %eq3A_127 = arith.cmpi eq, %iota3A, %eq3A_126 : vector<8x256xi32>
      %broadcast_in_dim3A_128 = vector.shape_cast %broadcast_in_dim3A_113 : vector<1x256xf32> to vector<1x256xf32>
      %broadcast_in_dim3A_129 = vector.broadcast %broadcast_in_dim3A_128 : vector<1x256xf32> to vector<8x256xf32>
      %select_n3A_130 = arith.select %eq3A_127, %broadcast_in_dim3A_129, %select_n3A_102 : vector<8x256xi1>, vector<8x256xf32>
      %reduce_min3A_131 = arith.constant dense<0x7F800000> : vector<256xf32>
      %reduce_min3A_132 = vector.multi_reduction <minimumf>, %select_n3A_118, %reduce_min3A_131 [0] : vector<512x256xf32> to vector<256xf32>
      %broadcast_in_dim3A_133 = vector.shape_cast %reduce_min3A_132 : vector<256xf32> to vector<1x256xf32>
      %eq3A_134 = vector.broadcast %broadcast_in_dim3A_133 : vector<1x256xf32> to vector<512x256xf32>
      %eq3A_135 = arith.cmpf oeq, %select_n3A_118, %eq3A_134 : vector<512x256xf32>
      %jit3A_136 = arith.constant 0x7F800000 : f32
      %broadcast_in_dim3A_137 = vector.broadcast %jit3A_136 : f32 to vector<512x256xf32>
      %select_n3A_138 = arith.select %eq3A_135, %add3A_71, %broadcast_in_dim3A_137 : vector<512x256xi1>, vector<512x256xf32>
      %reduce_min3A_139 = arith.constant dense<0x7F800000> : vector<256xf32>
      %reduce_min3A_140 = vector.multi_reduction <minimumf>, %select_n3A_138, %reduce_min3A_139 [0] : vector<512x256xf32> to vector<256xf32>
      %broadcast_in_dim3A_141 = vector.shape_cast %reduce_min3A_140 : vector<256xf32> to vector<1x256xf32>
      %eq3A_142 = vector.broadcast %broadcast_in_dim3A_141 : vector<1x256xf32> to vector<512x256xf32>
      %eq3A_143 = arith.cmpf oeq, %select_n3A_138, %eq3A_142 : vector<512x256xf32>
      %jit3A_144 = arith.constant 0x7F800000 : f32
      %broadcast_in_dim3A_145 = vector.broadcast %jit3A_144 : f32 to vector<512x256xf32>
      %select_n3A_146 = arith.select %eq3A_143, %broadcast_in_dim3A_145, %select_n3A_118 : vector<512x256xi1>, vector<512x256xf32>
      %eq3A_147 = arith.constant 2 : i32
      %eq3A_148 = vector.broadcast %eq3A_147 : i32 to vector<8x256xi32>
      %eq3A_149 = arith.cmpi eq, %iota3A, %eq3A_148 : vector<8x256xi32>
      %broadcast_in_dim3A_150 = vector.shape_cast %broadcast_in_dim3A_133 : vector<1x256xf32> to vector<1x256xf32>
      %broadcast_in_dim3A_151 = vector.broadcast %broadcast_in_dim3A_150 : vector<1x256xf32> to vector<8x256xf32>
      %select_n3A_152 = arith.select %eq3A_149, %broadcast_in_dim3A_151, %select_n3A_124 : vector<8x256xi1>, vector<8x256xf32>
      %eq3A_153 = arith.constant 2 : i32
      %eq3A_154 = vector.broadcast %eq3A_153 : i32 to vector<8x256xi32>
      %eq3A_155 = arith.cmpi eq, %iota3A, %eq3A_154 : vector<8x256xi32>
      %broadcast_in_dim3A_156 = vector.shape_cast %broadcast_in_dim3A_141 : vector<1x256xf32> to vector<1x256xf32>
      %broadcast_in_dim3A_157 = vector.broadcast %broadcast_in_dim3A_156 : vector<1x256xf32> to vector<8x256xf32>
      %select_n3A_158 = arith.select %eq3A_155, %broadcast_in_dim3A_157, %select_n3A_130 : vector<8x256xi1>, vector<8x256xf32>
      %reduce_min3A_159 = arith.constant dense<0x7F800000> : vector<256xf32>
      %reduce_min3A_160 = vector.multi_reduction <minimumf>, %select_n3A_146, %reduce_min3A_159 [0] : vector<512x256xf32> to vector<256xf32>
      %broadcast_in_dim3A_161 = vector.shape_cast %reduce_min3A_160 : vector<256xf32> to vector<1x256xf32>
      %eq3A_162 = vector.broadcast %broadcast_in_dim3A_161 : vector<1x256xf32> to vector<512x256xf32>
      %eq3A_163 = arith.cmpf oeq, %select_n3A_146, %eq3A_162 : vector<512x256xf32>
      %jit3A_164 = arith.constant 0x7F800000 : f32
      %broadcast_in_dim3A_165 = vector.broadcast %jit3A_164 : f32 to vector<512x256xf32>
      %select_n3A_166 = arith.select %eq3A_163, %add3A_71, %broadcast_in_dim3A_165 : vector<512x256xi1>, vector<512x256xf32>
      %reduce_min3A_167 = arith.constant dense<0x7F800000> : vector<256xf32>
      %reduce_min3A_168 = vector.multi_reduction <minimumf>, %select_n3A_166, %reduce_min3A_167 [0] : vector<512x256xf32> to vector<256xf32>
      %broadcast_in_dim3A_169 = vector.shape_cast %reduce_min3A_168 : vector<256xf32> to vector<1x256xf32>
      %eq3A_170 = vector.broadcast %broadcast_in_dim3A_169 : vector<1x256xf32> to vector<512x256xf32>
      %eq3A_171 = arith.cmpf oeq, %select_n3A_166, %eq3A_170 : vector<512x256xf32>
      %jit3A_172 = arith.constant 0x7F800000 : f32
      %broadcast_in_dim3A_173 = vector.broadcast %jit3A_172 : f32 to vector<512x256xf32>
      %select_n3A_174 = arith.select %eq3A_171, %broadcast_in_dim3A_173, %select_n3A_146 : vector<512x256xi1>, vector<512x256xf32>
      %eq3A_175 = arith.constant 3 : i32
      %eq3A_176 = vector.broadcast %eq3A_175 : i32 to vector<8x256xi32>
      %eq3A_177 = arith.cmpi eq, %iota3A, %eq3A_176 : vector<8x256xi32>
      %broadcast_in_dim3A_178 = vector.shape_cast %broadcast_in_dim3A_161 : vector<1x256xf32> to vector<1x256xf32>
      %broadcast_in_dim3A_179 = vector.broadcast %broadcast_in_dim3A_178 : vector<1x256xf32> to vector<8x256xf32>
      %select_n3A_180 = arith.select %eq3A_177, %broadcast_in_dim3A_179, %select_n3A_152 : vector<8x256xi1>, vector<8x256xf32>
      %eq3A_181 = arith.constant 3 : i32
      %eq3A_182 = vector.broadcast %eq3A_181 : i32 to vector<8x256xi32>
      %eq3A_183 = arith.cmpi eq, %iota3A, %eq3A_182 : vector<8x256xi32>
      %broadcast_in_dim3A_184 = vector.shape_cast %broadcast_in_dim3A_169 : vector<1x256xf32> to vector<1x256xf32>
      %broadcast_in_dim3A_185 = vector.broadcast %broadcast_in_dim3A_184 : vector<1x256xf32> to vector<8x256xf32>
      %select_n3A_186 = arith.select %eq3A_183, %broadcast_in_dim3A_185, %select_n3A_158 : vector<8x256xi1>, vector<8x256xf32>
      %reduce_min3A_187 = arith.constant dense<0x7F800000> : vector<256xf32>
      %reduce_min3A_188 = vector.multi_reduction <minimumf>, %select_n3A_174, %reduce_min3A_187 [0] : vector<512x256xf32> to vector<256xf32>
      %broadcast_in_dim3A_189 = vector.shape_cast %reduce_min3A_188 : vector<256xf32> to vector<1x256xf32>
      %eq3A_190 = vector.broadcast %broadcast_in_dim3A_189 : vector<1x256xf32> to vector<512x256xf32>
      %eq3A_191 = arith.cmpf oeq, %select_n3A_174, %eq3A_190 : vector<512x256xf32>
      %jit3A_192 = arith.constant 0x7F800000 : f32
      %broadcast_in_dim3A_193 = vector.broadcast %jit3A_192 : f32 to vector<512x256xf32>
      %select_n3A_194 = arith.select %eq3A_191, %add3A_71, %broadcast_in_dim3A_193 : vector<512x256xi1>, vector<512x256xf32>
      %reduce_min3A_195 = arith.constant dense<0x7F800000> : vector<256xf32>
      %reduce_min3A_196 = vector.multi_reduction <minimumf>, %select_n3A_194, %reduce_min3A_195 [0] : vector<512x256xf32> to vector<256xf32>
      %broadcast_in_dim3A_197 = vector.shape_cast %reduce_min3A_196 : vector<256xf32> to vector<1x256xf32>
      %eq3A_198 = vector.broadcast %broadcast_in_dim3A_197 : vector<1x256xf32> to vector<512x256xf32>
      %eq3A_199 = arith.cmpf oeq, %select_n3A_194, %eq3A_198 : vector<512x256xf32>
      %jit3A_200 = arith.constant 0x7F800000 : f32
      %broadcast_in_dim3A_201 = vector.broadcast %jit3A_200 : f32 to vector<512x256xf32>
      %select_n3A_202 = arith.select %eq3A_199, %broadcast_in_dim3A_201, %select_n3A_174 : vector<512x256xi1>, vector<512x256xf32>
      %eq3A_203 = arith.constant 4 : i32
      %eq3A_204 = vector.broadcast %eq3A_203 : i32 to vector<8x256xi32>
      %eq3A_205 = arith.cmpi eq, %iota3A, %eq3A_204 : vector<8x256xi32>
      %broadcast_in_dim3A_206 = vector.shape_cast %broadcast_in_dim3A_189 : vector<1x256xf32> to vector<1x256xf32>
      %broadcast_in_dim3A_207 = vector.broadcast %broadcast_in_dim3A_206 : vector<1x256xf32> to vector<8x256xf32>
      %select_n3A_208 = arith.select %eq3A_205, %broadcast_in_dim3A_207, %select_n3A_180 : vector<8x256xi1>, vector<8x256xf32>
      %eq3A_209 = arith.constant 4 : i32
      %eq3A_210 = vector.broadcast %eq3A_209 : i32 to vector<8x256xi32>
      %eq3A_211 = arith.cmpi eq, %iota3A, %eq3A_210 : vector<8x256xi32>
      %broadcast_in_dim3A_212 = vector.shape_cast %broadcast_in_dim3A_197 : vector<1x256xf32> to vector<1x256xf32>
      %broadcast_in_dim3A_213 = vector.broadcast %broadcast_in_dim3A_212 : vector<1x256xf32> to vector<8x256xf32>
      %select_n3A_214 = arith.select %eq3A_211, %broadcast_in_dim3A_213, %select_n3A_186 : vector<8x256xi1>, vector<8x256xf32>
      %concatenate3A_215 = tpu.concatenate %while3A_50, %select_n3A_208 in 0 : vector<8x256xf32>, vector<8x256xf32> -> vector<16x256xf32>
      %concatenate3A_216 = tpu.concatenate %while3A_51, %select_n3A_214 in 0 : vector<8x256xf32>, vector<8x256xf32> -> vector<16x256xf32>
      %broadcast_in_dim3A_217 = vector.broadcast %while3A : f32 to vector<8x256xf32>
      %broadcast_in_dim3A_218 = vector.broadcast %while3A : f32 to vector<8x256xf32>
      %reduce_min3A_219 = arith.constant dense<0x7F800000> : vector<256xf32>
      %reduce_min3A_220 = vector.multi_reduction <minimumf>, %concatenate3A_215, %reduce_min3A_219 [0] : vector<16x256xf32> to vector<256xf32>
      %broadcast_in_dim3A_221 = vector.shape_cast %reduce_min3A_220 : vector<256xf32> to vector<1x256xf32>
      %eq3A_222 = vector.broadcast %broadcast_in_dim3A_221 : vector<1x256xf32> to vector<16x256xf32>
      %eq3A_223 = arith.cmpf oeq, %concatenate3A_215, %eq3A_222 : vector<16x256xf32>
      %jit3A_224 = arith.constant 0x7F800000 : f32
      %broadcast_in_dim3A_225 = vector.broadcast %jit3A_224 : f32 to vector<16x256xf32>
      %select_n3A_226 = arith.select %eq3A_223, %concatenate3A_216, %broadcast_in_dim3A_225 : vector<16x256xi1>, vector<16x256xf32>
      %reduce_min3A_227 = arith.constant dense<0x7F800000> : vector<256xf32>
      %reduce_min3A_228 = vector.multi_reduction <minimumf>, %select_n3A_226, %reduce_min3A_227 [0] : vector<16x256xf32> to vector<256xf32>
      %broadcast_in_dim3A_229 = vector.shape_cast %reduce_min3A_228 : vector<256xf32> to vector<1x256xf32>
      %eq3A_230 = vector.broadcast %broadcast_in_dim3A_229 : vector<1x256xf32> to vector<16x256xf32>
      %eq3A_231 = arith.cmpf oeq, %select_n3A_226, %eq3A_230 : vector<16x256xf32>
      %jit3A_232 = arith.constant 0x7F800000 : f32
      %broadcast_in_dim3A_233 = vector.broadcast %jit3A_232 : f32 to vector<16x256xf32>
      %select_n3A_234 = arith.select %eq3A_231, %broadcast_in_dim3A_233, %concatenate3A_215 : vector<16x256xi1>, vector<16x256xf32>
      %eq3A_235 = arith.constant 0 : i32
      %eq3A_236 = vector.broadcast %eq3A_235 : i32 to vector<8x256xi32>
      %eq3A_237 = arith.cmpi eq, %iota3A, %eq3A_236 : vector<8x256xi32>
      %broadcast_in_dim3A_238 = vector.shape_cast %broadcast_in_dim3A_221 : vector<1x256xf32> to vector<1x256xf32>
      %broadcast_in_dim3A_239 = vector.broadcast %broadcast_in_dim3A_238 : vector<1x256xf32> to vector<8x256xf32>
      %select_n3A_240 = arith.select %eq3A_237, %broadcast_in_dim3A_239, %broadcast_in_dim3A_217 : vector<8x256xi1>, vector<8x256xf32>
      %eq3A_241 = arith.constant 0 : i32
      %eq3A_242 = vector.broadcast %eq3A_241 : i32 to vector<8x256xi32>
      %eq3A_243 = arith.cmpi eq, %iota3A, %eq3A_242 : vector<8x256xi32>
      %broadcast_in_dim3A_244 = vector.shape_cast %broadcast_in_dim3A_229 : vector<1x256xf32> to vector<1x256xf32>
      %broadcast_in_dim3A_245 = vector.broadcast %broadcast_in_dim3A_244 : vector<1x256xf32> to vector<8x256xf32>
      %select_n3A_246 = arith.select %eq3A_243, %broadcast_in_dim3A_245, %broadcast_in_dim3A_218 : vector<8x256xi1>, vector<8x256xf32>
      %reduce_min3A_247 = arith.constant dense<0x7F800000> : vector<256xf32>
      %reduce_min3A_248 = vector.multi_reduction <minimumf>, %select_n3A_234, %reduce_min3A_247 [0] : vector<16x256xf32> to vector<256xf32>
      %broadcast_in_dim3A_249 = vector.shape_cast %reduce_min3A_248 : vector<256xf32> to vector<1x256xf32>
      %eq3A_250 = vector.broadcast %broadcast_in_dim3A_249 : vector<1x256xf32> to vector<16x256xf32>
      %eq3A_251 = arith.cmpf oeq, %select_n3A_234, %eq3A_250 : vector<16x256xf32>
      %jit3A_252 = arith.constant 0x7F800000 : f32
      %broadcast_in_dim3A_253 = vector.broadcast %jit3A_252 : f32 to vector<16x256xf32>
      %select_n3A_254 = arith.select %eq3A_251, %concatenate3A_216, %broadcast_in_dim3A_253 : vector<16x256xi1>, vector<16x256xf32>
      %reduce_min3A_255 = arith.constant dense<0x7F800000> : vector<256xf32>
      %reduce_min3A_256 = vector.multi_reduction <minimumf>, %select_n3A_254, %reduce_min3A_255 [0] : vector<16x256xf32> to vector<256xf32>
      %broadcast_in_dim3A_257 = vector.shape_cast %reduce_min3A_256 : vector<256xf32> to vector<1x256xf32>
      %eq3A_258 = vector.broadcast %broadcast_in_dim3A_257 : vector<1x256xf32> to vector<16x256xf32>
      %eq3A_259 = arith.cmpf oeq, %select_n3A_254, %eq3A_258 : vector<16x256xf32>
      %jit3A_260 = arith.constant 0x7F800000 : f32
      %broadcast_in_dim3A_261 = vector.broadcast %jit3A_260 : f32 to vector<16x256xf32>
      %select_n3A_262 = arith.select %eq3A_259, %broadcast_in_dim3A_261, %select_n3A_234 : vector<16x256xi1>, vector<16x256xf32>
      %eq3A_263 = arith.constant 1 : i32
      %eq3A_264 = vector.broadcast %eq3A_263 : i32 to vector<8x256xi32>
      %eq3A_265 = arith.cmpi eq, %iota3A, %eq3A_264 : vector<8x256xi32>
      %broadcast_in_dim3A_266 = vector.shape_cast %broadcast_in_dim3A_249 : vector<1x256xf32> to vector<1x256xf32>
      %broadcast_in_dim3A_267 = vector.broadcast %broadcast_in_dim3A_266 : vector<1x256xf32> to vector<8x256xf32>
      %select_n3A_268 = arith.select %eq3A_265, %broadcast_in_dim3A_267, %select_n3A_240 : vector<8x256xi1>, vector<8x256xf32>
      %eq3A_269 = arith.constant 1 : i32
      %eq3A_270 = vector.broadcast %eq3A_269 : i32 to vector<8x256xi32>
      %eq3A_271 = arith.cmpi eq, %iota3A, %eq3A_270 : vector<8x256xi32>
      %broadcast_in_dim3A_272 = vector.shape_cast %broadcast_in_dim3A_257 : vector<1x256xf32> to vector<1x256xf32>
      %broadcast_in_dim3A_273 = vector.broadcast %broadcast_in_dim3A_272 : vector<1x256xf32> to vector<8x256xf32>
      %select_n3A_274 = arith.select %eq3A_271, %broadcast_in_dim3A_273, %select_n3A_246 : vector<8x256xi1>, vector<8x256xf32>
      %reduce_min3A_275 = arith.constant dense<0x7F800000> : vector<256xf32>
      %reduce_min3A_276 = vector.multi_reduction <minimumf>, %select_n3A_262, %reduce_min3A_275 [0] : vector<16x256xf32> to vector<256xf32>
      %broadcast_in_dim3A_277 = vector.shape_cast %reduce_min3A_276 : vector<256xf32> to vector<1x256xf32>
      %eq3A_278 = vector.broadcast %broadcast_in_dim3A_277 : vector<1x256xf32> to vector<16x256xf32>
      %eq3A_279 = arith.cmpf oeq, %select_n3A_262, %eq3A_278 : vector<16x256xf32>
      %jit3A_280 = arith.constant 0x7F800000 : f32
      %broadcast_in_dim3A_281 = vector.broadcast %jit3A_280 : f32 to vector<16x256xf32>
      %select_n3A_282 = arith.select %eq3A_279, %concatenate3A_216, %broadcast_in_dim3A_281 : vector<16x256xi1>, vector<16x256xf32>
      %reduce_min3A_283 = arith.constant dense<0x7F800000> : vector<256xf32>
      %reduce_min3A_284 = vector.multi_reduction <minimumf>, %select_n3A_282, %reduce_min3A_283 [0] : vector<16x256xf32> to vector<256xf32>
      %broadcast_in_dim3A_285 = vector.shape_cast %reduce_min3A_284 : vector<256xf32> to vector<1x256xf32>
      %eq3A_286 = vector.broadcast %broadcast_in_dim3A_285 : vector<1x256xf32> to vector<16x256xf32>
      %eq3A_287 = arith.cmpf oeq, %select_n3A_282, %eq3A_286 : vector<16x256xf32>
      %jit3A_288 = arith.constant 0x7F800000 : f32
      %broadcast_in_dim3A_289 = vector.broadcast %jit3A_288 : f32 to vector<16x256xf32>
      %select_n3A_290 = arith.select %eq3A_287, %broadcast_in_dim3A_289, %select_n3A_262 : vector<16x256xi1>, vector<16x256xf32>
      %eq3A_291 = arith.constant 2 : i32
      %eq3A_292 = vector.broadcast %eq3A_291 : i32 to vector<8x256xi32>
      %eq3A_293 = arith.cmpi eq, %iota3A, %eq3A_292 : vector<8x256xi32>
      %broadcast_in_dim3A_294 = vector.shape_cast %broadcast_in_dim3A_277 : vector<1x256xf32> to vector<1x256xf32>
      %broadcast_in_dim3A_295 = vector.broadcast %broadcast_in_dim3A_294 : vector<1x256xf32> to vector<8x256xf32>
      %select_n3A_296 = arith.select %eq3A_293, %broadcast_in_dim3A_295, %select_n3A_268 : vector<8x256xi1>, vector<8x256xf32>
      %eq3A_297 = arith.constant 2 : i32
      %eq3A_298 = vector.broadcast %eq3A_297 : i32 to vector<8x256xi32>
      %eq3A_299 = arith.cmpi eq, %iota3A, %eq3A_298 : vector<8x256xi32>
      %broadcast_in_dim3A_300 = vector.shape_cast %broadcast_in_dim3A_285 : vector<1x256xf32> to vector<1x256xf32>
      %broadcast_in_dim3A_301 = vector.broadcast %broadcast_in_dim3A_300 : vector<1x256xf32> to vector<8x256xf32>
      %select_n3A_302 = arith.select %eq3A_299, %broadcast_in_dim3A_301, %select_n3A_274 : vector<8x256xi1>, vector<8x256xf32>
      %reduce_min3A_303 = arith.constant dense<0x7F800000> : vector<256xf32>
      %reduce_min3A_304 = vector.multi_reduction <minimumf>, %select_n3A_290, %reduce_min3A_303 [0] : vector<16x256xf32> to vector<256xf32>
      %broadcast_in_dim3A_305 = vector.shape_cast %reduce_min3A_304 : vector<256xf32> to vector<1x256xf32>
      %eq3A_306 = vector.broadcast %broadcast_in_dim3A_305 : vector<1x256xf32> to vector<16x256xf32>
      %eq3A_307 = arith.cmpf oeq, %select_n3A_290, %eq3A_306 : vector<16x256xf32>
      %jit3A_308 = arith.constant 0x7F800000 : f32
      %broadcast_in_dim3A_309 = vector.broadcast %jit3A_308 : f32 to vector<16x256xf32>
      %select_n3A_310 = arith.select %eq3A_307, %concatenate3A_216, %broadcast_in_dim3A_309 : vector<16x256xi1>, vector<16x256xf32>
      %reduce_min3A_311 = arith.constant dense<0x7F800000> : vector<256xf32>
      %reduce_min3A_312 = vector.multi_reduction <minimumf>, %select_n3A_310, %reduce_min3A_311 [0] : vector<16x256xf32> to vector<256xf32>
      %broadcast_in_dim3A_313 = vector.shape_cast %reduce_min3A_312 : vector<256xf32> to vector<1x256xf32>
      %eq3A_314 = vector.broadcast %broadcast_in_dim3A_313 : vector<1x256xf32> to vector<16x256xf32>
      %eq3A_315 = arith.cmpf oeq, %select_n3A_310, %eq3A_314 : vector<16x256xf32>
      %jit3A_316 = arith.constant 0x7F800000 : f32
      %broadcast_in_dim3A_317 = vector.broadcast %jit3A_316 : f32 to vector<16x256xf32>
      %select_n3A_318 = arith.select %eq3A_315, %broadcast_in_dim3A_317, %select_n3A_290 : vector<16x256xi1>, vector<16x256xf32>
      %eq3A_319 = arith.constant 3 : i32
      %eq3A_320 = vector.broadcast %eq3A_319 : i32 to vector<8x256xi32>
      %eq3A_321 = arith.cmpi eq, %iota3A, %eq3A_320 : vector<8x256xi32>
      %broadcast_in_dim3A_322 = vector.shape_cast %broadcast_in_dim3A_305 : vector<1x256xf32> to vector<1x256xf32>
      %broadcast_in_dim3A_323 = vector.broadcast %broadcast_in_dim3A_322 : vector<1x256xf32> to vector<8x256xf32>
      %select_n3A_324 = arith.select %eq3A_321, %broadcast_in_dim3A_323, %select_n3A_296 : vector<8x256xi1>, vector<8x256xf32>
      %eq3A_325 = arith.constant 3 : i32
      %eq3A_326 = vector.broadcast %eq3A_325 : i32 to vector<8x256xi32>
      %eq3A_327 = arith.cmpi eq, %iota3A, %eq3A_326 : vector<8x256xi32>
      %broadcast_in_dim3A_328 = vector.shape_cast %broadcast_in_dim3A_313 : vector<1x256xf32> to vector<1x256xf32>
      %broadcast_in_dim3A_329 = vector.broadcast %broadcast_in_dim3A_328 : vector<1x256xf32> to vector<8x256xf32>
      %select_n3A_330 = arith.select %eq3A_327, %broadcast_in_dim3A_329, %select_n3A_302 : vector<8x256xi1>, vector<8x256xf32>
      %reduce_min3A_331 = arith.constant dense<0x7F800000> : vector<256xf32>
      %reduce_min3A_332 = vector.multi_reduction <minimumf>, %select_n3A_318, %reduce_min3A_331 [0] : vector<16x256xf32> to vector<256xf32>
      %broadcast_in_dim3A_333 = vector.shape_cast %reduce_min3A_332 : vector<256xf32> to vector<1x256xf32>
      %eq3A_334 = vector.broadcast %broadcast_in_dim3A_333 : vector<1x256xf32> to vector<16x256xf32>
      %eq3A_335 = arith.cmpf oeq, %select_n3A_318, %eq3A_334 : vector<16x256xf32>
      %jit3A_336 = arith.constant 0x7F800000 : f32
      %broadcast_in_dim3A_337 = vector.broadcast %jit3A_336 : f32 to vector<16x256xf32>
      %select_n3A_338 = arith.select %eq3A_335, %concatenate3A_216, %broadcast_in_dim3A_337 : vector<16x256xi1>, vector<16x256xf32>
      %reduce_min3A_339 = arith.constant dense<0x7F800000> : vector<256xf32>
      %reduce_min3A_340 = vector.multi_reduction <minimumf>, %select_n3A_338, %reduce_min3A_339 [0] : vector<16x256xf32> to vector<256xf32>
      %broadcast_in_dim3A_341 = vector.shape_cast %reduce_min3A_340 : vector<256xf32> to vector<1x256xf32>
      %eq3A_342 = vector.broadcast %broadcast_in_dim3A_341 : vector<1x256xf32> to vector<16x256xf32>
      %eq3A_343 = arith.cmpf oeq, %select_n3A_338, %eq3A_342 : vector<16x256xf32>
      %jit3A_344 = arith.constant 0x7F800000 : f32
      %broadcast_in_dim3A_345 = vector.broadcast %jit3A_344 : f32 to vector<16x256xf32>
      %select_n3A_346 = arith.select %eq3A_343, %broadcast_in_dim3A_345, %select_n3A_318 : vector<16x256xi1>, vector<16x256xf32>
      %eq3A_347 = arith.constant 4 : i32
      %eq3A_348 = vector.broadcast %eq3A_347 : i32 to vector<8x256xi32>
      %eq3A_349 = arith.cmpi eq, %iota3A, %eq3A_348 : vector<8x256xi32>
      %broadcast_in_dim3A_350 = vector.shape_cast %broadcast_in_dim3A_333 : vector<1x256xf32> to vector<1x256xf32>
      %broadcast_in_dim3A_351 = vector.broadcast %broadcast_in_dim3A_350 : vector<1x256xf32> to vector<8x256xf32>
      %select_n3A_352 = arith.select %eq3A_349, %broadcast_in_dim3A_351, %select_n3A_324 : vector<8x256xi1>, vector<8x256xf32>
      %eq3A_353 = arith.constant 4 : i32
      %eq3A_354 = vector.broadcast %eq3A_353 : i32 to vector<8x256xi32>
      %eq3A_355 = arith.cmpi eq, %iota3A, %eq3A_354 : vector<8x256xi32>
      %broadcast_in_dim3A_356 = vector.shape_cast %broadcast_in_dim3A_341 : vector<1x256xf32> to vector<1x256xf32>
      %broadcast_in_dim3A_357 = vector.broadcast %broadcast_in_dim3A_356 : vector<1x256xf32> to vector<8x256xf32>
      %select_n3A_358 = arith.select %eq3A_355, %broadcast_in_dim3A_357, %select_n3A_330 : vector<8x256xi1>, vector<8x256xf32>
      scf.yield %select_n3A_352, %select_n3A_358 : vector<8x256xf32>, vector<8x256xf32>
    }
    %while3A_23 = arith.constant 1 : i32
    %while3A_24:2 = scf.for %while3A_49 = %while3A_20 to %while3A_16 step %while3A_23 iter_args(%while3A_50 = %while3A_22#0, %while3A_51 = %while3A_22#1) -> (vector<8x256xf32>, vector<8x256xf32>)  : i32 {
      %mul3A_52 = arith.constant 512 : i32
      %mul3A_53 = arith.muli %while3A_49, %mul3A_52 : i32
      %add3A_54 = arith.addi %get3A_11, %mul3A_53 : i32
      %min3A = arith.constant 7680 : i32
      %min3A_55 = arith.minsi %add3A_54, %min3A : i32
      %multiple_of3A = tpu.assume_multiple %min3A_55, 8 : i32
      %get3A_56 = arith.index_cast %multiple_of3A : i32 to index
      %get3A_57 = arith.constant 0 : index
      %get3A_58 = vector.load %arg5[%get3A_56, %get3A_57] : memref<8192x64xf32, #tpu.memory_space<vmem>>, vector<512x64xf32>
      %mul3A_59 = arith.mulf %get3A_58, %get3A_58 : vector<512x64xf32>
      %reduce_sum3A = arith.constant dense<0.000000e+00> : vector<512xf32>
      %reduce_sum3A_60 = vector.multi_reduction <add>, %mul3A_59, %reduce_sum3A [1] : vector<512x64xf32> to vector<512xf32>
      %broadcast_in_dim3A_61 = vector.shape_cast %reduce_sum3A_60 : vector<512xf32> to vector<512x1xf32>
      %dot_general3A_62 = arith.constant dense<0.000000e+00> : vector<512x256xf32>
      %dot_general3A_63 = tpu.matmul %get3A_58, %mul3A_3, %dot_general3A_62 {dimension_numbers = #tpu.dot_dimension_numbers<[1], [1], [0], [0], [0, 0, 1, 0], [], []>, transpose_lhs_hint = false} : vector<512x64xf32>, vector<256x64xf32>, vector<512x256xf32> -> vector<512x256xf32>
      %add3A_64 = vector.broadcast %broadcast_in_dim3A_61 : vector<512x1xf32> to vector<512x256xf32>
      %add3A_65 = arith.addf %dot_general3A_63, %add3A_64 : vector<512x256xf32>
      %get3A_66 = arith.index_cast %multiple_of3A : i32 to index
      %get3A_67 = arith.constant 0 : index
      %get3A_68 = vector.load %arg6[%get3A_66, %get3A_67] : memref<8192x1xi32, #tpu.memory_space<vmem>>, vector<512x1xi32>
      %convert_element_type3A_69 = arith.sitofp %multiple_of3A : i32 to f32
      %add3A_70 = vector.broadcast %convert_element_type3A_69 : f32 to vector<512x256xf32>
      %add3A_71 = arith.addf %convert_element_type3A_9, %add3A_70 : vector<512x256xf32>
      %eq3A = vector.broadcast %get3A_68 : vector<512x1xi32> to vector<512x256xi32>
      %eq3A_72 = vector.broadcast %get3A_6 : vector<1x256xi32> to vector<512x256xi32>
      %eq3A_73 = arith.cmpi eq, %eq3A, %eq3A_72 : vector<512x256xi32>
      %broadcast_in_dim3A_74 = vector.broadcast %while3A : f32 to vector<512x256xf32>
      %select_n3A = arith.select %eq3A_73, %add3A_65, %broadcast_in_dim3A_74 : vector<512x256xi1>, vector<512x256xf32>
      %broadcast_in_dim3A_75 = vector.broadcast %while3A : f32 to vector<8x256xf32>
      %broadcast_in_dim3A_76 = vector.broadcast %while3A : f32 to vector<8x256xf32>
      %reduce_min3A = arith.constant dense<0x7F800000> : vector<256xf32>
      %reduce_min3A_77 = vector.multi_reduction <minimumf>, %select_n3A, %reduce_min3A [0] : vector<512x256xf32> to vector<256xf32>
      %broadcast_in_dim3A_78 = vector.shape_cast %reduce_min3A_77 : vector<256xf32> to vector<1x256xf32>
      %eq3A_79 = vector.broadcast %broadcast_in_dim3A_78 : vector<1x256xf32> to vector<512x256xf32>
      %eq3A_80 = arith.cmpf oeq, %select_n3A, %eq3A_79 : vector<512x256xf32>
      %jit3A = arith.constant 0x7F800000 : f32
      %broadcast_in_dim3A_81 = vector.broadcast %jit3A : f32 to vector<512x256xf32>
      %select_n3A_82 = arith.select %eq3A_80, %add3A_71, %broadcast_in_dim3A_81 : vector<512x256xi1>, vector<512x256xf32>
      %reduce_min3A_83 = arith.constant dense<0x7F800000> : vector<256xf32>
      %reduce_min3A_84 = vector.multi_reduction <minimumf>, %select_n3A_82, %reduce_min3A_83 [0] : vector<512x256xf32> to vector<256xf32>
      %broadcast_in_dim3A_85 = vector.shape_cast %reduce_min3A_84 : vector<256xf32> to vector<1x256xf32>
      %eq3A_86 = vector.broadcast %broadcast_in_dim3A_85 : vector<1x256xf32> to vector<512x256xf32>
      %eq3A_87 = arith.cmpf oeq, %select_n3A_82, %eq3A_86 : vector<512x256xf32>
      %jit3A_88 = arith.constant 0x7F800000 : f32
      %broadcast_in_dim3A_89 = vector.broadcast %jit3A_88 : f32 to vector<512x256xf32>
      %select_n3A_90 = arith.select %eq3A_87, %broadcast_in_dim3A_89, %select_n3A : vector<512x256xi1>, vector<512x256xf32>
      %eq3A_91 = arith.constant 0 : i32
      %eq3A_92 = vector.broadcast %eq3A_91 : i32 to vector<8x256xi32>
      %eq3A_93 = arith.cmpi eq, %iota3A, %eq3A_92 : vector<8x256xi32>
      %broadcast_in_dim3A_94 = vector.shape_cast %broadcast_in_dim3A_78 : vector<1x256xf32> to vector<1x256xf32>
      %broadcast_in_dim3A_95 = vector.broadcast %broadcast_in_dim3A_94 : vector<1x256xf32> to vector<8x256xf32>
      %select_n3A_96 = arith.select %eq3A_93, %broadcast_in_dim3A_95, %broadcast_in_dim3A_75 : vector<8x256xi1>, vector<8x256xf32>
      %eq3A_97 = arith.constant 0 : i32
      %eq3A_98 = vector.broadcast %eq3A_97 : i32 to vector<8x256xi32>
      %eq3A_99 = arith.cmpi eq, %iota3A, %eq3A_98 : vector<8x256xi32>
      %broadcast_in_dim3A_100 = vector.shape_cast %broadcast_in_dim3A_85 : vector<1x256xf32> to vector<1x256xf32>
      %broadcast_in_dim3A_101 = vector.broadcast %broadcast_in_dim3A_100 : vector<1x256xf32> to vector<8x256xf32>
      %select_n3A_102 = arith.select %eq3A_99, %broadcast_in_dim3A_101, %broadcast_in_dim3A_76 : vector<8x256xi1>, vector<8x256xf32>
      %reduce_min3A_103 = arith.constant dense<0x7F800000> : vector<256xf32>
      %reduce_min3A_104 = vector.multi_reduction <minimumf>, %select_n3A_90, %reduce_min3A_103 [0] : vector<512x256xf32> to vector<256xf32>
      %broadcast_in_dim3A_105 = vector.shape_cast %reduce_min3A_104 : vector<256xf32> to vector<1x256xf32>
      %eq3A_106 = vector.broadcast %broadcast_in_dim3A_105 : vector<1x256xf32> to vector<512x256xf32>
      %eq3A_107 = arith.cmpf oeq, %select_n3A_90, %eq3A_106 : vector<512x256xf32>
      %jit3A_108 = arith.constant 0x7F800000 : f32
      %broadcast_in_dim3A_109 = vector.broadcast %jit3A_108 : f32 to vector<512x256xf32>
      %select_n3A_110 = arith.select %eq3A_107, %add3A_71, %broadcast_in_dim3A_109 : vector<512x256xi1>, vector<512x256xf32>
      %reduce_min3A_111 = arith.constant dense<0x7F800000> : vector<256xf32>
      %reduce_min3A_112 = vector.multi_reduction <minimumf>, %select_n3A_110, %reduce_min3A_111 [0] : vector<512x256xf32> to vector<256xf32>
      %broadcast_in_dim3A_113 = vector.shape_cast %reduce_min3A_112 : vector<256xf32> to vector<1x256xf32>
      %eq3A_114 = vector.broadcast %broadcast_in_dim3A_113 : vector<1x256xf32> to vector<512x256xf32>
      %eq3A_115 = arith.cmpf oeq, %select_n3A_110, %eq3A_114 : vector<512x256xf32>
      %jit3A_116 = arith.constant 0x7F800000 : f32
      %broadcast_in_dim3A_117 = vector.broadcast %jit3A_116 : f32 to vector<512x256xf32>
      %select_n3A_118 = arith.select %eq3A_115, %broadcast_in_dim3A_117, %select_n3A_90 : vector<512x256xi1>, vector<512x256xf32>
      %eq3A_119 = arith.constant 1 : i32
      %eq3A_120 = vector.broadcast %eq3A_119 : i32 to vector<8x256xi32>
      %eq3A_121 = arith.cmpi eq, %iota3A, %eq3A_120 : vector<8x256xi32>
      %broadcast_in_dim3A_122 = vector.shape_cast %broadcast_in_dim3A_105 : vector<1x256xf32> to vector<1x256xf32>
      %broadcast_in_dim3A_123 = vector.broadcast %broadcast_in_dim3A_122 : vector<1x256xf32> to vector<8x256xf32>
      %select_n3A_124 = arith.select %eq3A_121, %broadcast_in_dim3A_123, %select_n3A_96 : vector<8x256xi1>, vector<8x256xf32>
      %eq3A_125 = arith.constant 1 : i32
      %eq3A_126 = vector.broadcast %eq3A_125 : i32 to vector<8x256xi32>
      %eq3A_127 = arith.cmpi eq, %iota3A, %eq3A_126 : vector<8x256xi32>
      %broadcast_in_dim3A_128 = vector.shape_cast %broadcast_in_dim3A_113 : vector<1x256xf32> to vector<1x256xf32>
      %broadcast_in_dim3A_129 = vector.broadcast %broadcast_in_dim3A_128 : vector<1x256xf32> to vector<8x256xf32>
      %select_n3A_130 = arith.select %eq3A_127, %broadcast_in_dim3A_129, %select_n3A_102 : vector<8x256xi1>, vector<8x256xf32>
      %reduce_min3A_131 = arith.constant dense<0x7F800000> : vector<256xf32>
      %reduce_min3A_132 = vector.multi_reduction <minimumf>, %select_n3A_118, %reduce_min3A_131 [0] : vector<512x256xf32> to vector<256xf32>
      %broadcast_in_dim3A_133 = vector.shape_cast %reduce_min3A_132 : vector<256xf32> to vector<1x256xf32>
      %eq3A_134 = vector.broadcast %broadcast_in_dim3A_133 : vector<1x256xf32> to vector<512x256xf32>
      %eq3A_135 = arith.cmpf oeq, %select_n3A_118, %eq3A_134 : vector<512x256xf32>
      %jit3A_136 = arith.constant 0x7F800000 : f32
      %broadcast_in_dim3A_137 = vector.broadcast %jit3A_136 : f32 to vector<512x256xf32>
      %select_n3A_138 = arith.select %eq3A_135, %add3A_71, %broadcast_in_dim3A_137 : vector<512x256xi1>, vector<512x256xf32>
      %reduce_min3A_139 = arith.constant dense<0x7F800000> : vector<256xf32>
      %reduce_min3A_140 = vector.multi_reduction <minimumf>, %select_n3A_138, %reduce_min3A_139 [0] : vector<512x256xf32> to vector<256xf32>
      %broadcast_in_dim3A_141 = vector.shape_cast %reduce_min3A_140 : vector<256xf32> to vector<1x256xf32>
      %eq3A_142 = vector.broadcast %broadcast_in_dim3A_141 : vector<1x256xf32> to vector<512x256xf32>
      %eq3A_143 = arith.cmpf oeq, %select_n3A_138, %eq3A_142 : vector<512x256xf32>
      %jit3A_144 = arith.constant 0x7F800000 : f32
      %broadcast_in_dim3A_145 = vector.broadcast %jit3A_144 : f32 to vector<512x256xf32>
      %select_n3A_146 = arith.select %eq3A_143, %broadcast_in_dim3A_145, %select_n3A_118 : vector<512x256xi1>, vector<512x256xf32>
      %eq3A_147 = arith.constant 2 : i32
      %eq3A_148 = vector.broadcast %eq3A_147 : i32 to vector<8x256xi32>
      %eq3A_149 = arith.cmpi eq, %iota3A, %eq3A_148 : vector<8x256xi32>
      %broadcast_in_dim3A_150 = vector.shape_cast %broadcast_in_dim3A_133 : vector<1x256xf32> to vector<1x256xf32>
      %broadcast_in_dim3A_151 = vector.broadcast %broadcast_in_dim3A_150 : vector<1x256xf32> to vector<8x256xf32>
      %select_n3A_152 = arith.select %eq3A_149, %broadcast_in_dim3A_151, %select_n3A_124 : vector<8x256xi1>, vector<8x256xf32>
      %eq3A_153 = arith.constant 2 : i32
      %eq3A_154 = vector.broadcast %eq3A_153 : i32 to vector<8x256xi32>
      %eq3A_155 = arith.cmpi eq, %iota3A, %eq3A_154 : vector<8x256xi32>
      %broadcast_in_dim3A_156 = vector.shape_cast %broadcast_in_dim3A_141 : vector<1x256xf32> to vector<1x256xf32>
      %broadcast_in_dim3A_157 = vector.broadcast %broadcast_in_dim3A_156 : vector<1x256xf32> to vector<8x256xf32>
      %select_n3A_158 = arith.select %eq3A_155, %broadcast_in_dim3A_157, %select_n3A_130 : vector<8x256xi1>, vector<8x256xf32>
      %reduce_min3A_159 = arith.constant dense<0x7F800000> : vector<256xf32>
      %reduce_min3A_160 = vector.multi_reduction <minimumf>, %select_n3A_146, %reduce_min3A_159 [0] : vector<512x256xf32> to vector<256xf32>
      %broadcast_in_dim3A_161 = vector.shape_cast %reduce_min3A_160 : vector<256xf32> to vector<1x256xf32>
      %eq3A_162 = vector.broadcast %broadcast_in_dim3A_161 : vector<1x256xf32> to vector<512x256xf32>
      %eq3A_163 = arith.cmpf oeq, %select_n3A_146, %eq3A_162 : vector<512x256xf32>
      %jit3A_164 = arith.constant 0x7F800000 : f32
      %broadcast_in_dim3A_165 = vector.broadcast %jit3A_164 : f32 to vector<512x256xf32>
      %select_n3A_166 = arith.select %eq3A_163, %add3A_71, %broadcast_in_dim3A_165 : vector<512x256xi1>, vector<512x256xf32>
      %reduce_min3A_167 = arith.constant dense<0x7F800000> : vector<256xf32>
      %reduce_min3A_168 = vector.multi_reduction <minimumf>, %select_n3A_166, %reduce_min3A_167 [0] : vector<512x256xf32> to vector<256xf32>
      %broadcast_in_dim3A_169 = vector.shape_cast %reduce_min3A_168 : vector<256xf32> to vector<1x256xf32>
      %eq3A_170 = vector.broadcast %broadcast_in_dim3A_169 : vector<1x256xf32> to vector<512x256xf32>
      %eq3A_171 = arith.cmpf oeq, %select_n3A_166, %eq3A_170 : vector<512x256xf32>
      %jit3A_172 = arith.constant 0x7F800000 : f32
      %broadcast_in_dim3A_173 = vector.broadcast %jit3A_172 : f32 to vector<512x256xf32>
      %select_n3A_174 = arith.select %eq3A_171, %broadcast_in_dim3A_173, %select_n3A_146 : vector<512x256xi1>, vector<512x256xf32>
      %eq3A_175 = arith.constant 3 : i32
      %eq3A_176 = vector.broadcast %eq3A_175 : i32 to vector<8x256xi32>
      %eq3A_177 = arith.cmpi eq, %iota3A, %eq3A_176 : vector<8x256xi32>
      %broadcast_in_dim3A_178 = vector.shape_cast %broadcast_in_dim3A_161 : vector<1x256xf32> to vector<1x256xf32>
      %broadcast_in_dim3A_179 = vector.broadcast %broadcast_in_dim3A_178 : vector<1x256xf32> to vector<8x256xf32>
      %select_n3A_180 = arith.select %eq3A_177, %broadcast_in_dim3A_179, %select_n3A_152 : vector<8x256xi1>, vector<8x256xf32>
      %eq3A_181 = arith.constant 3 : i32
      %eq3A_182 = vector.broadcast %eq3A_181 : i32 to vector<8x256xi32>
      %eq3A_183 = arith.cmpi eq, %iota3A, %eq3A_182 : vector<8x256xi32>
      %broadcast_in_dim3A_184 = vector.shape_cast %broadcast_in_dim3A_169 : vector<1x256xf32> to vector<1x256xf32>
      %broadcast_in_dim3A_185 = vector.broadcast %broadcast_in_dim3A_184 : vector<1x256xf32> to vector<8x256xf32>
      %select_n3A_186 = arith.select %eq3A_183, %broadcast_in_dim3A_185, %select_n3A_158 : vector<8x256xi1>, vector<8x256xf32>
      %reduce_min3A_187 = arith.constant dense<0x7F800000> : vector<256xf32>
      %reduce_min3A_188 = vector.multi_reduction <minimumf>, %select_n3A_174, %reduce_min3A_187 [0] : vector<512x256xf32> to vector<256xf32>
      %broadcast_in_dim3A_189 = vector.shape_cast %reduce_min3A_188 : vector<256xf32> to vector<1x256xf32>
      %eq3A_190 = vector.broadcast %broadcast_in_dim3A_189 : vector<1x256xf32> to vector<512x256xf32>
      %eq3A_191 = arith.cmpf oeq, %select_n3A_174, %eq3A_190 : vector<512x256xf32>
      %jit3A_192 = arith.constant 0x7F800000 : f32
      %broadcast_in_dim3A_193 = vector.broadcast %jit3A_192 : f32 to vector<512x256xf32>
      %select_n3A_194 = arith.select %eq3A_191, %add3A_71, %broadcast_in_dim3A_193 : vector<512x256xi1>, vector<512x256xf32>
      %reduce_min3A_195 = arith.constant dense<0x7F800000> : vector<256xf32>
      %reduce_min3A_196 = vector.multi_reduction <minimumf>, %select_n3A_194, %reduce_min3A_195 [0] : vector<512x256xf32> to vector<256xf32>
      %broadcast_in_dim3A_197 = vector.shape_cast %reduce_min3A_196 : vector<256xf32> to vector<1x256xf32>
      %eq3A_198 = vector.broadcast %broadcast_in_dim3A_197 : vector<1x256xf32> to vector<512x256xf32>
      %eq3A_199 = arith.cmpf oeq, %select_n3A_194, %eq3A_198 : vector<512x256xf32>
      %jit3A_200 = arith.constant 0x7F800000 : f32
      %broadcast_in_dim3A_201 = vector.broadcast %jit3A_200 : f32 to vector<512x256xf32>
      %select_n3A_202 = arith.select %eq3A_199, %broadcast_in_dim3A_201, %select_n3A_174 : vector<512x256xi1>, vector<512x256xf32>
      %eq3A_203 = arith.constant 4 : i32
      %eq3A_204 = vector.broadcast %eq3A_203 : i32 to vector<8x256xi32>
      %eq3A_205 = arith.cmpi eq, %iota3A, %eq3A_204 : vector<8x256xi32>
      %broadcast_in_dim3A_206 = vector.shape_cast %broadcast_in_dim3A_189 : vector<1x256xf32> to vector<1x256xf32>
      %broadcast_in_dim3A_207 = vector.broadcast %broadcast_in_dim3A_206 : vector<1x256xf32> to vector<8x256xf32>
      %select_n3A_208 = arith.select %eq3A_205, %broadcast_in_dim3A_207, %select_n3A_180 : vector<8x256xi1>, vector<8x256xf32>
      %eq3A_209 = arith.constant 4 : i32
      %eq3A_210 = vector.broadcast %eq3A_209 : i32 to vector<8x256xi32>
      %eq3A_211 = arith.cmpi eq, %iota3A, %eq3A_210 : vector<8x256xi32>
      %broadcast_in_dim3A_212 = vector.shape_cast %broadcast_in_dim3A_197 : vector<1x256xf32> to vector<1x256xf32>
      %broadcast_in_dim3A_213 = vector.broadcast %broadcast_in_dim3A_212 : vector<1x256xf32> to vector<8x256xf32>
      %select_n3A_214 = arith.select %eq3A_211, %broadcast_in_dim3A_213, %select_n3A_186 : vector<8x256xi1>, vector<8x256xf32>
      %concatenate3A_215 = tpu.concatenate %while3A_50, %select_n3A_208 in 0 : vector<8x256xf32>, vector<8x256xf32> -> vector<16x256xf32>
      %concatenate3A_216 = tpu.concatenate %while3A_51, %select_n3A_214 in 0 : vector<8x256xf32>, vector<8x256xf32> -> vector<16x256xf32>
      %broadcast_in_dim3A_217 = vector.broadcast %while3A : f32 to vector<8x256xf32>
      %broadcast_in_dim3A_218 = vector.broadcast %while3A : f32 to vector<8x256xf32>
      %reduce_min3A_219 = arith.constant dense<0x7F800000> : vector<256xf32>
      %reduce_min3A_220 = vector.multi_reduction <minimumf>, %concatenate3A_215, %reduce_min3A_219 [0] : vector<16x256xf32> to vector<256xf32>
      %broadcast_in_dim3A_221 = vector.shape_cast %reduce_min3A_220 : vector<256xf32> to vector<1x256xf32>
      %eq3A_222 = vector.broadcast %broadcast_in_dim3A_221 : vector<1x256xf32> to vector<16x256xf32>
      %eq3A_223 = arith.cmpf oeq, %concatenate3A_215, %eq3A_222 : vector<16x256xf32>
      %jit3A_224 = arith.constant 0x7F800000 : f32
      %broadcast_in_dim3A_225 = vector.broadcast %jit3A_224 : f32 to vector<16x256xf32>
      %select_n3A_226 = arith.select %eq3A_223, %concatenate3A_216, %broadcast_in_dim3A_225 : vector<16x256xi1>, vector<16x256xf32>
      %reduce_min3A_227 = arith.constant dense<0x7F800000> : vector<256xf32>
      %reduce_min3A_228 = vector.multi_reduction <minimumf>, %select_n3A_226, %reduce_min3A_227 [0] : vector<16x256xf32> to vector<256xf32>
      %broadcast_in_dim3A_229 = vector.shape_cast %reduce_min3A_228 : vector<256xf32> to vector<1x256xf32>
      %eq3A_230 = vector.broadcast %broadcast_in_dim3A_229 : vector<1x256xf32> to vector<16x256xf32>
      %eq3A_231 = arith.cmpf oeq, %select_n3A_226, %eq3A_230 : vector<16x256xf32>
      %jit3A_232 = arith.constant 0x7F800000 : f32
      %broadcast_in_dim3A_233 = vector.broadcast %jit3A_232 : f32 to vector<16x256xf32>
      %select_n3A_234 = arith.select %eq3A_231, %broadcast_in_dim3A_233, %concatenate3A_215 : vector<16x256xi1>, vector<16x256xf32>
      %eq3A_235 = arith.constant 0 : i32
      %eq3A_236 = vector.broadcast %eq3A_235 : i32 to vector<8x256xi32>
      %eq3A_237 = arith.cmpi eq, %iota3A, %eq3A_236 : vector<8x256xi32>
      %broadcast_in_dim3A_238 = vector.shape_cast %broadcast_in_dim3A_221 : vector<1x256xf32> to vector<1x256xf32>
      %broadcast_in_dim3A_239 = vector.broadcast %broadcast_in_dim3A_238 : vector<1x256xf32> to vector<8x256xf32>
      %select_n3A_240 = arith.select %eq3A_237, %broadcast_in_dim3A_239, %broadcast_in_dim3A_217 : vector<8x256xi1>, vector<8x256xf32>
      %eq3A_241 = arith.constant 0 : i32
      %eq3A_242 = vector.broadcast %eq3A_241 : i32 to vector<8x256xi32>
      %eq3A_243 = arith.cmpi eq, %iota3A, %eq3A_242 : vector<8x256xi32>
      %broadcast_in_dim3A_244 = vector.shape_cast %broadcast_in_dim3A_229 : vector<1x256xf32> to vector<1x256xf32>
      %broadcast_in_dim3A_245 = vector.broadcast %broadcast_in_dim3A_244 : vector<1x256xf32> to vector<8x256xf32>
      %select_n3A_246 = arith.select %eq3A_243, %broadcast_in_dim3A_245, %broadcast_in_dim3A_218 : vector<8x256xi1>, vector<8x256xf32>
      %reduce_min3A_247 = arith.constant dense<0x7F800000> : vector<256xf32>
      %reduce_min3A_248 = vector.multi_reduction <minimumf>, %select_n3A_234, %reduce_min3A_247 [0] : vector<16x256xf32> to vector<256xf32>
      %broadcast_in_dim3A_249 = vector.shape_cast %reduce_min3A_248 : vector<256xf32> to vector<1x256xf32>
      %eq3A_250 = vector.broadcast %broadcast_in_dim3A_249 : vector<1x256xf32> to vector<16x256xf32>
      %eq3A_251 = arith.cmpf oeq, %select_n3A_234, %eq3A_250 : vector<16x256xf32>
      %jit3A_252 = arith.constant 0x7F800000 : f32
      %broadcast_in_dim3A_253 = vector.broadcast %jit3A_252 : f32 to vector<16x256xf32>
      %select_n3A_254 = arith.select %eq3A_251, %concatenate3A_216, %broadcast_in_dim3A_253 : vector<16x256xi1>, vector<16x256xf32>
      %reduce_min3A_255 = arith.constant dense<0x7F800000> : vector<256xf32>
      %reduce_min3A_256 = vector.multi_reduction <minimumf>, %select_n3A_254, %reduce_min3A_255 [0] : vector<16x256xf32> to vector<256xf32>
      %broadcast_in_dim3A_257 = vector.shape_cast %reduce_min3A_256 : vector<256xf32> to vector<1x256xf32>
      %eq3A_258 = vector.broadcast %broadcast_in_dim3A_257 : vector<1x256xf32> to vector<16x256xf32>
      %eq3A_259 = arith.cmpf oeq, %select_n3A_254, %eq3A_258 : vector<16x256xf32>
      %jit3A_260 = arith.constant 0x7F800000 : f32
      %broadcast_in_dim3A_261 = vector.broadcast %jit3A_260 : f32 to vector<16x256xf32>
      %select_n3A_262 = arith.select %eq3A_259, %broadcast_in_dim3A_261, %select_n3A_234 : vector<16x256xi1>, vector<16x256xf32>
      %eq3A_263 = arith.constant 1 : i32
      %eq3A_264 = vector.broadcast %eq3A_263 : i32 to vector<8x256xi32>
      %eq3A_265 = arith.cmpi eq, %iota3A, %eq3A_264 : vector<8x256xi32>
      %broadcast_in_dim3A_266 = vector.shape_cast %broadcast_in_dim3A_249 : vector<1x256xf32> to vector<1x256xf32>
      %broadcast_in_dim3A_267 = vector.broadcast %broadcast_in_dim3A_266 : vector<1x256xf32> to vector<8x256xf32>
      %select_n3A_268 = arith.select %eq3A_265, %broadcast_in_dim3A_267, %select_n3A_240 : vector<8x256xi1>, vector<8x256xf32>
      %eq3A_269 = arith.constant 1 : i32
      %eq3A_270 = vector.broadcast %eq3A_269 : i32 to vector<8x256xi32>
      %eq3A_271 = arith.cmpi eq, %iota3A, %eq3A_270 : vector<8x256xi32>
      %broadcast_in_dim3A_272 = vector.shape_cast %broadcast_in_dim3A_257 : vector<1x256xf32> to vector<1x256xf32>
      %broadcast_in_dim3A_273 = vector.broadcast %broadcast_in_dim3A_272 : vector<1x256xf32> to vector<8x256xf32>
      %select_n3A_274 = arith.select %eq3A_271, %broadcast_in_dim3A_273, %select_n3A_246 : vector<8x256xi1>, vector<8x256xf32>
      %reduce_min3A_275 = arith.constant dense<0x7F800000> : vector<256xf32>
      %reduce_min3A_276 = vector.multi_reduction <minimumf>, %select_n3A_262, %reduce_min3A_275 [0] : vector<16x256xf32> to vector<256xf32>
      %broadcast_in_dim3A_277 = vector.shape_cast %reduce_min3A_276 : vector<256xf32> to vector<1x256xf32>
      %eq3A_278 = vector.broadcast %broadcast_in_dim3A_277 : vector<1x256xf32> to vector<16x256xf32>
      %eq3A_279 = arith.cmpf oeq, %select_n3A_262, %eq3A_278 : vector<16x256xf32>
      %jit3A_280 = arith.constant 0x7F800000 : f32
      %broadcast_in_dim3A_281 = vector.broadcast %jit3A_280 : f32 to vector<16x256xf32>
      %select_n3A_282 = arith.select %eq3A_279, %concatenate3A_216, %broadcast_in_dim3A_281 : vector<16x256xi1>, vector<16x256xf32>
      %reduce_min3A_283 = arith.constant dense<0x7F800000> : vector<256xf32>
      %reduce_min3A_284 = vector.multi_reduction <minimumf>, %select_n3A_282, %reduce_min3A_283 [0] : vector<16x256xf32> to vector<256xf32>
      %broadcast_in_dim3A_285 = vector.shape_cast %reduce_min3A_284 : vector<256xf32> to vector<1x256xf32>
      %eq3A_286 = vector.broadcast %broadcast_in_dim3A_285 : vector<1x256xf32> to vector<16x256xf32>
      %eq3A_287 = arith.cmpf oeq, %select_n3A_282, %eq3A_286 : vector<16x256xf32>
      %jit3A_288 = arith.constant 0x7F800000 : f32
      %broadcast_in_dim3A_289 = vector.broadcast %jit3A_288 : f32 to vector<16x256xf32>
      %select_n3A_290 = arith.select %eq3A_287, %broadcast_in_dim3A_289, %select_n3A_262 : vector<16x256xi1>, vector<16x256xf32>
      %eq3A_291 = arith.constant 2 : i32
      %eq3A_292 = vector.broadcast %eq3A_291 : i32 to vector<8x256xi32>
      %eq3A_293 = arith.cmpi eq, %iota3A, %eq3A_292 : vector<8x256xi32>
      %broadcast_in_dim3A_294 = vector.shape_cast %broadcast_in_dim3A_277 : vector<1x256xf32> to vector<1x256xf32>
      %broadcast_in_dim3A_295 = vector.broadcast %broadcast_in_dim3A_294 : vector<1x256xf32> to vector<8x256xf32>
      %select_n3A_296 = arith.select %eq3A_293, %broadcast_in_dim3A_295, %select_n3A_268 : vector<8x256xi1>, vector<8x256xf32>
      %eq3A_297 = arith.constant 2 : i32
      %eq3A_298 = vector.broadcast %eq3A_297 : i32 to vector<8x256xi32>
      %eq3A_299 = arith.cmpi eq, %iota3A, %eq3A_298 : vector<8x256xi32>
      %broadcast_in_dim3A_300 = vector.shape_cast %broadcast_in_dim3A_285 : vector<1x256xf32> to vector<1x256xf32>
      %broadcast_in_dim3A_301 = vector.broadcast %broadcast_in_dim3A_300 : vector<1x256xf32> to vector<8x256xf32>
      %select_n3A_302 = arith.select %eq3A_299, %broadcast_in_dim3A_301, %select_n3A_274 : vector<8x256xi1>, vector<8x256xf32>
      %reduce_min3A_303 = arith.constant dense<0x7F800000> : vector<256xf32>
      %reduce_min3A_304 = vector.multi_reduction <minimumf>, %select_n3A_290, %reduce_min3A_303 [0] : vector<16x256xf32> to vector<256xf32>
      %broadcast_in_dim3A_305 = vector.shape_cast %reduce_min3A_304 : vector<256xf32> to vector<1x256xf32>
      %eq3A_306 = vector.broadcast %broadcast_in_dim3A_305 : vector<1x256xf32> to vector<16x256xf32>
      %eq3A_307 = arith.cmpf oeq, %select_n3A_290, %eq3A_306 : vector<16x256xf32>
      %jit3A_308 = arith.constant 0x7F800000 : f32
      %broadcast_in_dim3A_309 = vector.broadcast %jit3A_308 : f32 to vector<16x256xf32>
      %select_n3A_310 = arith.select %eq3A_307, %concatenate3A_216, %broadcast_in_dim3A_309 : vector<16x256xi1>, vector<16x256xf32>
      %reduce_min3A_311 = arith.constant dense<0x7F800000> : vector<256xf32>
      %reduce_min3A_312 = vector.multi_reduction <minimumf>, %select_n3A_310, %reduce_min3A_311 [0] : vector<16x256xf32> to vector<256xf32>
      %broadcast_in_dim3A_313 = vector.shape_cast %reduce_min3A_312 : vector<256xf32> to vector<1x256xf32>
      %eq3A_314 = vector.broadcast %broadcast_in_dim3A_313 : vector<1x256xf32> to vector<16x256xf32>
      %eq3A_315 = arith.cmpf oeq, %select_n3A_310, %eq3A_314 : vector<16x256xf32>
      %jit3A_316 = arith.constant 0x7F800000 : f32
      %broadcast_in_dim3A_317 = vector.broadcast %jit3A_316 : f32 to vector<16x256xf32>
      %select_n3A_318 = arith.select %eq3A_315, %broadcast_in_dim3A_317, %select_n3A_290 : vector<16x256xi1>, vector<16x256xf32>
      %eq3A_319 = arith.constant 3 : i32
      %eq3A_320 = vector.broadcast %eq3A_319 : i32 to vector<8x256xi32>
      %eq3A_321 = arith.cmpi eq, %iota3A, %eq3A_320 : vector<8x256xi32>
      %broadcast_in_dim3A_322 = vector.shape_cast %broadcast_in_dim3A_305 : vector<1x256xf32> to vector<1x256xf32>
      %broadcast_in_dim3A_323 = vector.broadcast %broadcast_in_dim3A_322 : vector<1x256xf32> to vector<8x256xf32>
      %select_n3A_324 = arith.select %eq3A_321, %broadcast_in_dim3A_323, %select_n3A_296 : vector<8x256xi1>, vector<8x256xf32>
      %eq3A_325 = arith.constant 3 : i32
      %eq3A_326 = vector.broadcast %eq3A_325 : i32 to vector<8x256xi32>
      %eq3A_327 = arith.cmpi eq, %iota3A, %eq3A_326 : vector<8x256xi32>
      %broadcast_in_dim3A_328 = vector.shape_cast %broadcast_in_dim3A_313 : vector<1x256xf32> to vector<1x256xf32>
      %broadcast_in_dim3A_329 = vector.broadcast %broadcast_in_dim3A_328 : vector<1x256xf32> to vector<8x256xf32>
      %select_n3A_330 = arith.select %eq3A_327, %broadcast_in_dim3A_329, %select_n3A_302 : vector<8x256xi1>, vector<8x256xf32>
      %reduce_min3A_331 = arith.constant dense<0x7F800000> : vector<256xf32>
      %reduce_min3A_332 = vector.multi_reduction <minimumf>, %select_n3A_318, %reduce_min3A_331 [0] : vector<16x256xf32> to vector<256xf32>
      %broadcast_in_dim3A_333 = vector.shape_cast %reduce_min3A_332 : vector<256xf32> to vector<1x256xf32>
      %eq3A_334 = vector.broadcast %broadcast_in_dim3A_333 : vector<1x256xf32> to vector<16x256xf32>
      %eq3A_335 = arith.cmpf oeq, %select_n3A_318, %eq3A_334 : vector<16x256xf32>
      %jit3A_336 = arith.constant 0x7F800000 : f32
      %broadcast_in_dim3A_337 = vector.broadcast %jit3A_336 : f32 to vector<16x256xf32>
      %select_n3A_338 = arith.select %eq3A_335, %concatenate3A_216, %broadcast_in_dim3A_337 : vector<16x256xi1>, vector<16x256xf32>
      %reduce_min3A_339 = arith.constant dense<0x7F800000> : vector<256xf32>
      %reduce_min3A_340 = vector.multi_reduction <minimumf>, %select_n3A_338, %reduce_min3A_339 [0] : vector<16x256xf32> to vector<256xf32>
      %broadcast_in_dim3A_341 = vector.shape_cast %reduce_min3A_340 : vector<256xf32> to vector<1x256xf32>
      %eq3A_342 = vector.broadcast %broadcast_in_dim3A_341 : vector<1x256xf32> to vector<16x256xf32>
      %eq3A_343 = arith.cmpf oeq, %select_n3A_338, %eq3A_342 : vector<16x256xf32>
      %jit3A_344 = arith.constant 0x7F800000 : f32
      %broadcast_in_dim3A_345 = vector.broadcast %jit3A_344 : f32 to vector<16x256xf32>
      %select_n3A_346 = arith.select %eq3A_343, %broadcast_in_dim3A_345, %select_n3A_318 : vector<16x256xi1>, vector<16x256xf32>
      %eq3A_347 = arith.constant 4 : i32
      %eq3A_348 = vector.broadcast %eq3A_347 : i32 to vector<8x256xi32>
      %eq3A_349 = arith.cmpi eq, %iota3A, %eq3A_348 : vector<8x256xi32>
      %broadcast_in_dim3A_350 = vector.shape_cast %broadcast_in_dim3A_333 : vector<1x256xf32> to vector<1x256xf32>
      %broadcast_in_dim3A_351 = vector.broadcast %broadcast_in_dim3A_350 : vector<1x256xf32> to vector<8x256xf32>
      %select_n3A_352 = arith.select %eq3A_349, %broadcast_in_dim3A_351, %select_n3A_324 : vector<8x256xi1>, vector<8x256xf32>
      %eq3A_353 = arith.constant 4 : i32
      %eq3A_354 = vector.broadcast %eq3A_353 : i32 to vector<8x256xi32>
      %eq3A_355 = arith.cmpi eq, %iota3A, %eq3A_354 : vector<8x256xi32>
      %broadcast_in_dim3A_356 = vector.shape_cast %broadcast_in_dim3A_341 : vector<1x256xf32> to vector<1x256xf32>
      %broadcast_in_dim3A_357 = vector.broadcast %broadcast_in_dim3A_356 : vector<1x256xf32> to vector<8x256xf32>
      %select_n3A_358 = arith.select %eq3A_355, %broadcast_in_dim3A_357, %select_n3A_330 : vector<8x256xi1>, vector<8x256xf32>
      scf.yield %select_n3A_352, %select_n3A_358 : vector<8x256xf32>, vector<8x256xf32>
    }
    %convert_element_type3A_25 = arith.fptosi %while3A_24#1 : vector<8x256xf32> to vector<8x256xi32>
    %swap3A = arith.constant 0 : index
    %swap3A_26 = arith.constant 0 : index
    %swap3A_27 = vector.load %arg10[%swap3A, %swap3A_26] : memref<8x256xi32, #tpu.memory_space<vmem>>, vector<8x256xi32>
    tpu.vector_store %arg10[%swap3A, %swap3A_26], %convert_element_type3A_25 {strides = array<i32>} : memref<8x256xi32, #tpu.memory_space<vmem>>, vector<8x256xi32>,
    %get3A_28 = arith.constant 0 : index
    %get3A_29 = arith.constant 0 : index
    %get3A_30 = vector.load %arg7[%get3A_28, %get3A_29] : memref<64x64xf32, #tpu.memory_space<vmem>>, vector<64x64xf32>
    %dot_general3A = arith.constant dense<0.000000e+00> : vector<256x64xf32>
    %dot_general3A_31 = tpu.matmul %get3A_1, %get3A_30, %dot_general3A {dimension_numbers = #tpu.dot_dimension_numbers<[1], [0], [0], [1], [0, 0, 1, 1], [], []>, transpose_lhs_hint = false} : vector<256x64xf32>, vector<64x64xf32>, vector<256x64xf32> -> vector<256x64xf32>
    %get3A_32 = arith.constant 0 : index
    %get3A_33 = vector.load %arg9[%get3A_32] : memref<64xf32, #tpu.memory_space<vmem>>, vector<64xf32>
    %broadcast_in_dim3A_34 = vector.shape_cast %get3A_33 : vector<64xf32> to vector<1x64xf32>
    %add3A = vector.broadcast %broadcast_in_dim3A_34 : vector<1x64xf32> to vector<256x64xf32>
    %add3A_35 = arith.addf %dot_general3A_31, %add3A : vector<256x64xf32>
    %swap3A_36 = arith.constant 0 : index
    %swap3A_37 = arith.constant 0 : index
    %swap3A_38 = vector.load %arg11[%swap3A_36, %swap3A_37] : memref<256x64xf32, #tpu.memory_space<vmem>>, vector<256x64xf32>
    tpu.vector_store %arg11[%swap3A_36, %swap3A_37], %add3A_35 {strides = array<i32>} : memref<256x64xf32, #tpu.memory_space<vmem>>, vector<256x64xf32>,
    %get3A_39 = arith.constant 0 : index
    %get3A_40 = arith.constant 0 : index
    %get3A_41 = vector.load %arg8[%get3A_39, %get3A_40] : memref<64x64xf32, #tpu.memory_space<vmem>>, vector<64x64xf32>
    %dot_general3A_42 = arith.constant dense<0.000000e+00> : vector<256x64xf32>
    %dot_general3A_43 = tpu.matmul %get3A_1, %get3A_41, %dot_general3A_42 {dimension_numbers = #tpu.dot_dimension_numbers<[1], [0], [0], [1], [0, 0, 1, 1], [], []>, transpose_lhs_hint = false} : vector<256x64xf32>, vector<64x64xf32>, vector<256x64xf32> -> vector<256x64xf32>
    %broadcast_in_dim3A_44 = arith.constant 0.000000e+00 : f32
    %broadcast_in_dim3A_45 = vector.broadcast %broadcast_in_dim3A_44 : f32 to vector<256x64xf32>
    %concatenate3A = tpu.concatenate %dot_general3A_43, %broadcast_in_dim3A_45 in 1 : vector<256x64xf32>, vector<256x64xf32> -> vector<256x128xf32>
    %swap3A_46 = arith.constant 0 : index
    %swap3A_47 = arith.constant 0 : index
    %swap3A_48 = vector.load %arg12[%swap3A_46, %swap3A_47] : memref<256x128xf32, #tpu.memory_space<vmem>>, vector<256x128xf32>
    tpu.vector_store %arg12[%swap3A_46, %swap3A_47], %concatenate3A {strides = array<i32>} : memref<256x128xf32, #tpu.memory_space<vmem>>, vector<256x128xf32>,
    return
  }
  func.func @transform_0(%arg0: i32) -> i32 {
    %c0_i32 = arith.constant 0 : i32
    %c0_i32_0 = arith.constant 0 : i32
    return %c0_i32 : i32
  }
  func.func @transform_1(%arg0: i32) -> i32 {
    %c0_i32 = arith.constant 0 : i32
    %c0_i32_0 = arith.constant 0 : i32
    return %c0_i32 : i32
  }
  func.func @transform_2(%arg0: i32) -> (i32, i32) {
    %c0_i32 = arith.constant 0 : i32
    %c0_i32_0 = arith.constant 0 : i32
    return %arg0, %c0_i32 : i32, i32
  }
  func.func @transform_3(%arg0: i32) -> (i32, i32) {
    %c0_i32 = arith.constant 0 : i32
    %c0_i32_0 = arith.constant 0 : i32
    return %c0_i32, %arg0 : i32, i32
  }
  func.func @transform_4(%arg0: i32) -> (i32, i32) {
    %c0_i32 = arith.constant 0 : i32
    %c0_i32_0 = arith.constant 0 : i32
    %c0_i32_1 = arith.constant 0 : i32
    return %c0_i32, %c0_i32_0 : i32, i32
  }
  func.func @transform_5(%arg0: i32) -> (i32, i32) {
    %c0_i32 = arith.constant 0 : i32
    %c0_i32_0 = arith.constant 0 : i32
    %c0_i32_1 = arith.constant 0 : i32
    return %c0_i32, %c0_i32_0 : i32, i32
  }
  func.func @transform_6(%arg0: i32) -> (i32, i32) {
    %c0_i32 = arith.constant 0 : i32
    %c0_i32_0 = arith.constant 0 : i32
    %c0_i32_1 = arith.constant 0 : i32
    return %c0_i32, %c0_i32_0 : i32, i32
  }
  func.func @transform_7(%arg0: i32) -> (i32, i32) {
    %c0_i32 = arith.constant 0 : i32
    %c0_i32_0 = arith.constant 0 : i32
    %c0_i32_1 = arith.constant 0 : i32
    return %c0_i32, %c0_i32_0 : i32, i32
  }
  func.func @transform_8(%arg0: i32) -> i32 {
    %c0_i32 = arith.constant 0 : i32
    %c0_i32_0 = arith.constant 0 : i32
    return %c0_i32 : i32
  }
  func.func @transform_9(%arg0: i32) -> (i32, i32) {
    %c0_i32 = arith.constant 0 : i32
    %c0_i32_0 = arith.constant 0 : i32
    return %c0_i32, %arg0 : i32, i32
  }
  func.func @transform_10(%arg0: i32) -> (i32, i32) {
    %c0_i32 = arith.constant 0 : i32
    %c0_i32_0 = arith.constant 0 : i32
    return %arg0, %c0_i32 : i32, i32
  }
  func.func @transform_11(%arg0: i32) -> (i32, i32) {
    %c0_i32 = arith.constant 0 : i32
    %c0_i32_0 = arith.constant 0 : i32
    return %arg0, %c0_i32 : i32, i32
  }
}

module attributes {stable_mosaic.version = 14 : i64} {
  func.func @_knn_ab_body(%arg0: i32, %arg1: memref<32xi32, #tpu.memory_space<smem>>, %arg2: memref<32xi32, #tpu.memory_space<smem>>, %arg3: memref<256x4xf32, #tpu.memory_space<vmem>>, %arg4: memref<1x256xi32, #tpu.memory_space<vmem>>, %arg5: memref<8192x4xf32, #tpu.memory_space<vmem>>, %arg6: memref<8192x1xi32, #tpu.memory_space<vmem>>, %arg7: memref<4x64xf32, #tpu.memory_space<vmem>>, %arg8: memref<4x64xf32, #tpu.memory_space<vmem>>, %arg9: memref<64xf32, #tpu.memory_space<vmem>>, %arg10: memref<8x256xi32, #tpu.memory_space<vmem>>, %arg11: memref<256x64xf32, #tpu.memory_space<vmem>>, %arg12: memref<256x128xf32, #tpu.memory_space<vmem>>) attributes {dimension_semantics = [#tpu.dimension_semantics<arbitrary>], iteration_bounds = array<i64: 32>, scalar_prefetch = 0 : i64, scratch_operands = 0 : i64, tpu.core_type = #tpu.core_type<tc>, window_params = [{transform_indices = @transform_0, window_bounds = array<i64: 32>}, {transform_indices = @transform_1, window_bounds = array<i64: 32>}, {transform_indices = @transform_2, window_bounds = array<i64: 256, 4>}, {transform_indices = @transform_3, window_bounds = array<i64: 1, 256>}, {pipeline_mode = #tpu.pipeline_mode<synchronous>, transform_indices = @transform_4, window_bounds = array<i64: 8192, 4>}, {pipeline_mode = #tpu.pipeline_mode<synchronous>, transform_indices = @transform_5, window_bounds = array<i64: 8192, 1>}, {pipeline_mode = #tpu.pipeline_mode<synchronous>, transform_indices = @transform_6, window_bounds = array<i64: 4, 64>}, {pipeline_mode = #tpu.pipeline_mode<synchronous>, transform_indices = @transform_7, window_bounds = array<i64: 4, 64>}, {pipeline_mode = #tpu.pipeline_mode<synchronous>, transform_indices = @transform_8, window_bounds = array<i64: 64>}, {transform_indices = @transform_9, window_bounds = array<i64: 8, 256>}, {transform_indices = @transform_10, window_bounds = array<i64: 256, 64>}, {transform_indices = @transform_11, window_bounds = array<i64: 256, 128>}]} {
    %get3A = arith.constant 0 : index
    %get3A_0 = arith.constant 0 : index
    %get3A_1 = vector.load %arg3[%get3A, %get3A_0] : memref<256x4xf32, #tpu.memory_space<vmem>>, vector<256x4xf32>
    %mul3A = arith.constant -2.000000e+00 : f32
    %mul3A_2 = vector.broadcast %mul3A : f32 to vector<256x4xf32>
    %mul3A_3 = arith.mulf %get3A_1, %mul3A_2 : vector<256x4xf32>
    %get3A_4 = arith.constant 0 : index
    %get3A_5 = arith.constant 0 : index
    %get3A_6 = vector.load %arg4[%get3A_4, %get3A_5] : memref<1x256xi32, #tpu.memory_space<vmem>>, vector<1x256xi32>
    %iota3A = tpu.iota {dimensions = array<i32: 0>} : vector<8x256xi32>
    %broadcast_in_dim3A = arith.constant 0x7F800000 : f32
    %broadcast_in_dim3A_7 = vector.broadcast %broadcast_in_dim3A : f32 to vector<8x256xf32>
    %convert_element_type3A = arith.sitofp %iota3A : vector<8x256xi32> to vector<8x256xf32>
    %iota3A_8 = tpu.iota {dimensions = array<i32: 0>} : vector<512x256xi32>
    %convert_element_type3A_9 = arith.sitofp %iota3A_8 : vector<512x256xi32> to vector<512x256xf32>
    %get3A_10 = arith.index_cast %arg0 : i32 to index
    %get3A_11 = memref.load %arg1[%get3A_10] : memref<32xi32, #tpu.memory_space<smem>>
    %get3A_12 = arith.index_cast %arg0 : i32 to index
    %get3A_13 = memref.load %arg2[%get3A_12] : memref<32xi32, #tpu.memory_space<smem>>
    %while3A = arith.constant 0x7F800000 : f32
    %while3A_14 = arith.constant 0 : i32
    %while3A_15 = arith.subi %get3A_13, %while3A_14 : i32
    %while3A_16 = arith.addi %while3A_14, %while3A_15 : i32
    %while3A_17 = arith.constant 1 : i32
    %while3A_18 = arith.divsi %while3A_15, %while3A_17 : i32
    %while3A_19 = arith.muli %while3A_18, %while3A_17 : i32
    %while3A_20 = arith.addi %while3A_14, %while3A_19 : i32
    %while3A_21 = arith.constant 1 : i32
    %while3A_22:2 = scf.for %while3A_49 = %while3A_14 to %while3A_20 step %while3A_21 iter_args(%while3A_50 = %broadcast_in_dim3A_7, %while3A_51 = %convert_element_type3A) -> (vector<8x256xf32>, vector<8x256xf32>)  : i32 {
      %mul3A_52 = arith.constant 512 : i32
      %mul3A_53 = arith.muli %while3A_49, %mul3A_52 : i32
      %add3A_54 = arith.addi %get3A_11, %mul3A_53 : i32
      %min3A = arith.constant 7680 : i32
      %min3A_55 = arith.minsi %add3A_54, %min3A : i32
      %multiple_of3A = tpu.assume_multiple %min3A_55, 8 : i32
      %get3A_56 = arith.index_cast %multiple_of3A : i32 to index
      %get3A_57 = arith.constant 0 : index
      %get3A_58 = vector.load %arg5[%get3A_56, %get3A_57] : memref<8192x4xf32, #tpu.memory_space<vmem>>, vector<512x4xf32>
      %mul3A_59 = arith.mulf %get3A_58, %get3A_58 : vector<512x4xf32>
      %reduce_sum3A = arith.constant dense<0.000000e+00> : vector<512xf32>
      %reduce_sum3A_60 = vector.multi_reduction <add>, %mul3A_59, %reduce_sum3A [1] : vector<512x4xf32> to vector<512xf32>
      %broadcast_in_dim3A_61 = vector.shape_cast %reduce_sum3A_60 : vector<512xf32> to vector<512x1xf32>
      %dot_general3A_62 = arith.constant dense<0.000000e+00> : vector<512x256xf32>
      %dot_general3A_63 = tpu.matmul %get3A_58, %mul3A_3, %dot_general3A_62 {dimension_numbers = #tpu.dot_dimension_numbers<[1], [1], [0], [0], [0, 0, 1, 0], [], []>, transpose_lhs_hint = false} : vector<512x4xf32>, vector<256x4xf32>, vector<512x256xf32> -> vector<512x256xf32>
      %add3A_64 = vector.broadcast %broadcast_in_dim3A_61 : vector<512x1xf32> to vector<512x256xf32>
      %add3A_65 = arith.addf %dot_general3A_63, %add3A_64 : vector<512x256xf32>
      %get3A_66 = arith.index_cast %multiple_of3A : i32 to index
      %get3A_67 = arith.constant 0 : index
      %get3A_68 = vector.load %arg6[%get3A_66, %get3A_67] : memref<8192x1xi32, #tpu.memory_space<vmem>>, vector<512x1xi32>
      %convert_element_type3A_69 = arith.sitofp %multiple_of3A : i32 to f32
      %add3A_70 = vector.broadcast %convert_element_type3A_69 : f32 to vector<512x256xf32>
      %add3A_71 = arith.addf %convert_element_type3A_9, %add3A_70 : vector<512x256xf32>
      %eq3A = vector.broadcast %get3A_68 : vector<512x1xi32> to vector<512x256xi32>
      %eq3A_72 = vector.broadcast %get3A_6 : vector<1x256xi32> to vector<512x256xi32>
      %eq3A_73 = arith.cmpi eq, %eq3A, %eq3A_72 : vector<512x256xi32>
      %broadcast_in_dim3A_74 = vector.broadcast %while3A : f32 to vector<512x256xf32>
      %select_n3A = arith.select %eq3A_73, %add3A_65, %broadcast_in_dim3A_74 : vector<512x256xi1>, vector<512x256xf32>
      %broadcast_in_dim3A_75 = vector.broadcast %while3A : f32 to vector<8x256xf32>
      %broadcast_in_dim3A_76 = vector.broadcast %while3A : f32 to vector<8x256xf32>
      %reduce_min3A = arith.constant dense<0x7F800000> : vector<256xf32>
      %reduce_min3A_77 = vector.multi_reduction <minimumf>, %select_n3A, %reduce_min3A [0] : vector<512x256xf32> to vector<256xf32>
      %broadcast_in_dim3A_78 = vector.shape_cast %reduce_min3A_77 : vector<256xf32> to vector<1x256xf32>
      %eq3A_79 = vector.broadcast %broadcast_in_dim3A_78 : vector<1x256xf32> to vector<512x256xf32>
      %eq3A_80 = arith.cmpf oeq, %select_n3A, %eq3A_79 : vector<512x256xf32>
      %jit3A = arith.constant 0x7F800000 : f32
      %broadcast_in_dim3A_81 = vector.broadcast %jit3A : f32 to vector<512x256xf32>
      %select_n3A_82 = arith.select %eq3A_80, %add3A_71, %broadcast_in_dim3A_81 : vector<512x256xi1>, vector<512x256xf32>
      %reduce_min3A_83 = arith.constant dense<0x7F800000> : vector<256xf32>
      %reduce_min3A_84 = vector.multi_reduction <minimumf>, %select_n3A_82, %reduce_min3A_83 [0] : vector<512x256xf32> to vector<256xf32>
      %broadcast_in_dim3A_85 = vector.shape_cast %reduce_min3A_84 : vector<256xf32> to vector<1x256xf32>
      %eq3A_86 = vector.broadcast %broadcast_in_dim3A_85 : vector<1x256xf32> to vector<512x256xf32>
      %eq3A_87 = arith.cmpf oeq, %select_n3A_82, %eq3A_86 : vector<512x256xf32>
      %jit3A_88 = arith.constant 0x7F800000 : f32
      %broadcast_in_dim3A_89 = vector.broadcast %jit3A_88 : f32 to vector<512x256xf32>
      %select_n3A_90 = arith.select %eq3A_87, %broadcast_in_dim3A_89, %select_n3A : vector<512x256xi1>, vector<512x256xf32>
      %eq3A_91 = arith.constant 0 : i32
      %eq3A_92 = vector.broadcast %eq3A_91 : i32 to vector<8x256xi32>
      %eq3A_93 = arith.cmpi eq, %iota3A, %eq3A_92 : vector<8x256xi32>
      %broadcast_in_dim3A_94 = vector.shape_cast %broadcast_in_dim3A_78 : vector<1x256xf32> to vector<1x256xf32>
      %broadcast_in_dim3A_95 = vector.broadcast %broadcast_in_dim3A_94 : vector<1x256xf32> to vector<8x256xf32>
      %select_n3A_96 = arith.select %eq3A_93, %broadcast_in_dim3A_95, %broadcast_in_dim3A_75 : vector<8x256xi1>, vector<8x256xf32>
      %eq3A_97 = arith.constant 0 : i32
      %eq3A_98 = vector.broadcast %eq3A_97 : i32 to vector<8x256xi32>
      %eq3A_99 = arith.cmpi eq, %iota3A, %eq3A_98 : vector<8x256xi32>
      %broadcast_in_dim3A_100 = vector.shape_cast %broadcast_in_dim3A_85 : vector<1x256xf32> to vector<1x256xf32>
      %broadcast_in_dim3A_101 = vector.broadcast %broadcast_in_dim3A_100 : vector<1x256xf32> to vector<8x256xf32>
      %select_n3A_102 = arith.select %eq3A_99, %broadcast_in_dim3A_101, %broadcast_in_dim3A_76 : vector<8x256xi1>, vector<8x256xf32>
      %reduce_min3A_103 = arith.constant dense<0x7F800000> : vector<256xf32>
      %reduce_min3A_104 = vector.multi_reduction <minimumf>, %select_n3A_90, %reduce_min3A_103 [0] : vector<512x256xf32> to vector<256xf32>
      %broadcast_in_dim3A_105 = vector.shape_cast %reduce_min3A_104 : vector<256xf32> to vector<1x256xf32>
      %eq3A_106 = vector.broadcast %broadcast_in_dim3A_105 : vector<1x256xf32> to vector<512x256xf32>
      %eq3A_107 = arith.cmpf oeq, %select_n3A_90, %eq3A_106 : vector<512x256xf32>
      %jit3A_108 = arith.constant 0x7F800000 : f32
      %broadcast_in_dim3A_109 = vector.broadcast %jit3A_108 : f32 to vector<512x256xf32>
      %select_n3A_110 = arith.select %eq3A_107, %add3A_71, %broadcast_in_dim3A_109 : vector<512x256xi1>, vector<512x256xf32>
      %reduce_min3A_111 = arith.constant dense<0x7F800000> : vector<256xf32>
      %reduce_min3A_112 = vector.multi_reduction <minimumf>, %select_n3A_110, %reduce_min3A_111 [0] : vector<512x256xf32> to vector<256xf32>
      %broadcast_in_dim3A_113 = vector.shape_cast %reduce_min3A_112 : vector<256xf32> to vector<1x256xf32>
      %eq3A_114 = vector.broadcast %broadcast_in_dim3A_113 : vector<1x256xf32> to vector<512x256xf32>
      %eq3A_115 = arith.cmpf oeq, %select_n3A_110, %eq3A_114 : vector<512x256xf32>
      %jit3A_116 = arith.constant 0x7F800000 : f32
      %broadcast_in_dim3A_117 = vector.broadcast %jit3A_116 : f32 to vector<512x256xf32>
      %select_n3A_118 = arith.select %eq3A_115, %broadcast_in_dim3A_117, %select_n3A_90 : vector<512x256xi1>, vector<512x256xf32>
      %eq3A_119 = arith.constant 1 : i32
      %eq3A_120 = vector.broadcast %eq3A_119 : i32 to vector<8x256xi32>
      %eq3A_121 = arith.cmpi eq, %iota3A, %eq3A_120 : vector<8x256xi32>
      %broadcast_in_dim3A_122 = vector.shape_cast %broadcast_in_dim3A_105 : vector<1x256xf32> to vector<1x256xf32>
      %broadcast_in_dim3A_123 = vector.broadcast %broadcast_in_dim3A_122 : vector<1x256xf32> to vector<8x256xf32>
      %select_n3A_124 = arith.select %eq3A_121, %broadcast_in_dim3A_123, %select_n3A_96 : vector<8x256xi1>, vector<8x256xf32>
      %eq3A_125 = arith.constant 1 : i32
      %eq3A_126 = vector.broadcast %eq3A_125 : i32 to vector<8x256xi32>
      %eq3A_127 = arith.cmpi eq, %iota3A, %eq3A_126 : vector<8x256xi32>
      %broadcast_in_dim3A_128 = vector.shape_cast %broadcast_in_dim3A_113 : vector<1x256xf32> to vector<1x256xf32>
      %broadcast_in_dim3A_129 = vector.broadcast %broadcast_in_dim3A_128 : vector<1x256xf32> to vector<8x256xf32>
      %select_n3A_130 = arith.select %eq3A_127, %broadcast_in_dim3A_129, %select_n3A_102 : vector<8x256xi1>, vector<8x256xf32>
      %reduce_min3A_131 = arith.constant dense<0x7F800000> : vector<256xf32>
      %reduce_min3A_132 = vector.multi_reduction <minimumf>, %select_n3A_118, %reduce_min3A_131 [0] : vector<512x256xf32> to vector<256xf32>
      %broadcast_in_dim3A_133 = vector.shape_cast %reduce_min3A_132 : vector<256xf32> to vector<1x256xf32>
      %eq3A_134 = vector.broadcast %broadcast_in_dim3A_133 : vector<1x256xf32> to vector<512x256xf32>
      %eq3A_135 = arith.cmpf oeq, %select_n3A_118, %eq3A_134 : vector<512x256xf32>
      %jit3A_136 = arith.constant 0x7F800000 : f32
      %broadcast_in_dim3A_137 = vector.broadcast %jit3A_136 : f32 to vector<512x256xf32>
      %select_n3A_138 = arith.select %eq3A_135, %add3A_71, %broadcast_in_dim3A_137 : vector<512x256xi1>, vector<512x256xf32>
      %reduce_min3A_139 = arith.constant dense<0x7F800000> : vector<256xf32>
      %reduce_min3A_140 = vector.multi_reduction <minimumf>, %select_n3A_138, %reduce_min3A_139 [0] : vector<512x256xf32> to vector<256xf32>
      %broadcast_in_dim3A_141 = vector.shape_cast %reduce_min3A_140 : vector<256xf32> to vector<1x256xf32>
      %eq3A_142 = vector.broadcast %broadcast_in_dim3A_141 : vector<1x256xf32> to vector<512x256xf32>
      %eq3A_143 = arith.cmpf oeq, %select_n3A_138, %eq3A_142 : vector<512x256xf32>
      %jit3A_144 = arith.constant 0x7F800000 : f32
      %broadcast_in_dim3A_145 = vector.broadcast %jit3A_144 : f32 to vector<512x256xf32>
      %select_n3A_146 = arith.select %eq3A_143, %broadcast_in_dim3A_145, %select_n3A_118 : vector<512x256xi1>, vector<512x256xf32>
      %eq3A_147 = arith.constant 2 : i32
      %eq3A_148 = vector.broadcast %eq3A_147 : i32 to vector<8x256xi32>
      %eq3A_149 = arith.cmpi eq, %iota3A, %eq3A_148 : vector<8x256xi32>
      %broadcast_in_dim3A_150 = vector.shape_cast %broadcast_in_dim3A_133 : vector<1x256xf32> to vector<1x256xf32>
      %broadcast_in_dim3A_151 = vector.broadcast %broadcast_in_dim3A_150 : vector<1x256xf32> to vector<8x256xf32>
      %select_n3A_152 = arith.select %eq3A_149, %broadcast_in_dim3A_151, %select_n3A_124 : vector<8x256xi1>, vector<8x256xf32>
      %eq3A_153 = arith.constant 2 : i32
      %eq3A_154 = vector.broadcast %eq3A_153 : i32 to vector<8x256xi32>
      %eq3A_155 = arith.cmpi eq, %iota3A, %eq3A_154 : vector<8x256xi32>
      %broadcast_in_dim3A_156 = vector.shape_cast %broadcast_in_dim3A_141 : vector<1x256xf32> to vector<1x256xf32>
      %broadcast_in_dim3A_157 = vector.broadcast %broadcast_in_dim3A_156 : vector<1x256xf32> to vector<8x256xf32>
      %select_n3A_158 = arith.select %eq3A_155, %broadcast_in_dim3A_157, %select_n3A_130 : vector<8x256xi1>, vector<8x256xf32>
      %reduce_min3A_159 = arith.constant dense<0x7F800000> : vector<256xf32>
      %reduce_min3A_160 = vector.multi_reduction <minimumf>, %select_n3A_146, %reduce_min3A_159 [0] : vector<512x256xf32> to vector<256xf32>
      %broadcast_in_dim3A_161 = vector.shape_cast %reduce_min3A_160 : vector<256xf32> to vector<1x256xf32>
      %eq3A_162 = vector.broadcast %broadcast_in_dim3A_161 : vector<1x256xf32> to vector<512x256xf32>
      %eq3A_163 = arith.cmpf oeq, %select_n3A_146, %eq3A_162 : vector<512x256xf32>
      %jit3A_164 = arith.constant 0x7F800000 : f32
      %broadcast_in_dim3A_165 = vector.broadcast %jit3A_164 : f32 to vector<512x256xf32>
      %select_n3A_166 = arith.select %eq3A_163, %add3A_71, %broadcast_in_dim3A_165 : vector<512x256xi1>, vector<512x256xf32>
      %reduce_min3A_167 = arith.constant dense<0x7F800000> : vector<256xf32>
      %reduce_min3A_168 = vector.multi_reduction <minimumf>, %select_n3A_166, %reduce_min3A_167 [0] : vector<512x256xf32> to vector<256xf32>
      %broadcast_in_dim3A_169 = vector.shape_cast %reduce_min3A_168 : vector<256xf32> to vector<1x256xf32>
      %eq3A_170 = vector.broadcast %broadcast_in_dim3A_169 : vector<1x256xf32> to vector<512x256xf32>
      %eq3A_171 = arith.cmpf oeq, %select_n3A_166, %eq3A_170 : vector<512x256xf32>
      %jit3A_172 = arith.constant 0x7F800000 : f32
      %broadcast_in_dim3A_173 = vector.broadcast %jit3A_172 : f32 to vector<512x256xf32>
      %select_n3A_174 = arith.select %eq3A_171, %broadcast_in_dim3A_173, %select_n3A_146 : vector<512x256xi1>, vector<512x256xf32>
      %eq3A_175 = arith.constant 3 : i32
      %eq3A_176 = vector.broadcast %eq3A_175 : i32 to vector<8x256xi32>
      %eq3A_177 = arith.cmpi eq, %iota3A, %eq3A_176 : vector<8x256xi32>
      %broadcast_in_dim3A_178 = vector.shape_cast %broadcast_in_dim3A_161 : vector<1x256xf32> to vector<1x256xf32>
      %broadcast_in_dim3A_179 = vector.broadcast %broadcast_in_dim3A_178 : vector<1x256xf32> to vector<8x256xf32>
      %select_n3A_180 = arith.select %eq3A_177, %broadcast_in_dim3A_179, %select_n3A_152 : vector<8x256xi1>, vector<8x256xf32>
      %eq3A_181 = arith.constant 3 : i32
      %eq3A_182 = vector.broadcast %eq3A_181 : i32 to vector<8x256xi32>
      %eq3A_183 = arith.cmpi eq, %iota3A, %eq3A_182 : vector<8x256xi32>
      %broadcast_in_dim3A_184 = vector.shape_cast %broadcast_in_dim3A_169 : vector<1x256xf32> to vector<1x256xf32>
      %broadcast_in_dim3A_185 = vector.broadcast %broadcast_in_dim3A_184 : vector<1x256xf32> to vector<8x256xf32>
      %select_n3A_186 = arith.select %eq3A_183, %broadcast_in_dim3A_185, %select_n3A_158 : vector<8x256xi1>, vector<8x256xf32>
      %reduce_min3A_187 = arith.constant dense<0x7F800000> : vector<256xf32>
      %reduce_min3A_188 = vector.multi_reduction <minimumf>, %select_n3A_174, %reduce_min3A_187 [0] : vector<512x256xf32> to vector<256xf32>
      %broadcast_in_dim3A_189 = vector.shape_cast %reduce_min3A_188 : vector<256xf32> to vector<1x256xf32>
      %eq3A_190 = vector.broadcast %broadcast_in_dim3A_189 : vector<1x256xf32> to vector<512x256xf32>
      %eq3A_191 = arith.cmpf oeq, %select_n3A_174, %eq3A_190 : vector<512x256xf32>
      %jit3A_192 = arith.constant 0x7F800000 : f32
      %broadcast_in_dim3A_193 = vector.broadcast %jit3A_192 : f32 to vector<512x256xf32>
      %select_n3A_194 = arith.select %eq3A_191, %add3A_71, %broadcast_in_dim3A_193 : vector<512x256xi1>, vector<512x256xf32>
      %reduce_min3A_195 = arith.constant dense<0x7F800000> : vector<256xf32>
      %reduce_min3A_196 = vector.multi_reduction <minimumf>, %select_n3A_194, %reduce_min3A_195 [0] : vector<512x256xf32> to vector<256xf32>
      %broadcast_in_dim3A_197 = vector.shape_cast %reduce_min3A_196 : vector<256xf32> to vector<1x256xf32>
      %eq3A_198 = vector.broadcast %broadcast_in_dim3A_197 : vector<1x256xf32> to vector<512x256xf32>
      %eq3A_199 = arith.cmpf oeq, %select_n3A_194, %eq3A_198 : vector<512x256xf32>
      %jit3A_200 = arith.constant 0x7F800000 : f32
      %broadcast_in_dim3A_201 = vector.broadcast %jit3A_200 : f32 to vector<512x256xf32>
      %select_n3A_202 = arith.select %eq3A_199, %broadcast_in_dim3A_201, %select_n3A_174 : vector<512x256xi1>, vector<512x256xf32>
      %eq3A_203 = arith.constant 4 : i32
      %eq3A_204 = vector.broadcast %eq3A_203 : i32 to vector<8x256xi32>
      %eq3A_205 = arith.cmpi eq, %iota3A, %eq3A_204 : vector<8x256xi32>
      %broadcast_in_dim3A_206 = vector.shape_cast %broadcast_in_dim3A_189 : vector<1x256xf32> to vector<1x256xf32>
      %broadcast_in_dim3A_207 = vector.broadcast %broadcast_in_dim3A_206 : vector<1x256xf32> to vector<8x256xf32>
      %select_n3A_208 = arith.select %eq3A_205, %broadcast_in_dim3A_207, %select_n3A_180 : vector<8x256xi1>, vector<8x256xf32>
      %eq3A_209 = arith.constant 4 : i32
      %eq3A_210 = vector.broadcast %eq3A_209 : i32 to vector<8x256xi32>
      %eq3A_211 = arith.cmpi eq, %iota3A, %eq3A_210 : vector<8x256xi32>
      %broadcast_in_dim3A_212 = vector.shape_cast %broadcast_in_dim3A_197 : vector<1x256xf32> to vector<1x256xf32>
      %broadcast_in_dim3A_213 = vector.broadcast %broadcast_in_dim3A_212 : vector<1x256xf32> to vector<8x256xf32>
      %select_n3A_214 = arith.select %eq3A_211, %broadcast_in_dim3A_213, %select_n3A_186 : vector<8x256xi1>, vector<8x256xf32>
      %concatenate3A_215 = tpu.concatenate %while3A_50, %select_n3A_208 in 0 : vector<8x256xf32>, vector<8x256xf32> -> vector<16x256xf32>
      %concatenate3A_216 = tpu.concatenate %while3A_51, %select_n3A_214 in 0 : vector<8x256xf32>, vector<8x256xf32> -> vector<16x256xf32>
      %broadcast_in_dim3A_217 = vector.broadcast %while3A : f32 to vector<8x256xf32>
      %broadcast_in_dim3A_218 = vector.broadcast %while3A : f32 to vector<8x256xf32>
      %reduce_min3A_219 = arith.constant dense<0x7F800000> : vector<256xf32>
      %reduce_min3A_220 = vector.multi_reduction <minimumf>, %concatenate3A_215, %reduce_min3A_219 [0] : vector<16x256xf32> to vector<256xf32>
      %broadcast_in_dim3A_221 = vector.shape_cast %reduce_min3A_220 : vector<256xf32> to vector<1x256xf32>
      %eq3A_222 = vector.broadcast %broadcast_in_dim3A_221 : vector<1x256xf32> to vector<16x256xf32>
      %eq3A_223 = arith.cmpf oeq, %concatenate3A_215, %eq3A_222 : vector<16x256xf32>
      %jit3A_224 = arith.constant 0x7F800000 : f32
      %broadcast_in_dim3A_225 = vector.broadcast %jit3A_224 : f32 to vector<16x256xf32>
      %select_n3A_226 = arith.select %eq3A_223, %concatenate3A_216, %broadcast_in_dim3A_225 : vector<16x256xi1>, vector<16x256xf32>
      %reduce_min3A_227 = arith.constant dense<0x7F800000> : vector<256xf32>
      %reduce_min3A_228 = vector.multi_reduction <minimumf>, %select_n3A_226, %reduce_min3A_227 [0] : vector<16x256xf32> to vector<256xf32>
      %broadcast_in_dim3A_229 = vector.shape_cast %reduce_min3A_228 : vector<256xf32> to vector<1x256xf32>
      %eq3A_230 = vector.broadcast %broadcast_in_dim3A_229 : vector<1x256xf32> to vector<16x256xf32>
      %eq3A_231 = arith.cmpf oeq, %select_n3A_226, %eq3A_230 : vector<16x256xf32>
      %jit3A_232 = arith.constant 0x7F800000 : f32
      %broadcast_in_dim3A_233 = vector.broadcast %jit3A_232 : f32 to vector<16x256xf32>
      %select_n3A_234 = arith.select %eq3A_231, %broadcast_in_dim3A_233, %concatenate3A_215 : vector<16x256xi1>, vector<16x256xf32>
      %eq3A_235 = arith.constant 0 : i32
      %eq3A_236 = vector.broadcast %eq3A_235 : i32 to vector<8x256xi32>
      %eq3A_237 = arith.cmpi eq, %iota3A, %eq3A_236 : vector<8x256xi32>
      %broadcast_in_dim3A_238 = vector.shape_cast %broadcast_in_dim3A_221 : vector<1x256xf32> to vector<1x256xf32>
      %broadcast_in_dim3A_239 = vector.broadcast %broadcast_in_dim3A_238 : vector<1x256xf32> to vector<8x256xf32>
      %select_n3A_240 = arith.select %eq3A_237, %broadcast_in_dim3A_239, %broadcast_in_dim3A_217 : vector<8x256xi1>, vector<8x256xf32>
      %eq3A_241 = arith.constant 0 : i32
      %eq3A_242 = vector.broadcast %eq3A_241 : i32 to vector<8x256xi32>
      %eq3A_243 = arith.cmpi eq, %iota3A, %eq3A_242 : vector<8x256xi32>
      %broadcast_in_dim3A_244 = vector.shape_cast %broadcast_in_dim3A_229 : vector<1x256xf32> to vector<1x256xf32>
      %broadcast_in_dim3A_245 = vector.broadcast %broadcast_in_dim3A_244 : vector<1x256xf32> to vector<8x256xf32>
      %select_n3A_246 = arith.select %eq3A_243, %broadcast_in_dim3A_245, %broadcast_in_dim3A_218 : vector<8x256xi1>, vector<8x256xf32>
      %reduce_min3A_247 = arith.constant dense<0x7F800000> : vector<256xf32>
      %reduce_min3A_248 = vector.multi_reduction <minimumf>, %select_n3A_234, %reduce_min3A_247 [0] : vector<16x256xf32> to vector<256xf32>
      %broadcast_in_dim3A_249 = vector.shape_cast %reduce_min3A_248 : vector<256xf32> to vector<1x256xf32>
      %eq3A_250 = vector.broadcast %broadcast_in_dim3A_249 : vector<1x256xf32> to vector<16x256xf32>
      %eq3A_251 = arith.cmpf oeq, %select_n3A_234, %eq3A_250 : vector<16x256xf32>
      %jit3A_252 = arith.constant 0x7F800000 : f32
      %broadcast_in_dim3A_253 = vector.broadcast %jit3A_252 : f32 to vector<16x256xf32>
      %select_n3A_254 = arith.select %eq3A_251, %concatenate3A_216, %broadcast_in_dim3A_253 : vector<16x256xi1>, vector<16x256xf32>
      %reduce_min3A_255 = arith.constant dense<0x7F800000> : vector<256xf32>
      %reduce_min3A_256 = vector.multi_reduction <minimumf>, %select_n3A_254, %reduce_min3A_255 [0] : vector<16x256xf32> to vector<256xf32>
      %broadcast_in_dim3A_257 = vector.shape_cast %reduce_min3A_256 : vector<256xf32> to vector<1x256xf32>
      %eq3A_258 = vector.broadcast %broadcast_in_dim3A_257 : vector<1x256xf32> to vector<16x256xf32>
      %eq3A_259 = arith.cmpf oeq, %select_n3A_254, %eq3A_258 : vector<16x256xf32>
      %jit3A_260 = arith.constant 0x7F800000 : f32
      %broadcast_in_dim3A_261 = vector.broadcast %jit3A_260 : f32 to vector<16x256xf32>
      %select_n3A_262 = arith.select %eq3A_259, %broadcast_in_dim3A_261, %select_n3A_234 : vector<16x256xi1>, vector<16x256xf32>
      %eq3A_263 = arith.constant 1 : i32
      %eq3A_264 = vector.broadcast %eq3A_263 : i32 to vector<8x256xi32>
      %eq3A_265 = arith.cmpi eq, %iota3A, %eq3A_264 : vector<8x256xi32>
      %broadcast_in_dim3A_266 = vector.shape_cast %broadcast_in_dim3A_249 : vector<1x256xf32> to vector<1x256xf32>
      %broadcast_in_dim3A_267 = vector.broadcast %broadcast_in_dim3A_266 : vector<1x256xf32> to vector<8x256xf32>
      %select_n3A_268 = arith.select %eq3A_265, %broadcast_in_dim3A_267, %select_n3A_240 : vector<8x256xi1>, vector<8x256xf32>
      %eq3A_269 = arith.constant 1 : i32
      %eq3A_270 = vector.broadcast %eq3A_269 : i32 to vector<8x256xi32>
      %eq3A_271 = arith.cmpi eq, %iota3A, %eq3A_270 : vector<8x256xi32>
      %broadcast_in_dim3A_272 = vector.shape_cast %broadcast_in_dim3A_257 : vector<1x256xf32> to vector<1x256xf32>
      %broadcast_in_dim3A_273 = vector.broadcast %broadcast_in_dim3A_272 : vector<1x256xf32> to vector<8x256xf32>
      %select_n3A_274 = arith.select %eq3A_271, %broadcast_in_dim3A_273, %select_n3A_246 : vector<8x256xi1>, vector<8x256xf32>
      %reduce_min3A_275 = arith.constant dense<0x7F800000> : vector<256xf32>
      %reduce_min3A_276 = vector.multi_reduction <minimumf>, %select_n3A_262, %reduce_min3A_275 [0] : vector<16x256xf32> to vector<256xf32>
      %broadcast_in_dim3A_277 = vector.shape_cast %reduce_min3A_276 : vector<256xf32> to vector<1x256xf32>
      %eq3A_278 = vector.broadcast %broadcast_in_dim3A_277 : vector<1x256xf32> to vector<16x256xf32>
      %eq3A_279 = arith.cmpf oeq, %select_n3A_262, %eq3A_278 : vector<16x256xf32>
      %jit3A_280 = arith.constant 0x7F800000 : f32
      %broadcast_in_dim3A_281 = vector.broadcast %jit3A_280 : f32 to vector<16x256xf32>
      %select_n3A_282 = arith.select %eq3A_279, %concatenate3A_216, %broadcast_in_dim3A_281 : vector<16x256xi1>, vector<16x256xf32>
      %reduce_min3A_283 = arith.constant dense<0x7F800000> : vector<256xf32>
      %reduce_min3A_284 = vector.multi_reduction <minimumf>, %select_n3A_282, %reduce_min3A_283 [0] : vector<16x256xf32> to vector<256xf32>
      %broadcast_in_dim3A_285 = vector.shape_cast %reduce_min3A_284 : vector<256xf32> to vector<1x256xf32>
      %eq3A_286 = vector.broadcast %broadcast_in_dim3A_285 : vector<1x256xf32> to vector<16x256xf32>
      %eq3A_287 = arith.cmpf oeq, %select_n3A_282, %eq3A_286 : vector<16x256xf32>
      %jit3A_288 = arith.constant 0x7F800000 : f32
      %broadcast_in_dim3A_289 = vector.broadcast %jit3A_288 : f32 to vector<16x256xf32>
      %select_n3A_290 = arith.select %eq3A_287, %broadcast_in_dim3A_289, %select_n3A_262 : vector<16x256xi1>, vector<16x256xf32>
      %eq3A_291 = arith.constant 2 : i32
      %eq3A_292 = vector.broadcast %eq3A_291 : i32 to vector<8x256xi32>
      %eq3A_293 = arith.cmpi eq, %iota3A, %eq3A_292 : vector<8x256xi32>
      %broadcast_in_dim3A_294 = vector.shape_cast %broadcast_in_dim3A_277 : vector<1x256xf32> to vector<1x256xf32>
      %broadcast_in_dim3A_295 = vector.broadcast %broadcast_in_dim3A_294 : vector<1x256xf32> to vector<8x256xf32>
      %select_n3A_296 = arith.select %eq3A_293, %broadcast_in_dim3A_295, %select_n3A_268 : vector<8x256xi1>, vector<8x256xf32>
      %eq3A_297 = arith.constant 2 : i32
      %eq3A_298 = vector.broadcast %eq3A_297 : i32 to vector<8x256xi32>
      %eq3A_299 = arith.cmpi eq, %iota3A, %eq3A_298 : vector<8x256xi32>
      %broadcast_in_dim3A_300 = vector.shape_cast %broadcast_in_dim3A_285 : vector<1x256xf32> to vector<1x256xf32>
      %broadcast_in_dim3A_301 = vector.broadcast %broadcast_in_dim3A_300 : vector<1x256xf32> to vector<8x256xf32>
      %select_n3A_302 = arith.select %eq3A_299, %broadcast_in_dim3A_301, %select_n3A_274 : vector<8x256xi1>, vector<8x256xf32>
      %reduce_min3A_303 = arith.constant dense<0x7F800000> : vector<256xf32>
      %reduce_min3A_304 = vector.multi_reduction <minimumf>, %select_n3A_290, %reduce_min3A_303 [0] : vector<16x256xf32> to vector<256xf32>
      %broadcast_in_dim3A_305 = vector.shape_cast %reduce_min3A_304 : vector<256xf32> to vector<1x256xf32>
      %eq3A_306 = vector.broadcast %broadcast_in_dim3A_305 : vector<1x256xf32> to vector<16x256xf32>
      %eq3A_307 = arith.cmpf oeq, %select_n3A_290, %eq3A_306 : vector<16x256xf32>
      %jit3A_308 = arith.constant 0x7F800000 : f32
      %broadcast_in_dim3A_309 = vector.broadcast %jit3A_308 : f32 to vector<16x256xf32>
      %select_n3A_310 = arith.select %eq3A_307, %concatenate3A_216, %broadcast_in_dim3A_309 : vector<16x256xi1>, vector<16x256xf32>
      %reduce_min3A_311 = arith.constant dense<0x7F800000> : vector<256xf32>
      %reduce_min3A_312 = vector.multi_reduction <minimumf>, %select_n3A_310, %reduce_min3A_311 [0] : vector<16x256xf32> to vector<256xf32>
      %broadcast_in_dim3A_313 = vector.shape_cast %reduce_min3A_312 : vector<256xf32> to vector<1x256xf32>
      %eq3A_314 = vector.broadcast %broadcast_in_dim3A_313 : vector<1x256xf32> to vector<16x256xf32>
      %eq3A_315 = arith.cmpf oeq, %select_n3A_310, %eq3A_314 : vector<16x256xf32>
      %jit3A_316 = arith.constant 0x7F800000 : f32
      %broadcast_in_dim3A_317 = vector.broadcast %jit3A_316 : f32 to vector<16x256xf32>
      %select_n3A_318 = arith.select %eq3A_315, %broadcast_in_dim3A_317, %select_n3A_290 : vector<16x256xi1>, vector<16x256xf32>
      %eq3A_319 = arith.constant 3 : i32
      %eq3A_320 = vector.broadcast %eq3A_319 : i32 to vector<8x256xi32>
      %eq3A_321 = arith.cmpi eq, %iota3A, %eq3A_320 : vector<8x256xi32>
      %broadcast_in_dim3A_322 = vector.shape_cast %broadcast_in_dim3A_305 : vector<1x256xf32> to vector<1x256xf32>
      %broadcast_in_dim3A_323 = vector.broadcast %broadcast_in_dim3A_322 : vector<1x256xf32> to vector<8x256xf32>
      %select_n3A_324 = arith.select %eq3A_321, %broadcast_in_dim3A_323, %select_n3A_296 : vector<8x256xi1>, vector<8x256xf32>
      %eq3A_325 = arith.constant 3 : i32
      %eq3A_326 = vector.broadcast %eq3A_325 : i32 to vector<8x256xi32>
      %eq3A_327 = arith.cmpi eq, %iota3A, %eq3A_326 : vector<8x256xi32>
      %broadcast_in_dim3A_328 = vector.shape_cast %broadcast_in_dim3A_313 : vector<1x256xf32> to vector<1x256xf32>
      %broadcast_in_dim3A_329 = vector.broadcast %broadcast_in_dim3A_328 : vector<1x256xf32> to vector<8x256xf32>
      %select_n3A_330 = arith.select %eq3A_327, %broadcast_in_dim3A_329, %select_n3A_302 : vector<8x256xi1>, vector<8x256xf32>
      %reduce_min3A_331 = arith.constant dense<0x7F800000> : vector<256xf32>
      %reduce_min3A_332 = vector.multi_reduction <minimumf>, %select_n3A_318, %reduce_min3A_331 [0] : vector<16x256xf32> to vector<256xf32>
      %broadcast_in_dim3A_333 = vector.shape_cast %reduce_min3A_332 : vector<256xf32> to vector<1x256xf32>
      %eq3A_334 = vector.broadcast %broadcast_in_dim3A_333 : vector<1x256xf32> to vector<16x256xf32>
      %eq3A_335 = arith.cmpf oeq, %select_n3A_318, %eq3A_334 : vector<16x256xf32>
      %jit3A_336 = arith.constant 0x7F800000 : f32
      %broadcast_in_dim3A_337 = vector.broadcast %jit3A_336 : f32 to vector<16x256xf32>
      %select_n3A_338 = arith.select %eq3A_335, %concatenate3A_216, %broadcast_in_dim3A_337 : vector<16x256xi1>, vector<16x256xf32>
      %reduce_min3A_339 = arith.constant dense<0x7F800000> : vector<256xf32>
      %reduce_min3A_340 = vector.multi_reduction <minimumf>, %select_n3A_338, %reduce_min3A_339 [0] : vector<16x256xf32> to vector<256xf32>
      %broadcast_in_dim3A_341 = vector.shape_cast %reduce_min3A_340 : vector<256xf32> to vector<1x256xf32>
      %eq3A_342 = vector.broadcast %broadcast_in_dim3A_341 : vector<1x256xf32> to vector<16x256xf32>
      %eq3A_343 = arith.cmpf oeq, %select_n3A_338, %eq3A_342 : vector<16x256xf32>
      %jit3A_344 = arith.constant 0x7F800000 : f32
      %broadcast_in_dim3A_345 = vector.broadcast %jit3A_344 : f32 to vector<16x256xf32>
      %select_n3A_346 = arith.select %eq3A_343, %broadcast_in_dim3A_345, %select_n3A_318 : vector<16x256xi1>, vector<16x256xf32>
      %eq3A_347 = arith.constant 4 : i32
      %eq3A_348 = vector.broadcast %eq3A_347 : i32 to vector<8x256xi32>
      %eq3A_349 = arith.cmpi eq, %iota3A, %eq3A_348 : vector<8x256xi32>
      %broadcast_in_dim3A_350 = vector.shape_cast %broadcast_in_dim3A_333 : vector<1x256xf32> to vector<1x256xf32>
      %broadcast_in_dim3A_351 = vector.broadcast %broadcast_in_dim3A_350 : vector<1x256xf32> to vector<8x256xf32>
      %select_n3A_352 = arith.select %eq3A_349, %broadcast_in_dim3A_351, %select_n3A_324 : vector<8x256xi1>, vector<8x256xf32>
      %eq3A_353 = arith.constant 4 : i32
      %eq3A_354 = vector.broadcast %eq3A_353 : i32 to vector<8x256xi32>
      %eq3A_355 = arith.cmpi eq, %iota3A, %eq3A_354 : vector<8x256xi32>
      %broadcast_in_dim3A_356 = vector.shape_cast %broadcast_in_dim3A_341 : vector<1x256xf32> to vector<1x256xf32>
      %broadcast_in_dim3A_357 = vector.broadcast %broadcast_in_dim3A_356 : vector<1x256xf32> to vector<8x256xf32>
      %select_n3A_358 = arith.select %eq3A_355, %broadcast_in_dim3A_357, %select_n3A_330 : vector<8x256xi1>, vector<8x256xf32>
      scf.yield %select_n3A_352, %select_n3A_358 : vector<8x256xf32>, vector<8x256xf32>
    }
    %while3A_23 = arith.constant 1 : i32
    %while3A_24:2 = scf.for %while3A_49 = %while3A_20 to %while3A_16 step %while3A_23 iter_args(%while3A_50 = %while3A_22#0, %while3A_51 = %while3A_22#1) -> (vector<8x256xf32>, vector<8x256xf32>)  : i32 {
      %mul3A_52 = arith.constant 512 : i32
      %mul3A_53 = arith.muli %while3A_49, %mul3A_52 : i32
      %add3A_54 = arith.addi %get3A_11, %mul3A_53 : i32
      %min3A = arith.constant 7680 : i32
      %min3A_55 = arith.minsi %add3A_54, %min3A : i32
      %multiple_of3A = tpu.assume_multiple %min3A_55, 8 : i32
      %get3A_56 = arith.index_cast %multiple_of3A : i32 to index
      %get3A_57 = arith.constant 0 : index
      %get3A_58 = vector.load %arg5[%get3A_56, %get3A_57] : memref<8192x4xf32, #tpu.memory_space<vmem>>, vector<512x4xf32>
      %mul3A_59 = arith.mulf %get3A_58, %get3A_58 : vector<512x4xf32>
      %reduce_sum3A = arith.constant dense<0.000000e+00> : vector<512xf32>
      %reduce_sum3A_60 = vector.multi_reduction <add>, %mul3A_59, %reduce_sum3A [1] : vector<512x4xf32> to vector<512xf32>
      %broadcast_in_dim3A_61 = vector.shape_cast %reduce_sum3A_60 : vector<512xf32> to vector<512x1xf32>
      %dot_general3A_62 = arith.constant dense<0.000000e+00> : vector<512x256xf32>
      %dot_general3A_63 = tpu.matmul %get3A_58, %mul3A_3, %dot_general3A_62 {dimension_numbers = #tpu.dot_dimension_numbers<[1], [1], [0], [0], [0, 0, 1, 0], [], []>, transpose_lhs_hint = false} : vector<512x4xf32>, vector<256x4xf32>, vector<512x256xf32> -> vector<512x256xf32>
      %add3A_64 = vector.broadcast %broadcast_in_dim3A_61 : vector<512x1xf32> to vector<512x256xf32>
      %add3A_65 = arith.addf %dot_general3A_63, %add3A_64 : vector<512x256xf32>
      %get3A_66 = arith.index_cast %multiple_of3A : i32 to index
      %get3A_67 = arith.constant 0 : index
      %get3A_68 = vector.load %arg6[%get3A_66, %get3A_67] : memref<8192x1xi32, #tpu.memory_space<vmem>>, vector<512x1xi32>
      %convert_element_type3A_69 = arith.sitofp %multiple_of3A : i32 to f32
      %add3A_70 = vector.broadcast %convert_element_type3A_69 : f32 to vector<512x256xf32>
      %add3A_71 = arith.addf %convert_element_type3A_9, %add3A_70 : vector<512x256xf32>
      %eq3A = vector.broadcast %get3A_68 : vector<512x1xi32> to vector<512x256xi32>
      %eq3A_72 = vector.broadcast %get3A_6 : vector<1x256xi32> to vector<512x256xi32>
      %eq3A_73 = arith.cmpi eq, %eq3A, %eq3A_72 : vector<512x256xi32>
      %broadcast_in_dim3A_74 = vector.broadcast %while3A : f32 to vector<512x256xf32>
      %select_n3A = arith.select %eq3A_73, %add3A_65, %broadcast_in_dim3A_74 : vector<512x256xi1>, vector<512x256xf32>
      %broadcast_in_dim3A_75 = vector.broadcast %while3A : f32 to vector<8x256xf32>
      %broadcast_in_dim3A_76 = vector.broadcast %while3A : f32 to vector<8x256xf32>
      %reduce_min3A = arith.constant dense<0x7F800000> : vector<256xf32>
      %reduce_min3A_77 = vector.multi_reduction <minimumf>, %select_n3A, %reduce_min3A [0] : vector<512x256xf32> to vector<256xf32>
      %broadcast_in_dim3A_78 = vector.shape_cast %reduce_min3A_77 : vector<256xf32> to vector<1x256xf32>
      %eq3A_79 = vector.broadcast %broadcast_in_dim3A_78 : vector<1x256xf32> to vector<512x256xf32>
      %eq3A_80 = arith.cmpf oeq, %select_n3A, %eq3A_79 : vector<512x256xf32>
      %jit3A = arith.constant 0x7F800000 : f32
      %broadcast_in_dim3A_81 = vector.broadcast %jit3A : f32 to vector<512x256xf32>
      %select_n3A_82 = arith.select %eq3A_80, %add3A_71, %broadcast_in_dim3A_81 : vector<512x256xi1>, vector<512x256xf32>
      %reduce_min3A_83 = arith.constant dense<0x7F800000> : vector<256xf32>
      %reduce_min3A_84 = vector.multi_reduction <minimumf>, %select_n3A_82, %reduce_min3A_83 [0] : vector<512x256xf32> to vector<256xf32>
      %broadcast_in_dim3A_85 = vector.shape_cast %reduce_min3A_84 : vector<256xf32> to vector<1x256xf32>
      %eq3A_86 = vector.broadcast %broadcast_in_dim3A_85 : vector<1x256xf32> to vector<512x256xf32>
      %eq3A_87 = arith.cmpf oeq, %select_n3A_82, %eq3A_86 : vector<512x256xf32>
      %jit3A_88 = arith.constant 0x7F800000 : f32
      %broadcast_in_dim3A_89 = vector.broadcast %jit3A_88 : f32 to vector<512x256xf32>
      %select_n3A_90 = arith.select %eq3A_87, %broadcast_in_dim3A_89, %select_n3A : vector<512x256xi1>, vector<512x256xf32>
      %eq3A_91 = arith.constant 0 : i32
      %eq3A_92 = vector.broadcast %eq3A_91 : i32 to vector<8x256xi32>
      %eq3A_93 = arith.cmpi eq, %iota3A, %eq3A_92 : vector<8x256xi32>
      %broadcast_in_dim3A_94 = vector.shape_cast %broadcast_in_dim3A_78 : vector<1x256xf32> to vector<1x256xf32>
      %broadcast_in_dim3A_95 = vector.broadcast %broadcast_in_dim3A_94 : vector<1x256xf32> to vector<8x256xf32>
      %select_n3A_96 = arith.select %eq3A_93, %broadcast_in_dim3A_95, %broadcast_in_dim3A_75 : vector<8x256xi1>, vector<8x256xf32>
      %eq3A_97 = arith.constant 0 : i32
      %eq3A_98 = vector.broadcast %eq3A_97 : i32 to vector<8x256xi32>
      %eq3A_99 = arith.cmpi eq, %iota3A, %eq3A_98 : vector<8x256xi32>
      %broadcast_in_dim3A_100 = vector.shape_cast %broadcast_in_dim3A_85 : vector<1x256xf32> to vector<1x256xf32>
      %broadcast_in_dim3A_101 = vector.broadcast %broadcast_in_dim3A_100 : vector<1x256xf32> to vector<8x256xf32>
      %select_n3A_102 = arith.select %eq3A_99, %broadcast_in_dim3A_101, %broadcast_in_dim3A_76 : vector<8x256xi1>, vector<8x256xf32>
      %reduce_min3A_103 = arith.constant dense<0x7F800000> : vector<256xf32>
      %reduce_min3A_104 = vector.multi_reduction <minimumf>, %select_n3A_90, %reduce_min3A_103 [0] : vector<512x256xf32> to vector<256xf32>
      %broadcast_in_dim3A_105 = vector.shape_cast %reduce_min3A_104 : vector<256xf32> to vector<1x256xf32>
      %eq3A_106 = vector.broadcast %broadcast_in_dim3A_105 : vector<1x256xf32> to vector<512x256xf32>
      %eq3A_107 = arith.cmpf oeq, %select_n3A_90, %eq3A_106 : vector<512x256xf32>
      %jit3A_108 = arith.constant 0x7F800000 : f32
      %broadcast_in_dim3A_109 = vector.broadcast %jit3A_108 : f32 to vector<512x256xf32>
      %select_n3A_110 = arith.select %eq3A_107, %add3A_71, %broadcast_in_dim3A_109 : vector<512x256xi1>, vector<512x256xf32>
      %reduce_min3A_111 = arith.constant dense<0x7F800000> : vector<256xf32>
      %reduce_min3A_112 = vector.multi_reduction <minimumf>, %select_n3A_110, %reduce_min3A_111 [0] : vector<512x256xf32> to vector<256xf32>
      %broadcast_in_dim3A_113 = vector.shape_cast %reduce_min3A_112 : vector<256xf32> to vector<1x256xf32>
      %eq3A_114 = vector.broadcast %broadcast_in_dim3A_113 : vector<1x256xf32> to vector<512x256xf32>
      %eq3A_115 = arith.cmpf oeq, %select_n3A_110, %eq3A_114 : vector<512x256xf32>
      %jit3A_116 = arith.constant 0x7F800000 : f32
      %broadcast_in_dim3A_117 = vector.broadcast %jit3A_116 : f32 to vector<512x256xf32>
      %select_n3A_118 = arith.select %eq3A_115, %broadcast_in_dim3A_117, %select_n3A_90 : vector<512x256xi1>, vector<512x256xf32>
      %eq3A_119 = arith.constant 1 : i32
      %eq3A_120 = vector.broadcast %eq3A_119 : i32 to vector<8x256xi32>
      %eq3A_121 = arith.cmpi eq, %iota3A, %eq3A_120 : vector<8x256xi32>
      %broadcast_in_dim3A_122 = vector.shape_cast %broadcast_in_dim3A_105 : vector<1x256xf32> to vector<1x256xf32>
      %broadcast_in_dim3A_123 = vector.broadcast %broadcast_in_dim3A_122 : vector<1x256xf32> to vector<8x256xf32>
      %select_n3A_124 = arith.select %eq3A_121, %broadcast_in_dim3A_123, %select_n3A_96 : vector<8x256xi1>, vector<8x256xf32>
      %eq3A_125 = arith.constant 1 : i32
      %eq3A_126 = vector.broadcast %eq3A_125 : i32 to vector<8x256xi32>
      %eq3A_127 = arith.cmpi eq, %iota3A, %eq3A_126 : vector<8x256xi32>
      %broadcast_in_dim3A_128 = vector.shape_cast %broadcast_in_dim3A_113 : vector<1x256xf32> to vector<1x256xf32>
      %broadcast_in_dim3A_129 = vector.broadcast %broadcast_in_dim3A_128 : vector<1x256xf32> to vector<8x256xf32>
      %select_n3A_130 = arith.select %eq3A_127, %broadcast_in_dim3A_129, %select_n3A_102 : vector<8x256xi1>, vector<8x256xf32>
      %reduce_min3A_131 = arith.constant dense<0x7F800000> : vector<256xf32>
      %reduce_min3A_132 = vector.multi_reduction <minimumf>, %select_n3A_118, %reduce_min3A_131 [0] : vector<512x256xf32> to vector<256xf32>
      %broadcast_in_dim3A_133 = vector.shape_cast %reduce_min3A_132 : vector<256xf32> to vector<1x256xf32>
      %eq3A_134 = vector.broadcast %broadcast_in_dim3A_133 : vector<1x256xf32> to vector<512x256xf32>
      %eq3A_135 = arith.cmpf oeq, %select_n3A_118, %eq3A_134 : vector<512x256xf32>
      %jit3A_136 = arith.constant 0x7F800000 : f32
      %broadcast_in_dim3A_137 = vector.broadcast %jit3A_136 : f32 to vector<512x256xf32>
      %select_n3A_138 = arith.select %eq3A_135, %add3A_71, %broadcast_in_dim3A_137 : vector<512x256xi1>, vector<512x256xf32>
      %reduce_min3A_139 = arith.constant dense<0x7F800000> : vector<256xf32>
      %reduce_min3A_140 = vector.multi_reduction <minimumf>, %select_n3A_138, %reduce_min3A_139 [0] : vector<512x256xf32> to vector<256xf32>
      %broadcast_in_dim3A_141 = vector.shape_cast %reduce_min3A_140 : vector<256xf32> to vector<1x256xf32>
      %eq3A_142 = vector.broadcast %broadcast_in_dim3A_141 : vector<1x256xf32> to vector<512x256xf32>
      %eq3A_143 = arith.cmpf oeq, %select_n3A_138, %eq3A_142 : vector<512x256xf32>
      %jit3A_144 = arith.constant 0x7F800000 : f32
      %broadcast_in_dim3A_145 = vector.broadcast %jit3A_144 : f32 to vector<512x256xf32>
      %select_n3A_146 = arith.select %eq3A_143, %broadcast_in_dim3A_145, %select_n3A_118 : vector<512x256xi1>, vector<512x256xf32>
      %eq3A_147 = arith.constant 2 : i32
      %eq3A_148 = vector.broadcast %eq3A_147 : i32 to vector<8x256xi32>
      %eq3A_149 = arith.cmpi eq, %iota3A, %eq3A_148 : vector<8x256xi32>
      %broadcast_in_dim3A_150 = vector.shape_cast %broadcast_in_dim3A_133 : vector<1x256xf32> to vector<1x256xf32>
      %broadcast_in_dim3A_151 = vector.broadcast %broadcast_in_dim3A_150 : vector<1x256xf32> to vector<8x256xf32>
      %select_n3A_152 = arith.select %eq3A_149, %broadcast_in_dim3A_151, %select_n3A_124 : vector<8x256xi1>, vector<8x256xf32>
      %eq3A_153 = arith.constant 2 : i32
      %eq3A_154 = vector.broadcast %eq3A_153 : i32 to vector<8x256xi32>
      %eq3A_155 = arith.cmpi eq, %iota3A, %eq3A_154 : vector<8x256xi32>
      %broadcast_in_dim3A_156 = vector.shape_cast %broadcast_in_dim3A_141 : vector<1x256xf32> to vector<1x256xf32>
      %broadcast_in_dim3A_157 = vector.broadcast %broadcast_in_dim3A_156 : vector<1x256xf32> to vector<8x256xf32>
      %select_n3A_158 = arith.select %eq3A_155, %broadcast_in_dim3A_157, %select_n3A_130 : vector<8x256xi1>, vector<8x256xf32>
      %reduce_min3A_159 = arith.constant dense<0x7F800000> : vector<256xf32>
      %reduce_min3A_160 = vector.multi_reduction <minimumf>, %select_n3A_146, %reduce_min3A_159 [0] : vector<512x256xf32> to vector<256xf32>
      %broadcast_in_dim3A_161 = vector.shape_cast %reduce_min3A_160 : vector<256xf32> to vector<1x256xf32>
      %eq3A_162 = vector.broadcast %broadcast_in_dim3A_161 : vector<1x256xf32> to vector<512x256xf32>
      %eq3A_163 = arith.cmpf oeq, %select_n3A_146, %eq3A_162 : vector<512x256xf32>
      %jit3A_164 = arith.constant 0x7F800000 : f32
      %broadcast_in_dim3A_165 = vector.broadcast %jit3A_164 : f32 to vector<512x256xf32>
      %select_n3A_166 = arith.select %eq3A_163, %add3A_71, %broadcast_in_dim3A_165 : vector<512x256xi1>, vector<512x256xf32>
      %reduce_min3A_167 = arith.constant dense<0x7F800000> : vector<256xf32>
      %reduce_min3A_168 = vector.multi_reduction <minimumf>, %select_n3A_166, %reduce_min3A_167 [0] : vector<512x256xf32> to vector<256xf32>
      %broadcast_in_dim3A_169 = vector.shape_cast %reduce_min3A_168 : vector<256xf32> to vector<1x256xf32>
      %eq3A_170 = vector.broadcast %broadcast_in_dim3A_169 : vector<1x256xf32> to vector<512x256xf32>
      %eq3A_171 = arith.cmpf oeq, %select_n3A_166, %eq3A_170 : vector<512x256xf32>
      %jit3A_172 = arith.constant 0x7F800000 : f32
      %broadcast_in_dim3A_173 = vector.broadcast %jit3A_172 : f32 to vector<512x256xf32>
      %select_n3A_174 = arith.select %eq3A_171, %broadcast_in_dim3A_173, %select_n3A_146 : vector<512x256xi1>, vector<512x256xf32>
      %eq3A_175 = arith.constant 3 : i32
      %eq3A_176 = vector.broadcast %eq3A_175 : i32 to vector<8x256xi32>
      %eq3A_177 = arith.cmpi eq, %iota3A, %eq3A_176 : vector<8x256xi32>
      %broadcast_in_dim3A_178 = vector.shape_cast %broadcast_in_dim3A_161 : vector<1x256xf32> to vector<1x256xf32>
      %broadcast_in_dim3A_179 = vector.broadcast %broadcast_in_dim3A_178 : vector<1x256xf32> to vector<8x256xf32>
      %select_n3A_180 = arith.select %eq3A_177, %broadcast_in_dim3A_179, %select_n3A_152 : vector<8x256xi1>, vector<8x256xf32>
      %eq3A_181 = arith.constant 3 : i32
      %eq3A_182 = vector.broadcast %eq3A_181 : i32 to vector<8x256xi32>
      %eq3A_183 = arith.cmpi eq, %iota3A, %eq3A_182 : vector<8x256xi32>
      %broadcast_in_dim3A_184 = vector.shape_cast %broadcast_in_dim3A_169 : vector<1x256xf32> to vector<1x256xf32>
      %broadcast_in_dim3A_185 = vector.broadcast %broadcast_in_dim3A_184 : vector<1x256xf32> to vector<8x256xf32>
      %select_n3A_186 = arith.select %eq3A_183, %broadcast_in_dim3A_185, %select_n3A_158 : vector<8x256xi1>, vector<8x256xf32>
      %reduce_min3A_187 = arith.constant dense<0x7F800000> : vector<256xf32>
      %reduce_min3A_188 = vector.multi_reduction <minimumf>, %select_n3A_174, %reduce_min3A_187 [0] : vector<512x256xf32> to vector<256xf32>
      %broadcast_in_dim3A_189 = vector.shape_cast %reduce_min3A_188 : vector<256xf32> to vector<1x256xf32>
      %eq3A_190 = vector.broadcast %broadcast_in_dim3A_189 : vector<1x256xf32> to vector<512x256xf32>
      %eq3A_191 = arith.cmpf oeq, %select_n3A_174, %eq3A_190 : vector<512x256xf32>
      %jit3A_192 = arith.constant 0x7F800000 : f32
      %broadcast_in_dim3A_193 = vector.broadcast %jit3A_192 : f32 to vector<512x256xf32>
      %select_n3A_194 = arith.select %eq3A_191, %add3A_71, %broadcast_in_dim3A_193 : vector<512x256xi1>, vector<512x256xf32>
      %reduce_min3A_195 = arith.constant dense<0x7F800000> : vector<256xf32>
      %reduce_min3A_196 = vector.multi_reduction <minimumf>, %select_n3A_194, %reduce_min3A_195 [0] : vector<512x256xf32> to vector<256xf32>
      %broadcast_in_dim3A_197 = vector.shape_cast %reduce_min3A_196 : vector<256xf32> to vector<1x256xf32>
      %eq3A_198 = vector.broadcast %broadcast_in_dim3A_197 : vector<1x256xf32> to vector<512x256xf32>
      %eq3A_199 = arith.cmpf oeq, %select_n3A_194, %eq3A_198 : vector<512x256xf32>
      %jit3A_200 = arith.constant 0x7F800000 : f32
      %broadcast_in_dim3A_201 = vector.broadcast %jit3A_200 : f32 to vector<512x256xf32>
      %select_n3A_202 = arith.select %eq3A_199, %broadcast_in_dim3A_201, %select_n3A_174 : vector<512x256xi1>, vector<512x256xf32>
      %eq3A_203 = arith.constant 4 : i32
      %eq3A_204 = vector.broadcast %eq3A_203 : i32 to vector<8x256xi32>
      %eq3A_205 = arith.cmpi eq, %iota3A, %eq3A_204 : vector<8x256xi32>
      %broadcast_in_dim3A_206 = vector.shape_cast %broadcast_in_dim3A_189 : vector<1x256xf32> to vector<1x256xf32>
      %broadcast_in_dim3A_207 = vector.broadcast %broadcast_in_dim3A_206 : vector<1x256xf32> to vector<8x256xf32>
      %select_n3A_208 = arith.select %eq3A_205, %broadcast_in_dim3A_207, %select_n3A_180 : vector<8x256xi1>, vector<8x256xf32>
      %eq3A_209 = arith.constant 4 : i32
      %eq3A_210 = vector.broadcast %eq3A_209 : i32 to vector<8x256xi32>
      %eq3A_211 = arith.cmpi eq, %iota3A, %eq3A_210 : vector<8x256xi32>
      %broadcast_in_dim3A_212 = vector.shape_cast %broadcast_in_dim3A_197 : vector<1x256xf32> to vector<1x256xf32>
      %broadcast_in_dim3A_213 = vector.broadcast %broadcast_in_dim3A_212 : vector<1x256xf32> to vector<8x256xf32>
      %select_n3A_214 = arith.select %eq3A_211, %broadcast_in_dim3A_213, %select_n3A_186 : vector<8x256xi1>, vector<8x256xf32>
      %concatenate3A_215 = tpu.concatenate %while3A_50, %select_n3A_208 in 0 : vector<8x256xf32>, vector<8x256xf32> -> vector<16x256xf32>
      %concatenate3A_216 = tpu.concatenate %while3A_51, %select_n3A_214 in 0 : vector<8x256xf32>, vector<8x256xf32> -> vector<16x256xf32>
      %broadcast_in_dim3A_217 = vector.broadcast %while3A : f32 to vector<8x256xf32>
      %broadcast_in_dim3A_218 = vector.broadcast %while3A : f32 to vector<8x256xf32>
      %reduce_min3A_219 = arith.constant dense<0x7F800000> : vector<256xf32>
      %reduce_min3A_220 = vector.multi_reduction <minimumf>, %concatenate3A_215, %reduce_min3A_219 [0] : vector<16x256xf32> to vector<256xf32>
      %broadcast_in_dim3A_221 = vector.shape_cast %reduce_min3A_220 : vector<256xf32> to vector<1x256xf32>
      %eq3A_222 = vector.broadcast %broadcast_in_dim3A_221 : vector<1x256xf32> to vector<16x256xf32>
      %eq3A_223 = arith.cmpf oeq, %concatenate3A_215, %eq3A_222 : vector<16x256xf32>
      %jit3A_224 = arith.constant 0x7F800000 : f32
      %broadcast_in_dim3A_225 = vector.broadcast %jit3A_224 : f32 to vector<16x256xf32>
      %select_n3A_226 = arith.select %eq3A_223, %concatenate3A_216, %broadcast_in_dim3A_225 : vector<16x256xi1>, vector<16x256xf32>
      %reduce_min3A_227 = arith.constant dense<0x7F800000> : vector<256xf32>
      %reduce_min3A_228 = vector.multi_reduction <minimumf>, %select_n3A_226, %reduce_min3A_227 [0] : vector<16x256xf32> to vector<256xf32>
      %broadcast_in_dim3A_229 = vector.shape_cast %reduce_min3A_228 : vector<256xf32> to vector<1x256xf32>
      %eq3A_230 = vector.broadcast %broadcast_in_dim3A_229 : vector<1x256xf32> to vector<16x256xf32>
      %eq3A_231 = arith.cmpf oeq, %select_n3A_226, %eq3A_230 : vector<16x256xf32>
      %jit3A_232 = arith.constant 0x7F800000 : f32
      %broadcast_in_dim3A_233 = vector.broadcast %jit3A_232 : f32 to vector<16x256xf32>
      %select_n3A_234 = arith.select %eq3A_231, %broadcast_in_dim3A_233, %concatenate3A_215 : vector<16x256xi1>, vector<16x256xf32>
      %eq3A_235 = arith.constant 0 : i32
      %eq3A_236 = vector.broadcast %eq3A_235 : i32 to vector<8x256xi32>
      %eq3A_237 = arith.cmpi eq, %iota3A, %eq3A_236 : vector<8x256xi32>
      %broadcast_in_dim3A_238 = vector.shape_cast %broadcast_in_dim3A_221 : vector<1x256xf32> to vector<1x256xf32>
      %broadcast_in_dim3A_239 = vector.broadcast %broadcast_in_dim3A_238 : vector<1x256xf32> to vector<8x256xf32>
      %select_n3A_240 = arith.select %eq3A_237, %broadcast_in_dim3A_239, %broadcast_in_dim3A_217 : vector<8x256xi1>, vector<8x256xf32>
      %eq3A_241 = arith.constant 0 : i32
      %eq3A_242 = vector.broadcast %eq3A_241 : i32 to vector<8x256xi32>
      %eq3A_243 = arith.cmpi eq, %iota3A, %eq3A_242 : vector<8x256xi32>
      %broadcast_in_dim3A_244 = vector.shape_cast %broadcast_in_dim3A_229 : vector<1x256xf32> to vector<1x256xf32>
      %broadcast_in_dim3A_245 = vector.broadcast %broadcast_in_dim3A_244 : vector<1x256xf32> to vector<8x256xf32>
      %select_n3A_246 = arith.select %eq3A_243, %broadcast_in_dim3A_245, %broadcast_in_dim3A_218 : vector<8x256xi1>, vector<8x256xf32>
      %reduce_min3A_247 = arith.constant dense<0x7F800000> : vector<256xf32>
      %reduce_min3A_248 = vector.multi_reduction <minimumf>, %select_n3A_234, %reduce_min3A_247 [0] : vector<16x256xf32> to vector<256xf32>
      %broadcast_in_dim3A_249 = vector.shape_cast %reduce_min3A_248 : vector<256xf32> to vector<1x256xf32>
      %eq3A_250 = vector.broadcast %broadcast_in_dim3A_249 : vector<1x256xf32> to vector<16x256xf32>
      %eq3A_251 = arith.cmpf oeq, %select_n3A_234, %eq3A_250 : vector<16x256xf32>
      %jit3A_252 = arith.constant 0x7F800000 : f32
      %broadcast_in_dim3A_253 = vector.broadcast %jit3A_252 : f32 to vector<16x256xf32>
      %select_n3A_254 = arith.select %eq3A_251, %concatenate3A_216, %broadcast_in_dim3A_253 : vector<16x256xi1>, vector<16x256xf32>
      %reduce_min3A_255 = arith.constant dense<0x7F800000> : vector<256xf32>
      %reduce_min3A_256 = vector.multi_reduction <minimumf>, %select_n3A_254, %reduce_min3A_255 [0] : vector<16x256xf32> to vector<256xf32>
      %broadcast_in_dim3A_257 = vector.shape_cast %reduce_min3A_256 : vector<256xf32> to vector<1x256xf32>
      %eq3A_258 = vector.broadcast %broadcast_in_dim3A_257 : vector<1x256xf32> to vector<16x256xf32>
      %eq3A_259 = arith.cmpf oeq, %select_n3A_254, %eq3A_258 : vector<16x256xf32>
      %jit3A_260 = arith.constant 0x7F800000 : f32
      %broadcast_in_dim3A_261 = vector.broadcast %jit3A_260 : f32 to vector<16x256xf32>
      %select_n3A_262 = arith.select %eq3A_259, %broadcast_in_dim3A_261, %select_n3A_234 : vector<16x256xi1>, vector<16x256xf32>
      %eq3A_263 = arith.constant 1 : i32
      %eq3A_264 = vector.broadcast %eq3A_263 : i32 to vector<8x256xi32>
      %eq3A_265 = arith.cmpi eq, %iota3A, %eq3A_264 : vector<8x256xi32>
      %broadcast_in_dim3A_266 = vector.shape_cast %broadcast_in_dim3A_249 : vector<1x256xf32> to vector<1x256xf32>
      %broadcast_in_dim3A_267 = vector.broadcast %broadcast_in_dim3A_266 : vector<1x256xf32> to vector<8x256xf32>
      %select_n3A_268 = arith.select %eq3A_265, %broadcast_in_dim3A_267, %select_n3A_240 : vector<8x256xi1>, vector<8x256xf32>
      %eq3A_269 = arith.constant 1 : i32
      %eq3A_270 = vector.broadcast %eq3A_269 : i32 to vector<8x256xi32>
      %eq3A_271 = arith.cmpi eq, %iota3A, %eq3A_270 : vector<8x256xi32>
      %broadcast_in_dim3A_272 = vector.shape_cast %broadcast_in_dim3A_257 : vector<1x256xf32> to vector<1x256xf32>
      %broadcast_in_dim3A_273 = vector.broadcast %broadcast_in_dim3A_272 : vector<1x256xf32> to vector<8x256xf32>
      %select_n3A_274 = arith.select %eq3A_271, %broadcast_in_dim3A_273, %select_n3A_246 : vector<8x256xi1>, vector<8x256xf32>
      %reduce_min3A_275 = arith.constant dense<0x7F800000> : vector<256xf32>
      %reduce_min3A_276 = vector.multi_reduction <minimumf>, %select_n3A_262, %reduce_min3A_275 [0] : vector<16x256xf32> to vector<256xf32>
      %broadcast_in_dim3A_277 = vector.shape_cast %reduce_min3A_276 : vector<256xf32> to vector<1x256xf32>
      %eq3A_278 = vector.broadcast %broadcast_in_dim3A_277 : vector<1x256xf32> to vector<16x256xf32>
      %eq3A_279 = arith.cmpf oeq, %select_n3A_262, %eq3A_278 : vector<16x256xf32>
      %jit3A_280 = arith.constant 0x7F800000 : f32
      %broadcast_in_dim3A_281 = vector.broadcast %jit3A_280 : f32 to vector<16x256xf32>
      %select_n3A_282 = arith.select %eq3A_279, %concatenate3A_216, %broadcast_in_dim3A_281 : vector<16x256xi1>, vector<16x256xf32>
      %reduce_min3A_283 = arith.constant dense<0x7F800000> : vector<256xf32>
      %reduce_min3A_284 = vector.multi_reduction <minimumf>, %select_n3A_282, %reduce_min3A_283 [0] : vector<16x256xf32> to vector<256xf32>
      %broadcast_in_dim3A_285 = vector.shape_cast %reduce_min3A_284 : vector<256xf32> to vector<1x256xf32>
      %eq3A_286 = vector.broadcast %broadcast_in_dim3A_285 : vector<1x256xf32> to vector<16x256xf32>
      %eq3A_287 = arith.cmpf oeq, %select_n3A_282, %eq3A_286 : vector<16x256xf32>
      %jit3A_288 = arith.constant 0x7F800000 : f32
      %broadcast_in_dim3A_289 = vector.broadcast %jit3A_288 : f32 to vector<16x256xf32>
      %select_n3A_290 = arith.select %eq3A_287, %broadcast_in_dim3A_289, %select_n3A_262 : vector<16x256xi1>, vector<16x256xf32>
      %eq3A_291 = arith.constant 2 : i32
      %eq3A_292 = vector.broadcast %eq3A_291 : i32 to vector<8x256xi32>
      %eq3A_293 = arith.cmpi eq, %iota3A, %eq3A_292 : vector<8x256xi32>
      %broadcast_in_dim3A_294 = vector.shape_cast %broadcast_in_dim3A_277 : vector<1x256xf32> to vector<1x256xf32>
      %broadcast_in_dim3A_295 = vector.broadcast %broadcast_in_dim3A_294 : vector<1x256xf32> to vector<8x256xf32>
      %select_n3A_296 = arith.select %eq3A_293, %broadcast_in_dim3A_295, %select_n3A_268 : vector<8x256xi1>, vector<8x256xf32>
      %eq3A_297 = arith.constant 2 : i32
      %eq3A_298 = vector.broadcast %eq3A_297 : i32 to vector<8x256xi32>
      %eq3A_299 = arith.cmpi eq, %iota3A, %eq3A_298 : vector<8x256xi32>
      %broadcast_in_dim3A_300 = vector.shape_cast %broadcast_in_dim3A_285 : vector<1x256xf32> to vector<1x256xf32>
      %broadcast_in_dim3A_301 = vector.broadcast %broadcast_in_dim3A_300 : vector<1x256xf32> to vector<8x256xf32>
      %select_n3A_302 = arith.select %eq3A_299, %broadcast_in_dim3A_301, %select_n3A_274 : vector<8x256xi1>, vector<8x256xf32>
      %reduce_min3A_303 = arith.constant dense<0x7F800000> : vector<256xf32>
      %reduce_min3A_304 = vector.multi_reduction <minimumf>, %select_n3A_290, %reduce_min3A_303 [0] : vector<16x256xf32> to vector<256xf32>
      %broadcast_in_dim3A_305 = vector.shape_cast %reduce_min3A_304 : vector<256xf32> to vector<1x256xf32>
      %eq3A_306 = vector.broadcast %broadcast_in_dim3A_305 : vector<1x256xf32> to vector<16x256xf32>
      %eq3A_307 = arith.cmpf oeq, %select_n3A_290, %eq3A_306 : vector<16x256xf32>
      %jit3A_308 = arith.constant 0x7F800000 : f32
      %broadcast_in_dim3A_309 = vector.broadcast %jit3A_308 : f32 to vector<16x256xf32>
      %select_n3A_310 = arith.select %eq3A_307, %concatenate3A_216, %broadcast_in_dim3A_309 : vector<16x256xi1>, vector<16x256xf32>
      %reduce_min3A_311 = arith.constant dense<0x7F800000> : vector<256xf32>
      %reduce_min3A_312 = vector.multi_reduction <minimumf>, %select_n3A_310, %reduce_min3A_311 [0] : vector<16x256xf32> to vector<256xf32>
      %broadcast_in_dim3A_313 = vector.shape_cast %reduce_min3A_312 : vector<256xf32> to vector<1x256xf32>
      %eq3A_314 = vector.broadcast %broadcast_in_dim3A_313 : vector<1x256xf32> to vector<16x256xf32>
      %eq3A_315 = arith.cmpf oeq, %select_n3A_310, %eq3A_314 : vector<16x256xf32>
      %jit3A_316 = arith.constant 0x7F800000 : f32
      %broadcast_in_dim3A_317 = vector.broadcast %jit3A_316 : f32 to vector<16x256xf32>
      %select_n3A_318 = arith.select %eq3A_315, %broadcast_in_dim3A_317, %select_n3A_290 : vector<16x256xi1>, vector<16x256xf32>
      %eq3A_319 = arith.constant 3 : i32
      %eq3A_320 = vector.broadcast %eq3A_319 : i32 to vector<8x256xi32>
      %eq3A_321 = arith.cmpi eq, %iota3A, %eq3A_320 : vector<8x256xi32>
      %broadcast_in_dim3A_322 = vector.shape_cast %broadcast_in_dim3A_305 : vector<1x256xf32> to vector<1x256xf32>
      %broadcast_in_dim3A_323 = vector.broadcast %broadcast_in_dim3A_322 : vector<1x256xf32> to vector<8x256xf32>
      %select_n3A_324 = arith.select %eq3A_321, %broadcast_in_dim3A_323, %select_n3A_296 : vector<8x256xi1>, vector<8x256xf32>
      %eq3A_325 = arith.constant 3 : i32
      %eq3A_326 = vector.broadcast %eq3A_325 : i32 to vector<8x256xi32>
      %eq3A_327 = arith.cmpi eq, %iota3A, %eq3A_326 : vector<8x256xi32>
      %broadcast_in_dim3A_328 = vector.shape_cast %broadcast_in_dim3A_313 : vector<1x256xf32> to vector<1x256xf32>
      %broadcast_in_dim3A_329 = vector.broadcast %broadcast_in_dim3A_328 : vector<1x256xf32> to vector<8x256xf32>
      %select_n3A_330 = arith.select %eq3A_327, %broadcast_in_dim3A_329, %select_n3A_302 : vector<8x256xi1>, vector<8x256xf32>
      %reduce_min3A_331 = arith.constant dense<0x7F800000> : vector<256xf32>
      %reduce_min3A_332 = vector.multi_reduction <minimumf>, %select_n3A_318, %reduce_min3A_331 [0] : vector<16x256xf32> to vector<256xf32>
      %broadcast_in_dim3A_333 = vector.shape_cast %reduce_min3A_332 : vector<256xf32> to vector<1x256xf32>
      %eq3A_334 = vector.broadcast %broadcast_in_dim3A_333 : vector<1x256xf32> to vector<16x256xf32>
      %eq3A_335 = arith.cmpf oeq, %select_n3A_318, %eq3A_334 : vector<16x256xf32>
      %jit3A_336 = arith.constant 0x7F800000 : f32
      %broadcast_in_dim3A_337 = vector.broadcast %jit3A_336 : f32 to vector<16x256xf32>
      %select_n3A_338 = arith.select %eq3A_335, %concatenate3A_216, %broadcast_in_dim3A_337 : vector<16x256xi1>, vector<16x256xf32>
      %reduce_min3A_339 = arith.constant dense<0x7F800000> : vector<256xf32>
      %reduce_min3A_340 = vector.multi_reduction <minimumf>, %select_n3A_338, %reduce_min3A_339 [0] : vector<16x256xf32> to vector<256xf32>
      %broadcast_in_dim3A_341 = vector.shape_cast %reduce_min3A_340 : vector<256xf32> to vector<1x256xf32>
      %eq3A_342 = vector.broadcast %broadcast_in_dim3A_341 : vector<1x256xf32> to vector<16x256xf32>
      %eq3A_343 = arith.cmpf oeq, %select_n3A_338, %eq3A_342 : vector<16x256xf32>
      %jit3A_344 = arith.constant 0x7F800000 : f32
      %broadcast_in_dim3A_345 = vector.broadcast %jit3A_344 : f32 to vector<16x256xf32>
      %select_n3A_346 = arith.select %eq3A_343, %broadcast_in_dim3A_345, %select_n3A_318 : vector<16x256xi1>, vector<16x256xf32>
      %eq3A_347 = arith.constant 4 : i32
      %eq3A_348 = vector.broadcast %eq3A_347 : i32 to vector<8x256xi32>
      %eq3A_349 = arith.cmpi eq, %iota3A, %eq3A_348 : vector<8x256xi32>
      %broadcast_in_dim3A_350 = vector.shape_cast %broadcast_in_dim3A_333 : vector<1x256xf32> to vector<1x256xf32>
      %broadcast_in_dim3A_351 = vector.broadcast %broadcast_in_dim3A_350 : vector<1x256xf32> to vector<8x256xf32>
      %select_n3A_352 = arith.select %eq3A_349, %broadcast_in_dim3A_351, %select_n3A_324 : vector<8x256xi1>, vector<8x256xf32>
      %eq3A_353 = arith.constant 4 : i32
      %eq3A_354 = vector.broadcast %eq3A_353 : i32 to vector<8x256xi32>
      %eq3A_355 = arith.cmpi eq, %iota3A, %eq3A_354 : vector<8x256xi32>
      %broadcast_in_dim3A_356 = vector.shape_cast %broadcast_in_dim3A_341 : vector<1x256xf32> to vector<1x256xf32>
      %broadcast_in_dim3A_357 = vector.broadcast %broadcast_in_dim3A_356 : vector<1x256xf32> to vector<8x256xf32>
      %select_n3A_358 = arith.select %eq3A_355, %broadcast_in_dim3A_357, %select_n3A_330 : vector<8x256xi1>, vector<8x256xf32>
      scf.yield %select_n3A_352, %select_n3A_358 : vector<8x256xf32>, vector<8x256xf32>
    }
    %convert_element_type3A_25 = arith.fptosi %while3A_24#1 : vector<8x256xf32> to vector<8x256xi32>
    %swap3A = arith.constant 0 : index
    %swap3A_26 = arith.constant 0 : index
    %swap3A_27 = vector.load %arg10[%swap3A, %swap3A_26] : memref<8x256xi32, #tpu.memory_space<vmem>>, vector<8x256xi32>
    tpu.vector_store %arg10[%swap3A, %swap3A_26], %convert_element_type3A_25 {strides = array<i32>} : memref<8x256xi32, #tpu.memory_space<vmem>>, vector<8x256xi32>,
    %get3A_28 = arith.constant 0 : index
    %get3A_29 = arith.constant 0 : index
    %get3A_30 = vector.load %arg7[%get3A_28, %get3A_29] : memref<4x64xf32, #tpu.memory_space<vmem>>, vector<4x64xf32>
    %dot_general3A = arith.constant dense<0.000000e+00> : vector<256x64xf32>
    %dot_general3A_31 = tpu.matmul %get3A_1, %get3A_30, %dot_general3A {dimension_numbers = #tpu.dot_dimension_numbers<[1], [0], [0], [1], [0, 0, 1, 1], [], []>, transpose_lhs_hint = false} : vector<256x4xf32>, vector<4x64xf32>, vector<256x64xf32> -> vector<256x64xf32>
    %get3A_32 = arith.constant 0 : index
    %get3A_33 = vector.load %arg9[%get3A_32] : memref<64xf32, #tpu.memory_space<vmem>>, vector<64xf32>
    %broadcast_in_dim3A_34 = vector.shape_cast %get3A_33 : vector<64xf32> to vector<1x64xf32>
    %add3A = vector.broadcast %broadcast_in_dim3A_34 : vector<1x64xf32> to vector<256x64xf32>
    %add3A_35 = arith.addf %dot_general3A_31, %add3A : vector<256x64xf32>
    %swap3A_36 = arith.constant 0 : index
    %swap3A_37 = arith.constant 0 : index
    %swap3A_38 = vector.load %arg11[%swap3A_36, %swap3A_37] : memref<256x64xf32, #tpu.memory_space<vmem>>, vector<256x64xf32>
    tpu.vector_store %arg11[%swap3A_36, %swap3A_37], %add3A_35 {strides = array<i32>} : memref<256x64xf32, #tpu.memory_space<vmem>>, vector<256x64xf32>,
    %get3A_39 = arith.constant 0 : index
    %get3A_40 = arith.constant 0 : index
    %get3A_41 = vector.load %arg8[%get3A_39, %get3A_40] : memref<4x64xf32, #tpu.memory_space<vmem>>, vector<4x64xf32>
    %dot_general3A_42 = arith.constant dense<0.000000e+00> : vector<256x64xf32>
    %dot_general3A_43 = tpu.matmul %get3A_1, %get3A_41, %dot_general3A_42 {dimension_numbers = #tpu.dot_dimension_numbers<[1], [0], [0], [1], [0, 0, 1, 1], [], []>, transpose_lhs_hint = false} : vector<256x4xf32>, vector<4x64xf32>, vector<256x64xf32> -> vector<256x64xf32>
    %broadcast_in_dim3A_44 = arith.constant 0.000000e+00 : f32
    %broadcast_in_dim3A_45 = vector.broadcast %broadcast_in_dim3A_44 : f32 to vector<256x64xf32>
    %concatenate3A = tpu.concatenate %dot_general3A_43, %broadcast_in_dim3A_45 in 1 : vector<256x64xf32>, vector<256x64xf32> -> vector<256x128xf32>
    %swap3A_46 = arith.constant 0 : index
    %swap3A_47 = arith.constant 0 : index
    %swap3A_48 = vector.load %arg12[%swap3A_46, %swap3A_47] : memref<256x128xf32, #tpu.memory_space<vmem>>, vector<256x128xf32>
    tpu.vector_store %arg12[%swap3A_46, %swap3A_47], %concatenate3A {strides = array<i32>} : memref<256x128xf32, #tpu.memory_space<vmem>>, vector<256x128xf32>,
    return
  }
  func.func @transform_0(%arg0: i32) -> i32 {
    %c0_i32 = arith.constant 0 : i32
    %c0_i32_0 = arith.constant 0 : i32
    return %c0_i32 : i32
  }
  func.func @transform_1(%arg0: i32) -> i32 {
    %c0_i32 = arith.constant 0 : i32
    %c0_i32_0 = arith.constant 0 : i32
    return %c0_i32 : i32
  }
  func.func @transform_2(%arg0: i32) -> (i32, i32) {
    %c0_i32 = arith.constant 0 : i32
    %c0_i32_0 = arith.constant 0 : i32
    return %arg0, %c0_i32 : i32, i32
  }
  func.func @transform_3(%arg0: i32) -> (i32, i32) {
    %c0_i32 = arith.constant 0 : i32
    %c0_i32_0 = arith.constant 0 : i32
    return %c0_i32, %arg0 : i32, i32
  }
  func.func @transform_4(%arg0: i32) -> (i32, i32) {
    %c0_i32 = arith.constant 0 : i32
    %c0_i32_0 = arith.constant 0 : i32
    %c0_i32_1 = arith.constant 0 : i32
    return %c0_i32, %c0_i32_0 : i32, i32
  }
  func.func @transform_5(%arg0: i32) -> (i32, i32) {
    %c0_i32 = arith.constant 0 : i32
    %c0_i32_0 = arith.constant 0 : i32
    %c0_i32_1 = arith.constant 0 : i32
    return %c0_i32, %c0_i32_0 : i32, i32
  }
  func.func @transform_6(%arg0: i32) -> (i32, i32) {
    %c0_i32 = arith.constant 0 : i32
    %c0_i32_0 = arith.constant 0 : i32
    %c0_i32_1 = arith.constant 0 : i32
    return %c0_i32, %c0_i32_0 : i32, i32
  }
  func.func @transform_7(%arg0: i32) -> (i32, i32) {
    %c0_i32 = arith.constant 0 : i32
    %c0_i32_0 = arith.constant 0 : i32
    %c0_i32_1 = arith.constant 0 : i32
    return %c0_i32, %c0_i32_0 : i32, i32
  }
  func.func @transform_8(%arg0: i32) -> i32 {
    %c0_i32 = arith.constant 0 : i32
    %c0_i32_0 = arith.constant 0 : i32
    return %c0_i32 : i32
  }
  func.func @transform_9(%arg0: i32) -> (i32, i32) {
    %c0_i32 = arith.constant 0 : i32
    %c0_i32_0 = arith.constant 0 : i32
    return %c0_i32, %arg0 : i32, i32
  }
  func.func @transform_10(%arg0: i32) -> (i32, i32) {
    %c0_i32 = arith.constant 0 : i32
    %c0_i32_0 = arith.constant 0 : i32
    return %arg0, %c0_i32 : i32, i32
  }
  func.func @transform_11(%arg0: i32) -> (i32, i32) {
    %c0_i32 = arith.constant 0 : i32
    %c0_i32_0 = arith.constant 0 : i32
    return %arg0, %c0_i32 : i32, i32
  }
}

module attributes {stable_mosaic.version = 14 : i64} {
  func.func @_edge_mlp_body(%arg0: i32, %arg1: memref<256x64xf32, #tpu.memory_space<vmem>>, %arg2: memref<5x256x128xf32, #tpu.memory_space<vmem>>, %arg3: memref<64x64xf32, #tpu.memory_space<vmem>>, %arg4: memref<64xf32, #tpu.memory_space<vmem>>, %arg5: memref<256x64xf32, #tpu.memory_space<vmem>>) attributes {dimension_semantics = [#tpu.dimension_semantics<arbitrary>], iteration_bounds = array<i64: 32>, scalar_prefetch = 0 : i64, scratch_operands = 0 : i64, tpu.core_type = #tpu.core_type<tc>, window_params = [{transform_indices = @transform_0, window_bounds = array<i64: 256, 64>}, {transform_indices = @transform_1, window_bounds = array<i64: 5, 256, 128>}, {pipeline_mode = #tpu.pipeline_mode<synchronous>, transform_indices = @transform_2, window_bounds = array<i64: 64, 64>}, {pipeline_mode = #tpu.pipeline_mode<synchronous>, transform_indices = @transform_3, window_bounds = array<i64: 64>}, {transform_indices = @transform_4, window_bounds = array<i64: 256, 64>}]} {
    %get3A = arith.constant 0 : index
    %get3A_0 = arith.constant 0 : index
    %get3A_1 = vector.load %arg1[%get3A, %get3A_0] : memref<256x64xf32, #tpu.memory_space<vmem>>, vector<256x64xf32>
    %get3A_2 = arith.constant 0 : index
    %get3A_3 = arith.constant 0 : index
    %get3A_4 = vector.load %arg3[%get3A_2, %get3A_3] : memref<64x64xf32, #tpu.memory_space<vmem>>, vector<64x64xf32>
    %get3A_5 = arith.constant 0 : index
    %get3A_6 = vector.load %arg4[%get3A_5] : memref<64xf32, #tpu.memory_space<vmem>>, vector<64xf32>
    %broadcast_in_dim3A = arith.constant 0.000000e+00 : f32
    %broadcast_in_dim3A_7 = vector.broadcast %broadcast_in_dim3A : f32 to vector<256x64xf32>
    %get3A_8 = arith.constant 0 : index
    %get3A_9 = arith.constant 0 : index
    %get3A_10 = arith.constant 0 : index
    %get3A_11 = vector.load %arg2[%get3A_8, %get3A_9, %get3A_10] : memref<5x256x128xf32, #tpu.memory_space<vmem>>, vector<1x256x128xf32>
    %get3A_12 = vector.shape_cast %get3A_11 : vector<1x256x128xf32> to vector<256x128xf32>
    %slice3A = vector.extract_strided_slice %get3A_12 {offsets = [0, 0], sizes = [256, 64], strides = [1, 1]} : vector<256x128xf32> to vector<256x64xf32>
    %add3A = arith.addf %get3A_1, %slice3A : vector<256x64xf32>
    %mul3A = arith.constant 0.00999999977 : f32
    %mul3A_13 = vector.broadcast %mul3A : f32 to vector<256x64xf32>
    %mul3A_14 = arith.mulf %mul3A_13, %add3A : vector<256x64xf32>
    %max3A = arith.maximumf %add3A, %mul3A_14 : vector<256x64xf32>
    %dot_general3A = arith.constant dense<0.000000e+00> : vector<256x64xf32>
    %dot_general3A_15 = tpu.matmul %max3A, %get3A_4, %dot_general3A {dimension_numbers = #tpu.dot_dimension_numbers<[1], [0], [0], [1], [0, 0, 1, 1], [], []>, transpose_lhs_hint = false} : vector<256x64xf32>, vector<64x64xf32>, vector<256x64xf32> -> vector<256x64xf32>
    %broadcast_in_dim3A_16 = vector.shape_cast %get3A_6 : vector<64xf32> to vector<1x64xf32>
    %add3A_17 = vector.broadcast %broadcast_in_dim3A_16 : vector<1x64xf32> to vector<256x64xf32>
    %add3A_18 = arith.addf %dot_general3A_15, %add3A_17 : vector<256x64xf32>
    %mul3A_19 = arith.constant 0.00999999977 : f32
    %mul3A_20 = vector.broadcast %mul3A_19 : f32 to vector<256x64xf32>
    %mul3A_21 = arith.mulf %mul3A_20, %add3A_18 : vector<256x64xf32>
    %max3A_22 = arith.maximumf %add3A_18, %mul3A_21 : vector<256x64xf32>
    %add3A_23 = arith.addf %broadcast_in_dim3A_7, %max3A_22 : vector<256x64xf32>
    %get3A_24 = arith.constant 1 : index
    %get3A_25 = arith.constant 0 : index
    %get3A_26 = arith.constant 0 : index
    %get3A_27 = vector.load %arg2[%get3A_24, %get3A_25, %get3A_26] : memref<5x256x128xf32, #tpu.memory_space<vmem>>, vector<1x256x128xf32>
    %get3A_28 = vector.shape_cast %get3A_27 : vector<1x256x128xf32> to vector<256x128xf32>
    %slice3A_29 = vector.extract_strided_slice %get3A_28 {offsets = [0, 0], sizes = [256, 64], strides = [1, 1]} : vector<256x128xf32> to vector<256x64xf32>
    %add3A_30 = arith.addf %get3A_1, %slice3A_29 : vector<256x64xf32>
    %mul3A_31 = arith.constant 0.00999999977 : f32
    %mul3A_32 = vector.broadcast %mul3A_31 : f32 to vector<256x64xf32>
    %mul3A_33 = arith.mulf %mul3A_32, %add3A_30 : vector<256x64xf32>
    %max3A_34 = arith.maximumf %add3A_30, %mul3A_33 : vector<256x64xf32>
    %dot_general3A_35 = arith.constant dense<0.000000e+00> : vector<256x64xf32>
    %dot_general3A_36 = tpu.matmul %max3A_34, %get3A_4, %dot_general3A_35 {dimension_numbers = #tpu.dot_dimension_numbers<[1], [0], [0], [1], [0, 0, 1, 1], [], []>, transpose_lhs_hint = false} : vector<256x64xf32>, vector<64x64xf32>, vector<256x64xf32> -> vector<256x64xf32>
    %broadcast_in_dim3A_37 = vector.shape_cast %get3A_6 : vector<64xf32> to vector<1x64xf32>
    %add3A_38 = vector.broadcast %broadcast_in_dim3A_37 : vector<1x64xf32> to vector<256x64xf32>
    %add3A_39 = arith.addf %dot_general3A_36, %add3A_38 : vector<256x64xf32>
    %mul3A_40 = arith.constant 0.00999999977 : f32
    %mul3A_41 = vector.broadcast %mul3A_40 : f32 to vector<256x64xf32>
    %mul3A_42 = arith.mulf %mul3A_41, %add3A_39 : vector<256x64xf32>
    %max3A_43 = arith.maximumf %add3A_39, %mul3A_42 : vector<256x64xf32>
    %add3A_44 = arith.addf %add3A_23, %max3A_43 : vector<256x64xf32>
    %get3A_45 = arith.constant 2 : index
    %get3A_46 = arith.constant 0 : index
    %get3A_47 = arith.constant 0 : index
    %get3A_48 = vector.load %arg2[%get3A_45, %get3A_46, %get3A_47] : memref<5x256x128xf32, #tpu.memory_space<vmem>>, vector<1x256x128xf32>
    %get3A_49 = vector.shape_cast %get3A_48 : vector<1x256x128xf32> to vector<256x128xf32>
    %slice3A_50 = vector.extract_strided_slice %get3A_49 {offsets = [0, 0], sizes = [256, 64], strides = [1, 1]} : vector<256x128xf32> to vector<256x64xf32>
    %add3A_51 = arith.addf %get3A_1, %slice3A_50 : vector<256x64xf32>
    %mul3A_52 = arith.constant 0.00999999977 : f32
    %mul3A_53 = vector.broadcast %mul3A_52 : f32 to vector<256x64xf32>
    %mul3A_54 = arith.mulf %mul3A_53, %add3A_51 : vector<256x64xf32>
    %max3A_55 = arith.maximumf %add3A_51, %mul3A_54 : vector<256x64xf32>
    %dot_general3A_56 = arith.constant dense<0.000000e+00> : vector<256x64xf32>
    %dot_general3A_57 = tpu.matmul %max3A_55, %get3A_4, %dot_general3A_56 {dimension_numbers = #tpu.dot_dimension_numbers<[1], [0], [0], [1], [0, 0, 1, 1], [], []>, transpose_lhs_hint = false} : vector<256x64xf32>, vector<64x64xf32>, vector<256x64xf32> -> vector<256x64xf32>
    %broadcast_in_dim3A_58 = vector.shape_cast %get3A_6 : vector<64xf32> to vector<1x64xf32>
    %add3A_59 = vector.broadcast %broadcast_in_dim3A_58 : vector<1x64xf32> to vector<256x64xf32>
    %add3A_60 = arith.addf %dot_general3A_57, %add3A_59 : vector<256x64xf32>
    %mul3A_61 = arith.constant 0.00999999977 : f32
    %mul3A_62 = vector.broadcast %mul3A_61 : f32 to vector<256x64xf32>
    %mul3A_63 = arith.mulf %mul3A_62, %add3A_60 : vector<256x64xf32>
    %max3A_64 = arith.maximumf %add3A_60, %mul3A_63 : vector<256x64xf32>
    %add3A_65 = arith.addf %add3A_44, %max3A_64 : vector<256x64xf32>
    %get3A_66 = arith.constant 3 : index
    %get3A_67 = arith.constant 0 : index
    %get3A_68 = arith.constant 0 : index
    %get3A_69 = vector.load %arg2[%get3A_66, %get3A_67, %get3A_68] : memref<5x256x128xf32, #tpu.memory_space<vmem>>, vector<1x256x128xf32>
    %get3A_70 = vector.shape_cast %get3A_69 : vector<1x256x128xf32> to vector<256x128xf32>
    %slice3A_71 = vector.extract_strided_slice %get3A_70 {offsets = [0, 0], sizes = [256, 64], strides = [1, 1]} : vector<256x128xf32> to vector<256x64xf32>
    %add3A_72 = arith.addf %get3A_1, %slice3A_71 : vector<256x64xf32>
    %mul3A_73 = arith.constant 0.00999999977 : f32
    %mul3A_74 = vector.broadcast %mul3A_73 : f32 to vector<256x64xf32>
    %mul3A_75 = arith.mulf %mul3A_74, %add3A_72 : vector<256x64xf32>
    %max3A_76 = arith.maximumf %add3A_72, %mul3A_75 : vector<256x64xf32>
    %dot_general3A_77 = arith.constant dense<0.000000e+00> : vector<256x64xf32>
    %dot_general3A_78 = tpu.matmul %max3A_76, %get3A_4, %dot_general3A_77 {dimension_numbers = #tpu.dot_dimension_numbers<[1], [0], [0], [1], [0, 0, 1, 1], [], []>, transpose_lhs_hint = false} : vector<256x64xf32>, vector<64x64xf32>, vector<256x64xf32> -> vector<256x64xf32>
    %broadcast_in_dim3A_79 = vector.shape_cast %get3A_6 : vector<64xf32> to vector<1x64xf32>
    %add3A_80 = vector.broadcast %broadcast_in_dim3A_79 : vector<1x64xf32> to vector<256x64xf32>
    %add3A_81 = arith.addf %dot_general3A_78, %add3A_80 : vector<256x64xf32>
    %mul3A_82 = arith.constant 0.00999999977 : f32
    %mul3A_83 = vector.broadcast %mul3A_82 : f32 to vector<256x64xf32>
    %mul3A_84 = arith.mulf %mul3A_83, %add3A_81 : vector<256x64xf32>
    %max3A_85 = arith.maximumf %add3A_81, %mul3A_84 : vector<256x64xf32>
    %add3A_86 = arith.addf %add3A_65, %max3A_85 : vector<256x64xf32>
    %get3A_87 = arith.constant 4 : index
    %get3A_88 = arith.constant 0 : index
    %get3A_89 = arith.constant 0 : index
    %get3A_90 = vector.load %arg2[%get3A_87, %get3A_88, %get3A_89] : memref<5x256x128xf32, #tpu.memory_space<vmem>>, vector<1x256x128xf32>
    %get3A_91 = vector.shape_cast %get3A_90 : vector<1x256x128xf32> to vector<256x128xf32>
    %slice3A_92 = vector.extract_strided_slice %get3A_91 {offsets = [0, 0], sizes = [256, 64], strides = [1, 1]} : vector<256x128xf32> to vector<256x64xf32>
    %add3A_93 = arith.addf %get3A_1, %slice3A_92 : vector<256x64xf32>
    %mul3A_94 = arith.constant 0.00999999977 : f32
    %mul3A_95 = vector.broadcast %mul3A_94 : f32 to vector<256x64xf32>
    %mul3A_96 = arith.mulf %mul3A_95, %add3A_93 : vector<256x64xf32>
    %max3A_97 = arith.maximumf %add3A_93, %mul3A_96 : vector<256x64xf32>
    %dot_general3A_98 = arith.constant dense<0.000000e+00> : vector<256x64xf32>
    %dot_general3A_99 = tpu.matmul %max3A_97, %get3A_4, %dot_general3A_98 {dimension_numbers = #tpu.dot_dimension_numbers<[1], [0], [0], [1], [0, 0, 1, 1], [], []>, transpose_lhs_hint = false} : vector<256x64xf32>, vector<64x64xf32>, vector<256x64xf32> -> vector<256x64xf32>
    %broadcast_in_dim3A_100 = vector.shape_cast %get3A_6 : vector<64xf32> to vector<1x64xf32>
    %add3A_101 = vector.broadcast %broadcast_in_dim3A_100 : vector<1x64xf32> to vector<256x64xf32>
    %add3A_102 = arith.addf %dot_general3A_99, %add3A_101 : vector<256x64xf32>
    %mul3A_103 = arith.constant 0.00999999977 : f32
    %mul3A_104 = vector.broadcast %mul3A_103 : f32 to vector<256x64xf32>
    %mul3A_105 = arith.mulf %mul3A_104, %add3A_102 : vector<256x64xf32>
    %max3A_106 = arith.maximumf %add3A_102, %mul3A_105 : vector<256x64xf32>
    %add3A_107 = arith.addf %add3A_86, %max3A_106 : vector<256x64xf32>
    %swap3A = arith.constant 0 : index
    %swap3A_108 = arith.constant 0 : index
    %swap3A_109 = vector.load %arg5[%swap3A, %swap3A_108] : memref<256x64xf32, #tpu.memory_space<vmem>>, vector<256x64xf32>
    tpu.vector_store %arg5[%swap3A, %swap3A_108], %add3A_107 {strides = array<i32>} : memref<256x64xf32, #tpu.memory_space<vmem>>, vector<256x64xf32>,
    return
  }
  func.func @transform_0(%arg0: i32) -> (i32, i32) {
    %c0_i32 = arith.constant 0 : i32
    %c0_i32_0 = arith.constant 0 : i32
    return %arg0, %c0_i32 : i32, i32
  }
  func.func @transform_1(%arg0: i32) -> (i32, i32, i32) {
    %c0_i32 = arith.constant 0 : i32
    %c0_i32_0 = arith.constant 0 : i32
    %c0_i32_1 = arith.constant 0 : i32
    return %c0_i32, %arg0, %c0_i32_0 : i32, i32, i32
  }
  func.func @transform_2(%arg0: i32) -> (i32, i32) {
    %c0_i32 = arith.constant 0 : i32
    %c0_i32_0 = arith.constant 0 : i32
    %c0_i32_1 = arith.constant 0 : i32
    return %c0_i32, %c0_i32_0 : i32, i32
  }
  func.func @transform_3(%arg0: i32) -> i32 {
    %c0_i32 = arith.constant 0 : i32
    %c0_i32_0 = arith.constant 0 : i32
    return %c0_i32 : i32
  }
  func.func @transform_4(%arg0: i32) -> (i32, i32) {
    %c0_i32 = arith.constant 0 : i32
    %c0_i32_0 = arith.constant 0 : i32
    return %arg0, %c0_i32 : i32, i32
  }
}

module attributes {stable_mosaic.version = 14 : i64} {
  func.func @_final_body(%arg0: i32, %arg1: memref<32xi32, #tpu.memory_space<smem>>, %arg2: memref<32xi32, #tpu.memory_space<smem>>, %arg3: memref<256x256xf32, #tpu.memory_space<vmem>>, %arg4: memref<256x1xi32, #tpu.memory_space<vmem>>, %arg5: memref<256x512xf32, #tpu.memory_space<vmem>>, %arg6: memref<512xf32, #tpu.memory_space<vmem>>, %arg7: memref<512x512xf32, #tpu.memory_space<vmem>>, %arg8: memref<512xf32, #tpu.memory_space<vmem>>, %arg9: memref<2048x256xf32, #tpu.memory_space<vmem>>, %arg10: memref<256xf32, #tpu.memory_space<vmem>>, %arg11: memref<256x40xf32, #tpu.memory_space<vmem>>, %arg12: memref<40xf32, #tpu.memory_space<vmem>>, %arg13: memref<8x40xf32, #tpu.memory_space<vmem>>, %arg14: memref<8x512xf32, #tpu.memory_space<vmem>>, %arg15: memref<8x512xf32, #tpu.memory_space<vmem>>, %arg16: memref<8x512xf32, #tpu.memory_space<vmem>>, %arg17: memref<8x128xf32, #tpu.memory_space<vmem>>) attributes {dimension_semantics = [#tpu.dimension_semantics<arbitrary>], iteration_bounds = array<i64: 32>, scalar_prefetch = 0 : i64, scratch_operands = 4 : i64, tpu.core_type = #tpu.core_type<tc>, window_params = [{transform_indices = @transform_0, window_bounds = array<i64: 32>}, {transform_indices = @transform_1, window_bounds = array<i64: 32>}, {transform_indices = @transform_2, window_bounds = array<i64: 256, 256>}, {transform_indices = @transform_3, window_bounds = array<i64: 256, 1>}, {pipeline_mode = #tpu.pipeline_mode<synchronous>, transform_indices = @transform_4, window_bounds = array<i64: 256, 512>}, {pipeline_mode = #tpu.pipeline_mode<synchronous>, transform_indices = @transform_5, window_bounds = array<i64: 512>}, {pipeline_mode = #tpu.pipeline_mode<synchronous>, transform_indices = @transform_6, window_bounds = array<i64: 512, 512>}, {pipeline_mode = #tpu.pipeline_mode<synchronous>, transform_indices = @transform_7, window_bounds = array<i64: 512>}, {pipeline_mode = #tpu.pipeline_mode<synchronous>, transform_indices = @transform_8, window_bounds = array<i64: 2048, 256>}, {pipeline_mode = #tpu.pipeline_mode<synchronous>, transform_indices = @transform_9, window_bounds = array<i64: 256>}, {pipeline_mode = #tpu.pipeline_mode<synchronous>, transform_indices = @transform_10, window_bounds = array<i64: 256, 40>}, {pipeline_mode = #tpu.pipeline_mode<synchronous>, transform_indices = @transform_11, window_bounds = array<i64: 40>}, {pipeline_mode = #tpu.pipeline_mode<synchronous>, transform_indices = @transform_12, window_bounds = array<i64: 8, 40>}]} {
    %eq3A = arith.constant 0 : i32
    %eq3A_0 = arith.cmpi eq, %arg0, %eq3A : i32
    %convert_element_type3A = arith.extui %eq3A_0 : i1 to i32
    %cond3A = arith.constant 0x7F800000 : f32
    %cond3A_1 = arith.constant 0 : i32
    %cond3A_2 = arith.cmpi ne, %convert_element_type3A, %cond3A_1 : i32
    scf.if %cond3A_2 {
      %neg3A = arith.constant 0.000000e+00 : f32
      %neg3A_49 = arith.subf %neg3A, %cond3A : f32
      %broadcast_in_dim3A_50 = vector.broadcast %neg3A_49 : f32 to vector<8x512xf32>
      %swap3A = arith.constant 0 : index
      %swap3A_51 = arith.constant 0 : index
      %swap3A_52 = vector.load %arg14[%swap3A, %swap3A_51] : memref<8x512xf32, #tpu.memory_space<vmem>>, vector<8x512xf32>
      tpu.vector_store %arg14[%swap3A, %swap3A_51], %broadcast_in_dim3A_50 {strides = array<i32>} : memref<8x512xf32, #tpu.memory_space<vmem>>, vector<8x512xf32>,
      %broadcast_in_dim3A_53 = vector.broadcast %cond3A : f32 to vector<8x512xf32>
      %swap3A_54 = arith.constant 0 : index
      %swap3A_55 = arith.constant 0 : index
      %swap3A_56 = vector.load %arg15[%swap3A_54, %swap3A_55] : memref<8x512xf32, #tpu.memory_space<vmem>>, vector<8x512xf32>
      tpu.vector_store %arg15[%swap3A_54, %swap3A_55], %broadcast_in_dim3A_53 {strides = array<i32>} : memref<8x512xf32, #tpu.memory_space<vmem>>, vector<8x512xf32>,
      %broadcast_in_dim3A_57 = arith.constant 0.000000e+00 : f32
      %broadcast_in_dim3A_58 = vector.broadcast %broadcast_in_dim3A_57 : f32 to vector<8x512xf32>
      %swap3A_59 = arith.constant 0 : index
      %swap3A_60 = arith.constant 0 : index
      %swap3A_61 = vector.load %arg16[%swap3A_59, %swap3A_60] : memref<8x512xf32, #tpu.memory_space<vmem>>, vector<8x512xf32>
      tpu.vector_store %arg16[%swap3A_59, %swap3A_60], %broadcast_in_dim3A_58 {strides = array<i32>} : memref<8x512xf32, #tpu.memory_space<vmem>>, vector<8x512xf32>,
      %broadcast_in_dim3A_62 = arith.constant 0.000000e+00 : f32
      %broadcast_in_dim3A_63 = vector.broadcast %broadcast_in_dim3A_62 : f32 to vector<8x128xf32>
      %swap3A_64 = arith.constant 0 : index
      %swap3A_65 = arith.constant 0 : index
      %swap3A_66 = vector.load %arg17[%swap3A_64, %swap3A_65] : memref<8x128xf32, #tpu.memory_space<vmem>>, vector<8x128xf32>
      tpu.vector_store %arg17[%swap3A_64, %swap3A_65], %broadcast_in_dim3A_63 {strides = array<i32>} : memref<8x128xf32, #tpu.memory_space<vmem>>, vector<8x128xf32>,
    } else {
    }
    %get3A = arith.constant 0 : index
    %get3A_3 = arith.constant 0 : index
    %get3A_4 = vector.load %arg3[%get3A, %get3A_3] : memref<256x256xf32, #tpu.memory_space<vmem>>, vector<256x256xf32>
    %get3A_5 = arith.constant 0 : index
    %get3A_6 = arith.constant 0 : index
    %get3A_7 = vector.load %arg5[%get3A_5, %get3A_6] : memref<256x512xf32, #tpu.memory_space<vmem>>, vector<256x512xf32>
    %dot_general3A = arith.constant dense<0.000000e+00> : vector<256x512xf32>
    %dot_general3A_8 = tpu.matmul %get3A_4, %get3A_7, %dot_general3A {dimension_numbers = #tpu.dot_dimension_numbers<[1], [0], [0], [1], [0, 0, 1, 1], [], []>, transpose_lhs_hint = false} : vector<256x256xf32>, vector<256x512xf32>, vector<256x512xf32> -> vector<256x512xf32>
    %get3A_9 = arith.constant 0 : index
    %get3A_10 = vector.load %arg6[%get3A_9] : memref<512xf32, #tpu.memory_space<vmem>>, vector<512xf32>
    %broadcast_in_dim3A = vector.shape_cast %get3A_10 : vector<512xf32> to vector<1x512xf32>
    %add3A = vector.broadcast %broadcast_in_dim3A : vector<1x512xf32> to vector<256x512xf32>
    %add3A_11 = arith.addf %dot_general3A_8, %add3A : vector<256x512xf32>
    %mul3A = arith.constant 0.00999999977 : f32
    %mul3A_12 = vector.broadcast %mul3A : f32 to vector<256x512xf32>
    %mul3A_13 = arith.mulf %mul3A_12, %add3A_11 : vector<256x512xf32>
    %max3A = arith.maximumf %add3A_11, %mul3A_13 : vector<256x512xf32>
    %get3A_14 = arith.constant 0 : index
    %get3A_15 = arith.constant 0 : index
    %get3A_16 = vector.load %arg7[%get3A_14, %get3A_15] : memref<512x512xf32, #tpu.memory_space<vmem>>, vector<512x512xf32>
    %dot_general3A_17 = arith.constant dense<0.000000e+00> : vector<256x512xf32>
    %dot_general3A_18 = tpu.matmul %max3A, %get3A_16, %dot_general3A_17 {dimension_numbers = #tpu.dot_dimension_numbers<[1], [0], [0], [1], [0, 0, 1, 1], [], []>, transpose_lhs_hint = false} : vector<256x512xf32>, vector<512x512xf32>, vector<256x512xf32> -> vector<256x512xf32>
    %get3A_19 = arith.constant 0 : index
    %get3A_20 = vector.load %arg8[%get3A_19] : memref<512xf32, #tpu.memory_space<vmem>>, vector<512xf32>
    %broadcast_in_dim3A_21 = vector.shape_cast %get3A_20 : vector<512xf32> to vector<1x512xf32>
    %add3A_22 = vector.broadcast %broadcast_in_dim3A_21 : vector<1x512xf32> to vector<256x512xf32>
    %add3A_23 = arith.addf %dot_general3A_18, %add3A_22 : vector<256x512xf32>
    %get3A_24 = arith.constant 0 : index
    %get3A_25 = arith.constant 0 : index
    %get3A_26 = vector.load %arg4[%get3A_24, %get3A_25] : memref<256x1xi32, #tpu.memory_space<vmem>>, vector<256x1xi32>
    %get3A_27 = arith.index_cast %arg0 : i32 to index
    %get3A_28 = memref.load %arg1[%get3A_27] : memref<32xi32, #tpu.memory_space<smem>>
    %get3A_29 = arith.index_cast %arg0 : i32 to index
    %get3A_30 = memref.load %arg2[%get3A_29] : memref<32xi32, #tpu.memory_space<smem>>
    %add3A_31 = arith.constant 1 : i32
    %add3A_32 = arith.addi %get3A_30, %add3A_31 : i32
    %while3A = arith.constant 0x7F800000 : f32
    %while3A_33 = arith.constant 0 : i32
    %while3A_34 = arith.subi %add3A_32, %get3A_28 : i32
    %while3A_35 = arith.addi %get3A_28, %while3A_34 : i32
    %while3A_36 = arith.constant 1 : i32
    %while3A_37 = arith.divsi %while3A_34, %while3A_36 : i32
    %while3A_38 = arith.muli %while3A_37, %while3A_36 : i32
    %while3A_39 = arith.addi %get3A_28, %while3A_38 : i32
    %while3A_40 = arith.constant 1 : i32
    %while3A_41 = scf.for %while3A_49 = %get3A_28 to %while3A_39 step %while3A_40 iter_args(%while3A_50 = %while3A_33) -> (i32)  : i32 {
      %eq3A_51 = vector.broadcast %while3A_49 : i32 to vector<256x1xi32>
      %eq3A_52 = arith.cmpi eq, %get3A_26, %eq3A_51 : vector<256x1xi32>
      %neg3A = arith.constant 0.000000e+00 : f32
      %neg3A_53 = arith.subf %neg3A, %while3A : f32
      %broadcast_in_dim3A_54 = vector.shape_cast %eq3A_52 : vector<256x1xi1> to vector<256x1xi1>
      %broadcast_in_dim3A_55 = vector.broadcast %broadcast_in_dim3A_54 : vector<256x1xi1> to vector<256x512xi1>
      %broadcast_in_dim3A_56 = vector.broadcast %neg3A_53 : f32 to vector<256x512xf32>
      %select_n3A = arith.select %broadcast_in_dim3A_55, %add3A_23, %broadcast_in_dim3A_56 : vector<256x512xi1>, vector<256x512xf32>
      %reduce_max3A = arith.constant dense<0xFF800000> : vector<512xf32>
      %reduce_max3A_57 = vector.multi_reduction <maximumf>, %select_n3A, %reduce_max3A [0] : vector<256x512xf32> to vector<512xf32>
      %broadcast_in_dim3A_58 = vector.shape_cast %reduce_max3A_57 : vector<512xf32> to vector<1x512xf32>
      %broadcast_in_dim3A_59 = vector.shape_cast %eq3A_52 : vector<256x1xi1> to vector<256x1xi1>
      %broadcast_in_dim3A_60 = vector.broadcast %broadcast_in_dim3A_59 : vector<256x1xi1> to vector<256x512xi1>
      %broadcast_in_dim3A_61 = vector.broadcast %while3A : f32 to vector<256x512xf32>
      %select_n3A_62 = arith.select %broadcast_in_dim3A_60, %add3A_23, %broadcast_in_dim3A_61 : vector<256x512xi1>, vector<256x512xf32>
      %reduce_min3A = arith.constant dense<0x7F800000> : vector<512xf32>
      %reduce_min3A_63 = vector.multi_reduction <minimumf>, %select_n3A_62, %reduce_min3A [0] : vector<256x512xf32> to vector<512xf32>
      %broadcast_in_dim3A_64 = vector.shape_cast %reduce_min3A_63 : vector<512xf32> to vector<1x512xf32>
      %jit3A = arith.constant 0.000000e+00 : f32
      %broadcast_in_dim3A_65 = vector.shape_cast %eq3A_52 : vector<256x1xi1> to vector<256x1xi1>
      %broadcast_in_dim3A_66 = vector.broadcast %broadcast_in_dim3A_65 : vector<256x1xi1> to vector<256x512xi1>
      %broadcast_in_dim3A_67 = vector.broadcast %jit3A : f32 to vector<256x512xf32>
      %select_n3A_68 = arith.select %broadcast_in_dim3A_66, %add3A_23, %broadcast_in_dim3A_67 : vector<256x512xi1>, vector<256x512xf32>
      %reduce_sum3A = arith.constant dense<0.000000e+00> : vector<512xf32>
      %reduce_sum3A_69 = vector.multi_reduction <add>, %select_n3A_68, %reduce_sum3A [0] : vector<256x512xf32> to vector<512xf32>
      %broadcast_in_dim3A_70 = vector.shape_cast %reduce_sum3A_69 : vector<512xf32> to vector<1x512xf32>
      %convert_element_type3A_71 = arith.extui %eq3A_52 : vector<256x1xi1> to vector<256x1xi32>
      %convert_element_type3A_72 = arith.sitofp %convert_element_type3A_71 : vector<256x1xi32> to vector<256x1xf32>
      %reduce_sum3A_73 = arith.constant dense<0.000000e+00> : vector<1xf32>
      %reduce_sum3A_74 = vector.multi_reduction <add>, %convert_element_type3A_72, %reduce_sum3A_73 [0] : vector<256x1xf32> to vector<1xf32>
      %broadcast_in_dim3A_75 = vector.shape_cast %reduce_sum3A_74 : vector<1xf32> to vector<1x1xf32>
      %get3A_76 = arith.index_cast %while3A_49 : i32 to index
      %get3A_77 = arith.constant 0 : index
      %get3A_78 = vector.load %arg14[%get3A_76, %get3A_77] : memref<8x512xf32, #tpu.memory_space<vmem>>, vector<1x512xf32>
      %max3A_79 = arith.maximumf %get3A_78, %broadcast_in_dim3A_58 : vector<1x512xf32>
      %swap3A = arith.index_cast %while3A_49 : i32 to index
      %swap3A_80 = arith.constant 0 : index
      %swap3A_81 = vector.load %arg14[%swap3A, %swap3A_80] : memref<8x512xf32, #tpu.memory_space<vmem>>, vector<1x512xf32>
      tpu.vector_store %arg14[%swap3A, %swap3A_80], %max3A_79 {strides = array<i32>} : memref<8x512xf32, #tpu.memory_space<vmem>>, vector<1x512xf32>,
      %get3A_82 = arith.index_cast %while3A_49 : i32 to index
      %get3A_83 = arith.constant 0 : index
      %get3A_84 = vector.load %arg15[%get3A_82, %get3A_83] : memref<8x512xf32, #tpu.memory_space<vmem>>, vector<1x512xf32>
      %min3A = arith.minimumf %get3A_84, %broadcast_in_dim3A_64 : vector<1x512xf32>
      %swap3A_85 = arith.index_cast %while3A_49 : i32 to index
      %swap3A_86 = arith.constant 0 : index
      %swap3A_87 = vector.load %arg15[%swap3A_85, %swap3A_86] : memref<8x512xf32, #tpu.memory_space<vmem>>, vector<1x512xf32>
      tpu.vector_store %arg15[%swap3A_85, %swap3A_86], %min3A {strides = array<i32>} : memref<8x512xf32, #tpu.memory_space<vmem>>, vector<1x512xf32>,
      %get3A_88 = arith.index_cast %while3A_49 : i32 to index
      %get3A_89 = arith.constant 0 : index
      %get3A_90 = vector.load %arg16[%get3A_88, %get3A_89] : memref<8x512xf32, #tpu.memory_space<vmem>>, vector<1x512xf32>
      %add3A_91 = arith.addf %get3A_90, %broadcast_in_dim3A_70 : vector<1x512xf32>
      %swap3A_92 = arith.index_cast %while3A_49 : i32 to index
      %swap3A_93 = arith.constant 0 : index
      %swap3A_94 = vector.load %arg16[%swap3A_92, %swap3A_93] : memref<8x512xf32, #tpu.memory_space<vmem>>, vector<1x512xf32>
      tpu.vector_store %arg16[%swap3A_92, %swap3A_93], %add3A_91 {strides = array<i32>} : memref<8x512xf32, #tpu.memory_space<vmem>>, vector<1x512xf32>,
      %get3A_95 = arith.index_cast %while3A_49 : i32 to index
      %get3A_96 = arith.constant 0 : index
      %get3A_97 = vector.load %arg17[%get3A_95, %get3A_96] : memref<8x128xf32, #tpu.memory_space<vmem>>, vector<1x128xf32>
      %broadcast_in_dim3A_98 = vector.shape_cast %broadcast_in_dim3A_75 : vector<1x1xf32> to vector<1x1xf32>
      %broadcast_in_dim3A_99 = vector.broadcast %broadcast_in_dim3A_98 : vector<1x1xf32> to vector<1x128xf32>
      %add3A_100 = arith.addf %get3A_97, %broadcast_in_dim3A_99 : vector<1x128xf32>
      %swap3A_101 = arith.index_cast %while3A_49 : i32 to index
      %swap3A_102 = arith.constant 0 : index
      %swap3A_103 = vector.load %arg17[%swap3A_101, %swap3A_102] : memref<8x128xf32, #tpu.memory_space<vmem>>, vector<1x128xf32>
      tpu.vector_store %arg17[%swap3A_101, %swap3A_102], %add3A_100 {strides = array<i32>} : memref<8x128xf32, #tpu.memory_space<vmem>>, vector<1x128xf32>,
      %while3A_104 = arith.constant 0 : i32
      scf.yield %while3A_104 : i32
    }
    %while3A_42 = arith.constant 1 : i32
    %while3A_43 = scf.for %while3A_49 = %while3A_39 to %while3A_35 step %while3A_42 iter_args(%while3A_50 = %while3A_41) -> (i32)  : i32 {
      %eq3A_51 = vector.broadcast %while3A_49 : i32 to vector<256x1xi32>
      %eq3A_52 = arith.cmpi eq, %get3A_26, %eq3A_51 : vector<256x1xi32>
      %neg3A = arith.constant 0.000000e+00 : f32
      %neg3A_53 = arith.subf %neg3A, %while3A : f32
      %broadcast_in_dim3A_54 = vector.shape_cast %eq3A_52 : vector<256x1xi1> to vector<256x1xi1>
      %broadcast_in_dim3A_55 = vector.broadcast %broadcast_in_dim3A_54 : vector<256x1xi1> to vector<256x512xi1>
      %broadcast_in_dim3A_56 = vector.broadcast %neg3A_53 : f32 to vector<256x512xf32>
      %select_n3A = arith.select %broadcast_in_dim3A_55, %add3A_23, %broadcast_in_dim3A_56 : vector<256x512xi1>, vector<256x512xf32>
      %reduce_max3A = arith.constant dense<0xFF800000> : vector<512xf32>
      %reduce_max3A_57 = vector.multi_reduction <maximumf>, %select_n3A, %reduce_max3A [0] : vector<256x512xf32> to vector<512xf32>
      %broadcast_in_dim3A_58 = vector.shape_cast %reduce_max3A_57 : vector<512xf32> to vector<1x512xf32>
      %broadcast_in_dim3A_59 = vector.shape_cast %eq3A_52 : vector<256x1xi1> to vector<256x1xi1>
      %broadcast_in_dim3A_60 = vector.broadcast %broadcast_in_dim3A_59 : vector<256x1xi1> to vector<256x512xi1>
      %broadcast_in_dim3A_61 = vector.broadcast %while3A : f32 to vector<256x512xf32>
      %select_n3A_62 = arith.select %broadcast_in_dim3A_60, %add3A_23, %broadcast_in_dim3A_61 : vector<256x512xi1>, vector<256x512xf32>
      %reduce_min3A = arith.constant dense<0x7F800000> : vector<512xf32>
      %reduce_min3A_63 = vector.multi_reduction <minimumf>, %select_n3A_62, %reduce_min3A [0] : vector<256x512xf32> to vector<512xf32>
      %broadcast_in_dim3A_64 = vector.shape_cast %reduce_min3A_63 : vector<512xf32> to vector<1x512xf32>
      %jit3A = arith.constant 0.000000e+00 : f32
      %broadcast_in_dim3A_65 = vector.shape_cast %eq3A_52 : vector<256x1xi1> to vector<256x1xi1>
      %broadcast_in_dim3A_66 = vector.broadcast %broadcast_in_dim3A_65 : vector<256x1xi1> to vector<256x512xi1>
      %broadcast_in_dim3A_67 = vector.broadcast %jit3A : f32 to vector<256x512xf32>
      %select_n3A_68 = arith.select %broadcast_in_dim3A_66, %add3A_23, %broadcast_in_dim3A_67 : vector<256x512xi1>, vector<256x512xf32>
      %reduce_sum3A = arith.constant dense<0.000000e+00> : vector<512xf32>
      %reduce_sum3A_69 = vector.multi_reduction <add>, %select_n3A_68, %reduce_sum3A [0] : vector<256x512xf32> to vector<512xf32>
      %broadcast_in_dim3A_70 = vector.shape_cast %reduce_sum3A_69 : vector<512xf32> to vector<1x512xf32>
      %convert_element_type3A_71 = arith.extui %eq3A_52 : vector<256x1xi1> to vector<256x1xi32>
      %convert_element_type3A_72 = arith.sitofp %convert_element_type3A_71 : vector<256x1xi32> to vector<256x1xf32>
      %reduce_sum3A_73 = arith.constant dense<0.000000e+00> : vector<1xf32>
      %reduce_sum3A_74 = vector.multi_reduction <add>, %convert_element_type3A_72, %reduce_sum3A_73 [0] : vector<256x1xf32> to vector<1xf32>
      %broadcast_in_dim3A_75 = vector.shape_cast %reduce_sum3A_74 : vector<1xf32> to vector<1x1xf32>
      %get3A_76 = arith.index_cast %while3A_49 : i32 to index
      %get3A_77 = arith.constant 0 : index
      %get3A_78 = vector.load %arg14[%get3A_76, %get3A_77] : memref<8x512xf32, #tpu.memory_space<vmem>>, vector<1x512xf32>
      %max3A_79 = arith.maximumf %get3A_78, %broadcast_in_dim3A_58 : vector<1x512xf32>
      %swap3A = arith.index_cast %while3A_49 : i32 to index
      %swap3A_80 = arith.constant 0 : index
      %swap3A_81 = vector.load %arg14[%swap3A, %swap3A_80] : memref<8x512xf32, #tpu.memory_space<vmem>>, vector<1x512xf32>
      tpu.vector_store %arg14[%swap3A, %swap3A_80], %max3A_79 {strides = array<i32>} : memref<8x512xf32, #tpu.memory_space<vmem>>, vector<1x512xf32>,
      %get3A_82 = arith.index_cast %while3A_49 : i32 to index
      %get3A_83 = arith.constant 0 : index
      %get3A_84 = vector.load %arg15[%get3A_82, %get3A_83] : memref<8x512xf32, #tpu.memory_space<vmem>>, vector<1x512xf32>
      %min3A = arith.minimumf %get3A_84, %broadcast_in_dim3A_64 : vector<1x512xf32>
      %swap3A_85 = arith.index_cast %while3A_49 : i32 to index
      %swap3A_86 = arith.constant 0 : index
      %swap3A_87 = vector.load %arg15[%swap3A_85, %swap3A_86] : memref<8x512xf32, #tpu.memory_space<vmem>>, vector<1x512xf32>
      tpu.vector_store %arg15[%swap3A_85, %swap3A_86], %min3A {strides = array<i32>} : memref<8x512xf32, #tpu.memory_space<vmem>>, vector<1x512xf32>,
      %get3A_88 = arith.index_cast %while3A_49 : i32 to index
      %get3A_89 = arith.constant 0 : index
      %get3A_90 = vector.load %arg16[%get3A_88, %get3A_89] : memref<8x512xf32, #tpu.memory_space<vmem>>, vector<1x512xf32>
      %add3A_91 = arith.addf %get3A_90, %broadcast_in_dim3A_70 : vector<1x512xf32>
      %swap3A_92 = arith.index_cast %while3A_49 : i32 to index
      %swap3A_93 = arith.constant 0 : index
      %swap3A_94 = vector.load %arg16[%swap3A_92, %swap3A_93] : memref<8x512xf32, #tpu.memory_space<vmem>>, vector<1x512xf32>
      tpu.vector_store %arg16[%swap3A_92, %swap3A_93], %add3A_91 {strides = array<i32>} : memref<8x512xf32, #tpu.memory_space<vmem>>, vector<1x512xf32>,
      %get3A_95 = arith.index_cast %while3A_49 : i32 to index
      %get3A_96 = arith.constant 0 : index
      %get3A_97 = vector.load %arg17[%get3A_95, %get3A_96] : memref<8x128xf32, #tpu.memory_space<vmem>>, vector<1x128xf32>
      %broadcast_in_dim3A_98 = vector.shape_cast %broadcast_in_dim3A_75 : vector<1x1xf32> to vector<1x1xf32>
      %broadcast_in_dim3A_99 = vector.broadcast %broadcast_in_dim3A_98 : vector<1x1xf32> to vector<1x128xf32>
      %add3A_100 = arith.addf %get3A_97, %broadcast_in_dim3A_99 : vector<1x128xf32>
      %swap3A_101 = arith.index_cast %while3A_49 : i32 to index
      %swap3A_102 = arith.constant 0 : index
      %swap3A_103 = vector.load %arg17[%swap3A_101, %swap3A_102] : memref<8x128xf32, #tpu.memory_space<vmem>>, vector<1x128xf32>
      tpu.vector_store %arg17[%swap3A_101, %swap3A_102], %add3A_100 {strides = array<i32>} : memref<8x128xf32, #tpu.memory_space<vmem>>, vector<1x128xf32>,
      %while3A_104 = arith.constant 0 : i32
      scf.yield %while3A_104 : i32
    }
    %eq3A_44 = arith.constant 31 : i32
    %eq3A_45 = arith.cmpi eq, %arg0, %eq3A_44 : i32
    %convert_element_type3A_46 = arith.extui %eq3A_45 : i1 to i32
    %cond3A_47 = arith.constant 0 : i32
    %cond3A_48 = arith.cmpi ne, %convert_element_type3A_46, %cond3A_47 : i32
    scf.if %cond3A_48 {
      %get3A_49 = arith.constant 0 : index
      %get3A_50 = arith.constant 0 : index
      %get3A_51 = vector.load %arg16[%get3A_49, %get3A_50] : memref<8x512xf32, #tpu.memory_space<vmem>>, vector<8x512xf32>
      %get3A_52 = arith.constant 0 : index
      %get3A_53 = arith.constant 0 : index
      %get3A_54 = vector.load %arg17[%get3A_52, %get3A_53] : memref<8x128xf32, #tpu.memory_space<vmem>>, vector<8x1xf32>
      %max3A_55 = arith.constant 1.000000e+00 : f32
      %max3A_56 = vector.broadcast %max3A_55 : f32 to vector<8x1xf32>
      %max3A_57 = arith.maximumf %get3A_54, %max3A_56 : vector<8x1xf32>
      %get3A_58 = arith.constant 0 : index
      %get3A_59 = arith.constant 0 : index
      %get3A_60 = vector.load %arg14[%get3A_58, %get3A_59] : memref<8x512xf32, #tpu.memory_space<vmem>>, vector<8x512xf32>
      %get3A_61 = arith.constant 0 : index
      %get3A_62 = arith.constant 0 : index
      %get3A_63 = vector.load %arg15[%get3A_61, %get3A_62] : memref<8x512xf32, #tpu.memory_space<vmem>>, vector<8x512xf32>
      %div3A = vector.broadcast %max3A_57 : vector<8x1xf32> to vector<8x512xf32>
      %div3A_64 = arith.divf %get3A_51, %div3A : vector<8x512xf32>
      %concatenate3A = tpu.concatenate %get3A_60, %get3A_63, %get3A_51, %div3A_64 in 1 : vector<8x512xf32>, vector<8x512xf32>, vector<8x512xf32>, vector<8x512xf32> -> vector<8x2048xf32>
      %get3A_65 = arith.constant 0 : index
      %get3A_66 = arith.constant 0 : index
      %get3A_67 = vector.load %arg9[%get3A_65, %get3A_66] : memref<2048x256xf32, #tpu.memory_space<vmem>>, vector<2048x256xf32>
      %dot_general3A_68 = arith.constant dense<0.000000e+00> : vector<8x256xf32>
      %dot_general3A_69 = tpu.matmul %concatenate3A, %get3A_67, %dot_general3A_68 {dimension_numbers = #tpu.dot_dimension_numbers<[1], [0], [0], [1], [0, 0, 1, 1], [], []>, transpose_lhs_hint = false} : vector<8x2048xf32>, vector<2048x256xf32>, vector<8x256xf32> -> vector<8x256xf32>
      %get3A_70 = arith.constant 0 : index
      %get3A_71 = vector.load %arg10[%get3A_70] : memref<256xf32, #tpu.memory_space<vmem>>, vector<256xf32>
      %broadcast_in_dim3A_72 = vector.shape_cast %get3A_71 : vector<256xf32> to vector<1x256xf32>
      %add3A_73 = vector.broadcast %broadcast_in_dim3A_72 : vector<1x256xf32> to vector<8x256xf32>
      %add3A_74 = arith.addf %dot_general3A_69, %add3A_73 : vector<8x256xf32>
      %mul3A_75 = arith.constant 0.00999999977 : f32
      %mul3A_76 = vector.broadcast %mul3A_75 : f32 to vector<8x256xf32>
      %mul3A_77 = arith.mulf %mul3A_76, %add3A_74 : vector<8x256xf32>
      %max3A_78 = arith.maximumf %add3A_74, %mul3A_77 : vector<8x256xf32>
      %get3A_79 = arith.constant 0 : index
      %get3A_80 = arith.constant 0 : index
      %get3A_81 = vector.load %arg11[%get3A_79, %get3A_80] : memref<256x40xf32, #tpu.memory_space<vmem>>, vector<256x40xf32>
      %dot_general3A_82 = arith.constant dense<0.000000e+00> : vector<8x40xf32>
      %dot_general3A_83 = tpu.matmul %max3A_78, %get3A_81, %dot_general3A_82 {dimension_numbers = #tpu.dot_dimension_numbers<[1], [0], [0], [1], [0, 0, 1, 1], [], []>, transpose_lhs_hint = false} : vector<8x256xf32>, vector<256x40xf32>, vector<8x40xf32> -> vector<8x40xf32>
      %get3A_84 = arith.constant 0 : index
      %get3A_85 = vector.load %arg12[%get3A_84] : memref<40xf32, #tpu.memory_space<vmem>>, vector<40xf32>
      %broadcast_in_dim3A_86 = vector.shape_cast %get3A_85 : vector<40xf32> to vector<1x40xf32>
      %add3A_87 = vector.broadcast %broadcast_in_dim3A_86 : vector<1x40xf32> to vector<8x40xf32>
      %add3A_88 = arith.addf %dot_general3A_83, %add3A_87 : vector<8x40xf32>
      %swap3A = arith.constant 0 : index
      %swap3A_89 = arith.constant 0 : index
      %swap3A_90 = vector.load %arg13[%swap3A, %swap3A_89] : memref<8x40xf32, #tpu.memory_space<vmem>>, vector<8x40xf32>
      tpu.vector_store %arg13[%swap3A, %swap3A_89], %add3A_88 {strides = array<i32>} : memref<8x40xf32, #tpu.memory_space<vmem>>, vector<8x40xf32>,
    } else {
    }
    return
  }
  func.func @transform_0(%arg0: i32) -> i32 {
    %c0_i32 = arith.constant 0 : i32
    %c0_i32_0 = arith.constant 0 : i32
    return %c0_i32 : i32
  }
  func.func @transform_1(%arg0: i32) -> i32 {
    %c0_i32 = arith.constant 0 : i32
    %c0_i32_0 = arith.constant 0 : i32
    return %c0_i32 : i32
  }
  func.func @transform_2(%arg0: i32) -> (i32, i32) {
    %c0_i32 = arith.constant 0 : i32
    %c0_i32_0 = arith.constant 0 : i32
    return %arg0, %c0_i32 : i32, i32
  }
  func.func @transform_3(%arg0: i32) -> (i32, i32) {
    %c0_i32 = arith.constant 0 : i32
    %c0_i32_0 = arith.constant 0 : i32
    return %arg0, %c0_i32 : i32, i32
  }
  func.func @transform_4(%arg0: i32) -> (i32, i32) {
    %c0_i32 = arith.constant 0 : i32
    %c0_i32_0 = arith.constant 0 : i32
    %c0_i32_1 = arith.constant 0 : i32
    return %c0_i32, %c0_i32_0 : i32, i32
  }
  func.func @transform_5(%arg0: i32) -> i32 {
    %c0_i32 = arith.constant 0 : i32
    %c0_i32_0 = arith.constant 0 : i32
    return %c0_i32 : i32
  }
  func.func @transform_6(%arg0: i32) -> (i32, i32) {
    %c0_i32 = arith.constant 0 : i32
    %c0_i32_0 = arith.constant 0 : i32
    %c0_i32_1 = arith.constant 0 : i32
    return %c0_i32, %c0_i32_0 : i32, i32
  }
  func.func @transform_7(%arg0: i32) -> i32 {
    %c0_i32 = arith.constant 0 : i32
    %c0_i32_0 = arith.constant 0 : i32
    return %c0_i32 : i32
  }
  func.func @transform_8(%arg0: i32) -> (i32, i32) {
    %c0_i32 = arith.constant 0 : i32
    %c0_i32_0 = arith.constant 0 : i32
    %c0_i32_1 = arith.constant 0 : i32
    return %c0_i32, %c0_i32_0 : i32, i32
  }
  func.func @transform_9(%arg0: i32) -> i32 {
    %c0_i32 = arith.constant 0 : i32
    %c0_i32_0 = arith.constant 0 : i32
    return %c0_i32 : i32
  }
  func.func @transform_10(%arg0: i32) -> (i32, i32) {
    %c0_i32 = arith.constant 0 : i32
    %c0_i32_0 = arith.constant 0 : i32
    %c0_i32_1 = arith.constant 0 : i32
    return %c0_i32, %c0_i32_0 : i32, i32
  }
  func.func @transform_11(%arg0: i32) -> i32 {
    %c0_i32 = arith.constant 0 : i32
    %c0_i32_0 = arith.constant 0 : i32
    return %c0_i32 : i32
  }
  func.func @transform_12(%arg0: i32) -> (i32, i32) {
    %c0_i32 = arith.constant 0 : i32
    %c0_i32_0 = arith.constant 0 : i32
    %c0_i32_1 = arith.constant 0 : i32
    return %c0_i32, %c0_i32_0 : i32, i32
  }
}

</mosaic_0001>

<sc_bundles>
// kernel: kernel.15.cloned.1.call-start
scs
__scs_entry_jumppad:
0x0: {  	(pc) =	sbr.rel $0x88, $3  }
0x1: {  	(tag) =	ssettag $0x0;
	lr =	simm.s32 $0x1  }
0x2: {  	[smem:$0x3F8E] =	sst lr;
	_ =	strace $0xD0000000  }
0x3: {  	_ = 	snop  }
0x4: {  	_ = 	snop  }
0x5: {  	_ = 	snop  }
0x6: {  	_ = 	snop  }
0x7: {  	_ = 	snop  }
__scs_overlays_trampoline_lowered:
0x8: {  	[smem:$0x3F9D] =	sst s0  }
0x9: {  	[smem:$0x3F9E] =	sst s1  }
0xa: {  	[smem:$0x3F9F] =	sst s2  }
0xb: {  	[smem:$0x3FA0] =	sst s3  }
0xc: {  	[smem:$0x3FA1] =	sst s4  }
0xd: {  	[smem:$0x3FA2] =	sst s5  }
0xe: {  	[smem:$0x3FA3] =	sst s6  }
0xf: {  	[smem:$0x3FA4] =	sst s7  }
0x10: {  	[smem:$0x3FA5] =	sst s8  }
0x11: {  	[smem:$0x3FA6] =	sst s9;
	s0 =	simm.s32 @!p0 $0x0  }
0x12: {  	s1 =	sld [smem:$0x3F8C];
	s0 =	simm.s32 @p0 $0x1  }
0x13: {  	[smem:$0x3FA7] =	sst s0;
	s0 =	simm.s32 @!p1 $0x0  }
0x14: {  	s2 =	sld [smem:$0x3F8B];
	s0 =	simm.s32 @p1 $0x1  }
0x15: {  	[smem:$0x3FA8] =	sst s0;
	s0 =	simm.s32 @!p2 $0x0  }
0x16: {  	s3 =	sld [smem:$0x3FDB];
	s0 =	simm.s32 @p2 $0x1  }
0x17: {  	s4 =	simm.s32 $0x1BF5;
	[smem:$0x3FAA] =	sst s0  }
0x18: {  	s0 =	sld [smem:$0x3F8D];
	_ =	swait.ge [sflag:s4], $0x0  }
0x19: {  	s7 =	sld [smem:$0x3F8E]  }
0x1a: {  	s8 =	sadd.s32 $0xFFFFE003, lr  }
0x1b: {  	s9 =	sadd.s32 $0xFFFFFEF7, lr;
	s5 =	simm.s32 $0xFFFFFFFF;
	p2 =	slt.u32 s8, $0xFFFFF086  }
0x1c: {  	p1 =	slt.u32 s9, $0xF7A;
	s5 =	simm.s32 @!p2 $0x0  }
0x1d: {  	s5 =	simm.s32 @p1 $0x1;
	p0 =	seq.s32 s7, s2  }
0x1e: {  	s7 =	smul.u32 @!p0 $0xF7A, s2;
	p2 =	seq.s32 @!p0 s5, $0x0  }
0x1f: {  	s9 =	smul.u32 $0xF7A, s1;
	s8 =	simm.s32 @!p0 $0x1BF5;
	p2 =	por !p2, p0  }
0x20: {  	[sflag:s8] =	ssyncset.s32 @!p0 $0xFFFFF086;
	s6 =	sadd.s32 @!p0 s3, s7;
	s7 =	simm.s32 @!p0 $0x108  }
0x21: {  	s3 =	sadd.s32 s3, s9;
	s6 =	sadd.s32 @!p0 $0x88, s6;
	s7 =	simm.s32 @p2 $0x1082  }
0x22: {  	[simem:s7], [sflag:s8] =	dma.local @!p0 [hbm:s6], $0xF7A  }
0x23: {  	s9 =	sor.u32 $0xD0000000, s2;
	s6 =	simm.s32 $0x108;
	_ =	swait.ge @!p0 [sflag:s8], $0x0  }
0x24: {  	s3 =	sadd.s32 $0x88, s3;
	s6 =	simm.s32 @!p1 $0x1082;
	[sflag:s4] =	ssyncset.s32 $0xFFFFF086  }
0x25: {  	[simem:s6], [sflag:s4] =	dma.local [hbm:s3], $0xF7A  }
0x26: {  	[smem:$0x3F8E] =	sst s1;
	(tag) =	ssettag s2;
	_ =	strace s9  }
0x27: {  	s1 =	sld [smem:$0x3F9E]  }
0x28: {  	s2 =	sld [smem:$0x3F9F]  }
0x29: {  	s4 =	sld [smem:$0x3FA1]  }
0x2a: {  	p0 =	seq.s32 s5, $0x0;
	s5 =	sld [smem:$0x3FA2]  }
0x2b: {  	s6 =	sld [smem:$0x3FA3]  }
0x2c: {  	s7 =	sld [smem:$0x3FA4]  }
0x2d: {  	s3 =	simm.s32 $0x108;
	s8 =	sld [smem:$0x3FA5]  }
0x2e: {  	s3 =	simm.s32 @!p0 $0x1082;
	s9 =	sld [smem:$0x3FA6]  }
0x2f: {  	lr =	sadd.s32 s0, s3;
	s0 =	sld [smem:$0x3F9D]  }
0x30: {  	s3 =	sld [smem:$0x3FA0]  }
0x31: {  	[smem:$0x3FA9] =	sst s10  }
0x32: {  	s10 =	sld [smem:$0x3FA7];
	_ =	sdelay $0x3  }
0x33: {  	p0 =	seq.s32 s10, $0x1;
	s10 =	sld [smem:$0x3FA9];
	_ =	sdelay $0x3  }
0x34: {  	[smem:$0x3FA9] =	sst s10  }
0x35: {  	s10 =	sld [smem:$0x3FA8];
	_ =	sdelay $0x3  }
0x36: {  	p1 =	seq.s32 s10, $0x1;
	s10 =	sld [smem:$0x3FA9];
	_ =	sdelay $0x3  }
0x37: {  	[smem:$0x3FA9] =	sst s10  }
0x38: {  	s10 =	sld [smem:$0x3FAA]  }
0x39: {  	_ = 	snop;
	(pc) =	sbr.ind lr, $3  }
0x3a: {  	_ = 	snop  }
0x3b: {  	_ = 	snop  }
0x3c: {  	p2 =	seq.s32 s10, $0x1;
	s10 =	sld [smem:$0x3FA9]  }
0x3d: {  	_ =	shalt  }
0x3e: {  	_ =	shalt  }
0x3f: {  	_ =	shalt  }
0x40: {  	_ =	shalt  }
0x41: {  	_ =	shalt  }
0x42: {  	_ =	shalt  }
0x43: {  	_ =	shalt  }
0x44: {  	_ =	shalt  }
0x45: {  	_ =	shalt  }
0x46: {  	_ =	shalt  }
0x47: {  	_ =	shalt  }
0x48: {  	_ =	shalt  }
0x49: {  	_ =	shalt  }
0x4a: {  	_ =	shalt  }
0x4b: {  	_ =	shalt  }
0x4c: {  	_ =	shalt  }
0x4d: {  	_ =	shalt  }
0x4e: {  	_ =	shalt  }
0x4f: {  	_ =	shalt  }
0x50: {  	_ =	shalt  }
0x51: {  	_ =	shalt  }
0x52: {  	_ =	shalt  }
0x53: {  	_ =	shalt  }
0x54: {  	_ =	shalt  }
0x55: {  	_ =	shalt  }
0x56: {  	_ =	shalt  }
0x57: {  	_ =	shalt  }
0x58: {  	_ =	shalt  }
0x59: {  	_ =	shalt  }
0x5a: {  	_ =	shalt  }
0x5b: {  	_ =	shalt  }
0x5c: {  	_ =	shalt  }
0x5d: {  	_ =	shalt  }
0x5e: {  	_ =	shalt  }
0x5f: {  	_ =	shalt  }
0x60: {  	_ =	shalt  }
0x61: {  	_ =	shalt  }
0x62: {  	_ =	shalt  }
0x63: {  	_ =	shalt  }
0x64: {  	_ =	shalt  }
0x65: {  	_ =	shalt  }
0x66: {  	_ =	shalt  }
0x67: {  	_ =	shalt  }
0x68: {  	_ =	shalt  }
0x69: {  	_ =	shalt  }
0x6a: {  	_ =	shalt  }
0x6b: {  	_ =	shalt  }
0x6c: {  	_ =	shalt  }
0x6d: {  	_ =	shalt  }
0x6e: {  	_ =	shalt  }
0x6f: {  	_ =	shalt  }
0x70: {  	_ =	shalt  }
0x71: {  	_ =	shalt  }
0x72: {  	_ =	shalt  }
0x73: {  	_ =	shalt  }
0x74: {  	_ =	shalt  }
0x75: {  	_ =	shalt  }
0x76: {  	_ =	shalt  }
0x77: {  	_ =	shalt  }
0x78: {  	_ =	shalt  }
0x79: {  	_ =	shalt  }
0x7a: {  	_ =	shalt  }
0x7b: {  	_ =	shalt  }
0x7c: {  	_ =	shalt  }
0x7d: {  	_ =	shalt  }
0x7e: {  	_ =	shalt  }
0x7f: {  	_ =	shalt  }
0x80: {  	_ =	shalt  }
0x81: {  	_ =	shalt  }
0x82: {  	_ =	shalt  }
0x83: {  	_ =	shalt  }
0x84: {  	_ =	shalt  }
0x85: {  	_ =	shalt  }
0x86: {  	_ =	shalt  }
0x87: {  	_ =	shalt  }
.Lfunc_end0:
.L_simem_size_0:
called_computation_lowered:
.L_overlay_start_0:
0x88: {  	s2 =	sld [smem:$0x3FD9]  }
0x89: {  	s3 =	sld [smem:$0x3FFE];
	_ =	sdelay $0x1  }
0x8a: {  	s1 =	srdreg.scid  }
0x8b: {  	s0 =	sand.u32 $0x1, s1  }
0x8c: {  	s16 =	sshll.u32 s0, $0xA;
	s2 =	sadd.s32 s3, s2  }
0x8d: {  	s2 =	sadd.s32 s2, s16  }
0x8e: {  	[smem:$0x3FB5] =	sst s2  }
0x8f: {  	_ = 	snop  }
0x90: {  	(tm) =	ssettm $0x1  }
0x91: {  	s17 =	sld [smem:$0x3FFB];
	_ =	sdelay $0x3  }
0x92: {  	_ =	strace s17  }
0x93: {  	s2 =	sld [smem:$0x3FFC];
	_ =	sdelay $0x3  }
0x94: {  	_ =	strace s2  }
0x95: {  	s2 =	sld [smem:$0x3FFD];
	_ =	sdelay $0x3  }
0x96: {  	_ =	strace s2  }
0x97: {  	_ =	strace $0x8FFFFFFF  }
0x98: {  	s18 =	sld [smem:$0x3FDB];
	_ =	sdelay $0x1  }
0x99: {  	s19 =	simm.s32 $_scs_section_size  }
0x9a: {  	s4 =	simm.s32 $_size__tile_overlayer_lowered;
	s5 =	simm.s32 $_tile_overlayer_lowered  }
0x9b: {  	s22 =	simm.s32 $0x1BFF;
	s21 =	sshll.u32 s5, $0x1;
	s2 =	sadd.s32 s19, s18  }
0x9c: {  	s6 =	simm.s32 $0x0;
	s20 =	sshll.u32 s4, $0x1;
	s4 =	sadd.s32 s21, s2  }
0x9d: {  	[timem:s6], [sflag:s22] =	dma.local [hbm:s4], s20  }
0x9e: {  	_ =	swait.ge [sflag:s22], s20  }
0x9f: {  	s3 =	ssub.s32 $0x0, s20;
	[sflag:s22] =	ssyncset.done $0x0  }
0xa0: {  	[sflag:s22] =	ssyncadd.s32 s3;
	_ =	sdelay $0x1  }
0xa1: {  	s23 =	simm.s32 $0x1B8B  }
0xa2: {  	_ =	swait.ge [sflag:s23], $0x1  }
0xa3: {  	[sflag:s23] =	ssyncset.done $0x0  }
0xa4: {  	s25 =	simm.s32 $0x1B8E;
	s24 =	sld [smem:$0x3FFE];
	[sflag:s23] =	ssyncadd.s32 $0xFFFFFFFF  }
0xa5: {  	s26 =	simm.s32 $execute0_lowered;
	[smem:$0x3FD2] =	sst s25  }
0xa6: {  	s4 =	sshll.u32 s26, $0x1;
	_ =	strace $0x80000046;
	[dreg:$0x1] =	wrdreg $0xFFFFFFFF  }
0xa7: {  	s28 =	simm.s32 $_size_execute0_lowered;
	s2 =	sadd.s32 s2, s4;
	[dreg:$0x0] =	wrdreg $0x0  }
0xa8: {  	s4 =	sshll.u32 s28, $0x1;
	[dreg:$0x2] =	wrdreg s2  }
0xa9: {  	[dreg:$0x3] =	wrdreg s4  }
0xaa: {  	[dreg:$0x4] =	wrdreg $0xC0  }
0xab: {  	_ =	task [dreg:s6], $0x5FFFF  }
0xac: {  	[dreg:$0x1] =	wrdreg $0xFFFFFFFF  }
0xad: {  	[dreg:$0x0] =	wrdreg $0x60  }
0xae: {  	[dreg:$0x2] =	wrdreg s24  }
0xaf: {  	[dreg:$0x3] =	wrdreg $0x9  }
0xb0: {  	_ =	task.clear_ibuf [dreg:s6], $0x4FFFF;
	_ =	strace $0x90000046  }
0xb1: {  	s29 =	simm.s32 $0x9;
	_ =	strace $0x80000048  }
0xb2: {  	_ =	swait.ge [sflag:s29], $0x1  }
0xb3: {  	[sflag:s29] =	ssyncadd.s32 $0xFFFFFFFF  }
0xb4: {  	_ =	strace $0x90000048  }
0xb5: {  	_ =	sfence  }
0xb6: {  	s30 =	sld [smem:$0x0];
	_ =	sdelay $0x2  }
0xb7: {  	s31 =	sshll.u32 s1, $0xD;
	s1 =	sshrl.u32 s1, $0x2  }
0xb8: {  	s3 =	sand.u32 $0x4000, s31;
	s1 =	sadd.s32 s1, s30  }
0xb9: {  	s0 =	sor.u32 s3, s0;
	s1 =	sshll.u32 s1, $0x11  }
0xba: {  	s0 =	sor.u32 s1, s0  }
0xbb: {  	s0 =	sadd.s32 $0x8F2B, s0  }
0xbc: {  	[sflag:s0] =	ssyncadd.remote.s32 $0x1  }
0xbd: {  	_ =	sfence.sel $0xFFFF  }
0xbe: {  	[dreg:$0x0] =	wrdreg $0xFFFFFFFF;
	(pc) =	sbr.abs _section_cstart, $3  }
0xbf: {  	[dreg:$0x1] =	wrdreg $0xFFFFFFFF  }
0xc0: {  	_ =	task.clear_ibuf [dreg:s6], $0x2FFFF;
	_ =	strace $0x9FFFFFFF  }
0xc1: {  	(tm) =	ssettm $0x7FFFFFFF  }
tec
execute0_lowered:
.L_overlay_start_1:
0x0: {  	(tag) =	ssettag $0x1  }
0x1: {  	s1 =	srdreg.scid;
	s0 =	stileid.u32  }
0x2: {  	s16 =	sand.u32 $0x1, s1;
	s30 =	sshll.u32 s0, $0x1  }
0x3: {  	s11 =	sor.u32 s16, s30  }
0x4: {  	s10 =	rddreg [dreg:$0x0];
	s3 =	smul.u32 $0xA0, s11  }
0x5: {  	s2 =	simm.s32 $0x0;
	s1 =	rddreg [dreg:$0x1]  }
0x6: {  	[smem:$0x7FF] =	sst s2;
	s3 =	sadd.s32 s3, s10  }
0x7: {  	_ =	strace $0x80000047;
	s4 =	sadd.s32 $0x25C00, s3;
	s3 =	simm.s32 $0x3  }
0x8: {  	[tilespmem:s2], [sflag:$0x3] =	stream.linear.gather [hbm4b:s4+s2], $0x500, $0x38;
	[tilespmem:$0x14500] =	vst v63  }
0x9: {  	_ =	swait.ge [sflag:s3], $0x500  }
0xa: {  	s6 =	simm.s32 $0x140;
	[sflag:s3] =	ssyncset.done $0x0  }
0xb: {  	s7 =	simm.s32 $0x500;
	s5 =	sadd.s32 $0x5C00, s10;
	[sflag:s3] =	ssyncadd.s32 $0xFFFFFB00  }
0xc: {  	[tilespmem:s7], [sflag:$0x1] =	stream.indirect.gather [hbm4b:s5+s6], $0x80, s2, s6, $0xb8;
	[tilespmem:$0x14500] =	vst v63  }
0xd: {  	s8 =	simm.s32 $0xA500;
	s9 =	simm.s32 $0x1  }
0xe: {  	[tilespmem:s8], [sflag:$0x2] =	stream.indirect.gather [hbm4b:s5+s6], $0x80, s6, s6, $0xb8;
	[tilespmem:$0x14500] =	vst v63  }
0xf: {  	s12 =	smul.u32 $0x5000, s11;
	_ =	swait.ge [sflag:s9], $0xA000  }
0x10: {  	s13 =	sadd.s32 $0x27000, s10;
	[sflag:s9] =	ssyncset.done $0x0  }
0x11: {  	s10 =	sadd.s32 s13, s12;
	[sflag:s9] =	ssyncadd.s32 $0xFFFF6000  }
0x12: {  	[hbm4b:s10+s2] =	stream.linear.scatter [tilespmem:s7], [sflag:$0x3], $0xA000, $0x38;
	[tilespmem:$0x14500] =	vst v63  }
0x13: {  	_ =	swait.ge [sflag:s3], $0xA000  }
0x14: {  	s14 =	smul.u32 $0x28000, s11;
	[sflag:s3] =	ssyncset.done $0x0  }
0x15: {  	s11 =	simm.s32 $0x280;
	s12 =	simm.s32 $0x2;
	[sflag:s3] =	ssyncadd.s32 $0xFFFF6000  }
0x16: {  	[tilespmem:s7], [sflag:$0x1] =	stream.indirect.gather [hbm4b:s5+s6], $0x80, s11, s6, $0xb8;
	[tilespmem:$0x14500] =	vst v63  }
0x17: {  	s14 =	sshrl.u32 s14, $0x3;
	_ =	swait.ge [sflag:s12], $0xA000  }
0x18: {  	s17 =	sadd.s32 s13, s14;
	[sflag:s12] =	ssyncset.done $0x0  }
0x19: {  	s13 =	sadd.s32 $0x1400, s17;
	[sflag:s12] =	ssyncadd.s32 $0xFFFF6000  }
0x1a: {  	[hbm4b:s13+s2] =	stream.linear.scatter [tilespmem:s8], [sflag:$0x3], $0xA000, $0x38;
	[tilespmem:$0x14500] =	vst v63  }
0x1b: {  	_ =	swait.ge [sflag:s3], $0xA000  }
0x1c: {  	[sflag:s3] =	ssyncset.done $0x0  }
0x1d: {  	s14 =	simm.s32 $0x3C0;
	[sflag:s3] =	ssyncadd.s32 $0xFFFF6000  }
0x1e: {  	[tilespmem:s8], [sflag:$0x2] =	stream.indirect.gather [hbm4b:s5+s6], $0x80, s14, s6, $0xb8;
	[tilespmem:$0x14500] =	vst v63  }
0x1f: {  	_ =	swait.ge [sflag:s9], $0xA000  }
0x20: {  	[sflag:s9] =	ssyncset.done $0x0  }
0x21: {  	s16 =	ssub.s32 $0x2, s16;
	s15 =	sadd.s32 $0x2800, s17;
	[sflag:s9] =	ssyncadd.s32 $0xFFFF6000  }
0x22: {  	[hbm4b:s15+s2] =	stream.linear.scatter [tilespmem:s7], [sflag:$0x3], $0xA000, $0x38;
	[tilespmem:$0x14500] =	vst v63  }
0x23: {  	s18 =	sshrl.u32 s16, $0x1;
	_ =	swait.ge [sflag:s3], $0xA000  }
0x24: {  	s18 =	ssub.s32 s16, s18;
	[sflag:s3] =	ssyncset.done $0x0  }
0x25: {  	s31 =	smax.u32 s18, $0x1;
	[sflag:s3] =	ssyncadd.s32 $0xFFFF6000  }
0x26: {  	p0 =	sne.s32 s31, $0x1;
	_ =	swait.ge [sflag:s12], $0xA000  }
.Ltmp0:
0x27: {  	[sflag:s12] =	ssyncset.done $0x0;
	(pc) =	sbr.rel @!p0 .LBB2_2-.Ltmp0, $4  }
0x28: {  	s16 =	sadd.s32 $0x3C00, s17;
	[sflag:s12] =	ssyncadd.s32 $0xFFFF6000  }
0x29: {  	[hbm4b:s16+s2] =	stream.linear.scatter [tilespmem:s8], [sflag:$0x3], $0xA000, $0x38;
	[tilespmem:$0x14500] =	vst v63  }
0x2a: {  	_ =	swait.ge [sflag:s3], $0xA000  }
0x2b: {  	s17 =	sadd.s32 $0xFFFFFFFF, s31;
	[sflag:s3] =	ssyncset.done $0x0  }
.LBB2_1:
0x2c: {  	p0 =	sne.s32 s17, $0x1;
	s17 =	sadd.s32 $0xFFFFFFFF, s17;
	[sflag:s3] =	ssyncadd.s32 $0xFFFF6000  }
0x2d: {  	[tilespmem:s2], [sflag:$0x3] =	stream.linear.gather [hbm4b:s4+s2], $0x500, $0x38;
	[tilespmem:$0x14500] =	vst v63  }
0x2e: {  	_ =	swait.ge [sflag:s3], $0x500  }
0x2f: {  	[sflag:s3] =	ssyncset.done $0x0  }
0x30: {  	[sflag:s3] =	ssyncadd.s32 $0xFFFFFB00  }
0x31: {  	[tilespmem:s7], [sflag:$0x1] =	stream.indirect.gather [hbm4b:s5+s6], $0x80, s2, s6, $0xb8;
	[tilespmem:$0x14500] =	vst v63  }
0x32: {  	_ = 	snop  }
0x33: {  	[tilespmem:s8], [sflag:$0x2] =	stream.indirect.gather [hbm4b:s5+s6], $0x80, s6, s6, $0xb8;
	[tilespmem:$0x14500] =	vst v63  }
0x34: {  	_ =	swait.ge [sflag:s9], $0xA000  }
0x35: {  	[sflag:s9] =	ssyncset.done $0x0  }
0x36: {  	[sflag:s9] =	ssyncadd.s32 $0xFFFF6000  }
0x37: {  	[hbm4b:s10+s2] =	stream.linear.scatter [tilespmem:s7], [sflag:$0x3], $0xA000, $0x38;
	[tilespmem:$0x14500] =	vst v63  }
0x38: {  	_ =	swait.ge [sflag:s3], $0xA000  }
0x39: {  	[sflag:s3] =	ssyncset.done $0x0  }
0x3a: {  	[sflag:s3] =	ssyncadd.s32 $0xFFFF6000  }
0x3b: {  	[tilespmem:s7], [sflag:$0x1] =	stream.indirect.gather [hbm4b:s5+s6], $0x80, s11, s6, $0xb8;
	[tilespmem:$0x14500] =	vst v63  }
0x3c: {  	_ =	swait.ge [sflag:s12], $0xA000  }
0x3d: {  	[sflag:s12] =	ssyncset.done $0x0  }
0x3e: {  	[sflag:s12] =	ssyncadd.s32 $0xFFFF6000  }
0x3f: {  	[hbm4b:s13+s2] =	stream.linear.scatter [tilespmem:s8], [sflag:$0x3], $0xA000, $0x38;
	[tilespmem:$0x14500] =	vst v63  }
0x40: {  	_ =	swait.ge [sflag:s3], $0xA000  }
0x41: {  	[sflag:s3] =	ssyncset.done $0x0  }
0x42: {  	[sflag:s3] =	ssyncadd.s32 $0xFFFF6000  }
0x43: {  	[tilespmem:s8], [sflag:$0x2] =	stream.indirect.gather [hbm4b:s5+s6], $0x80, s14, s6, $0xb8;
	[tilespmem:$0x14500] =	vst v63  }
0x44: {  	_ =	swait.ge [sflag:s9], $0xA000  }
0x45: {  	[sflag:s9] =	ssyncset.done $0x0  }
0x46: {  	[sflag:s9] =	ssyncadd.s32 $0xFFFF6000  }
0x47: {  	[hbm4b:s15+s2] =	stream.linear.scatter [tilespmem:s7], [sflag:$0x3], $0xA000, $0x38;
	[tilespmem:$0x14500] =	vst v63  }
0x48: {  	_ =	swait.ge [sflag:s3], $0xA000  }
0x49: {  	[sflag:s3] =	ssyncset.done $0x0  }
0x4a: {  	[sflag:s3] =	ssyncadd.s32 $0xFFFF6000  }
0x4b: {  	_ =	swait.ge [sflag:s12], $0xA000  }
.Ltmp1:
0x4c: {  	[sflag:s12] =	ssyncset.done $0x0;
	(pc) =	sbr.rel @p0 .LBB2_1-.Ltmp1, $4  }
0x4d: {  	[sflag:s12] =	ssyncadd.s32 $0xFFFF6000  }
0x4e: {  	[hbm4b:s16+s2] =	stream.linear.scatter [tilespmem:s8], [sflag:$0x3], $0xA000, $0x38;
	[tilespmem:$0x14500] =	vst v63  }
0x4f: {  	_ =	swait.ge [sflag:s3], $0xA000  }
0x50: {  	[sflag:s3] =	ssyncset.done $0x0  }
.LBB2_2:
0x51: {  	[sflag:s3] =	ssyncadd.s32 $0xFFFF6000  }
0x52: {  	_ =	sfence.sel $0x180000  }
0x53: {  	[bflag:$0x0] =	sbarrier.arrive $0xFFFF  }
0x54: {  	p0 =	sne.s32 s0, $0x0;
	_ =	strace $0x90000047  }
0x55: {  	s0 =	sadd.s32 @!p0 $0x100000, s1;
	[bflag:$0x2] =	sbarrier.arrive $0xFFFF  }
0x56: {  	[sflag:s0] =	ssyncadd.tile.s32 @!p0 $0x1;
	_ =	shalt  }
.Lfunc_end2:
_tile_overlayer_lowered:
.L_overlay_start_2:
0x57: {  	(tag) =	ssettag $0x2  }
0x58: {  	s0 =	rddreg [dreg:$0x0];
	s2 =	stileid.u32  }
0x59: {  	s1 =	rddreg [dreg:$0x1];
	p0 =	sne.s32 s2, $0x0  }
0x5a: {  	s3 =	rddreg [dreg:$0x2];
	[bflag:$0x3] =	sbarrier.arrive $0xFFFF;
	s2 =	simm.s32 @!p0 $0x1C03  }
0x5b: {  	[timem:s3], [sflag:s2] =	dma.local @!p0 [hbm:s0], s1  }
0x5c: {  	s0 =	simm.s32 @!p0 $0x3  }
0x5d: {  	_ =	swait.ge @!p0 [sflag:s0], s1  }
0x5e: {  	s1 =	ssub.s32 @!p0 $0x0, s1;
	[sflag:s0] =	ssyncset.done @!p0 $0x0  }
0x5f: {  	[sflag:s0] =	ssyncadd.s32 @!p0 s1  }
0x60: {  	[bflag:$0x3] =	sbarrier.arrive $0xFFFF  }
0x61: {  	_ =	shalt  }

// kernel: kernel.18.cloned.1.call-start
scs
__scs_entry_jumppad:
0x0: {  	(pc) =	sbr.rel $0x88, $3  }
0x1: {  	(tag) =	ssettag $0x0;
	lr =	simm.s32 $0x1  }
0x2: {  	[smem:$0x3F8E] =	sst lr;
	_ =	strace $0xD0000000  }
0x3: {  	_ = 	snop  }
0x4: {  	_ = 	snop  }
0x5: {  	_ = 	snop  }
0x6: {  	_ = 	snop  }
0x7: {  	_ = 	snop  }
__scs_overlays_trampoline_lowered:
0x8: {  	[smem:$0x3F9D] =	sst s0  }
0x9: {  	[smem:$0x3F9E] =	sst s1  }
0xa: {  	[smem:$0x3F9F] =	sst s2  }
0xb: {  	[smem:$0x3FA0] =	sst s3  }
0xc: {  	[smem:$0x3FA1] =	sst s4  }
0xd: {  	[smem:$0x3FA2] =	sst s5  }
0xe: {  	[smem:$0x3FA3] =	sst s6  }
0xf: {  	[smem:$0x3FA4] =	sst s7  }
0x10: {  	[smem:$0x3FA5] =	sst s8  }
0x11: {  	[smem:$0x3FA6] =	sst s9;
	s0 =	simm.s32 @!p0 $0x0  }
0x12: {  	s1 =	sld [smem:$0x3F8C];
	s0 =	simm.s32 @p0 $0x1  }
0x13: {  	[smem:$0x3FA7] =	sst s0;
	s0 =	simm.s32 @!p1 $0x0  }
0x14: {  	s2 =	sld [smem:$0x3F8B];
	s0 =	simm.s32 @p1 $0x1  }
0x15: {  	[smem:$0x3FA8] =	sst s0;
	s0 =	simm.s32 @!p2 $0x0  }
0x16: {  	s3 =	sld [smem:$0x3FDB];
	s0 =	simm.s32 @p2 $0x1  }
0x17: {  	s4 =	simm.s32 $0x1BF5;
	[smem:$0x3FAA] =	sst s0  }
0x18: {  	s0 =	sld [smem:$0x3F8D];
	_ =	swait.ge [sflag:s4], $0x0  }
0x19: {  	s7 =	sld [smem:$0x3F8E]  }
0x1a: {  	s8 =	sadd.s32 $0xFFFFE003, lr  }
0x1b: {  	s9 =	sadd.s32 $0xFFFFFEF7, lr;
	s5 =	simm.s32 $0xFFFFFFFF;
	p2 =	slt.u32 s8, $0xFFFFF086  }
0x1c: {  	p1 =	slt.u32 s9, $0xF7A;
	s5 =	simm.s32 @!p2 $0x0  }
0x1d: {  	s5 =	simm.s32 @p1 $0x1;
	p0 =	seq.s32 s7, s2  }
0x1e: {  	s7 =	smul.u32 @!p0 $0xF7A, s2;
	p2 =	seq.s32 @!p0 s5, $0x0  }
0x1f: {  	s9 =	smul.u32 $0xF7A, s1;
	s8 =	simm.s32 @!p0 $0x1BF5;
	p2 =	por !p2, p0  }
0x20: {  	[sflag:s8] =	ssyncset.s32 @!p0 $0xFFFFF086;
	s6 =	sadd.s32 @!p0 s3, s7;
	s7 =	simm.s32 @!p0 $0x108  }
0x21: {  	s3 =	sadd.s32 s3, s9;
	s6 =	sadd.s32 @!p0 $0x88, s6;
	s7 =	simm.s32 @p2 $0x1082  }
0x22: {  	[simem:s7], [sflag:s8] =	dma.local @!p0 [hbm:s6], $0xF7A  }
0x23: {  	s9 =	sor.u32 $0xD0000000, s2;
	s6 =	simm.s32 $0x108;
	_ =	swait.ge @!p0 [sflag:s8], $0x0  }
0x24: {  	s3 =	sadd.s32 $0x88, s3;
	s6 =	simm.s32 @!p1 $0x1082;
	[sflag:s4] =	ssyncset.s32 $0xFFFFF086  }
0x25: {  	[simem:s6], [sflag:s4] =	dma.local [hbm:s3], $0xF7A  }
0x26: {  	[smem:$0x3F8E] =	sst s1;
	(tag) =	ssettag s2;
	_ =	strace s9  }
0x27: {  	s1 =	sld [smem:$0x3F9E]  }
0x28: {  	s2 =	sld [smem:$0x3F9F]  }
0x29: {  	s4 =	sld [smem:$0x3FA1]  }
0x2a: {  	p0 =	seq.s32 s5, $0x0;
	s5 =	sld [smem:$0x3FA2]  }
0x2b: {  	s6 =	sld [smem:$0x3FA3]  }
0x2c: {  	s7 =	sld [smem:$0x3FA4]  }
0x2d: {  	s3 =	simm.s32 $0x108;
	s8 =	sld [smem:$0x3FA5]  }
0x2e: {  	s3 =	simm.s32 @!p0 $0x1082;
	s9 =	sld [smem:$0x3FA6]  }
0x2f: {  	lr =	sadd.s32 s0, s3;
	s0 =	sld [smem:$0x3F9D]  }
0x30: {  	s3 =	sld [smem:$0x3FA0]  }
0x31: {  	[smem:$0x3FA9] =	sst s10  }
0x32: {  	s10 =	sld [smem:$0x3FA7];
	_ =	sdelay $0x3  }
0x33: {  	p0 =	seq.s32 s10, $0x1;
	s10 =	sld [smem:$0x3FA9];
	_ =	sdelay $0x3  }
0x34: {  	[smem:$0x3FA9] =	sst s10  }
0x35: {  	s10 =	sld [smem:$0x3FA8];
	_ =	sdelay $0x3  }
0x36: {  	p1 =	seq.s32 s10, $0x1;
	s10 =	sld [smem:$0x3FA9];
	_ =	sdelay $0x3  }
0x37: {  	[smem:$0x3FA9] =	sst s10  }
0x38: {  	s10 =	sld [smem:$0x3FAA]  }
0x39: {  	_ = 	snop;
	(pc) =	sbr.ind lr, $3  }
0x3a: {  	_ = 	snop  }
0x3b: {  	_ = 	snop  }
0x3c: {  	p2 =	seq.s32 s10, $0x1;
	s10 =	sld [smem:$0x3FA9]  }
0x3d: {  	_ =	shalt  }
0x3e: {  	_ =	shalt  }
0x3f: {  	_ =	shalt  }
0x40: {  	_ =	shalt  }
0x41: {  	_ =	shalt  }
0x42: {  	_ =	shalt  }
0x43: {  	_ =	shalt  }
0x44: {  	_ =	shalt  }
0x45: {  	_ =	shalt  }
0x46: {  	_ =	shalt  }
0x47: {  	_ =	shalt  }
0x48: {  	_ =	shalt  }
0x49: {  	_ =	shalt  }
0x4a: {  	_ =	shalt  }
0x4b: {  	_ =	shalt  }
0x4c: {  	_ =	shalt  }
0x4d: {  	_ =	shalt  }
0x4e: {  	_ =	shalt  }
0x4f: {  	_ =	shalt  }
0x50: {  	_ =	shalt  }
0x51: {  	_ =	shalt  }
0x52: {  	_ =	shalt  }
0x53: {  	_ =	shalt  }
0x54: {  	_ =	shalt  }
0x55: {  	_ =	shalt  }
0x56: {  	_ =	shalt  }
0x57: {  	_ =	shalt  }
0x58: {  	_ =	shalt  }
0x59: {  	_ =	shalt  }
0x5a: {  	_ =	shalt  }
0x5b: {  	_ =	shalt  }
0x5c: {  	_ =	shalt  }
0x5d: {  	_ =	shalt  }
0x5e: {  	_ =	shalt  }
0x5f: {  	_ =	shalt  }
0x60: {  	_ =	shalt  }
0x61: {  	_ =	shalt  }
0x62: {  	_ =	shalt  }
0x63: {  	_ =	shalt  }
0x64: {  	_ =	shalt  }
0x65: {  	_ =	shalt  }
0x66: {  	_ =	shalt  }
0x67: {  	_ =	shalt  }
0x68: {  	_ =	shalt  }
0x69: {  	_ =	shalt  }
0x6a: {  	_ =	shalt  }
0x6b: {  	_ =	shalt  }
0x6c: {  	_ =	shalt  }
0x6d: {  	_ =	shalt  }
0x6e: {  	_ =	shalt  }
0x6f: {  	_ =	shalt  }
0x70: {  	_ =	shalt  }
0x71: {  	_ =	shalt  }
0x72: {  	_ =	shalt  }
0x73: {  	_ =	shalt  }
0x74: {  	_ =	shalt  }
0x75: {  	_ =	shalt  }
0x76: {  	_ =	shalt  }
0x77: {  	_ =	shalt  }
0x78: {  	_ =	shalt  }
0x79: {  	_ =	shalt  }
0x7a: {  	_ =	shalt  }
0x7b: {  	_ =	shalt  }
0x7c: {  	_ =	shalt  }
0x7d: {  	_ =	shalt  }
0x7e: {  	_ =	shalt  }
0x7f: {  	_ =	shalt  }
0x80: {  	_ =	shalt  }
0x81: {  	_ =	shalt  }
0x82: {  	_ =	shalt  }
0x83: {  	_ =	shalt  }
0x84: {  	_ =	shalt  }
0x85: {  	_ =	shalt  }
0x86: {  	_ =	shalt  }
0x87: {  	_ =	shalt  }
.Lfunc_end0:
.L_simem_size_0:
called_computation.1_lowered:
.L_overlay_start_0:
0x88: {  	s2 =	sld [smem:$0x3FD9]  }
0x89: {  	s3 =	sld [smem:$0x3FFE];
	_ =	sdelay $0x1  }
0x8a: {  	s1 =	srdreg.scid  }
0x8b: {  	s0 =	sand.u32 $0x1, s1  }
0x8c: {  	s16 =	sshll.u32 s0, $0xA;
	s2 =	sadd.s32 s3, s2  }
0x8d: {  	s2 =	sadd.s32 s2, s16  }
0x8e: {  	[smem:$0x3FB5] =	sst s2  }
0x8f: {  	_ = 	snop  }
0x90: {  	(tm) =	ssettm $0x1  }
0x91: {  	s17 =	sld [smem:$0x3FFB];
	_ =	sdelay $0x3  }
0x92: {  	_ =	strace s17  }
0x93: {  	s2 =	sld [smem:$0x3FFC];
	_ =	sdelay $0x3  }
0x94: {  	_ =	strace s2  }
0x95: {  	s2 =	sld [smem:$0x3FFD];
	_ =	sdelay $0x3  }
0x96: {  	_ =	strace s2  }
0x97: {  	_ =	strace $0x8FFFFFFF  }
0x98: {  	s18 =	sld [smem:$0x3FDB];
	_ =	sdelay $0x1  }
0x99: {  	s19 =	simm.s32 $_scs_section_size  }
0x9a: {  	s4 =	simm.s32 $_size__tile_overlayer_lowered;
	s5 =	simm.s32 $_tile_overlayer_lowered  }
0x9b: {  	s22 =	simm.s32 $0x1BFF;
	s21 =	sshll.u32 s5, $0x1;
	s2 =	sadd.s32 s19, s18  }
0x9c: {  	s6 =	simm.s32 $0x0;
	s20 =	sshll.u32 s4, $0x1;
	s4 =	sadd.s32 s21, s2  }
0x9d: {  	[timem:s6], [sflag:s22] =	dma.local [hbm:s4], s20  }
0x9e: {  	_ =	swait.ge [sflag:s22], s20  }
0x9f: {  	s3 =	ssub.s32 $0x0, s20;
	[sflag:s22] =	ssyncset.done $0x0  }
0xa0: {  	[sflag:s22] =	ssyncadd.s32 s3;
	_ =	sdelay $0x1  }
0xa1: {  	s23 =	simm.s32 $0x1B8B  }
0xa2: {  	_ =	swait.ge [sflag:s23], $0x1  }
0xa3: {  	[sflag:s23] =	ssyncset.done $0x0  }
0xa4: {  	s25 =	simm.s32 $0x1B8E;
	s24 =	sld [smem:$0x3FFE];
	[sflag:s23] =	ssyncadd.s32 $0xFFFFFFFF  }
0xa5: {  	s26 =	simm.s32 $execute0_lowered;
	[smem:$0x3FD2] =	sst s25  }
0xa6: {  	s4 =	sshll.u32 s26, $0x1;
	_ =	strace $0x80000049;
	[dreg:$0x1] =	wrdreg $0xFFFFFFFF  }
0xa7: {  	s28 =	simm.s32 $_size_execute0_lowered;
	s2 =	sadd.s32 s2, s4;
	[dreg:$0x0] =	wrdreg $0x0  }
0xa8: {  	s4 =	sshll.u32 s28, $0x1;
	[dreg:$0x2] =	wrdreg s2  }
0xa9: {  	[dreg:$0x3] =	wrdreg s4  }
0xaa: {  	[dreg:$0x4] =	wrdreg $0xC0  }
0xab: {  	_ =	task [dreg:s6], $0x5FFFF  }
0xac: {  	[dreg:$0x1] =	wrdreg $0xFFFFFFFF  }
0xad: {  	[dreg:$0x0] =	wrdreg $0x60  }
0xae: {  	[dreg:$0x2] =	wrdreg s24  }
0xaf: {  	[dreg:$0x3] =	wrdreg $0x9  }
0xb0: {  	_ =	task.clear_ibuf [dreg:s6], $0x4FFFF;
	_ =	strace $0x90000049  }
0xb1: {  	s29 =	simm.s32 $0x9;
	_ =	strace $0x8000004B  }
0xb2: {  	_ =	swait.ge [sflag:s29], $0x1  }
0xb3: {  	[sflag:s29] =	ssyncadd.s32 $0xFFFFFFFF  }
0xb4: {  	_ =	strace $0x9000004B  }
0xb5: {  	_ =	sfence  }
0xb6: {  	s30 =	sld [smem:$0x0];
	_ =	sdelay $0x2  }
0xb7: {  	s31 =	sshll.u32 s1, $0xD;
	s1 =	sshrl.u32 s1, $0x2  }
0xb8: {  	s3 =	sand.u32 $0x4000, s31;
	s1 =	sadd.s32 s1, s30  }
0xb9: {  	s0 =	sor.u32 s3, s0;
	s1 =	sshll.u32 s1, $0x11  }
0xba: {  	s0 =	sor.u32 s1, s0  }
0xbb: {  	s0 =	sadd.s32 $0x8F2B, s0  }
0xbc: {  	[sflag:s0] =	ssyncadd.remote.s32 $0x1  }
0xbd: {  	_ =	sfence.sel $0xFFFF  }
0xbe: {  	[dreg:$0x0] =	wrdreg $0xFFFFFFFF;
	(pc) =	sbr.abs _section_cstart, $3  }
0xbf: {  	[dreg:$0x1] =	wrdreg $0xFFFFFFFF  }
0xc0: {  	_ =	task.clear_ibuf [dreg:s6], $0x2FFFF;
	_ =	strace $0x9FFFFFFF  }
0xc1: {  	(tm) =	ssettm $0x7FFFFFFF  }
tec
execute0_lowered:
.L_overlay_start_1:
0x0: {  	(tag) =	ssettag $0x1  }
0x1: {  	s1 =	srdreg.scid;
	s0 =	stileid.u32  }
0x2: {  	s16 =	sand.u32 $0x1, s1;
	s30 =	sshll.u32 s0, $0x1  }
0x3: {  	s11 =	sor.u32 s16, s30  }
0x4: {  	s10 =	rddreg [dreg:$0x0];
	s3 =	smul.u32 $0xA0, s11  }
0x5: {  	s2 =	simm.s32 $0x0;
	s1 =	rddreg [dreg:$0x1]  }
0x6: {  	[smem:$0x7FF] =	sst s2;
	s3 =	sadd.s32 s3, s10  }
0x7: {  	_ =	strace $0x8000004A;
	s4 =	sadd.s32 $0x25C00, s3;
	s3 =	simm.s32 $0x3  }
0x8: {  	[tilespmem:s2], [sflag:$0x3] =	stream.linear.gather [hbm4b:s4+s2], $0x500, $0x38;
	[tilespmem:$0x14500] =	vst v63  }
0x9: {  	_ =	swait.ge [sflag:s3], $0x500  }
0xa: {  	s6 =	simm.s32 $0x140;
	[sflag:s3] =	ssyncset.done $0x0  }
0xb: {  	s7 =	simm.s32 $0x500;
	s5 =	sadd.s32 $0x5C00, s10;
	[sflag:s3] =	ssyncadd.s32 $0xFFFFFB00  }
0xc: {  	[tilespmem:s7], [sflag:$0x1] =	stream.indirect.gather [hbm4b:s5+s6], $0x80, s2, s6, $0xb8;
	[tilespmem:$0x14500] =	vst v63  }
0xd: {  	s8 =	simm.s32 $0xA500;
	s9 =	simm.s32 $0x1  }
0xe: {  	[tilespmem:s8], [sflag:$0x2] =	stream.indirect.gather [hbm4b:s5+s6], $0x80, s6, s6, $0xb8;
	[tilespmem:$0x14500] =	vst v63  }
0xf: {  	s12 =	smul.u32 $0x5000, s11;
	_ =	swait.ge [sflag:s9], $0xA000  }
0x10: {  	s13 =	sadd.s32 $0x27000, s10;
	[sflag:s9] =	ssyncset.done $0x0  }
0x11: {  	s10 =	sadd.s32 s13, s12;
	[sflag:s9] =	ssyncadd.s32 $0xFFFF6000  }
0x12: {  	[hbm4b:s10+s2] =	stream.linear.scatter [tilespmem:s7], [sflag:$0x3], $0xA000, $0x38;
	[tilespmem:$0x14500] =	vst v63  }
0x13: {  	_ =	swait.ge [sflag:s3], $0xA000  }
0x14: {  	s14 =	smul.u32 $0x28000, s11;
	[sflag:s3] =	ssyncset.done $0x0  }
0x15: {  	s11 =	simm.s32 $0x280;
	s12 =	simm.s32 $0x2;
	[sflag:s3] =	ssyncadd.s32 $0xFFFF6000  }
0x16: {  	[tilespmem:s7], [sflag:$0x1] =	stream.indirect.gather [hbm4b:s5+s6], $0x80, s11, s6, $0xb8;
	[tilespmem:$0x14500] =	vst v63  }
0x17: {  	s14 =	sshrl.u32 s14, $0x3;
	_ =	swait.ge [sflag:s12], $0xA000  }
0x18: {  	s17 =	sadd.s32 s13, s14;
	[sflag:s12] =	ssyncset.done $0x0  }
0x19: {  	s13 =	sadd.s32 $0x1400, s17;
	[sflag:s12] =	ssyncadd.s32 $0xFFFF6000  }
0x1a: {  	[hbm4b:s13+s2] =	stream.linear.scatter [tilespmem:s8], [sflag:$0x3], $0xA000, $0x38;
	[tilespmem:$0x14500] =	vst v63  }
0x1b: {  	_ =	swait.ge [sflag:s3], $0xA000  }
0x1c: {  	[sflag:s3] =	ssyncset.done $0x0  }
0x1d: {  	s14 =	simm.s32 $0x3C0;
	[sflag:s3] =	ssyncadd.s32 $0xFFFF6000  }
0x1e: {  	[tilespmem:s8], [sflag:$0x2] =	stream.indirect.gather [hbm4b:s5+s6], $0x80, s14, s6, $0xb8;
	[tilespmem:$0x14500] =	vst v63  }
0x1f: {  	_ =	swait.ge [sflag:s9], $0xA000  }
0x20: {  	[sflag:s9] =	ssyncset.done $0x0  }
0x21: {  	s16 =	ssub.s32 $0x2, s16;
	s15 =	sadd.s32 $0x2800, s17;
	[sflag:s9] =	ssyncadd.s32 $0xFFFF6000  }
0x22: {  	[hbm4b:s15+s2] =	stream.linear.scatter [tilespmem:s7], [sflag:$0x3], $0xA000, $0x38;
	[tilespmem:$0x14500] =	vst v63  }
0x23: {  	s18 =	sshrl.u32 s16, $0x1;
	_ =	swait.ge [sflag:s3], $0xA000  }
0x24: {  	s18 =	ssub.s32 s16, s18;
	[sflag:s3] =	ssyncset.done $0x0  }
0x25: {  	s31 =	smax.u32 s18, $0x1;
	[sflag:s3] =	ssyncadd.s32 $0xFFFF6000  }
0x26: {  	p0 =	sne.s32 s31, $0x1;
	_ =	swait.ge [sflag:s12], $0xA000  }
.Ltmp0:
0x27: {  	[sflag:s12] =	ssyncset.done $0x0;
	(pc) =	sbr.rel @!p0 .LBB2_2-.Ltmp0, $4  }
0x28: {  	s16 =	sadd.s32 $0x3C00, s17;
	[sflag:s12] =	ssyncadd.s32 $0xFFFF6000  }
0x29: {  	[hbm4b:s16+s2] =	stream.linear.scatter [tilespmem:s8], [sflag:$0x3], $0xA000, $0x38;
	[tilespmem:$0x14500] =	vst v63  }
0x2a: {  	_ =	swait.ge [sflag:s3], $0xA000  }
0x2b: {  	s17 =	sadd.s32 $0xFFFFFFFF, s31;
	[sflag:s3] =	ssyncset.done $0x0  }
.LBB2_1:
0x2c: {  	p0 =	sne.s32 s17, $0x1;
	s17 =	sadd.s32 $0xFFFFFFFF, s17;
	[sflag:s3] =	ssyncadd.s32 $0xFFFF6000  }
0x2d: {  	[tilespmem:s2], [sflag:$0x3] =	stream.linear.gather [hbm4b:s4+s2], $0x500, $0x38;
	[tilespmem:$0x14500] =	vst v63  }
0x2e: {  	_ =	swait.ge [sflag:s3], $0x500  }
0x2f: {  	[sflag:s3] =	ssyncset.done $0x0  }
0x30: {  	[sflag:s3] =	ssyncadd.s32 $0xFFFFFB00  }
0x31: {  	[tilespmem:s7], [sflag:$0x1] =	stream.indirect.gather [hbm4b:s5+s6], $0x80, s2, s6, $0xb8;
	[tilespmem:$0x14500] =	vst v63  }
0x32: {  	_ = 	snop  }
0x33: {  	[tilespmem:s8], [sflag:$0x2] =	stream.indirect.gather [hbm4b:s5+s6], $0x80, s6, s6, $0xb8;
	[tilespmem:$0x14500] =	vst v63  }
0x34: {  	_ =	swait.ge [sflag:s9], $0xA000  }
0x35: {  	[sflag:s9] =	ssyncset.done $0x0  }
0x36: {  	[sflag:s9] =	ssyncadd.s32 $0xFFFF6000  }
0x37: {  	[hbm4b:s10+s2] =	stream.linear.scatter [tilespmem:s7], [sflag:$0x3], $0xA000, $0x38;
	[tilespmem:$0x14500] =	vst v63  }
0x38: {  	_ =	swait.ge [sflag:s3], $0xA000  }
0x39: {  	[sflag:s3] =	ssyncset.done $0x0  }
0x3a: {  	[sflag:s3] =	ssyncadd.s32 $0xFFFF6000  }
0x3b: {  	[tilespmem:s7], [sflag:$0x1] =	stream.indirect.gather [hbm4b:s5+s6], $0x80, s11, s6, $0xb8;
	[tilespmem:$0x14500] =	vst v63  }
0x3c: {  	_ =	swait.ge [sflag:s12], $0xA000  }
0x3d: {  	[sflag:s12] =	ssyncset.done $0x0  }
0x3e: {  	[sflag:s12] =	ssyncadd.s32 $0xFFFF6000  }
0x3f: {  	[hbm4b:s13+s2] =	stream.linear.scatter [tilespmem:s8], [sflag:$0x3], $0xA000, $0x38;
	[tilespmem:$0x14500] =	vst v63  }
0x40: {  	_ =	swait.ge [sflag:s3], $0xA000  }
0x41: {  	[sflag:s3] =	ssyncset.done $0x0  }
0x42: {  	[sflag:s3] =	ssyncadd.s32 $0xFFFF6000  }
0x43: {  	[tilespmem:s8], [sflag:$0x2] =	stream.indirect.gather [hbm4b:s5+s6], $0x80, s14, s6, $0xb8;
	[tilespmem:$0x14500] =	vst v63  }
0x44: {  	_ =	swait.ge [sflag:s9], $0xA000  }
0x45: {  	[sflag:s9] =	ssyncset.done $0x0  }
0x46: {  	[sflag:s9] =	ssyncadd.s32 $0xFFFF6000  }
0x47: {  	[hbm4b:s15+s2] =	stream.linear.scatter [tilespmem:s7], [sflag:$0x3], $0xA000, $0x38;
	[tilespmem:$0x14500] =	vst v63  }
0x48: {  	_ =	swait.ge [sflag:s3], $0xA000  }
0x49: {  	[sflag:s3] =	ssyncset.done $0x0  }
0x4a: {  	[sflag:s3] =	ssyncadd.s32 $0xFFFF6000  }
0x4b: {  	_ =	swait.ge [sflag:s12], $0xA000  }
.Ltmp1:
0x4c: {  	[sflag:s12] =	ssyncset.done $0x0;
	(pc) =	sbr.rel @p0 .LBB2_1-.Ltmp1, $4  }
0x4d: {  	[sflag:s12] =	ssyncadd.s32 $0xFFFF6000  }
0x4e: {  	[hbm4b:s16+s2] =	stream.linear.scatter [tilespmem:s8], [sflag:$0x3], $0xA000, $0x38;
	[tilespmem:$0x14500] =	vst v63  }
0x4f: {  	_ =	swait.ge [sflag:s3], $0xA000  }
0x50: {  	[sflag:s3] =	ssyncset.done $0x0  }
.LBB2_2:
0x51: {  	[sflag:s3] =	ssyncadd.s32 $0xFFFF6000  }
0x52: {  	_ =	sfence.sel $0x180000  }
0x53: {  	[bflag:$0x0] =	sbarrier.arrive $0xFFFF  }
0x54: {  	p0 =	sne.s32 s0, $0x0;
	_ =	strace $0x9000004A  }
0x55: {  	s0 =	sadd.s32 @!p0 $0x100000, s1;
	[bflag:$0x2] =	sbarrier.arrive $0xFFFF  }
0x56: {  	[sflag:s0] =	ssyncadd.tile.s32 @!p0 $0x1;
	_ =	shalt  }
.Lfunc_end2:
_tile_overlayer_lowered:
.L_overlay_start_2:
0x57: {  	(tag) =	ssettag $0x2  }
0x58: {  	s0 =	rddreg [dreg:$0x0];
	s2 =	stileid.u32  }
0x59: {  	s1 =	rddreg [dreg:$0x1];
	p0 =	sne.s32 s2, $0x0  }
0x5a: {  	s3 =	rddreg [dreg:$0x2];
	[bflag:$0x3] =	sbarrier.arrive $0xFFFF;
	s2 =	simm.s32 @!p0 $0x1C03  }
0x5b: {  	[timem:s3], [sflag:s2] =	dma.local @!p0 [hbm:s0], s1  }
0x5c: {  	s0 =	simm.s32 @!p0 $0x3  }
0x5d: {  	_ =	swait.ge @!p0 [sflag:s0], s1  }
0x5e: {  	s1 =	ssub.s32 @!p0 $0x0, s1;
	[sflag:s0] =	ssyncset.done @!p0 $0x0  }
0x5f: {  	[sflag:s0] =	ssyncadd.s32 @!p0 s1  }
0x60: {  	[bflag:$0x3] =	sbarrier.arrive $0xFFFF  }
0x61: {  	_ =	shalt  }

// kernel: kernel.21.cloned.1.call-start
scs
__scs_entry_jumppad:
0x0: {  	(pc) =	sbr.rel $0x88, $3  }
0x1: {  	(tag) =	ssettag $0x0;
	lr =	simm.s32 $0x1  }
0x2: {  	[smem:$0x3F8E] =	sst lr;
	_ =	strace $0xD0000000  }
0x3: {  	_ = 	snop  }
0x4: {  	_ = 	snop  }
0x5: {  	_ = 	snop  }
0x6: {  	_ = 	snop  }
0x7: {  	_ = 	snop  }
__scs_overlays_trampoline_lowered:
0x8: {  	[smem:$0x3F9D] =	sst s0  }
0x9: {  	[smem:$0x3F9E] =	sst s1  }
0xa: {  	[smem:$0x3F9F] =	sst s2  }
0xb: {  	[smem:$0x3FA0] =	sst s3  }
0xc: {  	[smem:$0x3FA1] =	sst s4  }
0xd: {  	[smem:$0x3FA2] =	sst s5  }
0xe: {  	[smem:$0x3FA3] =	sst s6  }
0xf: {  	[smem:$0x3FA4] =	sst s7  }
0x10: {  	[smem:$0x3FA5] =	sst s8  }
0x11: {  	[smem:$0x3FA6] =	sst s9;
	s0 =	simm.s32 @!p0 $0x0  }
0x12: {  	s1 =	sld [smem:$0x3F8C];
	s0 =	simm.s32 @p0 $0x1  }
0x13: {  	[smem:$0x3FA7] =	sst s0;
	s0 =	simm.s32 @!p1 $0x0  }
0x14: {  	s2 =	sld [smem:$0x3F8B];
	s0 =	simm.s32 @p1 $0x1  }
0x15: {  	[smem:$0x3FA8] =	sst s0;
	s0 =	simm.s32 @!p2 $0x0  }
0x16: {  	s3 =	sld [smem:$0x3FDB];
	s0 =	simm.s32 @p2 $0x1  }
0x17: {  	s4 =	simm.s32 $0x1BF5;
	[smem:$0x3FAA] =	sst s0  }
0x18: {  	s0 =	sld [smem:$0x3F8D];
	_ =	swait.ge [sflag:s4], $0x0  }
0x19: {  	s7 =	sld [smem:$0x3F8E]  }
0x1a: {  	s8 =	sadd.s32 $0xFFFFE003, lr  }
0x1b: {  	s9 =	sadd.s32 $0xFFFFFEF7, lr;
	s5 =	simm.s32 $0xFFFFFFFF;
	p2 =	slt.u32 s8, $0xFFFFF086  }
0x1c: {  	p1 =	slt.u32 s9, $0xF7A;
	s5 =	simm.s32 @!p2 $0x0  }
0x1d: {  	s5 =	simm.s32 @p1 $0x1;
	p0 =	seq.s32 s7, s2  }
0x1e: {  	s7 =	smul.u32 @!p0 $0xF7A, s2;
	p2 =	seq.s32 @!p0 s5, $0x0  }
0x1f: {  	s9 =	smul.u32 $0xF7A, s1;
	s8 =	simm.s32 @!p0 $0x1BF5;
	p2 =	por !p2, p0  }
0x20: {  	[sflag:s8] =	ssyncset.s32 @!p0 $0xFFFFF086;
	s6 =	sadd.s32 @!p0 s3, s7;
	s7 =	simm.s32 @!p0 $0x108  }
0x21: {  	s3 =	sadd.s32 s3, s9;
	s6 =	sadd.s32 @!p0 $0x88, s6;
	s7 =	simm.s32 @p2 $0x1082  }
0x22: {  	[simem:s7], [sflag:s8] =	dma.local @!p0 [hbm:s6], $0xF7A  }
0x23: {  	s9 =	sor.u32 $0xD0000000, s2;
	s6 =	simm.s32 $0x108;
	_ =	swait.ge @!p0 [sflag:s8], $0x0  }
0x24: {  	s3 =	sadd.s32 $0x88, s3;
	s6 =	simm.s32 @!p1 $0x1082;
	[sflag:s4] =	ssyncset.s32 $0xFFFFF086  }
0x25: {  	[simem:s6], [sflag:s4] =	dma.local [hbm:s3], $0xF7A  }
0x26: {  	[smem:$0x3F8E] =	sst s1;
	(tag) =	ssettag s2;
	_ =	strace s9  }
0x27: {  	s1 =	sld [smem:$0x3F9E]  }
0x28: {  	s2 =	sld [smem:$0x3F9F]  }
0x29: {  	s4 =	sld [smem:$0x3FA1]  }
0x2a: {  	p0 =	seq.s32 s5, $0x0;
	s5 =	sld [smem:$0x3FA2]  }
0x2b: {  	s6 =	sld [smem:$0x3FA3]  }
0x2c: {  	s7 =	sld [smem:$0x3FA4]  }
0x2d: {  	s3 =	simm.s32 $0x108;
	s8 =	sld [smem:$0x3FA5]  }
0x2e: {  	s3 =	simm.s32 @!p0 $0x1082;
	s9 =	sld [smem:$0x3FA6]  }
0x2f: {  	lr =	sadd.s32 s0, s3;
	s0 =	sld [smem:$0x3F9D]  }
0x30: {  	s3 =	sld [smem:$0x3FA0]  }
0x31: {  	[smem:$0x3FA9] =	sst s10  }
0x32: {  	s10 =	sld [smem:$0x3FA7];
	_ =	sdelay $0x3  }
0x33: {  	p0 =	seq.s32 s10, $0x1;
	s10 =	sld [smem:$0x3FA9];
	_ =	sdelay $0x3  }
0x34: {  	[smem:$0x3FA9] =	sst s10  }
0x35: {  	s10 =	sld [smem:$0x3FA8];
	_ =	sdelay $0x3  }
0x36: {  	p1 =	seq.s32 s10, $0x1;
	s10 =	sld [smem:$0x3FA9];
	_ =	sdelay $0x3  }
0x37: {  	[smem:$0x3FA9] =	sst s10  }
0x38: {  	s10 =	sld [smem:$0x3FAA]  }
0x39: {  	_ = 	snop;
	(pc) =	sbr.ind lr, $3  }
0x3a: {  	_ = 	snop  }
0x3b: {  	_ = 	snop  }
0x3c: {  	p2 =	seq.s32 s10, $0x1;
	s10 =	sld [smem:$0x3FA9]  }
0x3d: {  	_ =	shalt  }
0x3e: {  	_ =	shalt  }
0x3f: {  	_ =	shalt  }
0x40: {  	_ =	shalt  }
0x41: {  	_ =	shalt  }
0x42: {  	_ =	shalt  }
0x43: {  	_ =	shalt  }
0x44: {  	_ =	shalt  }
0x45: {  	_ =	shalt  }
0x46: {  	_ =	shalt  }
0x47: {  	_ =	shalt  }
0x48: {  	_ =	shalt  }
0x49: {  	_ =	shalt  }
0x4a: {  	_ =	shalt  }
0x4b: {  	_ =	shalt  }
0x4c: {  	_ =	shalt  }
0x4d: {  	_ =	shalt  }
0x4e: {  	_ =	shalt  }
0x4f: {  	_ =	shalt  }
0x50: {  	_ =	shalt  }
0x51: {  	_ =	shalt  }
0x52: {  	_ =	shalt  }
0x53: {  	_ =	shalt  }
0x54: {  	_ =	shalt  }
0x55: {  	_ =	shalt  }
0x56: {  	_ =	shalt  }
0x57: {  	_ =	shalt  }
0x58: {  	_ =	shalt  }
0x59: {  	_ =	shalt  }
0x5a: {  	_ =	shalt  }
0x5b: {  	_ =	shalt  }
0x5c: {  	_ =	shalt  }
0x5d: {  	_ =	shalt  }
0x5e: {  	_ =	shalt  }
0x5f: {  	_ =	shalt  }
0x60: {  	_ =	shalt  }
0x61: {  	_ =	shalt  }
0x62: {  	_ =	shalt  }
0x63: {  	_ =	shalt  }
0x64: {  	_ =	shalt  }
0x65: {  	_ =	shalt  }
0x66: {  	_ =	shalt  }
0x67: {  	_ =	shalt  }
0x68: {  	_ =	shalt  }
0x69: {  	_ =	shalt  }
0x6a: {  	_ =	shalt  }
0x6b: {  	_ =	shalt  }
0x6c: {  	_ =	shalt  }
0x6d: {  	_ =	shalt  }
0x6e: {  	_ =	shalt  }
0x6f: {  	_ =	shalt  }
0x70: {  	_ =	shalt  }
0x71: {  	_ =	shalt  }
0x72: {  	_ =	shalt  }
0x73: {  	_ =	shalt  }
0x74: {  	_ =	shalt  }
0x75: {  	_ =	shalt  }
0x76: {  	_ =	shalt  }
0x77: {  	_ =	shalt  }
0x78: {  	_ =	shalt  }
0x79: {  	_ =	shalt  }
0x7a: {  	_ =	shalt  }
0x7b: {  	_ =	shalt  }
0x7c: {  	_ =	shalt  }
0x7d: {  	_ =	shalt  }
0x7e: {  	_ =	shalt  }
0x7f: {  	_ =	shalt  }
0x80: {  	_ =	shalt  }
0x81: {  	_ =	shalt  }
0x82: {  	_ =	shalt  }
0x83: {  	_ =	shalt  }
0x84: {  	_ =	shalt  }
0x85: {  	_ =	shalt  }
0x86: {  	_ =	shalt  }
0x87: {  	_ =	shalt  }
.Lfunc_end0:
.L_simem_size_0:
called_computation.2_lowered:
.L_overlay_start_0:
0x88: {  	s2 =	sld [smem:$0x3FD9]  }
0x89: {  	s3 =	sld [smem:$0x3FFE];
	_ =	sdelay $0x1  }
0x8a: {  	s1 =	srdreg.scid  }
0x8b: {  	s0 =	sand.u32 $0x1, s1  }
0x8c: {  	s16 =	sshll.u32 s0, $0xA;
	s2 =	sadd.s32 s3, s2  }
0x8d: {  	s2 =	sadd.s32 s2, s16  }
0x8e: {  	[smem:$0x3FB5] =	sst s2  }
0x8f: {  	_ = 	snop  }
0x90: {  	(tm) =	ssettm $0x1  }
0x91: {  	s17 =	sld [smem:$0x3FFB];
	_ =	sdelay $0x3  }
0x92: {  	_ =	strace s17  }
0x93: {  	s2 =	sld [smem:$0x3FFC];
	_ =	sdelay $0x3  }
0x94: {  	_ =	strace s2  }
0x95: {  	s2 =	sld [smem:$0x3FFD];
	_ =	sdelay $0x3  }
0x96: {  	_ =	strace s2  }
0x97: {  	_ =	strace $0x8FFFFFFF  }
0x98: {  	s18 =	sld [smem:$0x3FDB];
	_ =	sdelay $0x1  }
0x99: {  	s19 =	simm.s32 $_scs_section_size  }
0x9a: {  	s4 =	simm.s32 $_size__tile_overlayer_lowered;
	s5 =	simm.s32 $_tile_overlayer_lowered  }
0x9b: {  	s22 =	simm.s32 $0x1BFF;
	s21 =	sshll.u32 s5, $0x1;
	s2 =	sadd.s32 s19, s18  }
0x9c: {  	s6 =	simm.s32 $0x0;
	s20 =	sshll.u32 s4, $0x1;
	s4 =	sadd.s32 s21, s2  }
0x9d: {  	[timem:s6], [sflag:s22] =	dma.local [hbm:s4], s20  }
0x9e: {  	_ =	swait.ge [sflag:s22], s20  }
0x9f: {  	s3 =	ssub.s32 $0x0, s20;
	[sflag:s22] =	ssyncset.done $0x0  }
0xa0: {  	[sflag:s22] =	ssyncadd.s32 s3;
	_ =	sdelay $0x1  }
0xa1: {  	s23 =	simm.s32 $0x1B8B  }
0xa2: {  	_ =	swait.ge [sflag:s23], $0x1  }
0xa3: {  	[sflag:s23] =	ssyncset.done $0x0  }
0xa4: {  	s25 =	simm.s32 $0x1B8E;
	s24 =	sld [smem:$0x3FFE];
	[sflag:s23] =	ssyncadd.s32 $0xFFFFFFFF  }
0xa5: {  	s26 =	simm.s32 $execute0_lowered;
	[smem:$0x3FD2] =	sst s25  }
0xa6: {  	s4 =	sshll.u32 s26, $0x1;
	_ =	strace $0x8000004C;
	[dreg:$0x1] =	wrdreg $0xFFFFFFFF  }
0xa7: {  	s28 =	simm.s32 $_size_execute0_lowered;
	s2 =	sadd.s32 s2, s4;
	[dreg:$0x0] =	wrdreg $0x0  }
0xa8: {  	s4 =	sshll.u32 s28, $0x1;
	[dreg:$0x2] =	wrdreg s2  }
0xa9: {  	[dreg:$0x3] =	wrdreg s4  }
0xaa: {  	[dreg:$0x4] =	wrdreg $0xC0  }
0xab: {  	_ =	task [dreg:s6], $0x5FFFF  }
0xac: {  	[dreg:$0x1] =	wrdreg $0xFFFFFFFF  }
0xad: {  	[dreg:$0x0] =	wrdreg $0x60  }
0xae: {  	[dreg:$0x2] =	wrdreg s24  }
0xaf: {  	[dreg:$0x3] =	wrdreg $0x9  }
0xb0: {  	_ =	task.clear_ibuf [dreg:s6], $0x4FFFF;
	_ =	strace $0x9000004C  }
0xb1: {  	s29 =	simm.s32 $0x9;
	_ =	strace $0x8000004E  }
0xb2: {  	_ =	swait.ge [sflag:s29], $0x1  }
0xb3: {  	[sflag:s29] =	ssyncadd.s32 $0xFFFFFFFF  }
0xb4: {  	_ =	strace $0x9000004E  }
0xb5: {  	_ =	sfence  }
0xb6: {  	s30 =	sld [smem:$0x0];
	_ =	sdelay $0x2  }
0xb7: {  	s31 =	sshll.u32 s1, $0xD;
	s1 =	sshrl.u32 s1, $0x2  }
0xb8: {  	s3 =	sand.u32 $0x4000, s31;
	s1 =	sadd.s32 s1, s30  }
0xb9: {  	s0 =	sor.u32 s3, s0;
	s1 =	sshll.u32 s1, $0x11  }
0xba: {  	s0 =	sor.u32 s1, s0  }
0xbb: {  	s0 =	sadd.s32 $0x8F2B, s0  }
0xbc: {  	[sflag:s0] =	ssyncadd.remote.s32 $0x1  }
0xbd: {  	_ =	sfence.sel $0xFFFF  }
0xbe: {  	[dreg:$0x0] =	wrdreg $0xFFFFFFFF;
	(pc) =	sbr.abs _section_cstart, $3  }
0xbf: {  	[dreg:$0x1] =	wrdreg $0xFFFFFFFF  }
0xc0: {  	_ =	task.clear_ibuf [dreg:s6], $0x2FFFF;
	_ =	strace $0x9FFFFFFF  }
0xc1: {  	(tm) =	ssettm $0x7FFFFFFF  }
tec
execute0_lowered:
.L_overlay_start_1:
0x0: {  	(tag) =	ssettag $0x1  }
0x1: {  	s1 =	srdreg.scid;
	s0 =	stileid.u32  }
0x2: {  	s16 =	sand.u32 $0x1, s1;
	s30 =	sshll.u32 s0, $0x1  }
0x3: {  	s11 =	sor.u32 s16, s30  }
0x4: {  	s10 =	rddreg [dreg:$0x0];
	s3 =	smul.u32 $0xA0, s11  }
0x5: {  	s2 =	simm.s32 $0x0;
	s1 =	rddreg [dreg:$0x1]  }
0x6: {  	[smem:$0x7FF] =	sst s2;
	s3 =	sadd.s32 s3, s10  }
0x7: {  	_ =	strace $0x8000004D;
	s4 =	sadd.s32 $0x25C00, s3;
	s3 =	simm.s32 $0x3  }
0x8: {  	[tilespmem:s2], [sflag:$0x3] =	stream.linear.gather [hbm4b:s4+s2], $0x500, $0x38;
	[tilespmem:$0x14500] =	vst v63  }
0x9: {  	_ =	swait.ge [sflag:s3], $0x500  }
0xa: {  	s6 =	simm.s32 $0x140;
	[sflag:s3] =	ssyncset.done $0x0  }
0xb: {  	s7 =	simm.s32 $0x500;
	s5 =	sadd.s32 $0x5C00, s10;
	[sflag:s3] =	ssyncadd.s32 $0xFFFFFB00  }
0xc: {  	[tilespmem:s7], [sflag:$0x1] =	stream.indirect.gather [hbm4b:s5+s6], $0x80, s2, s6, $0xb8;
	[tilespmem:$0x14500] =	vst v63  }
0xd: {  	s8 =	simm.s32 $0xA500;
	s9 =	simm.s32 $0x1  }
0xe: {  	[tilespmem:s8], [sflag:$0x2] =	stream.indirect.gather [hbm4b:s5+s6], $0x80, s6, s6, $0xb8;
	[tilespmem:$0x14500] =	vst v63  }
0xf: {  	s12 =	smul.u32 $0x5000, s11;
	_ =	swait.ge [sflag:s9], $0xA000  }
0x10: {  	s13 =	sadd.s32 $0x27000, s10;
	[sflag:s9] =	ssyncset.done $0x0  }
0x11: {  	s10 =	sadd.s32 s13, s12;
	[sflag:s9] =	ssyncadd.s32 $0xFFFF6000  }
0x12: {  	[hbm4b:s10+s2] =	stream.linear.scatter [tilespmem:s7], [sflag:$0x3], $0xA000, $0x38;
	[tilespmem:$0x14500] =	vst v63  }
0x13: {  	_ =	swait.ge [sflag:s3], $0xA000  }
0x14: {  	s14 =	smul.u32 $0x28000, s11;
	[sflag:s3] =	ssyncset.done $0x0  }
0x15: {  	s11 =	simm.s32 $0x280;
	s12 =	simm.s32 $0x2;
	[sflag:s3] =	ssyncadd.s32 $0xFFFF6000  }
0x16: {  	[tilespmem:s7], [sflag:$0x1] =	stream.indirect.gather [hbm4b:s5+s6], $0x80, s11, s6, $0xb8;
	[tilespmem:$0x14500] =	vst v63  }
0x17: {  	s14 =	sshrl.u32 s14, $0x3;
	_ =	swait.ge [sflag:s12], $0xA000  }
0x18: {  	s17 =	sadd.s32 s13, s14;
	[sflag:s12] =	ssyncset.done $0x0  }
0x19: {  	s13 =	sadd.s32 $0x1400, s17;
	[sflag:s12] =	ssyncadd.s32 $0xFFFF6000  }
0x1a: {  	[hbm4b:s13+s2] =	stream.linear.scatter [tilespmem:s8], [sflag:$0x3], $0xA000, $0x38;
	[tilespmem:$0x14500] =	vst v63  }
0x1b: {  	_ =	swait.ge [sflag:s3], $0xA000  }
0x1c: {  	[sflag:s3] =	ssyncset.done $0x0  }
0x1d: {  	s14 =	simm.s32 $0x3C0;
	[sflag:s3] =	ssyncadd.s32 $0xFFFF6000  }
0x1e: {  	[tilespmem:s8], [sflag:$0x2] =	stream.indirect.gather [hbm4b:s5+s6], $0x80, s14, s6, $0xb8;
	[tilespmem:$0x14500] =	vst v63  }
0x1f: {  	_ =	swait.ge [sflag:s9], $0xA000  }
0x20: {  	[sflag:s9] =	ssyncset.done $0x0  }
0x21: {  	s16 =	ssub.s32 $0x2, s16;
	s15 =	sadd.s32 $0x2800, s17;
	[sflag:s9] =	ssyncadd.s32 $0xFFFF6000  }
0x22: {  	[hbm4b:s15+s2] =	stream.linear.scatter [tilespmem:s7], [sflag:$0x3], $0xA000, $0x38;
	[tilespmem:$0x14500] =	vst v63  }
0x23: {  	s18 =	sshrl.u32 s16, $0x1;
	_ =	swait.ge [sflag:s3], $0xA000  }
0x24: {  	s18 =	ssub.s32 s16, s18;
	[sflag:s3] =	ssyncset.done $0x0  }
0x25: {  	s31 =	smax.u32 s18, $0x1;
	[sflag:s3] =	ssyncadd.s32 $0xFFFF6000  }
0x26: {  	p0 =	sne.s32 s31, $0x1;
	_ =	swait.ge [sflag:s12], $0xA000  }
.Ltmp0:
0x27: {  	[sflag:s12] =	ssyncset.done $0x0;
	(pc) =	sbr.rel @!p0 .LBB2_2-.Ltmp0, $4  }
0x28: {  	s16 =	sadd.s32 $0x3C00, s17;
	[sflag:s12] =	ssyncadd.s32 $0xFFFF6000  }
0x29: {  	[hbm4b:s16+s2] =	stream.linear.scatter [tilespmem:s8], [sflag:$0x3], $0xA000, $0x38;
	[tilespmem:$0x14500] =	vst v63  }
0x2a: {  	_ =	swait.ge [sflag:s3], $0xA000  }
0x2b: {  	s17 =	sadd.s32 $0xFFFFFFFF, s31;
	[sflag:s3] =	ssyncset.done $0x0  }
.LBB2_1:
0x2c: {  	p0 =	sne.s32 s17, $0x1;
	s17 =	sadd.s32 $0xFFFFFFFF, s17;
	[sflag:s3] =	ssyncadd.s32 $0xFFFF6000  }
0x2d: {  	[tilespmem:s2], [sflag:$0x3] =	stream.linear.gather [hbm4b:s4+s2], $0x500, $0x38;
	[tilespmem:$0x14500] =	vst v63  }
0x2e: {  	_ =	swait.ge [sflag:s3], $0x500  }
0x2f: {  	[sflag:s3] =	ssyncset.done $0x0  }
0x30: {  	[sflag:s3] =	ssyncadd.s32 $0xFFFFFB00  }
0x31: {  	[tilespmem:s7], [sflag:$0x1] =	stream.indirect.gather [hbm4b:s5+s6], $0x80, s2, s6, $0xb8;
	[tilespmem:$0x14500] =	vst v63  }
0x32: {  	_ = 	snop  }
0x33: {  	[tilespmem:s8], [sflag:$0x2] =	stream.indirect.gather [hbm4b:s5+s6], $0x80, s6, s6, $0xb8;
	[tilespmem:$0x14500] =	vst v63  }
0x34: {  	_ =	swait.ge [sflag:s9], $0xA000  }
0x35: {  	[sflag:s9] =	ssyncset.done $0x0  }
0x36: {  	[sflag:s9] =	ssyncadd.s32 $0xFFFF6000  }
0x37: {  	[hbm4b:s10+s2] =	stream.linear.scatter [tilespmem:s7], [sflag:$0x3], $0xA000, $0x38;
	[tilespmem:$0x14500] =	vst v63  }
0x38: {  	_ =	swait.ge [sflag:s3], $0xA000  }
0x39: {  	[sflag:s3] =	ssyncset.done $0x0  }
0x3a: {  	[sflag:s3] =	ssyncadd.s32 $0xFFFF6000  }
0x3b: {  	[tilespmem:s7], [sflag:$0x1] =	stream.indirect.gather [hbm4b:s5+s6], $0x80, s11, s6, $0xb8;
	[tilespmem:$0x14500] =	vst v63  }
0x3c: {  	_ =	swait.ge [sflag:s12], $0xA000  }
0x3d: {  	[sflag:s12] =	ssyncset.done $0x0  }
0x3e: {  	[sflag:s12] =	ssyncadd.s32 $0xFFFF6000  }
0x3f: {  	[hbm4b:s13+s2] =	stream.linear.scatter [tilespmem:s8], [sflag:$0x3], $0xA000, $0x38;
	[tilespmem:$0x14500] =	vst v63  }
0x40: {  	_ =	swait.ge [sflag:s3], $0xA000  }
0x41: {  	[sflag:s3] =	ssyncset.done $0x0  }
0x42: {  	[sflag:s3] =	ssyncadd.s32 $0xFFFF6000  }
0x43: {  	[tilespmem:s8], [sflag:$0x2] =	stream.indirect.gather [hbm4b:s5+s6], $0x80, s14, s6, $0xb8;
	[tilespmem:$0x14500] =	vst v63  }
0x44: {  	_ =	swait.ge [sflag:s9], $0xA000  }
0x45: {  	[sflag:s9] =	ssyncset.done $0x0  }
0x46: {  	[sflag:s9] =	ssyncadd.s32 $0xFFFF6000  }
0x47: {  	[hbm4b:s15+s2] =	stream.linear.scatter [tilespmem:s7], [sflag:$0x3], $0xA000, $0x38;
	[tilespmem:$0x14500] =	vst v63  }
0x48: {  	_ =	swait.ge [sflag:s3], $0xA000  }
0x49: {  	[sflag:s3] =	ssyncset.done $0x0  }
0x4a: {  	[sflag:s3] =	ssyncadd.s32 $0xFFFF6000  }
0x4b: {  	_ =	swait.ge [sflag:s12], $0xA000  }
.Ltmp1:
0x4c: {  	[sflag:s12] =	ssyncset.done $0x0;
	(pc) =	sbr.rel @p0 .LBB2_1-.Ltmp1, $4  }
0x4d: {  	[sflag:s12] =	ssyncadd.s32 $0xFFFF6000  }
0x4e: {  	[hbm4b:s16+s2] =	stream.linear.scatter [tilespmem:s8], [sflag:$0x3], $0xA000, $0x38;
	[tilespmem:$0x14500] =	vst v63  }
0x4f: {  	_ =	swait.ge [sflag:s3], $0xA000  }
0x50: {  	[sflag:s3] =	ssyncset.done $0x0  }
.LBB2_2:
0x51: {  	[sflag:s3] =	ssyncadd.s32 $0xFFFF6000  }
0x52: {  	_ =	sfence.sel $0x180000  }
0x53: {  	[bflag:$0x0] =	sbarrier.arrive $0xFFFF  }
0x54: {  	p0 =	sne.s32 s0, $0x0;
	_ =	strace $0x9000004D  }
0x55: {  	s0 =	sadd.s32 @!p0 $0x100000, s1;
	[bflag:$0x2] =	sbarrier.arrive $0xFFFF  }
0x56: {  	[sflag:s0] =	ssyncadd.tile.s32 @!p0 $0x1;
	_ =	shalt  }
.Lfunc_end2:
_tile_overlayer_lowered:
.L_overlay_start_2:
0x57: {  	(tag) =	ssettag $0x2  }
0x58: {  	s0 =	rddreg [dreg:$0x0];
	s2 =	stileid.u32  }
0x59: {  	s1 =	rddreg [dreg:$0x1];
	p0 =	sne.s32 s2, $0x0  }
0x5a: {  	s3 =	rddreg [dreg:$0x2];
	[bflag:$0x3] =	sbarrier.arrive $0xFFFF;
	s2 =	simm.s32 @!p0 $0x1C03  }
0x5b: {  	[timem:s3], [sflag:s2] =	dma.local @!p0 [hbm:s0], s1  }
0x5c: {  	s0 =	simm.s32 @!p0 $0x3  }
0x5d: {  	_ =	swait.ge @!p0 [sflag:s0], s1  }
0x5e: {  	s1 =	ssub.s32 @!p0 $0x0, s1;
	[sflag:s0] =	ssyncset.done @!p0 $0x0  }
0x5f: {  	[sflag:s0] =	ssyncadd.s32 @!p0 s1  }
0x60: {  	[bflag:$0x3] =	sbarrier.arrive $0xFFFF  }
0x61: {  	_ =	shalt  }

// kernel: kernel.24.cloned.1.call-start
scs
__scs_entry_jumppad:
0x0: {  	(pc) =	sbr.rel $0x88, $3  }
0x1: {  	(tag) =	ssettag $0x0;
	lr =	simm.s32 $0x1  }
0x2: {  	[smem:$0x3F8E] =	sst lr;
	_ =	strace $0xD0000000  }
0x3: {  	_ = 	snop  }
0x4: {  	_ = 	snop  }
0x5: {  	_ = 	snop  }
0x6: {  	_ = 	snop  }
0x7: {  	_ = 	snop  }
__scs_overlays_trampoline_lowered:
0x8: {  	[smem:$0x3F9D] =	sst s0  }
0x9: {  	[smem:$0x3F9E] =	sst s1  }
0xa: {  	[smem:$0x3F9F] =	sst s2  }
0xb: {  	[smem:$0x3FA0] =	sst s3  }
0xc: {  	[smem:$0x3FA1] =	sst s4  }
0xd: {  	[smem:$0x3FA2] =	sst s5  }
0xe: {  	[smem:$0x3FA3] =	sst s6  }
0xf: {  	[smem:$0x3FA4] =	sst s7  }
0x10: {  	[smem:$0x3FA5] =	sst s8  }
0x11: {  	[smem:$0x3FA6] =	sst s9;
	s0 =	simm.s32 @!p0 $0x0  }
0x12: {  	s1 =	sld [smem:$0x3F8C];
	s0 =	simm.s32 @p0 $0x1  }
0x13: {  	[smem:$0x3FA7] =	sst s0;
	s0 =	simm.s32 @!p1 $0x0  }
0x14: {  	s2 =	sld [smem:$0x3F8B];
	s0 =	simm.s32 @p1 $0x1  }
0x15: {  	[smem:$0x3FA8] =	sst s0;
	s0 =	simm.s32 @!p2 $0x0  }
0x16: {  	s3 =	sld [smem:$0x3FDB];
	s0 =	simm.s32 @p2 $0x1  }
0x17: {  	s4 =	simm.s32 $0x1BF5;
	[smem:$0x3FAA] =	sst s0  }
0x18: {  	s0 =	sld [smem:$0x3F8D];
	_ =	swait.ge [sflag:s4], $0x0  }
0x19: {  	s7 =	sld [smem:$0x3F8E]  }
0x1a: {  	s8 =	sadd.s32 $0xFFFFE003, lr  }
0x1b: {  	s9 =	sadd.s32 $0xFFFFFEF7, lr;
	s5 =	simm.s32 $0xFFFFFFFF;
	p2 =	slt.u32 s8, $0xFFFFF086  }
0x1c: {  	p1 =	slt.u32 s9, $0xF7A;
	s5 =	simm.s32 @!p2 $0x0  }
0x1d: {  	s5 =	simm.s32 @p1 $0x1;
	p0 =	seq.s32 s7, s2  }
0x1e: {  	s7 =	smul.u32 @!p0 $0xF7A, s2;
	p2 =	seq.s32 @!p0 s5, $0x0  }
0x1f: {  	s9 =	smul.u32 $0xF7A, s1;
	s8 =	simm.s32 @!p0 $0x1BF5;
	p2 =	por !p2, p0  }
0x20: {  	[sflag:s8] =	ssyncset.s32 @!p0 $0xFFFFF086;
	s6 =	sadd.s32 @!p0 s3, s7;
	s7 =	simm.s32 @!p0 $0x108  }
0x21: {  	s3 =	sadd.s32 s3, s9;
	s6 =	sadd.s32 @!p0 $0x88, s6;
	s7 =	simm.s32 @p2 $0x1082  }
0x22: {  	[simem:s7], [sflag:s8] =	dma.local @!p0 [hbm:s6], $0xF7A  }
0x23: {  	s9 =	sor.u32 $0xD0000000, s2;
	s6 =	simm.s32 $0x108;
	_ =	swait.ge @!p0 [sflag:s8], $0x0  }
0x24: {  	s3 =	sadd.s32 $0x88, s3;
	s6 =	simm.s32 @!p1 $0x1082;
	[sflag:s4] =	ssyncset.s32 $0xFFFFF086  }
0x25: {  	[simem:s6], [sflag:s4] =	dma.local [hbm:s3], $0xF7A  }
0x26: {  	[smem:$0x3F8E] =	sst s1;
	(tag) =	ssettag s2;
	_ =	strace s9  }
0x27: {  	s1 =	sld [smem:$0x3F9E]  }
0x28: {  	s2 =	sld [smem:$0x3F9F]  }
0x29: {  	s4 =	sld [smem:$0x3FA1]  }
0x2a: {  	p0 =	seq.s32 s5, $0x0;
	s5 =	sld [smem:$0x3FA2]  }
0x2b: {  	s6 =	sld [smem:$0x3FA3]  }
0x2c: {  	s7 =	sld [smem:$0x3FA4]  }
0x2d: {  	s3 =	simm.s32 $0x108;
	s8 =	sld [smem:$0x3FA5]  }
0x2e: {  	s3 =	simm.s32 @!p0 $0x1082;
	s9 =	sld [smem:$0x3FA6]  }
0x2f: {  	lr =	sadd.s32 s0, s3;
	s0 =	sld [smem:$0x3F9D]  }
0x30: {  	s3 =	sld [smem:$0x3FA0]  }
0x31: {  	[smem:$0x3FA9] =	sst s10  }
0x32: {  	s10 =	sld [smem:$0x3FA7];
	_ =	sdelay $0x3  }
0x33: {  	p0 =	seq.s32 s10, $0x1;
	s10 =	sld [smem:$0x3FA9];
	_ =	sdelay $0x3  }
0x34: {  	[smem:$0x3FA9] =	sst s10  }
0x35: {  	s10 =	sld [smem:$0x3FA8];
	_ =	sdelay $0x3  }
0x36: {  	p1 =	seq.s32 s10, $0x1;
	s10 =	sld [smem:$0x3FA9];
	_ =	sdelay $0x3  }
0x37: {  	[smem:$0x3FA9] =	sst s10  }
0x38: {  	s10 =	sld [smem:$0x3FAA]  }
0x39: {  	_ = 	snop;
	(pc) =	sbr.ind lr, $3  }
0x3a: {  	_ = 	snop  }
0x3b: {  	_ = 	snop  }
0x3c: {  	p2 =	seq.s32 s10, $0x1;
	s10 =	sld [smem:$0x3FA9]  }
0x3d: {  	_ =	shalt  }
0x3e: {  	_ =	shalt  }
0x3f: {  	_ =	shalt  }
0x40: {  	_ =	shalt  }
0x41: {  	_ =	shalt  }
0x42: {  	_ =	shalt  }
0x43: {  	_ =	shalt  }
0x44: {  	_ =	shalt  }
0x45: {  	_ =	shalt  }
0x46: {  	_ =	shalt  }
0x47: {  	_ =	shalt  }
0x48: {  	_ =	shalt  }
0x49: {  	_ =	shalt  }
0x4a: {  	_ =	shalt  }
0x4b: {  	_ =	shalt  }
0x4c: {  	_ =	shalt  }
0x4d: {  	_ =	shalt  }
0x4e: {  	_ =	shalt  }
0x4f: {  	_ =	shalt  }
0x50: {  	_ =	shalt  }
0x51: {  	_ =	shalt  }
0x52: {  	_ =	shalt  }
0x53: {  	_ =	shalt  }
0x54: {  	_ =	shalt  }
0x55: {  	_ =	shalt  }
0x56: {  	_ =	shalt  }
0x57: {  	_ =	shalt  }
0x58: {  	_ =	shalt  }
0x59: {  	_ =	shalt  }
0x5a: {  	_ =	shalt  }
0x5b: {  	_ =	shalt  }
0x5c: {  	_ =	shalt  }
0x5d: {  	_ =	shalt  }
0x5e: {  	_ =	shalt  }
0x5f: {  	_ =	shalt  }
0x60: {  	_ =	shalt  }
0x61: {  	_ =	shalt  }
0x62: {  	_ =	shalt  }
0x63: {  	_ =	shalt  }
0x64: {  	_ =	shalt  }
0x65: {  	_ =	shalt  }
0x66: {  	_ =	shalt  }
0x67: {  	_ =	shalt  }
0x68: {  	_ =	shalt  }
0x69: {  	_ =	shalt  }
0x6a: {  	_ =	shalt  }
0x6b: {  	_ =	shalt  }
0x6c: {  	_ =	shalt  }
0x6d: {  	_ =	shalt  }
0x6e: {  	_ =	shalt  }
0x6f: {  	_ =	shalt  }
0x70: {  	_ =	shalt  }
0x71: {  	_ =	shalt  }
0x72: {  	_ =	shalt  }
0x73: {  	_ =	shalt  }
0x74: {  	_ =	shalt  }
0x75: {  	_ =	shalt  }
0x76: {  	_ =	shalt  }
0x77: {  	_ =	shalt  }
0x78: {  	_ =	shalt  }
0x79: {  	_ =	shalt  }
0x7a: {  	_ =	shalt  }
0x7b: {  	_ =	shalt  }
0x7c: {  	_ =	shalt  }
0x7d: {  	_ =	shalt  }
0x7e: {  	_ =	shalt  }
0x7f: {  	_ =	shalt  }
0x80: {  	_ =	shalt  }
0x81: {  	_ =	shalt  }
0x82: {  	_ =	shalt  }
0x83: {  	_ =	shalt  }
0x84: {  	_ =	shalt  }
0x85: {  	_ =	shalt  }
0x86: {  	_ =	shalt  }
0x87: {  	_ =	shalt  }
.Lfunc_end0:
.L_simem_size_0:
called_computation.3_lowered:
.L_overlay_start_0:
0x88: {  	s2 =	sld [smem:$0x3FD9]  }
0x89: {  	s3 =	sld [smem:$0x3FFE];
	_ =	sdelay $0x1  }
0x8a: {  	s1 =	srdreg.scid  }
0x8b: {  	s0 =	sand.u32 $0x1, s1  }
0x8c: {  	s16 =	sshll.u32 s0, $0xA;
	s2 =	sadd.s32 s3, s2  }
0x8d: {  	s2 =	sadd.s32 s2, s16  }
0x8e: {  	[smem:$0x3FB5] =	sst s2  }
0x8f: {  	_ = 	snop  }
0x90: {  	(tm) =	ssettm $0x1  }
0x91: {  	s17 =	sld [smem:$0x3FFB];
	_ =	sdelay $0x3  }
0x92: {  	_ =	strace s17  }
0x93: {  	s2 =	sld [smem:$0x3FFC];
	_ =	sdelay $0x3  }
0x94: {  	_ =	strace s2  }
0x95: {  	s2 =	sld [smem:$0x3FFD];
	_ =	sdelay $0x3  }
0x96: {  	_ =	strace s2  }
0x97: {  	_ =	strace $0x8FFFFFFF  }
0x98: {  	s18 =	sld [smem:$0x3FDB];
	_ =	sdelay $0x1  }
0x99: {  	s19 =	simm.s32 $_scs_section_size  }
0x9a: {  	s4 =	simm.s32 $_size__tile_overlayer_lowered;
	s5 =	simm.s32 $_tile_overlayer_lowered  }
0x9b: {  	s22 =	simm.s32 $0x1BFF;
	s21 =	sshll.u32 s5, $0x1;
	s2 =	sadd.s32 s19, s18  }
0x9c: {  	s6 =	simm.s32 $0x0;
	s20 =	sshll.u32 s4, $0x1;
	s4 =	sadd.s32 s21, s2  }
0x9d: {  	[timem:s6], [sflag:s22] =	dma.local [hbm:s4], s20  }
0x9e: {  	_ =	swait.ge [sflag:s22], s20  }
0x9f: {  	s3 =	ssub.s32 $0x0, s20;
	[sflag:s22] =	ssyncset.done $0x0  }
0xa0: {  	[sflag:s22] =	ssyncadd.s32 s3;
	_ =	sdelay $0x1  }
0xa1: {  	s23 =	simm.s32 $0x1B8B  }
0xa2: {  	_ =	swait.ge [sflag:s23], $0x1  }
0xa3: {  	[sflag:s23] =	ssyncset.done $0x0  }
0xa4: {  	s25 =	simm.s32 $0x1B8E;
	s24 =	sld [smem:$0x3FFE];
	[sflag:s23] =	ssyncadd.s32 $0xFFFFFFFF  }
0xa5: {  	s26 =	simm.s32 $execute0_lowered;
	[smem:$0x3FD2] =	sst s25  }
0xa6: {  	s4 =	sshll.u32 s26, $0x1;
	_ =	strace $0x8000004F;
	[dreg:$0x1] =	wrdreg $0xFFFFFFFF  }
0xa7: {  	s28 =	simm.s32 $_size_execute0_lowered;
	s2 =	sadd.s32 s2, s4;
	[dreg:$0x0] =	wrdreg $0x0  }
0xa8: {  	s4 =	sshll.u32 s28, $0x1;
	[dreg:$0x2] =	wrdreg s2  }
0xa9: {  	[dreg:$0x3] =	wrdreg s4  }
0xaa: {  	[dreg:$0x4] =	wrdreg $0xC0  }
0xab: {  	_ =	task [dreg:s6], $0x5FFFF  }
0xac: {  	[dreg:$0x1] =	wrdreg $0xFFFFFFFF  }
0xad: {  	[dreg:$0x0] =	wrdreg $0x60  }
0xae: {  	[dreg:$0x2] =	wrdreg s24  }
0xaf: {  	[dreg:$0x3] =	wrdreg $0x9  }
0xb0: {  	_ =	task.clear_ibuf [dreg:s6], $0x4FFFF;
	_ =	strace $0x9000004F  }
0xb1: {  	s29 =	simm.s32 $0x9;
	_ =	strace $0x80000051  }
0xb2: {  	_ =	swait.ge [sflag:s29], $0x1  }
0xb3: {  	[sflag:s29] =	ssyncadd.s32 $0xFFFFFFFF  }
0xb4: {  	_ =	strace $0x90000051  }
0xb5: {  	_ =	sfence  }
0xb6: {  	s30 =	sld [smem:$0x0];
	_ =	sdelay $0x2  }
0xb7: {  	s31 =	sshll.u32 s1, $0xD;
	s1 =	sshrl.u32 s1, $0x2  }
0xb8: {  	s3 =	sand.u32 $0x4000, s31;
	s1 =	sadd.s32 s1, s30  }
0xb9: {  	s0 =	sor.u32 s3, s0;
	s1 =	sshll.u32 s1, $0x11  }
0xba: {  	s0 =	sor.u32 s1, s0  }
0xbb: {  	s0 =	sadd.s32 $0x8F2B, s0  }
0xbc: {  	[sflag:s0] =	ssyncadd.remote.s32 $0x1  }
0xbd: {  	_ =	sfence.sel $0xFFFF  }
0xbe: {  	[dreg:$0x0] =	wrdreg $0xFFFFFFFF;
	(pc) =	sbr.abs _section_cstart, $3  }
0xbf: {  	[dreg:$0x1] =	wrdreg $0xFFFFFFFF  }
0xc0: {  	_ =	task.clear_ibuf [dreg:s6], $0x2FFFF;
	_ =	strace $0x9FFFFFFF  }
0xc1: {  	(tm) =	ssettm $0x7FFFFFFF  }
tec
execute0_lowered:
.L_overlay_start_1:
0x0: {  	(tag) =	ssettag $0x1  }
0x1: {  	s1 =	srdreg.scid;
	s0 =	stileid.u32  }
0x2: {  	s16 =	sand.u32 $0x1, s1;
	s30 =	sshll.u32 s0, $0x1  }
0x3: {  	s11 =	sor.u32 s16, s30  }
0x4: {  	s10 =	rddreg [dreg:$0x0];
	s3 =	smul.u32 $0xA0, s11  }
0x5: {  	s2 =	simm.s32 $0x0;
	s1 =	rddreg [dreg:$0x1]  }
0x6: {  	[smem:$0x7FF] =	sst s2;
	s3 =	sadd.s32 s3, s10  }
0x7: {  	_ =	strace $0x80000050;
	s4 =	sadd.s32 $0x25C00, s3;
	s3 =	simm.s32 $0x3  }
0x8: {  	[tilespmem:s2], [sflag:$0x3] =	stream.linear.gather [hbm4b:s4+s2], $0x500, $0x38;
	[tilespmem:$0x14500] =	vst v63  }
0x9: {  	_ =	swait.ge [sflag:s3], $0x500  }
0xa: {  	s6 =	simm.s32 $0x140;
	[sflag:s3] =	ssyncset.done $0x0  }
0xb: {  	s7 =	simm.s32 $0x500;
	s5 =	sadd.s32 $0x5C00, s10;
	[sflag:s3] =	ssyncadd.s32 $0xFFFFFB00  }
0xc: {  	[tilespmem:s7], [sflag:$0x1] =	stream.indirect.gather [hbm4b:s5+s6], $0x80, s2, s6, $0xb8;
	[tilespmem:$0x14500] =	vst v63  }
0xd: {  	s8 =	simm.s32 $0xA500;
	s9 =	simm.s32 $0x1  }
0xe: {  	[tilespmem:s8], [sflag:$0x2] =	stream.indirect.gather [hbm4b:s5+s6], $0x80, s6, s6, $0xb8;
	[tilespmem:$0x14500] =	vst v63  }
0xf: {  	s12 =	smul.u32 $0x5000, s11;
	_ =	swait.ge [sflag:s9], $0xA000  }
0x10: {  	s13 =	sadd.s32 $0x27000, s10;
	[sflag:s9] =	ssyncset.done $0x0  }
0x11: {  	s10 =	sadd.s32 s13, s12;
	[sflag:s9] =	ssyncadd.s32 $0xFFFF6000  }
0x12: {  	[hbm4b:s10+s2] =	stream.linear.scatter [tilespmem:s7], [sflag:$0x3], $0xA000, $0x38;
	[tilespmem:$0x14500] =	vst v63  }
0x13: {  	_ =	swait.ge [sflag:s3], $0xA000  }
0x14: {  	s14 =	smul.u32 $0x28000, s11;
	[sflag:s3] =	ssyncset.done $0x0  }
0x15: {  	s11 =	simm.s32 $0x280;
	s12 =	simm.s32 $0x2;
	[sflag:s3] =	ssyncadd.s32 $0xFFFF6000  }
0x16: {  	[tilespmem:s7], [sflag:$0x1] =	stream.indirect.gather [hbm4b:s5+s6], $0x80, s11, s6, $0xb8;
	[tilespmem:$0x14500] =	vst v63  }
0x17: {  	s14 =	sshrl.u32 s14, $0x3;
	_ =	swait.ge [sflag:s12], $0xA000  }
0x18: {  	s17 =	sadd.s32 s13, s14;
	[sflag:s12] =	ssyncset.done $0x0  }
0x19: {  	s13 =	sadd.s32 $0x1400, s17;
	[sflag:s12] =	ssyncadd.s32 $0xFFFF6000  }
0x1a: {  	[hbm4b:s13+s2] =	stream.linear.scatter [tilespmem:s8], [sflag:$0x3], $0xA000, $0x38;
	[tilespmem:$0x14500] =	vst v63  }
0x1b: {  	_ =	swait.ge [sflag:s3], $0xA000  }
0x1c: {  	[sflag:s3] =	ssyncset.done $0x0  }
0x1d: {  	s14 =	simm.s32 $0x3C0;
	[sflag:s3] =	ssyncadd.s32 $0xFFFF6000  }
0x1e: {  	[tilespmem:s8], [sflag:$0x2] =	stream.indirect.gather [hbm4b:s5+s6], $0x80, s14, s6, $0xb8;
	[tilespmem:$0x14500] =	vst v63  }
0x1f: {  	_ =	swait.ge [sflag:s9], $0xA000  }
0x20: {  	[sflag:s9] =	ssyncset.done $0x0  }
0x21: {  	s16 =	ssub.s32 $0x2, s16;
	s15 =	sadd.s32 $0x2800, s17;
	[sflag:s9] =	ssyncadd.s32 $0xFFFF6000  }
0x22: {  	[hbm4b:s15+s2] =	stream.linear.scatter [tilespmem:s7], [sflag:$0x3], $0xA000, $0x38;
	[tilespmem:$0x14500] =	vst v63  }
0x23: {  	s18 =	sshrl.u32 s16, $0x1;
	_ =	swait.ge [sflag:s3], $0xA000  }
0x24: {  	s18 =	ssub.s32 s16, s18;
	[sflag:s3] =	ssyncset.done $0x0  }
0x25: {  	s31 =	smax.u32 s18, $0x1;
	[sflag:s3] =	ssyncadd.s32 $0xFFFF6000  }
0x26: {  	p0 =	sne.s32 s31, $0x1;
	_ =	swait.ge [sflag:s12], $0xA000  }
.Ltmp0:
0x27: {  	[sflag:s12] =	ssyncset.done $0x0;
	(pc) =	sbr.rel @!p0 .LBB2_2-.Ltmp0, $4  }
0x28: {  	s16 =	sadd.s32 $0x3C00, s17;
	[sflag:s12] =	ssyncadd.s32 $0xFFFF6000  }
0x29: {  	[hbm4b:s16+s2] =	stream.linear.scatter [tilespmem:s8], [sflag:$0x3], $0xA000, $0x38;
	[tilespmem:$0x14500] =	vst v63  }
0x2a: {  	_ =	swait.ge [sflag:s3], $0xA000  }
0x2b: {  	s17 =	sadd.s32 $0xFFFFFFFF, s31;
	[sflag:s3] =	ssyncset.done $0x0  }
.LBB2_1:
0x2c: {  	p0 =	sne.s32 s17, $0x1;
	s17 =	sadd.s32 $0xFFFFFFFF, s17;
	[sflag:s3] =	ssyncadd.s32 $0xFFFF6000  }
0x2d: {  	[tilespmem:s2], [sflag:$0x3] =	stream.linear.gather [hbm4b:s4+s2], $0x500, $0x38;
	[tilespmem:$0x14500] =	vst v63  }
0x2e: {  	_ =	swait.ge [sflag:s3], $0x500  }
0x2f: {  	[sflag:s3] =	ssyncset.done $0x0  }
0x30: {  	[sflag:s3] =	ssyncadd.s32 $0xFFFFFB00  }
0x31: {  	[tilespmem:s7], [sflag:$0x1] =	stream.indirect.gather [hbm4b:s5+s6], $0x80, s2, s6, $0xb8;
	[tilespmem:$0x14500] =	vst v63  }
0x32: {  	_ = 	snop  }
0x33: {  	[tilespmem:s8], [sflag:$0x2] =	stream.indirect.gather [hbm4b:s5+s6], $0x80, s6, s6, $0xb8;
	[tilespmem:$0x14500] =	vst v63  }
0x34: {  	_ =	swait.ge [sflag:s9], $0xA000  }
0x35: {  	[sflag:s9] =	ssyncset.done $0x0  }
0x36: {  	[sflag:s9] =	ssyncadd.s32 $0xFFFF6000  }
0x37: {  	[hbm4b:s10+s2] =	stream.linear.scatter [tilespmem:s7], [sflag:$0x3], $0xA000, $0x38;
	[tilespmem:$0x14500] =	vst v63  }
0x38: {  	_ =	swait.ge [sflag:s3], $0xA000  }
0x39: {  	[sflag:s3] =	ssyncset.done $0x0  }
0x3a: {  	[sflag:s3] =	ssyncadd.s32 $0xFFFF6000  }
0x3b: {  	[tilespmem:s7], [sflag:$0x1] =	stream.indirect.gather [hbm4b:s5+s6], $0x80, s11, s6, $0xb8;
	[tilespmem:$0x14500] =	vst v63  }
0x3c: {  	_ =	swait.ge [sflag:s12], $0xA000  }
0x3d: {  	[sflag:s12] =	ssyncset.done $0x0  }
0x3e: {  	[sflag:s12] =	ssyncadd.s32 $0xFFFF6000  }
0x3f: {  	[hbm4b:s13+s2] =	stream.linear.scatter [tilespmem:s8], [sflag:$0x3], $0xA000, $0x38;
	[tilespmem:$0x14500] =	vst v63  }
0x40: {  	_ =	swait.ge [sflag:s3], $0xA000  }
0x41: {  	[sflag:s3] =	ssyncset.done $0x0  }
0x42: {  	[sflag:s3] =	ssyncadd.s32 $0xFFFF6000  }
0x43: {  	[tilespmem:s8], [sflag:$0x2] =	stream.indirect.gather [hbm4b:s5+s6], $0x80, s14, s6, $0xb8;
	[tilespmem:$0x14500] =	vst v63  }
0x44: {  	_ =	swait.ge [sflag:s9], $0xA000  }
0x45: {  	[sflag:s9] =	ssyncset.done $0x0  }
0x46: {  	[sflag:s9] =	ssyncadd.s32 $0xFFFF6000  }
0x47: {  	[hbm4b:s15+s2] =	stream.linear.scatter [tilespmem:s7], [sflag:$0x3], $0xA000, $0x38;
	[tilespmem:$0x14500] =	vst v63  }
0x48: {  	_ =	swait.ge [sflag:s3], $0xA000  }
0x49: {  	[sflag:s3] =	ssyncset.done $0x0  }
0x4a: {  	[sflag:s3] =	ssyncadd.s32 $0xFFFF6000  }
0x4b: {  	_ =	swait.ge [sflag:s12], $0xA000  }
.Ltmp1:
0x4c: {  	[sflag:s12] =	ssyncset.done $0x0;
	(pc) =	sbr.rel @p0 .LBB2_1-.Ltmp1, $4  }
0x4d: {  	[sflag:s12] =	ssyncadd.s32 $0xFFFF6000  }
0x4e: {  	[hbm4b:s16+s2] =	stream.linear.scatter [tilespmem:s8], [sflag:$0x3], $0xA000, $0x38;
	[tilespmem:$0x14500] =	vst v63  }
0x4f: {  	_ =	swait.ge [sflag:s3], $0xA000  }
0x50: {  	[sflag:s3] =	ssyncset.done $0x0  }
.LBB2_2:
0x51: {  	[sflag:s3] =	ssyncadd.s32 $0xFFFF6000  }
0x52: {  	_ =	sfence.sel $0x180000  }
0x53: {  	[bflag:$0x0] =	sbarrier.arrive $0xFFFF  }
0x54: {  	p0 =	sne.s32 s0, $0x0;
	_ =	strace $0x90000050  }
0x55: {  	s0 =	sadd.s32 @!p0 $0x100000, s1;
	[bflag:$0x2] =	sbarrier.arrive $0xFFFF  }
0x56: {  	[sflag:s0] =	ssyncadd.tile.s32 @!p0 $0x1;
	_ =	shalt  }
.Lfunc_end2:
_tile_overlayer_lowered:
.L_overlay_start_2:
0x57: {  	(tag) =	ssettag $0x2  }
0x58: {  	s0 =	rddreg [dreg:$0x0];
	s2 =	stileid.u32  }
0x59: {  	s1 =	rddreg [dreg:$0x1];
	p0 =	sne.s32 s2, $0x0  }
0x5a: {  	s3 =	rddreg [dreg:$0x2];
	[bflag:$0x3] =	sbarrier.arrive $0xFFFF;
	s2 =	simm.s32 @!p0 $0x1C03  }
0x5b: {  	[timem:s3], [sflag:s2] =	dma.local @!p0 [hbm:s0], s1  }
0x5c: {  	s0 =	simm.s32 @!p0 $0x3  }
0x5d: {  	_ =	swait.ge @!p0 [sflag:s0], s1  }
0x5e: {  	s1 =	ssub.s32 @!p0 $0x0, s1;
	[sflag:s0] =	ssyncset.done @!p0 $0x0  }
0x5f: {  	[sflag:s0] =	ssyncadd.s32 @!p0 s1  }
0x60: {  	[bflag:$0x3] =	sbarrier.arrive $0xFFFF  }
0x61: {  	_ =	shalt  }

</sc_bundles>
